<compile_context>
chip_gen: v7x
topology: tpu7x:2x2x1
jax: 0.10.2.dev20260603
libtpu: 0.0.44.dev20260713+nightly
codegen_flags: <defaults>
</compile_context>

<pallas_src>
import functools

import jax
import jax.numpy as jnp
from jax import lax
from jax.experimental import pallas as pl
from jax.experimental.pallas import tpu as pltpu
from jax.experimental.pallas import tpu_sc as plsc

N = 100000
E = 6400000
G = 64
HEADS = 4
HID = 32

NC = 2
NS = 16
NP = 100096
RPS = NP // NS

EB = 32
E_PER_W1 = E // (NC * NS)
NFULL1 = E_PER_W1 // EB
E_PER_W2 = E // NS
NFULL2 = E_PER_W2 // EB

TB = 1000
D = 128


def _f32(x):
    return x.astype(jnp.float32)


def _mm(a, b):
    return lax.dot_general(a, b, (((1,), (0,)), ((), ())),
                           preferred_element_type=jnp.float32)


def _c16(v):
    return jnp.full((16,), v, jnp.int32)


def _lrelu(z):
    return jnp.where(z >= 0, z, 0.2 * z)


def _prep1_body(x_ref, a1s_ref, a1d_ref, s_out, d_out, cm_out, mx):
    i = pl.program_id(0)
    x = x_ref[...]
    asrc = _mm(x, a1s_ref[...])
    adst = _mm(x, a1d_ref[...])
    s_out[:, 0:2] = x
    s_out[:, 2:6] = asrc
    s_out[:, 6:D] = jnp.zeros((TB, D - 6), jnp.float32)
    d_out[:, 0:4] = adst
    d_out[:, 4:D] = jnp.zeros((TB, D - 4), jnp.float32)

    @pl.when(i == 0)
    def _():
        mx[...] = jnp.full((8, 128), -1e30, jnp.float32)

    mx[0:1, 0:4] = jnp.maximum(mx[0:1, 0:4],
                               jnp.max(asrc, axis=0, keepdims=True))
    mx[1:2, 0:4] = jnp.maximum(mx[1:2, 0:4],
                               jnp.max(adst, axis=0, keepdims=True))

    @pl.when(i == pl.num_programs(0) - 1)
    def _():
        z = mx[0:1, 0:4] + mx[1:2, 0:4]
        cm_out[0:1, 0:4] = _lrelu(z)
        cm_out[0:1, 4:8] = jnp.zeros((1, 4), jnp.float32)


def _prep1(x, a1s, a1d):
    return pl.pallas_call(
        _prep1_body,
        grid=(N // TB,),
        in_specs=[
            pl.BlockSpec((TB, 2), lambda i: (i, 0)),
            pl.BlockSpec((2, 4), lambda i: (0, 0)),
            pl.BlockSpec((2, 4), lambda i: (0, 0)),
        ],
        out_specs=[
            pl.BlockSpec((TB, D), lambda i: (i, 0)),
            pl.BlockSpec((TB, D), lambda i: (i, 0)),
            pl.BlockSpec((1, 8), lambda i: (0, 0)),
        ],
        out_shape=[
            jax.ShapeDtypeStruct((N, D), jnp.float32),
            jax.ShapeDtypeStruct((N, D), jnp.float32),
            jax.ShapeDtypeStruct((1, 8), jnp.float32),
        ],
        scratch_shapes=[pltpu.VMEM((8, 128), jnp.float32)],
    )(x, a1s, a1d)


def _combine1_body(acca_ref, accb_ref, s1_ref, d1_ref, cm_ref, x_ref,
                   w1_ref, b1_ref, w2_ref, a2s_ref, a2d_ref,
                   st2_out, ad2_out, cm2_out, mx):
    i = pl.program_id(0)
    t = acca_ref[...] + accb_ref[...]
    asrc = s1_ref[:, 2:6]
    adst = d1_ref[:, 0:4]
    x = x_ref[...]
    wself = jnp.exp(_lrelu(asrc + adst) - cm_ref[0:1, 0:4])

    io4k = lax.broadcasted_iota(jnp.int32, (4, 8), 1)
    io4h = lax.broadcasted_iota(jnp.int32, (4, 8), 0)
    s4 = (io4k // 2 == io4h).astype(jnp.float32)
    io2k = lax.broadcasted_iota(jnp.int32, (2, 8), 1)
    io2i = lax.broadcasted_iota(jnp.int32, (2, 8), 0)
    s2 = (io2k % 2 == io2i).astype(jnp.float32)
    t8 = t[:, 0:8] + _mm(wself, s4) * _mm(x, s2)
    den4 = t[:, 8:12] + wself

    iopk = lax.broadcasted_iota(jnp.int32, (8, 2), 0)
    iopi = lax.broadcasted_iota(jnp.int32, (8, 2), 1)
    p82 = (iopk % 2 == iopi).astype(jnp.float32)
    ioc = lax.broadcasted_iota(jnp.int32, (8, 128), 1)
    iok = lax.broadcasted_iota(jnp.int32, (8, 128), 0)
    mask8 = (ioc // 32 == iok // 2).astype(jnp.float32)
    w1e = _mm(p82, w1_ref[...]) * mask8
    iom = lax.broadcasted_iota(jnp.int32, (4, 128), 1)
    ioh = lax.broadcasted_iota(jnp.int32, (4, 128), 0)
    m4 = (iom // 32 == ioh).astype(jnp.float32)

    out1 = _mm(t8, w1e) / _mm(den4, m4) + b1_ref[...]
    x2 = jnp.where(out1 > 0, out1, jnp.exp(jnp.minimum(out1, 0.0)) - 1.0)
    h2 = _mm(x2, w2_ref[...])
    as2 = _mm(h2, a2s_ref[...])
    ad2 = _mm(h2, a2d_ref[...])

    st2_out[0, :, 0:1] = as2
    st2_out[0, :, 1:17] = h2[:, 0:16]
    st2_out[0, :, 17:D] = jnp.zeros((TB, D - 17), jnp.float32)
    st2_out[1, :, 0:1] = as2
    st2_out[1, :, 1:17] = h2[:, 16:32]
    st2_out[1, :, 17:D] = jnp.zeros((TB, D - 17), jnp.float32)
    ad2_out[:, 0:1] = ad2
    ad2_out[:, 1:D] = jnp.zeros((TB, D - 1), jnp.float32)

    @pl.when(i == 0)
    def _():
        mx[...] = jnp.full((8, 128), -1e30, jnp.float32)

    mx[0:1, 0:1] = jnp.maximum(mx[0:1, 0:1],
                               jnp.max(as2, axis=0, keepdims=True))
    mx[1:2, 0:1] = jnp.maximum(mx[1:2, 0:1],
                               jnp.max(ad2, axis=0, keepdims=True))

    @pl.when(i == pl.num_programs(0) - 1)
    def _():
        z = mx[0:1, 0:1] + mx[1:2, 0:1]
        cm2_out[...] = jnp.broadcast_to(_lrelu(z), (1, 8))


def _combine1(acca, accb, s1, d1, cm1, x, W1, b1r, W2, a2s, a2d):
    return pl.pallas_call(
        _combine1_body,
        grid=(N // TB,),
        in_specs=[
            pl.BlockSpec((TB, 16), lambda i: (i, 0)),
            pl.BlockSpec((TB, 16), lambda i: (i, 0)),
            pl.BlockSpec((TB, D), lambda i: (i, 0)),
            pl.BlockSpec((TB, D), lambda i: (i, 0)),
            pl.BlockSpec((1, 8), lambda i: (0, 0)),
            pl.BlockSpec((TB, 2), lambda i: (i, 0)),
            pl.BlockSpec((2, 128), lambda i: (0, 0)),
            pl.BlockSpec((1, 128), lambda i: (0, 0)),
            pl.BlockSpec((128, 32), lambda i: (0, 0)),
            pl.BlockSpec((32, 1), lambda i: (0, 0)),
            pl.BlockSpec((32, 1), lambda i: (0, 0)),
        ],
        out_specs=[
            pl.BlockSpec((2, TB, D), lambda i: (0, i, 0)),
            pl.BlockSpec((TB, D), lambda i: (i, 0)),
            pl.BlockSpec((1, 8), lambda i: (0, 0)),
        ],
        out_shape=[
            jax.ShapeDtypeStruct((2, N, D), jnp.float32),
            jax.ShapeDtypeStruct((N, D), jnp.float32),
            jax.ShapeDtypeStruct((1, 8), jnp.float32),
        ],
        scratch_shapes=[pltpu.VMEM((8, 128), jnp.float32)],
    )(acca, accb, s1, d1, cm1, x, W1, b1r, W2, a2s, a2d)


def _combine2_body(acca_ref, accb_ref, den_ref, st2a_ref, st2b_ref,
                   ad2_ref, cm2_ref, b2_ref, batch_ref, wlin_ref, blin_ref,
                   out_ref, sums, counts):
    i = pl.program_id(0)

    @pl.when(i == 0)
    def _():
        sums[...] = jnp.zeros_like(sums)
        counts[...] = jnp.zeros_like(counts)

    as2 = st2a_ref[:, 0:1]
    h2a = st2a_ref[:, 1:17]
    h2b = st2b_ref[:, 1:17]
    ad2 = ad2_ref[:, 0:1]
    wself = jnp.exp(_lrelu(as2 + ad2) - cm2_ref[0:1, 0:1])
    den = den_ref[...] + wself
    numa = (acca_ref[...] + wself * h2a) / den
    numb = (accb_ref[...] + wself * h2b) / den
    b2 = b2_ref[...]
    o2a = numa + b2[:, 0:16]
    o2b = numb + b2[:, 16:32]
    h3a = jnp.where(o2a > 0, o2a, jnp.exp(jnp.minimum(o2a, 0.0)) - 1.0)
    h3b = jnp.where(o2b > 0, o2b, jnp.exp(jnp.minimum(o2b, 0.0)) - 1.0)

    bb = batch_ref[...]
    gids = lax.broadcasted_iota(jnp.int32, (1, G), 1).astype(jnp.float32)
    onehot = (bb == gids).astype(jnp.float32)
    oT = lax.dot_general(onehot, jnp.concatenate([h3a, h3b], axis=1),
                         (((0,), (0,)), ((), ())),
                         preferred_element_type=jnp.float32)
    sums[...] += oT
    counts[...] += jnp.sum(onehot, axis=0, keepdims=True).T

    @pl.when(i == pl.num_programs(0) - 1)
    def _():
        pooled = sums[...] / jnp.maximum(counts[...], 1.0)
        out_ref[...] = _mm(pooled, wlin_ref[...]) + blin_ref[...]


def _combine2(acca, accb, den, st2a, st2b, ad2, cm2, b2r, batchf,
              Wlin, blinr):
    return pl.pallas_call(
        _combine2_body,
        grid=(N // TB,),
        in_specs=[
            pl.BlockSpec((TB, 16), lambda i: (i, 0)),
            pl.BlockSpec((TB, 16), lambda i: (i, 0)),
            pl.BlockSpec((TB, 1), lambda i: (i, 0)),
            pl.BlockSpec((TB, D), lambda i: (i, 0)),
            pl.BlockSpec((TB, D), lambda i: (i, 0)),
            pl.BlockSpec((TB, D), lambda i: (i, 0)),
            pl.BlockSpec((1, 8), lambda i: (0, 0)),
            pl.BlockSpec((1, 32), lambda i: (0, 0)),
            pl.BlockSpec((TB, 1), lambda i: (i, 0)),
            pl.BlockSpec((32, 1), lambda i: (0, 0)),
            pl.BlockSpec((1, 1), lambda i: (0, 0)),
        ],
        out_specs=pl.BlockSpec((G, 1), lambda i: (0, 0)),
        out_shape=jax.ShapeDtypeStruct((G, 1), jnp.float32),
        scratch_shapes=[
            pltpu.VMEM((G, HID), jnp.float32),
            pltpu.VMEM((G, 1), jnp.float32),
        ],
    )(acca, accb, den, st2a, st2b, ad2, cm2, b2r, batchf, Wlin, blinr)


def kernel(x, edge_index, batch, W1, att_src1, att_dst1, b1,
           W2, att_src2, att_dst2, b2, Wlin, blin):
    x = _f32(x)
    a1s = jnp.einsum("ihc,hc->ih", W1.reshape(2, HEADS, HID), att_src1)
    a1d = jnp.einsum("ihc,hc->ih", W1.reshape(2, HEADS, HID), att_dst1)
    b1r = b1.reshape(1, HEADS * HID)
    b2r = b2.reshape(1, HID)
    a2s = att_src2.reshape(HID, 1)
    a2d = att_dst2.reshape(HID, 1)
    blinr = blin.reshape(1, 1)
    batchf = batch.astype(jnp.float32).reshape(N, 1)

    src = edge_index[0].astype(jnp.int32)
    dst = edge_index[1].astype(jnp.int32)

    s1, d1, cm1 = _prep1(x, a1s, a1d)
    c1 = cm1.reshape(8)[0:4]
    z1 = s1[:, 2:6][src] + d1[:, 0:4][dst]
    w1a = jnp.exp(_lrelu(z1) - c1[None, :])
    xs = s1[:, 0:2][src]
    rows1 = jnp.concatenate(
        [jnp.repeat(w1a, 2, axis=1) * jnp.tile(xs, (1, 4)), w1a,
         jnp.zeros((E, 4), jnp.float32)], axis=1)
    acc1 = jax.ops.segment_sum(rows1, dst, num_segments=N)
    zeros16 = jnp.zeros((N, 16), jnp.float32)

    st2, ad2, cm2 = _combine1(acc1, zeros16, s1, d1, cm1, x,
                              W1, b1r, W2, a2s, a2d)
    c2 = cm2.reshape(8)[0]
    z2 = st2[0, :, 0][src] + ad2[:, 0][dst]
    w2a = jnp.exp(_lrelu(z2) - c2)[:, None]
    rows2 = jnp.concatenate(
        [w2a * st2[0, :, 1:17][src], w2a * st2[1, :, 1:17][src], w2a],
        axis=1)
    acc2 = jax.ops.segment_sum(rows2, dst, num_segments=N)
    return _combine2(acc2[:, 0:16], acc2[:, 16:32],
                     acc2[:, 32:33], st2[0], st2[1], ad2, cm2,
                     b2r, batchf, Wlin, blinr)

# --- scband reference (transcript-rebuilt; emitter-appended) ---
"""Pipeline reference for scband-pitch-pulse-gat-13709535608910 (READ-ONLY COPY).

The authoritative reference and input builder live on the scoring server;
editing this copy changes nothing except your own understanding.
"""

import jax, jax.numpy as jnp
import numpy as np

N_NODES = 100000
N_EDGES = 6400000
N_GRAPHS = 64
IN_CH = 2
HID = 32
OUT_CH = 1
HEADS = 4


def setup_inputs(seed: int = 0) -> dict:
    key = jax.random.key(seed)
    ks = jax.random.split(key, 16)
    x = jax.random.normal(ks[0], (N_NODES, IN_CH), dtype=jnp.float32)
    edge_index = jax.random.randint(ks[1], (2, N_EDGES), 0, N_NODES)
    batch = jnp.sort(jax.random.randint(ks[2], (N_NODES,), 0, N_GRAPHS))
    W1 = jax.random.normal(ks[3], (IN_CH, HEADS * HID), dtype=jnp.float32) * 0.1
    att_src1 = jax.random.normal(ks[4], (HEADS, HID), dtype=jnp.float32) * 0.1
    att_dst1 = jax.random.normal(ks[5], (HEADS, HID), dtype=jnp.float32) * 0.1
    b1 = jnp.zeros((HEADS * HID,), dtype=jnp.float32)
    W2 = jax.random.normal(ks[6], (HEADS * HID, HID), dtype=jnp.float32) * 0.1
    att_src2 = jax.random.normal(ks[7], (1, HID), dtype=jnp.float32) * 0.1
    att_dst2 = jax.random.normal(ks[8], (1, HID), dtype=jnp.float32) * 0.1
    b2 = jnp.zeros((HID,), dtype=jnp.float32)
    Wlin = jax.random.normal(ks[9], (HID, OUT_CH), dtype=jnp.float32) * 0.1
    blin = jnp.zeros((OUT_CH,), dtype=jnp.float32)
    return {"x": x, "edge_index": edge_index, "batch": batch,
            "W1": W1, "att_src1": att_src1, "att_dst1": att_dst1, "b1": b1,
            "W2": W2, "att_src2": att_src2, "att_dst2": att_dst2, "b2": b2,
            "Wlin": Wlin, "blin": blin}


def _gat_conv(x, edge_index, W, att_src, att_dst, bias, heads, out_ch, concat):
    # Faithful PyG GATConv: add_self_loops=True, negative_slope=0.2
    n = x.shape[0]
    loop = jnp.arange(n)
    src = jnp.concatenate([edge_index[0], loop])
    dst = jnp.concatenate([edge_index[1], loop])
    h = (x @ W).reshape(n, heads, out_ch)
    alpha_src = (h * att_src[None, :, :]).sum(-1)  # [N, heads]
    alpha_dst = (h * att_dst[None, :, :]).sum(-1)  # [N, heads]
    alpha = alpha_src[src] + alpha_dst[dst]        # [E, heads]
    alpha = jax.nn.leaky_relu(alpha, 0.2)
    amax = jax.ops.segment_max(alpha, dst, num_segments=n)
    alpha = jnp.exp(alpha - amax[dst])
    denom = jax.ops.segment_sum(alpha, dst, num_segments=n)
    alpha = alpha / (denom[dst] + 1e-16)
    msg = h[src] * alpha[:, :, None]               # [E, heads, out_ch]
    out = jax.ops.segment_sum(msg, dst, num_segments=n)
    if concat:
        out = out.reshape(n, heads * out_ch)
    else:
        out = out.mean(axis=1)
    return out + bias


def reference(x, edge_index, batch, W1, att_src1, att_dst1, b1, W2, att_src2, att_dst2, b2, Wlin, blin):
    h = _gat_conv(x, edge_index, W1, att_src1, att_dst1, b1, HEADS, HID, True)
    h = jax.nn.elu(h)
    h = _gat_conv(h, edge_index, W2, att_src2, att_dst2, b2, 1, HID, False)
    h = jax.nn.elu(h)
    sums = jax.ops.segment_sum(h, batch, num_segments=N_GRAPHS)
    counts = jax.ops.segment_sum(jnp.ones((h.shape[0], 1), dtype=h.dtype), batch, num_segments=N_GRAPHS)
    pooled = sums / jnp.maximum(counts, 1.0)
    return pooled @ Wlin + blin

if __name__ == "__main__":
    import jax
    _d = setup_inputs()
    print(jax.jit(kernel)(*tuple(_d.values())))

</pallas_src>

<mosaic_0001>
module attributes {stable_mosaic.version = 14 : i64} {
  func.func @_prep1_body(%arg0: i32, %arg1: memref<1000x2xf32, #tpu.memory_space<vmem>>, %arg2: memref<2x4xf32, #tpu.memory_space<vmem>>, %arg3: memref<2x4xf32, #tpu.memory_space<vmem>>, %arg4: memref<1000x128xf32, #tpu.memory_space<vmem>>, %arg5: memref<1000x128xf32, #tpu.memory_space<vmem>>, %arg6: memref<1x8xf32, #tpu.memory_space<vmem>>, %arg7: memref<8x128xf32, #tpu.memory_space<vmem>>) attributes {dimension_semantics = [#tpu.dimension_semantics<arbitrary>], iteration_bounds = array<i64: 100>, scalar_prefetch = 0 : i64, scratch_operands = 1 : i64, tpu.core_type = #tpu.core_type<tc>, window_params = [{transform_indices = @transform_0, window_bounds = array<i64: 1000, 2>}, {pipeline_mode = #tpu.pipeline_mode<synchronous>, transform_indices = @transform_1, window_bounds = array<i64: 2, 4>}, {pipeline_mode = #tpu.pipeline_mode<synchronous>, transform_indices = @transform_2, window_bounds = array<i64: 2, 4>}, {transform_indices = @transform_3, window_bounds = array<i64: 1000, 128>}, {transform_indices = @transform_4, window_bounds = array<i64: 1000, 128>}, {pipeline_mode = #tpu.pipeline_mode<synchronous>, transform_indices = @transform_5, window_bounds = array<i64: 1, 8>}]} {
    %get3A = arith.constant 0 : index
    %get3A_0 = arith.constant 0 : index
    %get3A_1 = vector.load %arg1[%get3A, %get3A_0] : memref<1000x2xf32, #tpu.memory_space<vmem>>, vector<1000x2xf32>
    %get3A_2 = arith.constant 0 : index
    %get3A_3 = arith.constant 0 : index
    %get3A_4 = vector.load %arg2[%get3A_2, %get3A_3] : memref<2x4xf32, #tpu.memory_space<vmem>>, vector<2x4xf32>
    %dot_general3A = arith.constant dense<0.000000e+00> : vector<1000x4xf32>
    %dot_general3A_5 = tpu.matmul %get3A_1, %get3A_4, %dot_general3A {dimension_numbers = #tpu.dot_dimension_numbers<[1], [0], [0], [1], [0, 0, 1, 1], [], []>, transpose_lhs_hint = false} : vector<1000x2xf32>, vector<2x4xf32>, vector<1000x4xf32> -> vector<1000x4xf32>
    %get3A_6 = arith.constant 0 : index
    %get3A_7 = arith.constant 0 : index
    %get3A_8 = vector.load %arg3[%get3A_6, %get3A_7] : memref<2x4xf32, #tpu.memory_space<vmem>>, vector<2x4xf32>
    %dot_general3A_9 = arith.constant dense<0.000000e+00> : vector<1000x4xf32>
    %dot_general3A_10 = tpu.matmul %get3A_1, %get3A_8, %dot_general3A_9 {dimension_numbers = #tpu.dot_dimension_numbers<[1], [0], [0], [1], [0, 0, 1, 1], [], []>, transpose_lhs_hint = false} : vector<1000x2xf32>, vector<2x4xf32>, vector<1000x4xf32> -> vector<1000x4xf32>
    %swap3A = arith.constant 0 : index
    %swap3A_11 = arith.constant 0 : index
    %swap3A_12 = vector.load %arg4[%swap3A, %swap3A_11] : memref<1000x128xf32, #tpu.memory_space<vmem>>, vector<1000x2xf32>
    tpu.vector_store %arg4[%swap3A, %swap3A_11], %get3A_1 {strides = array<i32>} : memref<1000x128xf32, #tpu.memory_space<vmem>>, vector<1000x2xf32>,
    %swap3A_13 = arith.constant 0 : index
    %swap3A_14 = arith.constant 2 : index
    %swap3A_15 = vector.load %arg4[%swap3A_13, %swap3A_14] : memref<1000x128xf32, #tpu.memory_space<vmem>>, vector<1000x4xf32>
    tpu.vector_store %arg4[%swap3A_13, %swap3A_14], %dot_general3A_5 {strides = array<i32>} : memref<1000x128xf32, #tpu.memory_space<vmem>>, vector<1000x4xf32>,
    %broadcast_in_dim3A = arith.constant 0.000000e+00 : f32
    %broadcast_in_dim3A_16 = vector.broadcast %broadcast_in_dim3A : f32 to vector<1000x122xf32>
    %swap3A_17 = arith.constant 0 : index
    %swap3A_18 = arith.constant 6 : index
    %swap3A_19 = vector.load %arg4[%swap3A_17, %swap3A_18] : memref<1000x128xf32, #tpu.memory_space<vmem>>, vector<1000x122xf32>
    tpu.vector_store %arg4[%swap3A_17, %swap3A_18], %broadcast_in_dim3A_16 {strides = array<i32>} : memref<1000x128xf32, #tpu.memory_space<vmem>>, vector<1000x122xf32>,
    %swap3A_20 = arith.constant 0 : index
    %swap3A_21 = arith.constant 0 : index
    %swap3A_22 = vector.load %arg5[%swap3A_20, %swap3A_21] : memref<1000x128xf32, #tpu.memory_space<vmem>>, vector<1000x4xf32>
    tpu.vector_store %arg5[%swap3A_20, %swap3A_21], %dot_general3A_10 {strides = array<i32>} : memref<1000x128xf32, #tpu.memory_space<vmem>>, vector<1000x4xf32>,
    %broadcast_in_dim3A_23 = arith.constant 0.000000e+00 : f32
    %broadcast_in_dim3A_24 = vector.broadcast %broadcast_in_dim3A_23 : f32 to vector<1000x124xf32>
    %swap3A_25 = arith.constant 0 : index
    %swap3A_26 = arith.constant 4 : index
    %swap3A_27 = vector.load %arg5[%swap3A_25, %swap3A_26] : memref<1000x128xf32, #tpu.memory_space<vmem>>, vector<1000x124xf32>
    tpu.vector_store %arg5[%swap3A_25, %swap3A_26], %broadcast_in_dim3A_24 {strides = array<i32>} : memref<1000x128xf32, #tpu.memory_space<vmem>>, vector<1000x124xf32>,
    %eq3A = arith.constant 0 : i32
    %eq3A_28 = arith.cmpi eq, %arg0, %eq3A : i32
    %convert_element_type3A = arith.extui %eq3A_28 : i1 to i32
    %cond3A = arith.constant 0 : i32
    %cond3A_29 = arith.cmpi ne, %convert_element_type3A, %cond3A : i32
    scf.if %cond3A_29 {
      %broadcast_in_dim3A_53 = arith.constant -1.000000e+30 : f32
      %broadcast_in_dim3A_54 = vector.broadcast %broadcast_in_dim3A_53 : f32 to vector<8x128xf32>
      %swap3A_55 = arith.constant 0 : index
      %swap3A_56 = arith.constant 0 : index
      %swap3A_57 = vector.load %arg7[%swap3A_55, %swap3A_56] : memref<8x128xf32, #tpu.memory_space<vmem>>, vector<8x128xf32>
      tpu.vector_store %arg7[%swap3A_55, %swap3A_56], %broadcast_in_dim3A_54 {strides = array<i32>} : memref<8x128xf32, #tpu.memory_space<vmem>>, vector<8x128xf32>,
    } else {
    }
    %get3A_30 = arith.constant 0 : index
    %get3A_31 = arith.constant 0 : index
    %get3A_32 = vector.load %arg7[%get3A_30, %get3A_31] : memref<8x128xf32, #tpu.memory_space<vmem>>, vector<1x4xf32>
    %reduce_max3A = arith.constant dense<0xFF800000> : vector<4xf32>
    %reduce_max3A_33 = vector.multi_reduction <maximumf>, %dot_general3A_5, %reduce_max3A [0] : vector<1000x4xf32> to vector<4xf32>
    %broadcast_in_dim3A_34 = vector.shape_cast %reduce_max3A_33 : vector<4xf32> to vector<1x4xf32>
    %max3A = arith.maximumf %get3A_32, %broadcast_in_dim3A_34 : vector<1x4xf32>
    %swap3A_35 = arith.constant 0 : index
    %swap3A_36 = arith.constant 0 : index
    %swap3A_37 = vector.load %arg7[%swap3A_35, %swap3A_36] : memref<8x128xf32, #tpu.memory_space<vmem>>, vector<1x4xf32>
    tpu.vector_store %arg7[%swap3A_35, %swap3A_36], %max3A {strides = array<i32>} : memref<8x128xf32, #tpu.memory_space<vmem>>, vector<1x4xf32>,
    %get3A_38 = arith.constant 1 : index
    %get3A_39 = arith.constant 0 : index
    %get3A_40 = vector.load %arg7[%get3A_38, %get3A_39] : memref<8x128xf32, #tpu.memory_space<vmem>>, vector<1x4xf32>
    %reduce_max3A_41 = arith.constant dense<0xFF800000> : vector<4xf32>
    %reduce_max3A_42 = vector.multi_reduction <maximumf>, %dot_general3A_10, %reduce_max3A_41 [0] : vector<1000x4xf32> to vector<4xf32>
    %broadcast_in_dim3A_43 = vector.shape_cast %reduce_max3A_42 : vector<4xf32> to vector<1x4xf32>
    %max3A_44 = arith.maximumf %get3A_40, %broadcast_in_dim3A_43 : vector<1x4xf32>
    %swap3A_45 = arith.constant 1 : index
    %swap3A_46 = arith.constant 0 : index
    %swap3A_47 = vector.load %arg7[%swap3A_45, %swap3A_46] : memref<8x128xf32, #tpu.memory_space<vmem>>, vector<1x4xf32>
    tpu.vector_store %arg7[%swap3A_45, %swap3A_46], %max3A_44 {strides = array<i32>} : memref<8x128xf32, #tpu.memory_space<vmem>>, vector<1x4xf32>,
    %eq3A_48 = arith.constant 99 : i32
    %eq3A_49 = arith.cmpi eq, %arg0, %eq3A_48 : i32
    %convert_element_type3A_50 = arith.extui %eq3A_49 : i1 to i32
    %cond3A_51 = arith.constant 0 : i32
    %cond3A_52 = arith.cmpi ne, %convert_element_type3A_50, %cond3A_51 : i32
    scf.if %cond3A_52 {
      %get3A_53 = arith.constant 0 : index
      %get3A_54 = arith.constant 0 : index
      %get3A_55 = vector.load %arg7[%get3A_53, %get3A_54] : memref<8x128xf32, #tpu.memory_space<vmem>>, vector<1x4xf32>
      %get3A_56 = arith.constant 1 : index
      %get3A_57 = arith.constant 0 : index
      %get3A_58 = vector.load %arg7[%get3A_56, %get3A_57] : memref<8x128xf32, #tpu.memory_space<vmem>>, vector<1x4xf32>
      %add3A = arith.addf %get3A_55, %get3A_58 : vector<1x4xf32>
      %ge3A = arith.constant 0.000000e+00 : f32
      %ge3A_59 = vector.broadcast %ge3A : f32 to vector<1x4xf32>
      %ge3A_60 = arith.cmpf oge, %add3A, %ge3A_59 : vector<1x4xf32>
      %mul3A = arith.constant 2.000000e-01 : f32
      %mul3A_61 = vector.broadcast %mul3A : f32 to vector<1x4xf32>
      %mul3A_62 = arith.mulf %mul3A_61, %add3A : vector<1x4xf32>
      %select_n3A = arith.select %ge3A_60, %add3A, %mul3A_62 : vector<1x4xi1>, vector<1x4xf32>
      %swap3A_63 = arith.constant 0 : index
      %swap3A_64 = arith.constant 0 : index
      %swap3A_65 = vector.load %arg6[%swap3A_63, %swap3A_64] : memref<1x8xf32, #tpu.memory_space<vmem>>, vector<1x4xf32>
      tpu.vector_store %arg6[%swap3A_63, %swap3A_64], %select_n3A {strides = array<i32>} : memref<1x8xf32, #tpu.memory_space<vmem>>, vector<1x4xf32>,
      %broadcast_in_dim3A_66 = arith.constant 0.000000e+00 : f32
      %broadcast_in_dim3A_67 = vector.broadcast %broadcast_in_dim3A_66 : f32 to vector<1x4xf32>
      %swap3A_68 = arith.constant 0 : index
      %swap3A_69 = arith.constant 4 : index
      %swap3A_70 = vector.load %arg6[%swap3A_68, %swap3A_69] : memref<1x8xf32, #tpu.memory_space<vmem>>, vector<1x4xf32>
      tpu.vector_store %arg6[%swap3A_68, %swap3A_69], %broadcast_in_dim3A_67 {strides = array<i32>} : memref<1x8xf32, #tpu.memory_space<vmem>>, vector<1x4xf32>,
    } else {
    }
    return
  }
  func.func @transform_0(%arg0: i32) -> (i32, i32) {
    %c0_i32 = arith.constant 0 : i32
    %c0_i32_0 = arith.constant 0 : i32
    return %arg0, %c0_i32 : i32, i32
  }
  func.func @transform_1(%arg0: i32) -> (i32, i32) {
    %c0_i32 = arith.constant 0 : i32
    %c0_i32_0 = arith.constant 0 : i32
    %c0_i32_1 = arith.constant 0 : i32
    return %c0_i32, %c0_i32_0 : i32, i32
  }
  func.func @transform_2(%arg0: i32) -> (i32, i32) {
    %c0_i32 = arith.constant 0 : i32
    %c0_i32_0 = arith.constant 0 : i32
    %c0_i32_1 = arith.constant 0 : i32
    return %c0_i32, %c0_i32_0 : i32, i32
  }
  func.func @transform_3(%arg0: i32) -> (i32, i32) {
    %c0_i32 = arith.constant 0 : i32
    %c0_i32_0 = arith.constant 0 : i32
    return %arg0, %c0_i32 : i32, i32
  }
  func.func @transform_4(%arg0: i32) -> (i32, i32) {
    %c0_i32 = arith.constant 0 : i32
    %c0_i32_0 = arith.constant 0 : i32
    return %arg0, %c0_i32 : i32, i32
  }
  func.func @transform_5(%arg0: i32) -> (i32, i32) {
    %c0_i32 = arith.constant 0 : i32
    %c0_i32_0 = arith.constant 0 : i32
    %c0_i32_1 = arith.constant 0 : i32
    return %c0_i32, %c0_i32_0 : i32, i32
  }
}

module attributes {stable_mosaic.version = 14 : i64} {
  func.func @_combine1_body(%arg0: i32, %arg1: memref<1000x16xf32, #tpu.memory_space<vmem>>, %arg2: memref<1000x16xf32, #tpu.memory_space<vmem>>, %arg3: memref<1000x128xf32, #tpu.memory_space<vmem>>, %arg4: memref<1000x128xf32, #tpu.memory_space<vmem>>, %arg5: memref<1x8xf32, #tpu.memory_space<vmem>>, %arg6: memref<1000x2xf32, #tpu.memory_space<vmem>>, %arg7: memref<2x128xf32, #tpu.memory_space<vmem>>, %arg8: memref<1x128xf32, #tpu.memory_space<vmem>>, %arg9: memref<128x32xf32, #tpu.memory_space<vmem>>, %arg10: memref<32x1xf32, #tpu.memory_space<vmem>>, %arg11: memref<32x1xf32, #tpu.memory_space<vmem>>, %arg12: memref<2x1000x128xf32, #tpu.memory_space<vmem>>, %arg13: memref<1000x128xf32, #tpu.memory_space<vmem>>, %arg14: memref<1x8xf32, #tpu.memory_space<vmem>>, %arg15: memref<8x128xf32, #tpu.memory_space<vmem>>) attributes {dimension_semantics = [#tpu.dimension_semantics<arbitrary>], iteration_bounds = array<i64: 100>, scalar_prefetch = 0 : i64, scratch_operands = 1 : i64, tpu.core_type = #tpu.core_type<tc>, window_params = [{transform_indices = @transform_0, window_bounds = array<i64: 1000, 16>}, {transform_indices = @transform_1, window_bounds = array<i64: 1000, 16>}, {transform_indices = @transform_2, window_bounds = array<i64: 1000, 128>}, {transform_indices = @transform_3, window_bounds = array<i64: 1000, 128>}, {pipeline_mode = #tpu.pipeline_mode<synchronous>, transform_indices = @transform_4, window_bounds = array<i64: 1, 8>}, {transform_indices = @transform_5, window_bounds = array<i64: 1000, 2>}, {pipeline_mode = #tpu.pipeline_mode<synchronous>, transform_indices = @transform_6, window_bounds = array<i64: 2, 128>}, {pipeline_mode = #tpu.pipeline_mode<synchronous>, transform_indices = @transform_7, window_bounds = array<i64: 1, 128>}, {pipeline_mode = #tpu.pipeline_mode<synchronous>, transform_indices = @transform_8, window_bounds = array<i64: 128, 32>}, {pipeline_mode = #tpu.pipeline_mode<synchronous>, transform_indices = @transform_9, window_bounds = array<i64: 32, 1>}, {pipeline_mode = #tpu.pipeline_mode<synchronous>, transform_indices = @transform_10, window_bounds = array<i64: 32, 1>}, {transform_indices = @transform_11, window_bounds = array<i64: 2, 1000, 128>}, {transform_indices = @transform_12, window_bounds = array<i64: 1000, 128>}, {pipeline_mode = #tpu.pipeline_mode<synchronous>, transform_indices = @transform_13, window_bounds = array<i64: 1, 8>}]} {
    %get3A = arith.constant 0 : index
    %get3A_0 = arith.constant 0 : index
    %get3A_1 = vector.load %arg1[%get3A, %get3A_0] : memref<1000x16xf32, #tpu.memory_space<vmem>>, vector<1000x16xf32>
    %get3A_2 = arith.constant 0 : index
    %get3A_3 = arith.constant 0 : index
    %get3A_4 = vector.load %arg2[%get3A_2, %get3A_3] : memref<1000x16xf32, #tpu.memory_space<vmem>>, vector<1000x16xf32>
    %add3A = arith.addf %get3A_1, %get3A_4 : vector<1000x16xf32>
    %get3A_5 = arith.constant 0 : index
    %get3A_6 = arith.constant 2 : index
    %get3A_7 = vector.load %arg3[%get3A_5, %get3A_6] : memref<1000x128xf32, #tpu.memory_space<vmem>>, vector<1000x4xf32>
    %get3A_8 = arith.constant 0 : index
    %get3A_9 = arith.constant 0 : index
    %get3A_10 = vector.load %arg4[%get3A_8, %get3A_9] : memref<1000x128xf32, #tpu.memory_space<vmem>>, vector<1000x4xf32>
    %get3A_11 = arith.constant 0 : index
    %get3A_12 = arith.constant 0 : index
    %get3A_13 = vector.load %arg6[%get3A_11, %get3A_12] : memref<1000x2xf32, #tpu.memory_space<vmem>>, vector<1000x2xf32>
    %add3A_14 = arith.addf %get3A_7, %get3A_10 : vector<1000x4xf32>
    %ge3A = arith.constant 0.000000e+00 : f32
    %ge3A_15 = vector.broadcast %ge3A : f32 to vector<1000x4xf32>
    %ge3A_16 = arith.cmpf oge, %add3A_14, %ge3A_15 : vector<1000x4xf32>
    %mul3A = arith.constant 2.000000e-01 : f32
    %mul3A_17 = vector.broadcast %mul3A : f32 to vector<1000x4xf32>
    %mul3A_18 = arith.mulf %mul3A_17, %add3A_14 : vector<1000x4xf32>
    %select_n3A = arith.select %ge3A_16, %add3A_14, %mul3A_18 : vector<1000x4xi1>, vector<1000x4xf32>
    %get3A_19 = arith.constant 0 : index
    %get3A_20 = arith.constant 0 : index
    %get3A_21 = vector.load %arg5[%get3A_19, %get3A_20] : memref<1x8xf32, #tpu.memory_space<vmem>>, vector<1x4xf32>
    %sub3A = vector.broadcast %get3A_21 : vector<1x4xf32> to vector<1000x4xf32>
    %sub3A_22 = arith.subf %select_n3A, %sub3A : vector<1000x4xf32>
    %exp3A = math.exp %sub3A_22 : vector<1000x4xf32>
    %iota3A = tpu.iota {dimensions = array<i32: 1>} : vector<4x8xi32>
    %iota3A_23 = tpu.iota {dimensions = array<i32: 0>} : vector<4x8xi32>
    %jit3A = arith.constant 2 : i32
    %div3A = vector.broadcast %jit3A : i32 to vector<4x8xi32>
    %div3A_24 = arith.divsi %iota3A, %div3A : vector<4x8xi32>
    %sign3A = arith.constant 0 : i32
    %sign3A_25 = vector.broadcast %sign3A : i32 to vector<4x8xi32>
    %sign3A_26 = arith.cmpi sgt, %iota3A, %sign3A_25 : vector<4x8xi32>
    %sign3A_27 = arith.extui %sign3A_26 : vector<4x8xi1> to vector<4x8xi32>
    %sign3A_28 = arith.constant 0 : i32
    %sign3A_29 = vector.broadcast %sign3A_28 : i32 to vector<4x8xi32>
    %sign3A_30 = arith.cmpi slt, %iota3A, %sign3A_29 : vector<4x8xi32>
    %sign3A_31 = arith.extui %sign3A_30 : vector<4x8xi1> to vector<4x8xi32>
    %sign3A_32 = arith.subi %sign3A_27, %sign3A_31 : vector<4x8xi32>
    %sign3A_33 = arith.constant 0 : i32
    %sign3A_34 = arith.cmpi sgt, %jit3A, %sign3A_33 : i32
    %sign3A_35 = arith.extui %sign3A_34 : i1 to i32
    %sign3A_36 = arith.constant 0 : i32
    %sign3A_37 = arith.cmpi slt, %jit3A, %sign3A_36 : i32
    %sign3A_38 = arith.extui %sign3A_37 : i1 to i32
    %sign3A_39 = arith.subi %sign3A_35, %sign3A_38 : i32
    %ne3A = vector.broadcast %sign3A_39 : i32 to vector<4x8xi32>
    %ne3A_40 = arith.cmpi ne, %sign3A_32, %ne3A : vector<4x8xi32>
    %rem3A = vector.broadcast %jit3A : i32 to vector<4x8xi32>
    %rem3A_41 = arith.remsi %iota3A, %rem3A : vector<4x8xi32>
    %ne3A_42 = arith.constant 0 : i32
    %ne3A_43 = vector.broadcast %ne3A_42 : i32 to vector<4x8xi32>
    %ne3A_44 = arith.cmpi ne, %rem3A_41, %ne3A_43 : vector<4x8xi32>
    %and3A = arith.andi %ne3A_40, %ne3A_44 : vector<4x8xi1>
    %sub3A_45 = arith.constant 1 : i32
    %sub3A_46 = vector.broadcast %sub3A_45 : i32 to vector<4x8xi32>
    %sub3A_47 = arith.subi %div3A_24, %sub3A_46 : vector<4x8xi32>
    %select_n3A_48 = arith.select %and3A, %sub3A_47, %div3A_24 : vector<4x8xi1>, vector<4x8xi32>
    %eq3A = arith.cmpi eq, %select_n3A_48, %iota3A_23 : vector<4x8xi32>
    %convert_element_type3A = arith.extui %eq3A : vector<4x8xi1> to vector<4x8xi32>
    %convert_element_type3A_49 = arith.sitofp %convert_element_type3A : vector<4x8xi32> to vector<4x8xf32>
    %iota3A_50 = tpu.iota {dimensions = array<i32: 1>} : vector<2x8xi32>
    %iota3A_51 = tpu.iota {dimensions = array<i32: 0>} : vector<2x8xi32>
    %jit3A_52 = arith.constant 2 : i32
    %eq3A_53 = arith.constant 0 : i32
    %eq3A_54 = arith.cmpi eq, %jit3A_52, %eq3A_53 : i32
    %jit3A_55 = arith.constant 1 : i32
    %select_n3A_56 = arith.select %eq3A_54, %jit3A_55, %jit3A_52 : i32
    %rem3A_57 = vector.broadcast %select_n3A_56 : i32 to vector<2x8xi32>
    %rem3A_58 = arith.remsi %iota3A_50, %rem3A_57 : vector<2x8xi32>
    %ne3A_59 = arith.constant 0 : i32
    %ne3A_60 = vector.broadcast %ne3A_59 : i32 to vector<2x8xi32>
    %ne3A_61 = arith.cmpi ne, %rem3A_58, %ne3A_60 : vector<2x8xi32>
    %lt3A = arith.constant 0 : i32
    %lt3A_62 = vector.broadcast %lt3A : i32 to vector<2x8xi32>
    %lt3A_63 = arith.cmpi slt, %rem3A_58, %lt3A_62 : vector<2x8xi32>
    %lt3A_64 = arith.constant 0 : i32
    %lt3A_65 = arith.cmpi slt, %select_n3A_56, %lt3A_64 : i32
    %ne3A_66 = vector.broadcast %lt3A_65 : i1 to vector<2x8xi1>
    %ne3A_67 = vector.broadcast %ne3A_66 : vector<2x8xi1> to vector<2x8xi1>
    %ne3A_68 = arith.xori %lt3A_63, %ne3A_67 : vector<2x8xi1>
    %and3A_69 = arith.andi %ne3A_68, %ne3A_61 : vector<2x8xi1>
    %add3A_70 = vector.broadcast %select_n3A_56 : i32 to vector<2x8xi32>
    %add3A_71 = arith.addi %rem3A_58, %add3A_70 : vector<2x8xi32>
    %select_n3A_72 = arith.select %and3A_69, %add3A_71, %rem3A_58 : vector<2x8xi1>, vector<2x8xi32>
    %eq3A_73 = arith.cmpi eq, %select_n3A_72, %iota3A_51 : vector<2x8xi32>
    %convert_element_type3A_74 = arith.extui %eq3A_73 : vector<2x8xi1> to vector<2x8xi32>
    %convert_element_type3A_75 = arith.sitofp %convert_element_type3A_74 : vector<2x8xi32> to vector<2x8xf32>
    %slice3A = vector.extract_strided_slice %add3A {offsets = [0, 0], sizes = [1000, 8], strides = [1, 1]} : vector<1000x16xf32> to vector<1000x8xf32>
    %dot_general3A = arith.constant dense<0.000000e+00> : vector<1000x8xf32>
    %dot_general3A_76 = tpu.matmul %exp3A, %convert_element_type3A_49, %dot_general3A {dimension_numbers = #tpu.dot_dimension_numbers<[1], [0], [0], [1], [0, 0, 1, 1], [], []>, transpose_lhs_hint = false} : vector<1000x4xf32>, vector<4x8xf32>, vector<1000x8xf32> -> vector<1000x8xf32>
    %dot_general3A_77 = arith.constant dense<0.000000e+00> : vector<1000x8xf32>
    %dot_general3A_78 = tpu.matmul %get3A_13, %convert_element_type3A_75, %dot_general3A_77 {dimension_numbers = #tpu.dot_dimension_numbers<[1], [0], [0], [1], [0, 0, 1, 1], [], []>, transpose_lhs_hint = false} : vector<1000x2xf32>, vector<2x8xf32>, vector<1000x8xf32> -> vector<1000x8xf32>
    %mul3A_79 = arith.mulf %dot_general3A_76, %dot_general3A_78 : vector<1000x8xf32>
    %add3A_80 = arith.addf %slice3A, %mul3A_79 : vector<1000x8xf32>
    %slice3A_81 = vector.extract_strided_slice %add3A {offsets = [0, 8], sizes = [1000, 4], strides = [1, 1]} : vector<1000x16xf32> to vector<1000x4xf32>
    %add3A_82 = arith.addf %slice3A_81, %exp3A : vector<1000x4xf32>
    %iota3A_83 = tpu.iota {dimensions = array<i32: 0>} : vector<8x2xi32>
    %iota3A_84 = tpu.iota {dimensions = array<i32: 1>} : vector<8x2xi32>
    %jit3A_85 = arith.constant 2 : i32
    %eq3A_86 = arith.constant 0 : i32
    %eq3A_87 = arith.cmpi eq, %jit3A_85, %eq3A_86 : i32
    %jit3A_88 = arith.constant 1 : i32
    %select_n3A_89 = arith.select %eq3A_87, %jit3A_88, %jit3A_85 : i32
    %rem3A_90 = vector.broadcast %select_n3A_89 : i32 to vector<8x2xi32>
    %rem3A_91 = arith.remsi %iota3A_83, %rem3A_90 : vector<8x2xi32>
    %ne3A_92 = arith.constant 0 : i32
    %ne3A_93 = vector.broadcast %ne3A_92 : i32 to vector<8x2xi32>
    %ne3A_94 = arith.cmpi ne, %rem3A_91, %ne3A_93 : vector<8x2xi32>
    %lt3A_95 = arith.constant 0 : i32
    %lt3A_96 = vector.broadcast %lt3A_95 : i32 to vector<8x2xi32>
    %lt3A_97 = arith.cmpi slt, %rem3A_91, %lt3A_96 : vector<8x2xi32>
    %lt3A_98 = arith.constant 0 : i32
    %lt3A_99 = arith.cmpi slt, %select_n3A_89, %lt3A_98 : i32
    %ne3A_100 = vector.broadcast %lt3A_99 : i1 to vector<8x2xi1>
    %ne3A_101 = vector.broadcast %ne3A_100 : vector<8x2xi1> to vector<8x2xi1>
    %ne3A_102 = arith.xori %lt3A_97, %ne3A_101 : vector<8x2xi1>
    %and3A_103 = arith.andi %ne3A_102, %ne3A_94 : vector<8x2xi1>
    %add3A_104 = vector.broadcast %select_n3A_89 : i32 to vector<8x2xi32>
    %add3A_105 = arith.addi %rem3A_91, %add3A_104 : vector<8x2xi32>
    %select_n3A_106 = arith.select %and3A_103, %add3A_105, %rem3A_91 : vector<8x2xi1>, vector<8x2xi32>
    %eq3A_107 = arith.cmpi eq, %select_n3A_106, %iota3A_84 : vector<8x2xi32>
    %convert_element_type3A_108 = arith.extui %eq3A_107 : vector<8x2xi1> to vector<8x2xi32>
    %convert_element_type3A_109 = arith.sitofp %convert_element_type3A_108 : vector<8x2xi32> to vector<8x2xf32>
    %iota3A_110 = tpu.iota {dimensions = array<i32: 1>} : vector<8x128xi32>
    %iota3A_111 = tpu.iota {dimensions = array<i32: 0>} : vector<8x128xi32>
    %jit3A_112 = arith.constant 32 : i32
    %div3A_113 = vector.broadcast %jit3A_112 : i32 to vector<8x128xi32>
    %div3A_114 = arith.divsi %iota3A_110, %div3A_113 : vector<8x128xi32>
    %sign3A_115 = arith.constant 0 : i32
    %sign3A_116 = vector.broadcast %sign3A_115 : i32 to vector<8x128xi32>
    %sign3A_117 = arith.cmpi sgt, %iota3A_110, %sign3A_116 : vector<8x128xi32>
    %sign3A_118 = arith.extui %sign3A_117 : vector<8x128xi1> to vector<8x128xi32>
    %sign3A_119 = arith.constant 0 : i32
    %sign3A_120 = vector.broadcast %sign3A_119 : i32 to vector<8x128xi32>
    %sign3A_121 = arith.cmpi slt, %iota3A_110, %sign3A_120 : vector<8x128xi32>
    %sign3A_122 = arith.extui %sign3A_121 : vector<8x128xi1> to vector<8x128xi32>
    %sign3A_123 = arith.subi %sign3A_118, %sign3A_122 : vector<8x128xi32>
    %sign3A_124 = arith.constant 0 : i32
    %sign3A_125 = arith.cmpi sgt, %jit3A_112, %sign3A_124 : i32
    %sign3A_126 = arith.extui %sign3A_125 : i1 to i32
    %sign3A_127 = arith.constant 0 : i32
    %sign3A_128 = arith.cmpi slt, %jit3A_112, %sign3A_127 : i32
    %sign3A_129 = arith.extui %sign3A_128 : i1 to i32
    %sign3A_130 = arith.subi %sign3A_126, %sign3A_129 : i32
    %ne3A_131 = vector.broadcast %sign3A_130 : i32 to vector<8x128xi32>
    %ne3A_132 = arith.cmpi ne, %sign3A_123, %ne3A_131 : vector<8x128xi32>
    %rem3A_133 = vector.broadcast %jit3A_112 : i32 to vector<8x128xi32>
    %rem3A_134 = arith.remsi %iota3A_110, %rem3A_133 : vector<8x128xi32>
    %ne3A_135 = arith.constant 0 : i32
    %ne3A_136 = vector.broadcast %ne3A_135 : i32 to vector<8x128xi32>
    %ne3A_137 = arith.cmpi ne, %rem3A_134, %ne3A_136 : vector<8x128xi32>
    %and3A_138 = arith.andi %ne3A_132, %ne3A_137 : vector<8x128xi1>
    %sub3A_139 = arith.constant 1 : i32
    %sub3A_140 = vector.broadcast %sub3A_139 : i32 to vector<8x128xi32>
    %sub3A_141 = arith.subi %div3A_114, %sub3A_140 : vector<8x128xi32>
    %select_n3A_142 = arith.select %and3A_138, %sub3A_141, %div3A_114 : vector<8x128xi1>, vector<8x128xi32>
    %jit3A_143 = arith.constant 2 : i32
    %div3A_144 = vector.broadcast %jit3A_143 : i32 to vector<8x128xi32>
    %div3A_145 = arith.divsi %iota3A_111, %div3A_144 : vector<8x128xi32>
    %sign3A_146 = arith.constant 0 : i32
    %sign3A_147 = vector.broadcast %sign3A_146 : i32 to vector<8x128xi32>
    %sign3A_148 = arith.cmpi sgt, %iota3A_111, %sign3A_147 : vector<8x128xi32>
    %sign3A_149 = arith.extui %sign3A_148 : vector<8x128xi1> to vector<8x128xi32>
    %sign3A_150 = arith.constant 0 : i32
    %sign3A_151 = vector.broadcast %sign3A_150 : i32 to vector<8x128xi32>
    %sign3A_152 = arith.cmpi slt, %iota3A_111, %sign3A_151 : vector<8x128xi32>
    %sign3A_153 = arith.extui %sign3A_152 : vector<8x128xi1> to vector<8x128xi32>
    %sign3A_154 = arith.subi %sign3A_149, %sign3A_153 : vector<8x128xi32>
    %sign3A_155 = arith.constant 0 : i32
    %sign3A_156 = arith.cmpi sgt, %jit3A_143, %sign3A_155 : i32
    %sign3A_157 = arith.extui %sign3A_156 : i1 to i32
    %sign3A_158 = arith.constant 0 : i32
    %sign3A_159 = arith.cmpi slt, %jit3A_143, %sign3A_158 : i32
    %sign3A_160 = arith.extui %sign3A_159 : i1 to i32
    %sign3A_161 = arith.subi %sign3A_157, %sign3A_160 : i32
    %ne3A_162 = vector.broadcast %sign3A_161 : i32 to vector<8x128xi32>
    %ne3A_163 = arith.cmpi ne, %sign3A_154, %ne3A_162 : vector<8x128xi32>
    %rem3A_164 = vector.broadcast %jit3A_143 : i32 to vector<8x128xi32>
    %rem3A_165 = arith.remsi %iota3A_111, %rem3A_164 : vector<8x128xi32>
    %ne3A_166 = arith.constant 0 : i32
    %ne3A_167 = vector.broadcast %ne3A_166 : i32 to vector<8x128xi32>
    %ne3A_168 = arith.cmpi ne, %rem3A_165, %ne3A_167 : vector<8x128xi32>
    %and3A_169 = arith.andi %ne3A_163, %ne3A_168 : vector<8x128xi1>
    %sub3A_170 = arith.constant 1 : i32
    %sub3A_171 = vector.broadcast %sub3A_170 : i32 to vector<8x128xi32>
    %sub3A_172 = arith.subi %div3A_145, %sub3A_171 : vector<8x128xi32>
    %select_n3A_173 = arith.select %and3A_169, %sub3A_172, %div3A_145 : vector<8x128xi1>, vector<8x128xi32>
    %eq3A_174 = arith.cmpi eq, %select_n3A_142, %select_n3A_173 : vector<8x128xi32>
    %convert_element_type3A_175 = arith.extui %eq3A_174 : vector<8x128xi1> to vector<8x128xi32>
    %convert_element_type3A_176 = arith.sitofp %convert_element_type3A_175 : vector<8x128xi32> to vector<8x128xf32>
    %get3A_177 = arith.constant 0 : index
    %get3A_178 = arith.constant 0 : index
    %get3A_179 = vector.load %arg7[%get3A_177, %get3A_178] : memref<2x128xf32, #tpu.memory_space<vmem>>, vector<2x128xf32>
    %dot_general3A_180 = arith.constant dense<0.000000e+00> : vector<8x128xf32>
    %dot_general3A_181 = tpu.matmul %convert_element_type3A_109, %get3A_179, %dot_general3A_180 {dimension_numbers = #tpu.dot_dimension_numbers<[1], [0], [0], [1], [0, 0, 1, 1], [], []>, transpose_lhs_hint = false} : vector<8x2xf32>, vector<2x128xf32>, vector<8x128xf32> -> vector<8x128xf32>
    %mul3A_182 = arith.mulf %dot_general3A_181, %convert_element_type3A_176 : vector<8x128xf32>
    %iota3A_183 = tpu.iota {dimensions = array<i32: 1>} : vector<4x128xi32>
    %iota3A_184 = tpu.iota {dimensions = array<i32: 0>} : vector<4x128xi32>
    %jit3A_185 = arith.constant 32 : i32
    %div3A_186 = vector.broadcast %jit3A_185 : i32 to vector<4x128xi32>
    %div3A_187 = arith.divsi %iota3A_183, %div3A_186 : vector<4x128xi32>
    %sign3A_188 = arith.constant 0 : i32
    %sign3A_189 = vector.broadcast %sign3A_188 : i32 to vector<4x128xi32>
    %sign3A_190 = arith.cmpi sgt, %iota3A_183, %sign3A_189 : vector<4x128xi32>
    %sign3A_191 = arith.extui %sign3A_190 : vector<4x128xi1> to vector<4x128xi32>
    %sign3A_192 = arith.constant 0 : i32
    %sign3A_193 = vector.broadcast %sign3A_192 : i32 to vector<4x128xi32>
    %sign3A_194 = arith.cmpi slt, %iota3A_183, %sign3A_193 : vector<4x128xi32>
    %sign3A_195 = arith.extui %sign3A_194 : vector<4x128xi1> to vector<4x128xi32>
    %sign3A_196 = arith.subi %sign3A_191, %sign3A_195 : vector<4x128xi32>
    %sign3A_197 = arith.constant 0 : i32
    %sign3A_198 = arith.cmpi sgt, %jit3A_185, %sign3A_197 : i32
    %sign3A_199 = arith.extui %sign3A_198 : i1 to i32
    %sign3A_200 = arith.constant 0 : i32
    %sign3A_201 = arith.cmpi slt, %jit3A_185, %sign3A_200 : i32
    %sign3A_202 = arith.extui %sign3A_201 : i1 to i32
    %sign3A_203 = arith.subi %sign3A_199, %sign3A_202 : i32
    %ne3A_204 = vector.broadcast %sign3A_203 : i32 to vector<4x128xi32>
    %ne3A_205 = arith.cmpi ne, %sign3A_196, %ne3A_204 : vector<4x128xi32>
    %rem3A_206 = vector.broadcast %jit3A_185 : i32 to vector<4x128xi32>
    %rem3A_207 = arith.remsi %iota3A_183, %rem3A_206 : vector<4x128xi32>
    %ne3A_208 = arith.constant 0 : i32
    %ne3A_209 = vector.broadcast %ne3A_208 : i32 to vector<4x128xi32>
    %ne3A_210 = arith.cmpi ne, %rem3A_207, %ne3A_209 : vector<4x128xi32>
    %and3A_211 = arith.andi %ne3A_205, %ne3A_210 : vector<4x128xi1>
    %sub3A_212 = arith.constant 1 : i32
    %sub3A_213 = vector.broadcast %sub3A_212 : i32 to vector<4x128xi32>
    %sub3A_214 = arith.subi %div3A_187, %sub3A_213 : vector<4x128xi32>
    %select_n3A_215 = arith.select %and3A_211, %sub3A_214, %div3A_187 : vector<4x128xi1>, vector<4x128xi32>
    %eq3A_216 = arith.cmpi eq, %select_n3A_215, %iota3A_184 : vector<4x128xi32>
    %convert_element_type3A_217 = arith.extui %eq3A_216 : vector<4x128xi1> to vector<4x128xi32>
    %convert_element_type3A_218 = arith.sitofp %convert_element_type3A_217 : vector<4x128xi32> to vector<4x128xf32>
    %dot_general3A_219 = arith.constant dense<0.000000e+00> : vector<1000x128xf32>
    %dot_general3A_220 = tpu.matmul %add3A_80, %mul3A_182, %dot_general3A_219 {dimension_numbers = #tpu.dot_dimension_numbers<[1], [0], [0], [1], [0, 0, 1, 1], [], []>, transpose_lhs_hint = false} : vector<1000x8xf32>, vector<8x128xf32>, vector<1000x128xf32> -> vector<1000x128xf32>
    %dot_general3A_221 = arith.constant dense<0.000000e+00> : vector<1000x128xf32>
    %dot_general3A_222 = tpu.matmul %add3A_82, %convert_element_type3A_218, %dot_general3A_221 {dimension_numbers = #tpu.dot_dimension_numbers<[1], [0], [0], [1], [0, 0, 1, 1], [], []>, transpose_lhs_hint = false} : vector<1000x4xf32>, vector<4x128xf32>, vector<1000x128xf32> -> vector<1000x128xf32>
    %div3A_223 = arith.divf %dot_general3A_220, %dot_general3A_222 : vector<1000x128xf32>
    %get3A_224 = arith.constant 0 : index
    %get3A_225 = arith.constant 0 : index
    %get3A_226 = vector.load %arg8[%get3A_224, %get3A_225] : memref<1x128xf32, #tpu.memory_space<vmem>>, vector<1x128xf32>
    %add3A_227 = vector.broadcast %get3A_226 : vector<1x128xf32> to vector<1000x128xf32>
    %add3A_228 = arith.addf %div3A_223, %add3A_227 : vector<1000x128xf32>
    %gt3A = arith.constant 0.000000e+00 : f32
    %gt3A_229 = vector.broadcast %gt3A : f32 to vector<1000x128xf32>
    %gt3A_230 = arith.cmpf ogt, %add3A_228, %gt3A_229 : vector<1000x128xf32>
    %min3A = arith.constant 0.000000e+00 : f32
    %min3A_231 = vector.broadcast %min3A : f32 to vector<1000x128xf32>
    %min3A_232 = arith.minimumf %add3A_228, %min3A_231 : vector<1000x128xf32>
    %exp3A_233 = math.exp %min3A_232 : vector<1000x128xf32>
    %sub3A_234 = arith.constant 1.000000e+00 : f32
    %sub3A_235 = vector.broadcast %sub3A_234 : f32 to vector<1000x128xf32>
    %sub3A_236 = arith.subf %exp3A_233, %sub3A_235 : vector<1000x128xf32>
    %select_n3A_237 = arith.select %gt3A_230, %add3A_228, %sub3A_236 : vector<1000x128xi1>, vector<1000x128xf32>
    %get3A_238 = arith.constant 0 : index
    %get3A_239 = arith.constant 0 : index
    %get3A_240 = vector.load %arg9[%get3A_238, %get3A_239] : memref<128x32xf32, #tpu.memory_space<vmem>>, vector<128x32xf32>
    %dot_general3A_241 = arith.constant dense<0.000000e+00> : vector<1000x32xf32>
    %dot_general3A_242 = tpu.matmul %select_n3A_237, %get3A_240, %dot_general3A_241 {dimension_numbers = #tpu.dot_dimension_numbers<[1], [0], [0], [1], [0, 0, 1, 1], [], []>, transpose_lhs_hint = false} : vector<1000x128xf32>, vector<128x32xf32>, vector<1000x32xf32> -> vector<1000x32xf32>
    %get3A_243 = arith.constant 0 : index
    %get3A_244 = arith.constant 0 : index
    %get3A_245 = vector.load %arg10[%get3A_243, %get3A_244] : memref<32x1xf32, #tpu.memory_space<vmem>>, vector<32x1xf32>
    %dot_general3A_246 = arith.constant dense<0.000000e+00> : vector<1000x1xf32>
    %dot_general3A_247 = tpu.matmul %dot_general3A_242, %get3A_245, %dot_general3A_246 {dimension_numbers = #tpu.dot_dimension_numbers<[1], [0], [0], [1], [0, 0, 1, 1], [], []>, transpose_lhs_hint = false} : vector<1000x32xf32>, vector<32x1xf32>, vector<1000x1xf32> -> vector<1000x1xf32>
    %get3A_248 = arith.constant 0 : index
    %get3A_249 = arith.constant 0 : index
    %get3A_250 = vector.load %arg11[%get3A_248, %get3A_249] : memref<32x1xf32, #tpu.memory_space<vmem>>, vector<32x1xf32>
    %dot_general3A_251 = arith.constant dense<0.000000e+00> : vector<1000x1xf32>
    %dot_general3A_252 = tpu.matmul %dot_general3A_242, %get3A_250, %dot_general3A_251 {dimension_numbers = #tpu.dot_dimension_numbers<[1], [0], [0], [1], [0, 0, 1, 1], [], []>, transpose_lhs_hint = false} : vector<1000x32xf32>, vector<32x1xf32>, vector<1000x1xf32> -> vector<1000x1xf32>
    %swap3A = arith.constant 0 : index
    %swap3A_253 = arith.constant 0 : index
    %swap3A_254 = arith.constant 0 : index
    %swap3A_255 = vector.load %arg12[%swap3A, %swap3A_253, %swap3A_254] : memref<2x1000x128xf32, #tpu.memory_space<vmem>>, vector<1x1000x1xf32>
    %swap3A_256 = vector.shape_cast %swap3A_255 : vector<1x1000x1xf32> to vector<1000x1xf32>
    %swap3A_257 = vector.shape_cast %dot_general3A_247 : vector<1000x1xf32> to vector<1x1000x1xf32>
    tpu.vector_store %arg12[%swap3A, %swap3A_253, %swap3A_254], %swap3A_257 {strides = array<i32>} : memref<2x1000x128xf32, #tpu.memory_space<vmem>>, vector<1x1000x1xf32>,
    %slice3A_258 = vector.extract_strided_slice %dot_general3A_242 {offsets = [0, 0], sizes = [1000, 16], strides = [1, 1]} : vector<1000x32xf32> to vector<1000x16xf32>
    %swap3A_259 = arith.constant 0 : index
    %swap3A_260 = arith.constant 0 : index
    %swap3A_261 = arith.constant 1 : index
    %swap3A_262 = vector.load %arg12[%swap3A_259, %swap3A_260, %swap3A_261] : memref<2x1000x128xf32, #tpu.memory_space<vmem>>, vector<1x1000x16xf32>
    %swap3A_263 = vector.shape_cast %swap3A_262 : vector<1x1000x16xf32> to vector<1000x16xf32>
    %swap3A_264 = vector.shape_cast %slice3A_258 : vector<1000x16xf32> to vector<1x1000x16xf32>
    tpu.vector_store %arg12[%swap3A_259, %swap3A_260, %swap3A_261], %swap3A_264 {strides = array<i32>} : memref<2x1000x128xf32, #tpu.memory_space<vmem>>, vector<1x1000x16xf32>,
    %broadcast_in_dim3A = arith.constant 0.000000e+00 : f32
    %broadcast_in_dim3A_265 = vector.broadcast %broadcast_in_dim3A : f32 to vector<1000x111xf32>
    %swap3A_266 = arith.constant 0 : index
    %swap3A_267 = arith.constant 0 : index
    %swap3A_268 = arith.constant 17 : index
    %swap3A_269 = vector.load %arg12[%swap3A_266, %swap3A_267, %swap3A_268] : memref<2x1000x128xf32, #tpu.memory_space<vmem>>, vector<1x1000x111xf32>
    %swap3A_270 = vector.shape_cast %swap3A_269 : vector<1x1000x111xf32> to vector<1000x111xf32>
    %swap3A_271 = vector.shape_cast %broadcast_in_dim3A_265 : vector<1000x111xf32> to vector<1x1000x111xf32>
    tpu.vector_store %arg12[%swap3A_266, %swap3A_267, %swap3A_268], %swap3A_271 {strides = array<i32>} : memref<2x1000x128xf32, #tpu.memory_space<vmem>>, vector<1x1000x111xf32>,
    %swap3A_272 = arith.constant 1 : index
    %swap3A_273 = arith.constant 0 : index
    %swap3A_274 = arith.constant 0 : index
    %swap3A_275 = vector.load %arg12[%swap3A_272, %swap3A_273, %swap3A_274] : memref<2x1000x128xf32, #tpu.memory_space<vmem>>, vector<1x1000x1xf32>
    %swap3A_276 = vector.shape_cast %swap3A_275 : vector<1x1000x1xf32> to vector<1000x1xf32>
    %swap3A_277 = vector.shape_cast %dot_general3A_247 : vector<1000x1xf32> to vector<1x1000x1xf32>
    tpu.vector_store %arg12[%swap3A_272, %swap3A_273, %swap3A_274], %swap3A_277 {strides = array<i32>} : memref<2x1000x128xf32, #tpu.memory_space<vmem>>, vector<1x1000x1xf32>,
    %slice3A_278 = vector.extract_strided_slice %dot_general3A_242 {offsets = [0, 16], sizes = [1000, 16], strides = [1, 1]} : vector<1000x32xf32> to vector<1000x16xf32>
    %swap3A_279 = arith.constant 1 : index
    %swap3A_280 = arith.constant 0 : index
    %swap3A_281 = arith.constant 1 : index
    %swap3A_282 = vector.load %arg12[%swap3A_279, %swap3A_280, %swap3A_281] : memref<2x1000x128xf32, #tpu.memory_space<vmem>>, vector<1x1000x16xf32>
    %swap3A_283 = vector.shape_cast %swap3A_282 : vector<1x1000x16xf32> to vector<1000x16xf32>
    %swap3A_284 = vector.shape_cast %slice3A_278 : vector<1000x16xf32> to vector<1x1000x16xf32>
    tpu.vector_store %arg12[%swap3A_279, %swap3A_280, %swap3A_281], %swap3A_284 {strides = array<i32>} : memref<2x1000x128xf32, #tpu.memory_space<vmem>>, vector<1x1000x16xf32>,
    %broadcast_in_dim3A_285 = arith.constant 0.000000e+00 : f32
    %broadcast_in_dim3A_286 = vector.broadcast %broadcast_in_dim3A_285 : f32 to vector<1000x111xf32>
    %swap3A_287 = arith.constant 1 : index
    %swap3A_288 = arith.constant 0 : index
    %swap3A_289 = arith.constant 17 : index
    %swap3A_290 = vector.load %arg12[%swap3A_287, %swap3A_288, %swap3A_289] : memref<2x1000x128xf32, #tpu.memory_space<vmem>>, vector<1x1000x111xf32>
    %swap3A_291 = vector.shape_cast %swap3A_290 : vector<1x1000x111xf32> to vector<1000x111xf32>
    %swap3A_292 = vector.shape_cast %broadcast_in_dim3A_286 : vector<1000x111xf32> to vector<1x1000x111xf32>
    tpu.vector_store %arg12[%swap3A_287, %swap3A_288, %swap3A_289], %swap3A_292 {strides = array<i32>} : memref<2x1000x128xf32, #tpu.memory_space<vmem>>, vector<1x1000x111xf32>,
    %swap3A_293 = arith.constant 0 : index
    %swap3A_294 = arith.constant 0 : index
    %swap3A_295 = vector.load %arg13[%swap3A_293, %swap3A_294] : memref<1000x128xf32, #tpu.memory_space<vmem>>, vector<1000x1xf32>
    tpu.vector_store %arg13[%swap3A_293, %swap3A_294], %dot_general3A_252 {strides = array<i32>} : memref<1000x128xf32, #tpu.memory_space<vmem>>, vector<1000x1xf32>,
    %broadcast_in_dim3A_296 = arith.constant 0.000000e+00 : f32
    %broadcast_in_dim3A_297 = vector.broadcast %broadcast_in_dim3A_296 : f32 to vector<1000x127xf32>
    %swap3A_298 = arith.constant 0 : index
    %swap3A_299 = arith.constant 1 : index
    %swap3A_300 = vector.load %arg13[%swap3A_298, %swap3A_299] : memref<1000x128xf32, #tpu.memory_space<vmem>>, vector<1000x127xf32>
    tpu.vector_store %arg13[%swap3A_298, %swap3A_299], %broadcast_in_dim3A_297 {strides = array<i32>} : memref<1000x128xf32, #tpu.memory_space<vmem>>, vector<1000x127xf32>,
    %eq3A_301 = arith.constant 0 : i32
    %eq3A_302 = arith.cmpi eq, %arg0, %eq3A_301 : i32
    %convert_element_type3A_303 = arith.extui %eq3A_302 : i1 to i32
    %cond3A = arith.constant 0 : i32
    %cond3A_304 = arith.cmpi ne, %convert_element_type3A_303, %cond3A : i32
    scf.if %cond3A_304 {
      %broadcast_in_dim3A_328 = arith.constant -1.000000e+30 : f32
      %broadcast_in_dim3A_329 = vector.broadcast %broadcast_in_dim3A_328 : f32 to vector<8x128xf32>
      %swap3A_330 = arith.constant 0 : index
      %swap3A_331 = arith.constant 0 : index
      %swap3A_332 = vector.load %arg15[%swap3A_330, %swap3A_331] : memref<8x128xf32, #tpu.memory_space<vmem>>, vector<8x128xf32>
      tpu.vector_store %arg15[%swap3A_330, %swap3A_331], %broadcast_in_dim3A_329 {strides = array<i32>} : memref<8x128xf32, #tpu.memory_space<vmem>>, vector<8x128xf32>,
    } else {
    }
    %get3A_305 = arith.constant 0 : index
    %get3A_306 = arith.constant 0 : index
    %get3A_307 = vector.load %arg15[%get3A_305, %get3A_306] : memref<8x128xf32, #tpu.memory_space<vmem>>, vector<1x1xf32>
    %reduce_max3A = arith.constant dense<0xFF800000> : vector<1xf32>
    %reduce_max3A_308 = vector.multi_reduction <maximumf>, %dot_general3A_247, %reduce_max3A [0] : vector<1000x1xf32> to vector<1xf32>
    %broadcast_in_dim3A_309 = vector.shape_cast %reduce_max3A_308 : vector<1xf32> to vector<1x1xf32>
    %max3A = arith.maximumf %get3A_307, %broadcast_in_dim3A_309 : vector<1x1xf32>
    %swap3A_310 = arith.constant 0 : index
    %swap3A_311 = arith.constant 0 : index
    %swap3A_312 = vector.load %arg15[%swap3A_310, %swap3A_311] : memref<8x128xf32, #tpu.memory_space<vmem>>, vector<1x1xf32>
    tpu.vector_store %arg15[%swap3A_310, %swap3A_311], %max3A {strides = array<i32>} : memref<8x128xf32, #tpu.memory_space<vmem>>, vector<1x1xf32>,
    %get3A_313 = arith.constant 1 : index
    %get3A_314 = arith.constant 0 : index
    %get3A_315 = vector.load %arg15[%get3A_313, %get3A_314] : memref<8x128xf32, #tpu.memory_space<vmem>>, vector<1x1xf32>
    %reduce_max3A_316 = arith.constant dense<0xFF800000> : vector<1xf32>
    %reduce_max3A_317 = vector.multi_reduction <maximumf>, %dot_general3A_252, %reduce_max3A_316 [0] : vector<1000x1xf32> to vector<1xf32>
    %broadcast_in_dim3A_318 = vector.shape_cast %reduce_max3A_317 : vector<1xf32> to vector<1x1xf32>
    %max3A_319 = arith.maximumf %get3A_315, %broadcast_in_dim3A_318 : vector<1x1xf32>
    %swap3A_320 = arith.constant 1 : index
    %swap3A_321 = arith.constant 0 : index
    %swap3A_322 = vector.load %arg15[%swap3A_320, %swap3A_321] : memref<8x128xf32, #tpu.memory_space<vmem>>, vector<1x1xf32>
    tpu.vector_store %arg15[%swap3A_320, %swap3A_321], %max3A_319 {strides = array<i32>} : memref<8x128xf32, #tpu.memory_space<vmem>>, vector<1x1xf32>,
    %eq3A_323 = arith.constant 99 : i32
    %eq3A_324 = arith.cmpi eq, %arg0, %eq3A_323 : i32
    %convert_element_type3A_325 = arith.extui %eq3A_324 : i1 to i32
    %cond3A_326 = arith.constant 0 : i32
    %cond3A_327 = arith.cmpi ne, %convert_element_type3A_325, %cond3A_326 : i32
    scf.if %cond3A_327 {
      %get3A_328 = arith.constant 0 : index
      %get3A_329 = arith.constant 0 : index
      %get3A_330 = vector.load %arg15[%get3A_328, %get3A_329] : memref<8x128xf32, #tpu.memory_space<vmem>>, vector<1x1xf32>
      %get3A_331 = arith.constant 1 : index
      %get3A_332 = arith.constant 0 : index
      %get3A_333 = vector.load %arg15[%get3A_331, %get3A_332] : memref<8x128xf32, #tpu.memory_space<vmem>>, vector<1x1xf32>
      %add3A_334 = arith.addf %get3A_330, %get3A_333 : vector<1x1xf32>
      %ge3A_335 = arith.constant 0.000000e+00 : f32
      %ge3A_336 = vector.broadcast %ge3A_335 : f32 to vector<1x1xf32>
      %ge3A_337 = arith.cmpf oge, %add3A_334, %ge3A_336 : vector<1x1xf32>
      %mul3A_338 = arith.constant 2.000000e-01 : f32
      %mul3A_339 = vector.broadcast %mul3A_338 : f32 to vector<1x1xf32>
      %mul3A_340 = arith.mulf %mul3A_339, %add3A_334 : vector<1x1xf32>
      %select_n3A_341 = arith.select %ge3A_337, %add3A_334, %mul3A_340 : vector<1x1xi1>, vector<1x1xf32>
      %broadcast_in_dim3A_342 = vector.shape_cast %select_n3A_341 : vector<1x1xf32> to vector<1x1xf32>
      %broadcast_in_dim3A_343 = vector.broadcast %broadcast_in_dim3A_342 : vector<1x1xf32> to vector<1x8xf32>
      %swap3A_344 = arith.constant 0 : index
      %swap3A_345 = arith.constant 0 : index
      %swap3A_346 = vector.load %arg14[%swap3A_344, %swap3A_345] : memref<1x8xf32, #tpu.memory_space<vmem>>, vector<1x8xf32>
      tpu.vector_store %arg14[%swap3A_344, %swap3A_345], %broadcast_in_dim3A_343 {strides = array<i32>} : memref<1x8xf32, #tpu.memory_space<vmem>>, vector<1x8xf32>,
    } else {
    }
    return
  }
  func.func @transform_0(%arg0: i32) -> (i32, i32) {
    %c0_i32 = arith.constant 0 : i32
    %c0_i32_0 = arith.constant 0 : i32
    return %arg0, %c0_i32 : i32, i32
  }
  func.func @transform_1(%arg0: i32) -> (i32, i32) {
    %c0_i32 = arith.constant 0 : i32
    %c0_i32_0 = arith.constant 0 : i32
    return %arg0, %c0_i32 : i32, i32
  }
  func.func @transform_2(%arg0: i32) -> (i32, i32) {
    %c0_i32 = arith.constant 0 : i32
    %c0_i32_0 = arith.constant 0 : i32
    return %arg0, %c0_i32 : i32, i32
  }
  func.func @transform_3(%arg0: i32) -> (i32, i32) {
    %c0_i32 = arith.constant 0 : i32
    %c0_i32_0 = arith.constant 0 : i32
    return %arg0, %c0_i32 : i32, i32
  }
  func.func @transform_4(%arg0: i32) -> (i32, i32) {
    %c0_i32 = arith.constant 0 : i32
    %c0_i32_0 = arith.constant 0 : i32
    %c0_i32_1 = arith.constant 0 : i32
    return %c0_i32, %c0_i32_0 : i32, i32
  }
  func.func @transform_5(%arg0: i32) -> (i32, i32) {
    %c0_i32 = arith.constant 0 : i32
    %c0_i32_0 = arith.constant 0 : i32
    return %arg0, %c0_i32 : i32, i32
  }
  func.func @transform_6(%arg0: i32) -> (i32, i32) {
    %c0_i32 = arith.constant 0 : i32
    %c0_i32_0 = arith.constant 0 : i32
    %c0_i32_1 = arith.constant 0 : i32
    return %c0_i32, %c0_i32_0 : i32, i32
  }
  func.func @transform_7(%arg0: i32) -> (i32, i32) {
    %c0_i32 = arith.constant 0 : i32
    %c0_i32_0 = arith.constant 0 : i32
    %c0_i32_1 = arith.constant 0 : i32
    return %c0_i32, %c0_i32_0 : i32, i32
  }
  func.func @transform_8(%arg0: i32) -> (i32, i32) {
    %c0_i32 = arith.constant 0 : i32
    %c0_i32_0 = arith.constant 0 : i32
    %c0_i32_1 = arith.constant 0 : i32
    return %c0_i32, %c0_i32_0 : i32, i32
  }
  func.func @transform_9(%arg0: i32) -> (i32, i32) {
    %c0_i32 = arith.constant 0 : i32
    %c0_i32_0 = arith.constant 0 : i32
    %c0_i32_1 = arith.constant 0 : i32
    return %c0_i32, %c0_i32_0 : i32, i32
  }
  func.func @transform_10(%arg0: i32) -> (i32, i32) {
    %c0_i32 = arith.constant 0 : i32
    %c0_i32_0 = arith.constant 0 : i32
    %c0_i32_1 = arith.constant 0 : i32
    return %c0_i32, %c0_i32_0 : i32, i32
  }
  func.func @transform_11(%arg0: i32) -> (i32, i32, i32) {
    %c0_i32 = arith.constant 0 : i32
    %c0_i32_0 = arith.constant 0 : i32
    %c0_i32_1 = arith.constant 0 : i32
    return %c0_i32, %arg0, %c0_i32_0 : i32, i32, i32
  }
  func.func @transform_12(%arg0: i32) -> (i32, i32) {
    %c0_i32 = arith.constant 0 : i32
    %c0_i32_0 = arith.constant 0 : i32
    return %arg0, %c0_i32 : i32, i32
  }
  func.func @transform_13(%arg0: i32) -> (i32, i32) {
    %c0_i32 = arith.constant 0 : i32
    %c0_i32_0 = arith.constant 0 : i32
    %c0_i32_1 = arith.constant 0 : i32
    return %c0_i32, %c0_i32_0 : i32, i32
  }
}

module attributes {stable_mosaic.version = 14 : i64} {
  func.func @_combine2_body(%arg0: i32, %arg1: memref<1000x16xf32, #tpu.memory_space<vmem>>, %arg2: memref<1000x16xf32, #tpu.memory_space<vmem>>, %arg3: memref<1000x1xf32, #tpu.memory_space<vmem>>, %arg4: memref<1000x128xf32, #tpu.memory_space<vmem>>, %arg5: memref<1000x128xf32, #tpu.memory_space<vmem>>, %arg6: memref<1000x128xf32, #tpu.memory_space<vmem>>, %arg7: memref<1x8xf32, #tpu.memory_space<vmem>>, %arg8: memref<1x32xf32, #tpu.memory_space<vmem>>, %arg9: memref<1000x1xf32, #tpu.memory_space<vmem>>, %arg10: memref<32x1xf32, #tpu.memory_space<vmem>>, %arg11: memref<1x1xf32, #tpu.memory_space<vmem>>, %arg12: memref<64x1xf32, #tpu.memory_space<vmem>>, %arg13: memref<64x32xf32, #tpu.memory_space<vmem>>, %arg14: memref<64x1xf32, #tpu.memory_space<vmem>>) attributes {dimension_semantics = [#tpu.dimension_semantics<arbitrary>], iteration_bounds = array<i64: 100>, scalar_prefetch = 0 : i64, scratch_operands = 2 : i64, tpu.core_type = #tpu.core_type<tc>, window_params = [{transform_indices = @transform_0, window_bounds = array<i64: 1000, 16>}, {transform_indices = @transform_1, window_bounds = array<i64: 1000, 16>}, {transform_indices = @transform_2, window_bounds = array<i64: 1000, 1>}, {transform_indices = @transform_3, window_bounds = array<i64: 1000, 128>}, {transform_indices = @transform_4, window_bounds = array<i64: 1000, 128>}, {transform_indices = @transform_5, window_bounds = array<i64: 1000, 128>}, {pipeline_mode = #tpu.pipeline_mode<synchronous>, transform_indices = @transform_6, window_bounds = array<i64: 1, 8>}, {pipeline_mode = #tpu.pipeline_mode<synchronous>, transform_indices = @transform_7, window_bounds = array<i64: 1, 32>}, {transform_indices = @transform_8, window_bounds = array<i64: 1000, 1>}, {pipeline_mode = #tpu.pipeline_mode<synchronous>, transform_indices = @transform_9, window_bounds = array<i64: 32, 1>}, {pipeline_mode = #tpu.pipeline_mode<synchronous>, transform_indices = @transform_10, window_bounds = array<i64: 1, 1>}, {pipeline_mode = #tpu.pipeline_mode<synchronous>, transform_indices = @transform_11, window_bounds = array<i64: 64, 1>}]} {
    %eq3A = arith.constant 0 : i32
    %eq3A_0 = arith.cmpi eq, %arg0, %eq3A : i32
    %convert_element_type3A = arith.extui %eq3A_0 : i1 to i32
    %cond3A = arith.constant 0 : i32
    %cond3A_1 = arith.cmpi ne, %convert_element_type3A, %cond3A : i32
    scf.if %cond3A_1 {
      %broadcast_in_dim3A_97 = arith.constant 0.000000e+00 : f32
      %broadcast_in_dim3A_98 = vector.broadcast %broadcast_in_dim3A_97 : f32 to vector<64x32xf32>
      %swap3A_99 = arith.constant 0 : index
      %swap3A_100 = arith.constant 0 : index
      %swap3A_101 = vector.load %arg13[%swap3A_99, %swap3A_100] : memref<64x32xf32, #tpu.memory_space<vmem>>, vector<64x32xf32>
      tpu.vector_store %arg13[%swap3A_99, %swap3A_100], %broadcast_in_dim3A_98 {strides = array<i32>} : memref<64x32xf32, #tpu.memory_space<vmem>>, vector<64x32xf32>,
      %broadcast_in_dim3A_102 = arith.constant 0.000000e+00 : f32
      %broadcast_in_dim3A_103 = vector.broadcast %broadcast_in_dim3A_102 : f32 to vector<64x1xf32>
      %swap3A_104 = arith.constant 0 : index
      %swap3A_105 = arith.constant 0 : index
      %swap3A_106 = vector.load %arg14[%swap3A_104, %swap3A_105] : memref<64x1xf32, #tpu.memory_space<vmem>>, vector<64x1xf32>
      tpu.vector_store %arg14[%swap3A_104, %swap3A_105], %broadcast_in_dim3A_103 {strides = array<i32>} : memref<64x1xf32, #tpu.memory_space<vmem>>, vector<64x1xf32>,
    } else {
    }
    %get3A = arith.constant 0 : index
    %get3A_2 = arith.constant 0 : index
    %get3A_3 = vector.load %arg4[%get3A, %get3A_2] : memref<1000x128xf32, #tpu.memory_space<vmem>>, vector<1000x1xf32>
    %get3A_4 = arith.constant 0 : index
    %get3A_5 = arith.constant 1 : index
    %get3A_6 = vector.load %arg4[%get3A_4, %get3A_5] : memref<1000x128xf32, #tpu.memory_space<vmem>>, vector<1000x16xf32>
    %get3A_7 = arith.constant 0 : index
    %get3A_8 = arith.constant 1 : index
    %get3A_9 = vector.load %arg5[%get3A_7, %get3A_8] : memref<1000x128xf32, #tpu.memory_space<vmem>>, vector<1000x16xf32>
    %get3A_10 = arith.constant 0 : index
    %get3A_11 = arith.constant 0 : index
    %get3A_12 = vector.load %arg6[%get3A_10, %get3A_11] : memref<1000x128xf32, #tpu.memory_space<vmem>>, vector<1000x1xf32>
    %add3A = arith.addf %get3A_3, %get3A_12 : vector<1000x1xf32>
    %ge3A = arith.constant 0.000000e+00 : f32
    %ge3A_13 = vector.broadcast %ge3A : f32 to vector<1000x1xf32>
    %ge3A_14 = arith.cmpf oge, %add3A, %ge3A_13 : vector<1000x1xf32>
    %mul3A = arith.constant 2.000000e-01 : f32
    %mul3A_15 = vector.broadcast %mul3A : f32 to vector<1000x1xf32>
    %mul3A_16 = arith.mulf %mul3A_15, %add3A : vector<1000x1xf32>
    %select_n3A = arith.select %ge3A_14, %add3A, %mul3A_16 : vector<1000x1xi1>, vector<1000x1xf32>
    %get3A_17 = arith.constant 0 : index
    %get3A_18 = arith.constant 0 : index
    %get3A_19 = vector.load %arg7[%get3A_17, %get3A_18] : memref<1x8xf32, #tpu.memory_space<vmem>>, vector<1x1xf32>
    %sub3A = vector.broadcast %get3A_19 : vector<1x1xf32> to vector<1000x1xf32>
    %sub3A_20 = arith.subf %select_n3A, %sub3A : vector<1000x1xf32>
    %exp3A = math.exp %sub3A_20 : vector<1000x1xf32>
    %get3A_21 = arith.constant 0 : index
    %get3A_22 = arith.constant 0 : index
    %get3A_23 = vector.load %arg3[%get3A_21, %get3A_22] : memref<1000x1xf32, #tpu.memory_space<vmem>>, vector<1000x1xf32>
    %add3A_24 = arith.addf %get3A_23, %exp3A : vector<1000x1xf32>
    %get3A_25 = arith.constant 0 : index
    %get3A_26 = arith.constant 0 : index
    %get3A_27 = vector.load %arg1[%get3A_25, %get3A_26] : memref<1000x16xf32, #tpu.memory_space<vmem>>, vector<1000x16xf32>
    %mul3A_28 = vector.broadcast %exp3A : vector<1000x1xf32> to vector<1000x16xf32>
    %mul3A_29 = arith.mulf %mul3A_28, %get3A_6 : vector<1000x16xf32>
    %add3A_30 = arith.addf %get3A_27, %mul3A_29 : vector<1000x16xf32>
    %div3A = vector.broadcast %add3A_24 : vector<1000x1xf32> to vector<1000x16xf32>
    %div3A_31 = arith.divf %add3A_30, %div3A : vector<1000x16xf32>
    %get3A_32 = arith.constant 0 : index
    %get3A_33 = arith.constant 0 : index
    %get3A_34 = vector.load %arg2[%get3A_32, %get3A_33] : memref<1000x16xf32, #tpu.memory_space<vmem>>, vector<1000x16xf32>
    %mul3A_35 = vector.broadcast %exp3A : vector<1000x1xf32> to vector<1000x16xf32>
    %mul3A_36 = arith.mulf %mul3A_35, %get3A_9 : vector<1000x16xf32>
    %add3A_37 = arith.addf %get3A_34, %mul3A_36 : vector<1000x16xf32>
    %div3A_38 = vector.broadcast %add3A_24 : vector<1000x1xf32> to vector<1000x16xf32>
    %div3A_39 = arith.divf %add3A_37, %div3A_38 : vector<1000x16xf32>
    %get3A_40 = arith.constant 0 : index
    %get3A_41 = arith.constant 0 : index
    %get3A_42 = vector.load %arg8[%get3A_40, %get3A_41] : memref<1x32xf32, #tpu.memory_space<vmem>>, vector<1x32xf32>
    %slice3A = vector.extract_strided_slice %get3A_42 {offsets = [0, 0], sizes = [1, 16], strides = [1, 1]} : vector<1x32xf32> to vector<1x16xf32>
    %add3A_43 = vector.broadcast %slice3A : vector<1x16xf32> to vector<1000x16xf32>
    %add3A_44 = arith.addf %div3A_31, %add3A_43 : vector<1000x16xf32>
    %slice3A_45 = vector.extract_strided_slice %get3A_42 {offsets = [0, 16], sizes = [1, 16], strides = [1, 1]} : vector<1x32xf32> to vector<1x16xf32>
    %add3A_46 = vector.broadcast %slice3A_45 : vector<1x16xf32> to vector<1000x16xf32>
    %add3A_47 = arith.addf %div3A_39, %add3A_46 : vector<1000x16xf32>
    %gt3A = arith.constant 0.000000e+00 : f32
    %gt3A_48 = vector.broadcast %gt3A : f32 to vector<1000x16xf32>
    %gt3A_49 = arith.cmpf ogt, %add3A_44, %gt3A_48 : vector<1000x16xf32>
    %min3A = arith.constant 0.000000e+00 : f32
    %min3A_50 = vector.broadcast %min3A : f32 to vector<1000x16xf32>
    %min3A_51 = arith.minimumf %add3A_44, %min3A_50 : vector<1000x16xf32>
    %exp3A_52 = math.exp %min3A_51 : vector<1000x16xf32>
    %sub3A_53 = arith.constant 1.000000e+00 : f32
    %sub3A_54 = vector.broadcast %sub3A_53 : f32 to vector<1000x16xf32>
    %sub3A_55 = arith.subf %exp3A_52, %sub3A_54 : vector<1000x16xf32>
    %select_n3A_56 = arith.select %gt3A_49, %add3A_44, %sub3A_55 : vector<1000x16xi1>, vector<1000x16xf32>
    %gt3A_57 = arith.constant 0.000000e+00 : f32
    %gt3A_58 = vector.broadcast %gt3A_57 : f32 to vector<1000x16xf32>
    %gt3A_59 = arith.cmpf ogt, %add3A_47, %gt3A_58 : vector<1000x16xf32>
    %min3A_60 = arith.constant 0.000000e+00 : f32
    %min3A_61 = vector.broadcast %min3A_60 : f32 to vector<1000x16xf32>
    %min3A_62 = arith.minimumf %add3A_47, %min3A_61 : vector<1000x16xf32>
    %exp3A_63 = math.exp %min3A_62 : vector<1000x16xf32>
    %sub3A_64 = arith.constant 1.000000e+00 : f32
    %sub3A_65 = vector.broadcast %sub3A_64 : f32 to vector<1000x16xf32>
    %sub3A_66 = arith.subf %exp3A_63, %sub3A_65 : vector<1000x16xf32>
    %select_n3A_67 = arith.select %gt3A_59, %add3A_47, %sub3A_66 : vector<1000x16xi1>, vector<1000x16xf32>
    %get3A_68 = arith.constant 0 : index
    %get3A_69 = arith.constant 0 : index
    %get3A_70 = vector.load %arg9[%get3A_68, %get3A_69] : memref<1000x1xf32, #tpu.memory_space<vmem>>, vector<1000x1xf32>
    %iota3A = tpu.iota {dimensions = array<i32: 1>} : vector<1x64xi32>
    %convert_element_type3A_71 = arith.sitofp %iota3A : vector<1x64xi32> to vector<1x64xf32>
    %eq3A_72 = vector.broadcast %get3A_70 : vector<1000x1xf32> to vector<1000x64xf32>
    %eq3A_73 = vector.broadcast %convert_element_type3A_71 : vector<1x64xf32> to vector<1000x64xf32>
    %eq3A_74 = arith.cmpf oeq, %eq3A_72, %eq3A_73 : vector<1000x64xf32>
    %convert_element_type3A_75 = arith.extui %eq3A_74 : vector<1000x64xi1> to vector<1000x64xi32>
    %convert_element_type3A_76 = arith.sitofp %convert_element_type3A_75 : vector<1000x64xi32> to vector<1000x64xf32>
    %concatenate3A = tpu.concatenate %select_n3A_56, %select_n3A_67 in 1 : vector<1000x16xf32>, vector<1000x16xf32> -> vector<1000x32xf32>
    %dot_general3A = arith.constant dense<0.000000e+00> : vector<64x32xf32>
    %dot_general3A_77 = tpu.matmul %convert_element_type3A_76, %concatenate3A, %dot_general3A {dimension_numbers = #tpu.dot_dimension_numbers<[0], [0], [1], [1], [0, 1, 1, 1], [], []>, transpose_lhs_hint = false} : vector<1000x64xf32>, vector<1000x32xf32>, vector<64x32xf32> -> vector<64x32xf32>
    %get3A_78 = arith.constant 0 : index
    %get3A_79 = arith.constant 0 : index
    %get3A_80 = vector.load %arg13[%get3A_78, %get3A_79] : memref<64x32xf32, #tpu.memory_space<vmem>>, vector<64x32xf32>
    %add3A_81 = arith.addf %get3A_80, %dot_general3A_77 : vector<64x32xf32>
    %swap3A = arith.constant 0 : index
    %swap3A_82 = arith.constant 0 : index
    %swap3A_83 = vector.load %arg13[%swap3A, %swap3A_82] : memref<64x32xf32, #tpu.memory_space<vmem>>, vector<64x32xf32>
    tpu.vector_store %arg13[%swap3A, %swap3A_82], %add3A_81 {strides = array<i32>} : memref<64x32xf32, #tpu.memory_space<vmem>>, vector<64x32xf32>,
    %get3A_84 = arith.constant 0 : index
    %get3A_85 = arith.constant 0 : index
    %get3A_86 = vector.load %arg14[%get3A_84, %get3A_85] : memref<64x1xf32, #tpu.memory_space<vmem>>, vector<64x1xf32>
    %reduce_sum3A = arith.constant dense<0.000000e+00> : vector<64xf32>
    %reduce_sum3A_87 = vector.multi_reduction <add>, %convert_element_type3A_76, %reduce_sum3A [0] : vector<1000x64xf32> to vector<64xf32>
    %broadcast_in_dim3A = vector.shape_cast %reduce_sum3A_87 : vector<64xf32> to vector<1x64xf32>
    %transpose3A = tpu.transpose %broadcast_in_dim3A, [1, 0] : vector<1x64xf32> -> vector<64x1xf32>
    %add3A_88 = arith.addf %get3A_86, %transpose3A : vector<64x1xf32>
    %swap3A_89 = arith.constant 0 : index
    %swap3A_90 = arith.constant 0 : index
    %swap3A_91 = vector.load %arg14[%swap3A_89, %swap3A_90] : memref<64x1xf32, #tpu.memory_space<vmem>>, vector<64x1xf32>
    tpu.vector_store %arg14[%swap3A_89, %swap3A_90], %add3A_88 {strides = array<i32>} : memref<64x1xf32, #tpu.memory_space<vmem>>, vector<64x1xf32>,
    %eq3A_92 = arith.constant 99 : i32
    %eq3A_93 = arith.cmpi eq, %arg0, %eq3A_92 : i32
    %convert_element_type3A_94 = arith.extui %eq3A_93 : i1 to i32
    %cond3A_95 = arith.constant 0 : i32
    %cond3A_96 = arith.cmpi ne, %convert_element_type3A_94, %cond3A_95 : i32
    scf.if %cond3A_96 {
      %get3A_97 = arith.constant 0 : index
      %get3A_98 = arith.constant 0 : index
      %get3A_99 = vector.load %arg13[%get3A_97, %get3A_98] : memref<64x32xf32, #tpu.memory_space<vmem>>, vector<64x32xf32>
      %get3A_100 = arith.constant 0 : index
      %get3A_101 = arith.constant 0 : index
      %get3A_102 = vector.load %arg14[%get3A_100, %get3A_101] : memref<64x1xf32, #tpu.memory_space<vmem>>, vector<64x1xf32>
      %max3A = arith.constant 1.000000e+00 : f32
      %max3A_103 = vector.broadcast %max3A : f32 to vector<64x1xf32>
      %max3A_104 = arith.maximumf %get3A_102, %max3A_103 : vector<64x1xf32>
      %div3A_105 = vector.broadcast %max3A_104 : vector<64x1xf32> to vector<64x32xf32>
      %div3A_106 = arith.divf %get3A_99, %div3A_105 : vector<64x32xf32>
      %get3A_107 = arith.constant 0 : index
      %get3A_108 = arith.constant 0 : index
      %get3A_109 = vector.load %arg10[%get3A_107, %get3A_108] : memref<32x1xf32, #tpu.memory_space<vmem>>, vector<32x1xf32>
      %dot_general3A_110 = arith.constant dense<0.000000e+00> : vector<64x1xf32>
      %dot_general3A_111 = tpu.matmul %div3A_106, %get3A_109, %dot_general3A_110 {dimension_numbers = #tpu.dot_dimension_numbers<[1], [0], [0], [1], [0, 0, 1, 1], [], []>, transpose_lhs_hint = false} : vector<64x32xf32>, vector<32x1xf32>, vector<64x1xf32> -> vector<64x1xf32>
      %get3A_112 = arith.constant 0 : index
      %get3A_113 = arith.constant 0 : index
      %get3A_114 = vector.load %arg11[%get3A_112, %get3A_113] : memref<1x1xf32, #tpu.memory_space<vmem>>, vector<1x1xf32>
      %add3A_115 = vector.broadcast %get3A_114 : vector<1x1xf32> to vector<64x1xf32>
      %add3A_116 = arith.addf %dot_general3A_111, %add3A_115 : vector<64x1xf32>
      %swap3A_117 = arith.constant 0 : index
      %swap3A_118 = arith.constant 0 : index
      %swap3A_119 = vector.load %arg12[%swap3A_117, %swap3A_118] : memref<64x1xf32, #tpu.memory_space<vmem>>, vector<64x1xf32>
      tpu.vector_store %arg12[%swap3A_117, %swap3A_118], %add3A_116 {strides = array<i32>} : memref<64x1xf32, #tpu.memory_space<vmem>>, vector<64x1xf32>,
    } else {
    }
    return
  }
  func.func @transform_0(%arg0: i32) -> (i32, i32) {
    %c0_i32 = arith.constant 0 : i32
    %c0_i32_0 = arith.constant 0 : i32
    return %arg0, %c0_i32 : i32, i32
  }
  func.func @transform_1(%arg0: i32) -> (i32, i32) {
    %c0_i32 = arith.constant 0 : i32
    %c0_i32_0 = arith.constant 0 : i32
    return %arg0, %c0_i32 : i32, i32
  }
  func.func @transform_2(%arg0: i32) -> (i32, i32) {
    %c0_i32 = arith.constant 0 : i32
    %c0_i32_0 = arith.constant 0 : i32
    return %arg0, %c0_i32 : i32, i32
  }
  func.func @transform_3(%arg0: i32) -> (i32, i32) {
    %c0_i32 = arith.constant 0 : i32
    %c0_i32_0 = arith.constant 0 : i32
    return %arg0, %c0_i32 : i32, i32
  }
  func.func @transform_4(%arg0: i32) -> (i32, i32) {
    %c0_i32 = arith.constant 0 : i32
    %c0_i32_0 = arith.constant 0 : i32
    return %arg0, %c0_i32 : i32, i32
  }
  func.func @transform_5(%arg0: i32) -> (i32, i32) {
    %c0_i32 = arith.constant 0 : i32
    %c0_i32_0 = arith.constant 0 : i32
    return %arg0, %c0_i32 : i32, i32
  }
  func.func @transform_6(%arg0: i32) -> (i32, i32) {
    %c0_i32 = arith.constant 0 : i32
    %c0_i32_0 = arith.constant 0 : i32
    %c0_i32_1 = arith.constant 0 : i32
    return %c0_i32, %c0_i32_0 : i32, i32
  }
  func.func @transform_7(%arg0: i32) -> (i32, i32) {
    %c0_i32 = arith.constant 0 : i32
    %c0_i32_0 = arith.constant 0 : i32
    %c0_i32_1 = arith.constant 0 : i32
    return %c0_i32, %c0_i32_0 : i32, i32
  }
  func.func @transform_8(%arg0: i32) -> (i32, i32) {
    %c0_i32 = arith.constant 0 : i32
    %c0_i32_0 = arith.constant 0 : i32
    return %arg0, %c0_i32 : i32, i32
  }
  func.func @transform_9(%arg0: i32) -> (i32, i32) {
    %c0_i32 = arith.constant 0 : i32
    %c0_i32_0 = arith.constant 0 : i32
    %c0_i32_1 = arith.constant 0 : i32
    return %c0_i32, %c0_i32_0 : i32, i32
  }
  func.func @transform_10(%arg0: i32) -> (i32, i32) {
    %c0_i32 = arith.constant 0 : i32
    %c0_i32_0 = arith.constant 0 : i32
    %c0_i32_1 = arith.constant 0 : i32
    return %c0_i32, %c0_i32_0 : i32, i32
  }
  func.func @transform_11(%arg0: i32) -> (i32, i32) {
    %c0_i32 = arith.constant 0 : i32
    %c0_i32_0 = arith.constant 0 : i32
    %c0_i32_1 = arith.constant 0 : i32
    return %c0_i32, %c0_i32_0 : i32, i32
  }
}

</mosaic_0001>

<sc_bundles>
// kernel: scatter_offload_async_start.1
scs
__scs_entry_jumppad:
0x0: {  	(pc) =	sbr.rel $0x88, $3  }
0x1: {  	(tag) =	ssettag $0x0;
	lr =	simm.s32 $0x1  }
0x2: {  	[smem:$0x3F94] =	sst lr;
	_ =	strace $0xD0000000  }
0x3: {  	_ = 	snop  }
0x4: {  	_ = 	snop  }
0x5: {  	_ = 	snop  }
0x6: {  	_ = 	snop  }
0x7: {  	_ = 	snop  }
__scs_overlays_trampoline_lowered:
0x8: {  	[smem:$0x3FA3] =	sst s0  }
0x9: {  	[smem:$0x3FA4] =	sst s1  }
0xa: {  	[smem:$0x3FA5] =	sst s2  }
0xb: {  	[smem:$0x3FA6] =	sst s3  }
0xc: {  	[smem:$0x3FA7] =	sst s4  }
0xd: {  	[smem:$0x3FA8] =	sst s5  }
0xe: {  	[smem:$0x3FA9] =	sst s6  }
0xf: {  	[smem:$0x3FAA] =	sst s7  }
0x10: {  	[smem:$0x3FAB] =	sst s8  }
0x11: {  	[smem:$0x3FAC] =	sst s9;
	s0 =	simm.s32 @!p0 $0x0  }
0x12: {  	s1 =	sld [smem:$0x3F92];
	s0 =	simm.s32 @p0 $0x1  }
0x13: {  	[smem:$0x3FAD] =	sst s0;
	s0 =	simm.s32 @!p1 $0x0  }
0x14: {  	s2 =	sld [smem:$0x3F91];
	s0 =	simm.s32 @p1 $0x1  }
0x15: {  	[smem:$0x3FAE] =	sst s0;
	s0 =	simm.s32 @!p2 $0x0  }
0x16: {  	s3 =	sld [smem:$0x3FDB];
	s0 =	simm.s32 @p2 $0x1  }
0x17: {  	s4 =	simm.s32 $0x1BF5;
	[smem:$0x3FB0] =	sst s0  }
0x18: {  	s0 =	sld [smem:$0x3F93];
	_ =	swait.ge [sflag:s4], $0x0  }
0x19: {  	s7 =	sld [smem:$0x3F94]  }
0x1a: {  	s8 =	sadd.s32 $0xFFFFE003, lr  }
0x1b: {  	s9 =	sadd.s32 $0xFFFFFEF7, lr;
	s5 =	simm.s32 $0xFFFFFFFF;
	p2 =	slt.u32 s8, $0xFFFFF086  }
0x1c: {  	p1 =	slt.u32 s9, $0xF7A;
	s5 =	simm.s32 @!p2 $0x0  }
0x1d: {  	s5 =	simm.s32 @p1 $0x1;
	p0 =	seq.s32 s7, s2  }
0x1e: {  	s7 =	smul.u32 @!p0 $0xF7A, s2;
	p2 =	seq.s32 @!p0 s5, $0x0  }
0x1f: {  	s9 =	smul.u32 $0xF7A, s1;
	s8 =	simm.s32 @!p0 $0x1BF5;
	p2 =	por !p2, p0  }
0x20: {  	[sflag:s8] =	ssyncset.s32 @!p0 $0xFFFFF086;
	s6 =	sadd.s32 @!p0 s3, s7;
	s7 =	simm.s32 @!p0 $0x108  }
0x21: {  	s3 =	sadd.s32 s3, s9;
	s6 =	sadd.s32 @!p0 $0x88, s6;
	s7 =	simm.s32 @p2 $0x1082  }
0x22: {  	[simem:s7], [sflag:s8] =	dma.local @!p0 [hbm:s6], $0xF7A  }
0x23: {  	s9 =	sor.u32 $0xD0000000, s2;
	s6 =	simm.s32 $0x108;
	_ =	swait.ge @!p0 [sflag:s8], $0x0  }
0x24: {  	s3 =	sadd.s32 $0x88, s3;
	s6 =	simm.s32 @!p1 $0x1082;
	[sflag:s4] =	ssyncset.s32 $0xFFFFF086  }
0x25: {  	[simem:s6], [sflag:s4] =	dma.local [hbm:s3], $0xF7A  }
0x26: {  	[smem:$0x3F94] =	sst s1;
	(tag) =	ssettag s2;
	_ =	strace s9  }
0x27: {  	s1 =	sld [smem:$0x3FA4]  }
0x28: {  	s2 =	sld [smem:$0x3FA5]  }
0x29: {  	s4 =	sld [smem:$0x3FA7]  }
0x2a: {  	p0 =	seq.s32 s5, $0x0;
	s5 =	sld [smem:$0x3FA8]  }
0x2b: {  	s6 =	sld [smem:$0x3FA9]  }
0x2c: {  	s7 =	sld [smem:$0x3FAA]  }
0x2d: {  	s3 =	simm.s32 $0x108;
	s8 =	sld [smem:$0x3FAB]  }
0x2e: {  	s3 =	simm.s32 @!p0 $0x1082;
	s9 =	sld [smem:$0x3FAC]  }
0x2f: {  	lr =	sadd.s32 s0, s3;
	s0 =	sld [smem:$0x3FA3]  }
0x30: {  	s3 =	sld [smem:$0x3FA6]  }
0x31: {  	[smem:$0x3FAF] =	sst s10  }
0x32: {  	s10 =	sld [smem:$0x3FAD];
	_ =	sdelay $0x3  }
0x33: {  	p0 =	seq.s32 s10, $0x1;
	s10 =	sld [smem:$0x3FAF];
	_ =	sdelay $0x3  }
0x34: {  	[smem:$0x3FAF] =	sst s10  }
0x35: {  	s10 =	sld [smem:$0x3FAE];
	_ =	sdelay $0x3  }
0x36: {  	p1 =	seq.s32 s10, $0x1;
	s10 =	sld [smem:$0x3FAF];
	_ =	sdelay $0x3  }
0x37: {  	[smem:$0x3FAF] =	sst s10  }
0x38: {  	s10 =	sld [smem:$0x3FB0]  }
0x39: {  	_ = 	snop;
	(pc) =	sbr.ind lr, $3  }
0x3a: {  	_ = 	snop  }
0x3b: {  	_ = 	snop  }
0x3c: {  	p2 =	seq.s32 s10, $0x1;
	s10 =	sld [smem:$0x3FAF]  }
0x3d: {  	_ =	shalt  }
0x3e: {  	_ =	shalt  }
0x3f: {  	_ =	shalt  }
0x40: {  	_ =	shalt  }
0x41: {  	_ =	shalt  }
0x42: {  	_ =	shalt  }
0x43: {  	_ =	shalt  }
0x44: {  	_ =	shalt  }
0x45: {  	_ =	shalt  }
0x46: {  	_ =	shalt  }
0x47: {  	_ =	shalt  }
0x48: {  	_ =	shalt  }
0x49: {  	_ =	shalt  }
0x4a: {  	_ =	shalt  }
0x4b: {  	_ =	shalt  }
0x4c: {  	_ =	shalt  }
0x4d: {  	_ =	shalt  }
0x4e: {  	_ =	shalt  }
0x4f: {  	_ =	shalt  }
0x50: {  	_ =	shalt  }
0x51: {  	_ =	shalt  }
0x52: {  	_ =	shalt  }
0x53: {  	_ =	shalt  }
0x54: {  	_ =	shalt  }
0x55: {  	_ =	shalt  }
0x56: {  	_ =	shalt  }
0x57: {  	_ =	shalt  }
0x58: {  	_ =	shalt  }
0x59: {  	_ =	shalt  }
0x5a: {  	_ =	shalt  }
0x5b: {  	_ =	shalt  }
0x5c: {  	_ =	shalt  }
0x5d: {  	_ =	shalt  }
0x5e: {  	_ =	shalt  }
0x5f: {  	_ =	shalt  }
0x60: {  	_ =	shalt  }
0x61: {  	_ =	shalt  }
0x62: {  	_ =	shalt  }
0x63: {  	_ =	shalt  }
0x64: {  	_ =	shalt  }
0x65: {  	_ =	shalt  }
0x66: {  	_ =	shalt  }
0x67: {  	_ =	shalt  }
0x68: {  	_ =	shalt  }
0x69: {  	_ =	shalt  }
0x6a: {  	_ =	shalt  }
0x6b: {  	_ =	shalt  }
0x6c: {  	_ =	shalt  }
0x6d: {  	_ =	shalt  }
0x6e: {  	_ =	shalt  }
0x6f: {  	_ =	shalt  }
0x70: {  	_ =	shalt  }
0x71: {  	_ =	shalt  }
0x72: {  	_ =	shalt  }
0x73: {  	_ =	shalt  }
0x74: {  	_ =	shalt  }
0x75: {  	_ =	shalt  }
0x76: {  	_ =	shalt  }
0x77: {  	_ =	shalt  }
0x78: {  	_ =	shalt  }
0x79: {  	_ =	shalt  }
0x7a: {  	_ =	shalt  }
0x7b: {  	_ =	shalt  }
0x7c: {  	_ =	shalt  }
0x7d: {  	_ =	shalt  }
0x7e: {  	_ =	shalt  }
0x7f: {  	_ =	shalt  }
0x80: {  	_ =	shalt  }
0x81: {  	_ =	shalt  }
0x82: {  	_ =	shalt  }
0x83: {  	_ =	shalt  }
0x84: {  	_ =	shalt  }
0x85: {  	_ =	shalt  }
0x86: {  	_ =	shalt  }
0x87: {  	_ =	shalt  }
.Lfunc_end0:
.L_simem_size_0:
called_computation.1_lowered:
.L_overlay_start_0:
0x88: {  	s2 =	sld [smem:$0x3FD9]  }
0x89: {  	s3 =	sld [smem:$0x3FFE];
	_ =	sdelay $0x1  }
0x8a: {  	s1 =	srdreg.scid  }
0x8b: {  	s0 =	sand.u32 $0x1, s1  }
0x8c: {  	s15 =	sshll.u32 s0, $0xA;
	s2 =	sadd.s32 s3, s2  }
0x8d: {  	s2 =	sadd.s32 s2, s15  }
0x8e: {  	[smem:$0x3FBB] =	sst s2  }
0x8f: {  	_ = 	snop  }
0x90: {  	(tm) =	ssettm $0x1  }
0x91: {  	s16 =	sld [smem:$0x3FFB];
	_ =	sdelay $0x3  }
0x92: {  	_ =	strace s16  }
0x93: {  	s2 =	sld [smem:$0x3FFC];
	_ =	sdelay $0x3  }
0x94: {  	_ =	strace s2  }
0x95: {  	s2 =	sld [smem:$0x3FFD];
	_ =	sdelay $0x3  }
0x96: {  	_ =	strace s2  }
0x97: {  	_ =	strace $0x8FFFFFFF  }
0x98: {  	s17 =	sld [smem:$0x3FDB];
	_ =	sdelay $0x1  }
0x99: {  	s18 =	simm.s32 $_scs_section_size  }
0x9a: {  	s4 =	simm.s32 $_size__tile_overlayer_lowered;
	s5 =	simm.s32 $_tile_overlayer_lowered  }
0x9b: {  	s21 =	simm.s32 $0x1BFF;
	s20 =	sshll.u32 s5, $0x1;
	s2 =	sadd.s32 s18, s17  }
0x9c: {  	s6 =	simm.s32 $0x0;
	s19 =	sshll.u32 s4, $0x1;
	s4 =	sadd.s32 s20, s2  }
0x9d: {  	[timem:s6], [sflag:s21] =	dma.local [hbm:s4], s19  }
0x9e: {  	_ =	swait.ge [sflag:s21], s19  }
0x9f: {  	s3 =	ssub.s32 $0x0, s19;
	[sflag:s21] =	ssyncset.done $0x0  }
0xa0: {  	[sflag:s21] =	ssyncadd.s32 s3;
	_ =	sdelay $0x1  }
0xa1: {  	s22 =	simm.s32 $0x1B8B  }
0xa2: {  	_ =	swait.ge [sflag:s22], $0x1  }
0xa3: {  	[sflag:s22] =	ssyncset.done $0x0  }
0xa4: {  	s23 =	sld [smem:$0x3FFE];
	[sflag:s22] =	ssyncadd.s32 $0xFFFFFFFF  }
0xa5: {  	s25 =	simm.s32 $0x1B8E;
	s24 =	sld [smem:$0x0]  }
0xa6: {  	s26 =	simm.s32 $execute0_lowered;
	[smem:$0x3FD2] =	sst s25  }
0xa7: {  	s5 =	sshll.u32 s26, $0x1;
	_ =	strace $0x80000058;
	[dreg:$0x1] =	wrdreg $0xFFFFFFFF  }
0xa8: {  	s28 =	simm.s32 $_size_execute0_lowered;
	s2 =	sadd.s32 s2, s5;
	[dreg:$0x0] =	wrdreg $0x0  }
0xa9: {  	s5 =	sshll.u32 s28, $0x1;
	[dreg:$0x2] =	wrdreg s2  }
0xaa: {  	[dreg:$0x3] =	wrdreg s5  }
0xab: {  	[dreg:$0x4] =	wrdreg $0xC0  }
0xac: {  	_ =	task [dreg:s6], $0x5FFFF  }
0xad: {  	[dreg:$0x1] =	wrdreg $0xFFFFFFFF  }
0xae: {  	[dreg:$0x0] =	wrdreg $0x60  }
0xaf: {  	[dreg:$0x2] =	wrdreg s23  }
0xb0: {  	[dreg:$0x3] =	wrdreg s1  }
0xb1: {  	[dreg:$0x4] =	wrdreg s24  }
0xb2: {  	[dreg:$0x5] =	wrdreg $0x9  }
0xb3: {  	_ =	task.clear_ibuf [dreg:s6], $0x6FFFF;
	_ =	strace $0x90000058  }
0xb4: {  	s29 =	simm.s32 $0x9;
	_ =	strace $0x8000005A  }
0xb5: {  	_ =	swait.ge [sflag:s29], $0x1  }
0xb6: {  	[sflag:s29] =	ssyncadd.s32 $0xFFFFFFFF  }
0xb7: {  	_ =	strace $0x9000005A  }
0xb8: {  	_ =	sfence  }
0xb9: {  	s30 =	sld [smem:$0x0];
	_ =	sdelay $0x2  }
0xba: {  	s31 =	sshll.u32 s1, $0xD;
	s1 =	sshrl.u32 s1, $0x2  }
0xbb: {  	s3 =	sand.u32 $0x4000, s31;
	s1 =	sadd.s32 s1, s30  }
0xbc: {  	s0 =	sor.u32 s3, s0;
	s1 =	sshll.u32 s1, $0x11  }
0xbd: {  	s0 =	sor.u32 s1, s0  }
0xbe: {  	s0 =	sadd.s32 $0x8F2B, s0  }
0xbf: {  	[sflag:s0] =	ssyncadd.remote.s32 $0x1  }
0xc0: {  	_ =	sfence.sel $0xFFFF  }
0xc1: {  	[dreg:$0x0] =	wrdreg $0xFFFFFFFF;
	(pc) =	sbr.abs _section_cstart, $3  }
0xc2: {  	[dreg:$0x1] =	wrdreg $0xFFFFFFFF  }
0xc3: {  	_ =	task.clear_ibuf [dreg:s6], $0x2FFFF;
	_ =	strace $0x9FFFFFFF  }
0xc4: {  	(tm) =	ssettm $0x7FFFFFFF  }
0xc5: {  	_ =	shalt  }
tec
execute0_lowered:
.L_overlay_start_1:
0x0: {  	(tag) =	ssettag $0x1  }
0x1: {  	s4 =	rddreg [dreg:$0x0]  }
0x2: {  	s2 =	rddreg [dreg:$0x1];
	_ =	strace $0x80000059;
	s3 =	simm.s32 $0x1  }
0x3: {  	v0 =	vimm.s32 $0x0;
	[sflag:s3] =	ssyncpa.u1 $0x0  }
0x4: {  	[tilespmem:$0x68] =	vst v0  }
0x5: {  	[tilespmem:$0x78] =	vst v0  }
0x6: {  	[tilespmem:$0x88] =	vst v0  }
0x7: {  	[tilespmem:$0x98] =	vst v0  }
0x8: {  	[tilespmem:$0xA8] =	vst v0  }
0x9: {  	[tilespmem:$0xB8] =	vst v0  }
0xa: {  	[tilespmem:$0xC8] =	vst v0  }
0xb: {  	[tilespmem:$0xD8] =	vst v0  }
0xc: {  	[tilespmem:$0xE8] =	vst v0  }
0xd: {  	[tilespmem:$0xF8] =	vst v0  }
0xe: {  	[tilespmem:$0x108] =	vst v0  }
0xf: {  	[tilespmem:$0x118] =	vst v0  }
0x10: {  	[tilespmem:$0x128] =	vst v0  }
0x11: {  	[tilespmem:$0x138] =	vst v0  }
0x12: {  	[tilespmem:$0x148] =	vst v0  }
0x13: {  	[tilespmem:$0x158] =	vst v0  }
0x14: {  	[tilespmem:$0x168] =	vst v0  }
0x15: {  	[tilespmem:$0x178] =	vst v0  }
0x16: {  	[tilespmem:$0x188] =	vst v0  }
0x17: {  	[tilespmem:$0x198] =	vst v0  }
0x18: {  	[tilespmem:$0x1A8] =	vst v0  }
0x19: {  	[tilespmem:$0x1B8] =	vst v0  }
0x1a: {  	[tilespmem:$0x1C8] =	vst v0  }
0x1b: {  	[tilespmem:$0x1D8] =	vst v0  }
0x1c: {  	[tilespmem:$0x1E8] =	vst v0  }
0x1d: {  	[tilespmem:$0x1F8] =	vst v0  }
0x1e: {  	[tilespmem:$0x208] =	vst v0  }
0x1f: {  	[tilespmem:$0x218] =	vst v0  }
0x20: {  	[tilespmem:$0x228] =	vst v0  }
0x21: {  	[tilespmem:$0x238] =	vst v0  }
0x22: {  	[tilespmem:$0x248] =	vst v0  }
0x23: {  	[tilespmem:$0x258] =	vst v0  }
0x24: {  	[tilespmem:$0x268] =	vst v0  }
0x25: {  	[tilespmem:$0x278] =	vst v0  }
0x26: {  	[tilespmem:$0x288] =	vst v0  }
0x27: {  	[tilespmem:$0x298] =	vst v0  }
0x28: {  	[tilespmem:$0x2A8] =	vst v0  }
0x29: {  	[tilespmem:$0x2B8] =	vst v0  }
0x2a: {  	[tilespmem:$0x2C8] =	vst v0  }
0x2b: {  	[tilespmem:$0x2D8] =	vst v0  }
0x2c: {  	[tilespmem:$0x2E8] =	vst v0  }
0x2d: {  	[tilespmem:$0x2F8] =	vst v0  }
0x2e: {  	[tilespmem:$0x308] =	vst v0  }
0x2f: {  	[tilespmem:$0x318] =	vst v0  }
0x30: {  	[tilespmem:$0x328] =	vst v0  }
0x31: {  	[tilespmem:$0x338] =	vst v0  }
0x32: {  	[tilespmem:$0x348] =	vst v0  }
0x33: {  	[tilespmem:$0x358] =	vst v0  }
0x34: {  	[tilespmem:$0x368] =	vst v0  }
0x35: {  	[tilespmem:$0x378] =	vst v0  }
0x36: {  	[tilespmem:$0x388] =	vst v0  }
0x37: {  	[tilespmem:$0x398] =	vst v0  }
0x38: {  	[tilespmem:$0x3A8] =	vst v0  }
0x39: {  	[tilespmem:$0x3B8] =	vst v0  }
0x3a: {  	[tilespmem:$0x3C8] =	vst v0  }
0x3b: {  	[tilespmem:$0x3D8] =	vst v0  }
0x3c: {  	[tilespmem:$0x3E8] =	vst v0  }
0x3d: {  	[tilespmem:$0x3F8] =	vst v0  }
0x3e: {  	[tilespmem:$0x408] =	vst v0  }
0x3f: {  	[tilespmem:$0x418] =	vst v0  }
0x40: {  	[tilespmem:$0x428] =	vst v0  }
0x41: {  	[tilespmem:$0x438] =	vst v0  }
0x42: {  	[tilespmem:$0x448] =	vst v0  }
0x43: {  	[tilespmem:$0x458] =	vst v0  }
0x44: {  	[tilespmem:$0x468] =	vst v0  }
0x45: {  	[tilespmem:$0x478] =	vst v0  }
0x46: {  	[tilespmem:$0x488] =	vst v0  }
0x47: {  	[tilespmem:$0x498] =	vst v0  }
0x48: {  	[tilespmem:$0x4A8] =	vst v0  }
0x49: {  	[tilespmem:$0x4B8] =	vst v0  }
0x4a: {  	[tilespmem:$0x4C8] =	vst v0  }
0x4b: {  	[tilespmem:$0x4D8] =	vst v0  }
0x4c: {  	[tilespmem:$0x4E8] =	vst v0  }
0x4d: {  	[tilespmem:$0x4F8] =	vst v0  }
0x4e: {  	[tilespmem:$0x508] =	vst v0  }
0x4f: {  	[tilespmem:$0x518] =	vst v0  }
0x50: {  	[tilespmem:$0x528] =	vst v0  }
0x51: {  	[tilespmem:$0x538] =	vst v0  }
0x52: {  	[tilespmem:$0x548] =	vst v0  }
0x53: {  	[tilespmem:$0x558] =	vst v0  }
0x54: {  	[tilespmem:$0x568] =	vst v0  }
0x55: {  	[tilespmem:$0x578] =	vst v0  }
0x56: {  	[tilespmem:$0x588] =	vst v0  }
0x57: {  	[tilespmem:$0x598] =	vst v0  }
0x58: {  	[tilespmem:$0x5A8] =	vst v0  }
0x59: {  	[tilespmem:$0x5B8] =	vst v0  }
0x5a: {  	[tilespmem:$0x5C8] =	vst v0  }
0x5b: {  	[tilespmem:$0x5D8] =	vst v0  }
0x5c: {  	[tilespmem:$0x5E8] =	vst v0  }
0x5d: {  	[tilespmem:$0x5F8] =	vst v0  }
0x5e: {  	[tilespmem:$0x608] =	vst v0  }
0x5f: {  	[tilespmem:$0x618] =	vst v0  }
0x60: {  	[tilespmem:$0x628] =	vst v0  }
0x61: {  	[tilespmem:$0x638] =	vst v0  }
0x62: {  	[tilespmem:$0x648] =	vst v0  }
0x63: {  	[tilespmem:$0x658] =	vst v0  }
0x64: {  	[tilespmem:$0x668] =	vst v0  }
0x65: {  	[tilespmem:$0x678] =	vst v0  }
0x66: {  	[tilespmem:$0x688] =	vst v0  }
0x67: {  	[tilespmem:$0x698] =	vst v0  }
0x68: {  	[tilespmem:$0x6A8] =	vst v0  }
0x69: {  	[tilespmem:$0x6B8] =	vst v0  }
0x6a: {  	[tilespmem:$0x6C8] =	vst v0  }
0x6b: {  	[tilespmem:$0x6D8] =	vst v0  }
0x6c: {  	[tilespmem:$0x6E8] =	vst v0  }
0x6d: {  	[tilespmem:$0x6F8] =	vst v0  }
0x6e: {  	[tilespmem:$0x708] =	vst v0  }
0x6f: {  	[tilespmem:$0x718] =	vst v0  }
0x70: {  	[tilespmem:$0x728] =	vst v0  }
0x71: {  	[tilespmem:$0x738] =	vst v0  }
0x72: {  	[tilespmem:$0x748] =	vst v0  }
0x73: {  	[tilespmem:$0x758] =	vst v0  }
0x74: {  	[tilespmem:$0x768] =	vst v0  }
0x75: {  	[tilespmem:$0x778] =	vst v0  }
0x76: {  	[tilespmem:$0x788] =	vst v0  }
0x77: {  	[tilespmem:$0x798] =	vst v0  }
0x78: {  	[tilespmem:$0x7A8] =	vst v0  }
0x79: {  	[tilespmem:$0x7B8] =	vst v0  }
0x7a: {  	[tilespmem:$0x7C8] =	vst v0  }
0x7b: {  	[tilespmem:$0x7D8] =	vst v0  }
0x7c: {  	[tilespmem:$0x7E8] =	vst v0  }
0x7d: {  	[tilespmem:$0x7F8] =	vst v0  }
0x7e: {  	[tilespmem:$0x808] =	vst v0  }
0x7f: {  	[tilespmem:$0x818] =	vst v0  }
0x80: {  	[tilespmem:$0x828] =	vst v0  }
0x81: {  	[tilespmem:$0x838] =	vst v0  }
0x82: {  	[tilespmem:$0x848] =	vst v0  }
0x83: {  	[tilespmem:$0x858] =	vst v0  }
0x84: {  	[tilespmem:$0x868] =	vst v0  }
0x85: {  	[tilespmem:$0x878] =	vst v0  }
0x86: {  	[tilespmem:$0x888] =	vst v0  }
0x87: {  	[tilespmem:$0x898] =	vst v0  }
0x88: {  	[tilespmem:$0x8A8] =	vst v0  }
0x89: {  	[tilespmem:$0x8B8] =	vst v0  }
0x8a: {  	[tilespmem:$0x8C8] =	vst v0  }
0x8b: {  	[tilespmem:$0x8D8] =	vst v0  }
0x8c: {  	[tilespmem:$0x8E8] =	vst v0  }
0x8d: {  	[tilespmem:$0x8F8] =	vst v0  }
0x8e: {  	[tilespmem:$0x908] =	vst v0  }
0x8f: {  	[tilespmem:$0x918] =	vst v0  }
0x90: {  	[tilespmem:$0x928] =	vst v0  }
0x91: {  	[tilespmem:$0x938] =	vst v0  }
0x92: {  	[tilespmem:$0x948] =	vst v0  }
0x93: {  	[tilespmem:$0x958] =	vst v0  }
0x94: {  	[tilespmem:$0x968] =	vst v0  }
0x95: {  	[tilespmem:$0x978] =	vst v0  }
0x96: {  	[tilespmem:$0x988] =	vst v0  }
0x97: {  	[tilespmem:$0x998] =	vst v0  }
0x98: {  	[tilespmem:$0x9A8] =	vst v0  }
0x99: {  	[tilespmem:$0x9B8] =	vst v0  }
0x9a: {  	[tilespmem:$0x9C8] =	vst v0  }
0x9b: {  	[tilespmem:$0x9D8] =	vst v0  }
0x9c: {  	[tilespmem:$0x9E8] =	vst v0  }
0x9d: {  	[tilespmem:$0x9F8] =	vst v0  }
0x9e: {  	[tilespmem:$0xA08] =	vst v0  }
0x9f: {  	[tilespmem:$0xA18] =	vst v0  }
0xa0: {  	[tilespmem:$0xA28] =	vst v0  }
0xa1: {  	[tilespmem:$0xA38] =	vst v0  }
0xa2: {  	[tilespmem:$0xA48] =	vst v0  }
0xa3: {  	[tilespmem:$0xA58] =	vst v0  }
0xa4: {  	[tilespmem:$0xA68] =	vst v0  }
0xa5: {  	[tilespmem:$0xA78] =	vst v0  }
0xa6: {  	[tilespmem:$0xA88] =	vst v0  }
0xa7: {  	[tilespmem:$0xA98] =	vst v0  }
0xa8: {  	[tilespmem:$0xAA8] =	vst v0  }
0xa9: {  	[tilespmem:$0xAB8] =	vst v0  }
0xaa: {  	[tilespmem:$0xAC8] =	vst v0  }
0xab: {  	[tilespmem:$0xAD8] =	vst v0  }
0xac: {  	[tilespmem:$0xAE8] =	vst v0  }
0xad: {  	[tilespmem:$0xAF8] =	vst v0  }
0xae: {  	[tilespmem:$0xB08] =	vst v0  }
0xaf: {  	[tilespmem:$0xB18] =	vst v0  }
0xb0: {  	[tilespmem:$0xB28] =	vst v0  }
0xb1: {  	[tilespmem:$0xB38] =	vst v0  }
0xb2: {  	[tilespmem:$0xB48] =	vst v0  }
0xb3: {  	[tilespmem:$0xB58] =	vst v0  }
0xb4: {  	[tilespmem:$0xB68] =	vst v0  }
0xb5: {  	[tilespmem:$0xB78] =	vst v0  }
0xb6: {  	[tilespmem:$0xB88] =	vst v0  }
0xb7: {  	[tilespmem:$0xB98] =	vst v0  }
0xb8: {  	[tilespmem:$0xBA8] =	vst v0  }
0xb9: {  	[tilespmem:$0xBB8] =	vst v0  }
0xba: {  	[tilespmem:$0xBC8] =	vst v0  }
0xbb: {  	[tilespmem:$0xBD8] =	vst v0  }
0xbc: {  	[tilespmem:$0xBE8] =	vst v0  }
0xbd: {  	[tilespmem:$0xBF8] =	vst v0  }
0xbe: {  	[tilespmem:$0xC08] =	vst v0  }
0xbf: {  	[tilespmem:$0xC18] =	vst v0  }
0xc0: {  	[tilespmem:$0xC28] =	vst v0  }
0xc1: {  	[tilespmem:$0xC38] =	vst v0  }
0xc2: {  	[tilespmem:$0xC48] =	vst v0  }
0xc3: {  	[tilespmem:$0xC58] =	vst v0  }
0xc4: {  	[tilespmem:$0xC68] =	vst v0  }
0xc5: {  	[tilespmem:$0xC78] =	vst v0  }
0xc6: {  	[tilespmem:$0xC88] =	vst v0  }
0xc7: {  	[tilespmem:$0xC98] =	vst v0  }
0xc8: {  	[tilespmem:$0xCA8] =	vst v0  }
0xc9: {  	[tilespmem:$0xCB8] =	vst v0  }
0xca: {  	[tilespmem:$0xCC8] =	vst v0  }
0xcb: {  	[tilespmem:$0xCD8] =	vst v0  }
0xcc: {  	[tilespmem:$0xCE8] =	vst v0  }
0xcd: {  	[tilespmem:$0xCF8] =	vst v0  }
0xce: {  	[tilespmem:$0xD08] =	vst v0  }
0xcf: {  	[tilespmem:$0xD18] =	vst v0  }
0xd0: {  	[tilespmem:$0xD28] =	vst v0  }
0xd1: {  	[tilespmem:$0xD38] =	vst v0  }
0xd2: {  	[tilespmem:$0xD48] =	vst v0  }
0xd3: {  	[tilespmem:$0xD58] =	vst v0  }
0xd4: {  	[tilespmem:$0xD68] =	vst v0  }
0xd5: {  	[tilespmem:$0xD78] =	vst v0  }
0xd6: {  	[tilespmem:$0xD88] =	vst v0  }
0xd7: {  	[tilespmem:$0xD98] =	vst v0  }
0xd8: {  	[tilespmem:$0xDA8] =	vst v0  }
0xd9: {  	[tilespmem:$0xDB8] =	vst v0  }
0xda: {  	[tilespmem:$0xDC8] =	vst v0  }
0xdb: {  	[tilespmem:$0xDD8] =	vst v0  }
0xdc: {  	[tilespmem:$0xDE8] =	vst v0  }
0xdd: {  	[tilespmem:$0xDF8] =	vst v0  }
0xde: {  	[tilespmem:$0xE08] =	vst v0  }
0xdf: {  	[tilespmem:$0xE18] =	vst v0  }
0xe0: {  	[tilespmem:$0xE28] =	vst v0  }
0xe1: {  	[tilespmem:$0xE38] =	vst v0  }
0xe2: {  	[tilespmem:$0xE48] =	vst v0  }
0xe3: {  	[tilespmem:$0xE58] =	vst v0  }
0xe4: {  	[tilespmem:$0xE68] =	vst v0  }
0xe5: {  	[tilespmem:$0xE78] =	vst v0  }
0xe6: {  	[tilespmem:$0xE88] =	vst v0  }
0xe7: {  	[tilespmem:$0xE98] =	vst v0  }
0xe8: {  	[tilespmem:$0xEA8] =	vst v0  }
0xe9: {  	[tilespmem:$0xEB8] =	vst v0  }
0xea: {  	[tilespmem:$0xEC8] =	vst v0  }
0xeb: {  	[tilespmem:$0xED8] =	vst v0  }
0xec: {  	[tilespmem:$0xEE8] =	vst v0  }
0xed: {  	[tilespmem:$0xEF8] =	vst v0  }
0xee: {  	[tilespmem:$0xF08] =	vst v0  }
0xef: {  	[tilespmem:$0xF18] =	vst v0  }
0xf0: {  	[tilespmem:$0xF28] =	vst v0  }
0xf1: {  	[tilespmem:$0xF38] =	vst v0  }
0xf2: {  	[tilespmem:$0xF48] =	vst v0  }
0xf3: {  	[tilespmem:$0xF58] =	vst v0  }
0xf4: {  	[tilespmem:$0xF68] =	vst v0  }
0xf5: {  	[tilespmem:$0xF78] =	vst v0  }
0xf6: {  	[tilespmem:$0xF88] =	vst v0  }
0xf7: {  	[tilespmem:$0xF98] =	vst v0  }
0xf8: {  	[tilespmem:$0xFA8] =	vst v0  }
0xf9: {  	[tilespmem:$0xFB8] =	vst v0  }
0xfa: {  	[tilespmem:$0xFC8] =	vst v0  }
0xfb: {  	[tilespmem:$0xFD8] =	vst v0  }
0xfc: {  	[tilespmem:$0xFE8] =	vst v0  }
0xfd: {  	[tilespmem:$0xFF8] =	vst v0  }
0xfe: {  	[tilespmem:$0x1008] =	vst v0  }
0xff: {  	[tilespmem:$0x1018] =	vst v0  }
0x100: {  	[tilespmem:$0x1028] =	vst v0  }
0x101: {  	[tilespmem:$0x1038] =	vst v0  }
0x102: {  	[tilespmem:$0x1048] =	vst v0  }
0x103: {  	[tilespmem:$0x1058] =	vst v0  }
0x104: {  	[tilespmem:$0x1068] =	vst v0  }
0x105: {  	[tilespmem:$0x1078] =	vst v0  }
0x106: {  	[tilespmem:$0x1088] =	vst v0  }
0x107: {  	[tilespmem:$0x1098] =	vst v0  }
0x108: {  	[tilespmem:$0x10A8] =	vst v0  }
0x109: {  	[tilespmem:$0x10B8] =	vst v0  }
0x10a: {  	[tilespmem:$0x10C8] =	vst v0  }
0x10b: {  	[tilespmem:$0x10D8] =	vst v0  }
0x10c: {  	[tilespmem:$0x10E8] =	vst v0  }
0x10d: {  	[tilespmem:$0x10F8] =	vst v0  }
0x10e: {  	[tilespmem:$0x1108] =	vst v0  }
0x10f: {  	[tilespmem:$0x1118] =	vst v0  }
0x110: {  	[tilespmem:$0x1128] =	vst v0  }
0x111: {  	[tilespmem:$0x1138] =	vst v0  }
0x112: {  	[tilespmem:$0x1148] =	vst v0  }
0x113: {  	[tilespmem:$0x1158] =	vst v0  }
0x114: {  	[tilespmem:$0x1168] =	vst v0  }
0x115: {  	[tilespmem:$0x1178] =	vst v0  }
0x116: {  	[tilespmem:$0x1188] =	vst v0  }
0x117: {  	[tilespmem:$0x1198] =	vst v0  }
0x118: {  	[tilespmem:$0x11A8] =	vst v0  }
0x119: {  	[tilespmem:$0x11B8] =	vst v0  }
0x11a: {  	[tilespmem:$0x11C8] =	vst v0  }
0x11b: {  	[tilespmem:$0x11D8] =	vst v0  }
0x11c: {  	[tilespmem:$0x11E8] =	vst v0  }
0x11d: {  	[tilespmem:$0x11F8] =	vst v0  }
0x11e: {  	[tilespmem:$0x1208] =	vst v0  }
0x11f: {  	[tilespmem:$0x1218] =	vst v0  }
0x120: {  	[tilespmem:$0x1228] =	vst v0  }
0x121: {  	[tilespmem:$0x1238] =	vst v0  }
0x122: {  	[tilespmem:$0x1248] =	vst v0  }
0x123: {  	[tilespmem:$0x1258] =	vst v0  }
0x124: {  	[tilespmem:$0x1268] =	vst v0  }
0x125: {  	[tilespmem:$0x1278] =	vst v0  }
0x126: {  	[tilespmem:$0x1288] =	vst v0  }
0x127: {  	[tilespmem:$0x1298] =	vst v0  }
0x128: {  	[tilespmem:$0x12A8] =	vst v0  }
0x129: {  	[tilespmem:$0x12B8] =	vst v0  }
0x12a: {  	[tilespmem:$0x12C8] =	vst v0  }
0x12b: {  	[tilespmem:$0x12D8] =	vst v0  }
0x12c: {  	[tilespmem:$0x12E8] =	vst v0  }
0x12d: {  	[tilespmem:$0x12F8] =	vst v0  }
0x12e: {  	[tilespmem:$0x1308] =	vst v0  }
0x12f: {  	[tilespmem:$0x1318] =	vst v0  }
0x130: {  	[tilespmem:$0x1328] =	vst v0  }
0x131: {  	[tilespmem:$0x1338] =	vst v0  }
0x132: {  	[tilespmem:$0x1348] =	vst v0  }
0x133: {  	[tilespmem:$0x1358] =	vst v0  }
0x134: {  	[tilespmem:$0x1368] =	vst v0  }
0x135: {  	[tilespmem:$0x1378] =	vst v0  }
0x136: {  	[tilespmem:$0x1388] =	vst v0  }
0x137: {  	[tilespmem:$0x1398] =	vst v0  }
0x138: {  	[tilespmem:$0x13A8] =	vst v0  }
0x139: {  	[tilespmem:$0x13B8] =	vst v0  }
0x13a: {  	[tilespmem:$0x13C8] =	vst v0  }
0x13b: {  	[tilespmem:$0x13D8] =	vst v0  }
0x13c: {  	[tilespmem:$0x13E8] =	vst v0  }
0x13d: {  	[tilespmem:$0x13F8] =	vst v0  }
0x13e: {  	[tilespmem:$0x1408] =	vst v0  }
0x13f: {  	[tilespmem:$0x1418] =	vst v0  }
0x140: {  	[tilespmem:$0x1428] =	vst v0  }
0x141: {  	[tilespmem:$0x1438] =	vst v0  }
0x142: {  	[tilespmem:$0x1448] =	vst v0  }
0x143: {  	[tilespmem:$0x1458] =	vst v0  }
0x144: {  	[tilespmem:$0x2388] =	vst v0  }
0x145: {  	[tilespmem:$0x2398] =	vst v0  }
0x146: {  	[tilespmem:$0x1468] =	vst v0  }
0x147: {  	[tilespmem:$0x1478] =	vst v0  }
0x148: {  	[tilespmem:$0x1488] =	vst v0  }
0x149: {  	[tilespmem:$0x1498] =	vst v0  }
0x14a: {  	[tilespmem:$0x14A8] =	vst v0  }
0x14b: {  	[tilespmem:$0x14B8] =	vst v0  }
0x14c: {  	[tilespmem:$0x14C8] =	vst v0  }
0x14d: {  	[tilespmem:$0x14D8] =	vst v0  }
0x14e: {  	[tilespmem:$0x14E8] =	vst v0  }
0x14f: {  	[tilespmem:$0x14F8] =	vst v0  }
0x150: {  	[tilespmem:$0x1508] =	vst v0  }
0x151: {  	[tilespmem:$0x1518] =	vst v0  }
0x152: {  	[tilespmem:$0x1528] =	vst v0  }
0x153: {  	[tilespmem:$0x1538] =	vst v0  }
0x154: {  	[tilespmem:$0x1548] =	vst v0  }
0x155: {  	[tilespmem:$0x1558] =	vst v0  }
0x156: {  	[tilespmem:$0x1568] =	vst v0  }
0x157: {  	[tilespmem:$0x1578] =	vst v0  }
0x158: {  	[tilespmem:$0x1588] =	vst v0  }
0x159: {  	[tilespmem:$0x1598] =	vst v0  }
0x15a: {  	[tilespmem:$0x15A8] =	vst v0  }
0x15b: {  	[tilespmem:$0x15B8] =	vst v0  }
0x15c: {  	[tilespmem:$0x15C8] =	vst v0  }
0x15d: {  	[tilespmem:$0x15D8] =	vst v0  }
0x15e: {  	[tilespmem:$0x15E8] =	vst v0  }
0x15f: {  	[tilespmem:$0x15F8] =	vst v0  }
0x160: {  	[tilespmem:$0x1608] =	vst v0  }
0x161: {  	[tilespmem:$0x1618] =	vst v0  }
0x162: {  	[tilespmem:$0x1628] =	vst v0  }
0x163: {  	[tilespmem:$0x1638] =	vst v0  }
0x164: {  	[tilespmem:$0x1648] =	vst v0  }
0x165: {  	[tilespmem:$0x1658] =	vst v0  }
0x166: {  	[tilespmem:$0x1668] =	vst v0  }
0x167: {  	[tilespmem:$0x1678] =	vst v0  }
0x168: {  	[tilespmem:$0x1688] =	vst v0  }
0x169: {  	[tilespmem:$0x1698] =	vst v0  }
0x16a: {  	[tilespmem:$0x16A8] =	vst v0  }
0x16b: {  	[tilespmem:$0x16B8] =	vst v0  }
0x16c: {  	[tilespmem:$0x16C8] =	vst v0  }
0x16d: {  	[tilespmem:$0x16D8] =	vst v0  }
0x16e: {  	[tilespmem:$0x16E8] =	vst v0  }
0x16f: {  	[tilespmem:$0x16F8] =	vst v0  }
0x170: {  	[tilespmem:$0x1708] =	vst v0  }
0x171: {  	[tilespmem:$0x1718] =	vst v0  }
0x172: {  	[tilespmem:$0x1728] =	vst v0  }
0x173: {  	[tilespmem:$0x1738] =	vst v0  }
0x174: {  	[tilespmem:$0x1748] =	vst v0  }
0x175: {  	[tilespmem:$0x1758] =	vst v0  }
0x176: {  	[tilespmem:$0x1768] =	vst v0  }
0x177: {  	[tilespmem:$0x1778] =	vst v0  }
0x178: {  	[tilespmem:$0x1788] =	vst v0  }
0x179: {  	[tilespmem:$0x1798] =	vst v0  }
0x17a: {  	[tilespmem:$0x17A8] =	vst v0  }
0x17b: {  	[tilespmem:$0x17B8] =	vst v0  }
0x17c: {  	[tilespmem:$0x17C8] =	vst v0  }
0x17d: {  	[tilespmem:$0x17D8] =	vst v0  }
0x17e: {  	[tilespmem:$0x17E8] =	vst v0  }
0x17f: {  	[tilespmem:$0x17F8] =	vst v0  }
0x180: {  	[tilespmem:$0x1808] =	vst v0  }
0x181: {  	[tilespmem:$0x1818] =	vst v0  }
0x182: {  	[tilespmem:$0x1828] =	vst v0  }
0x183: {  	[tilespmem:$0x1838] =	vst v0  }
0x184: {  	[tilespmem:$0x1848] =	vst v0  }
0x185: {  	[tilespmem:$0x1858] =	vst v0  }
0x186: {  	[tilespmem:$0x1868] =	vst v0  }
0x187: {  	[tilespmem:$0x1878] =	vst v0  }
0x188: {  	[tilespmem:$0x1888] =	vst v0  }
0x189: {  	[tilespmem:$0x1898] =	vst v0  }
0x18a: {  	[tilespmem:$0x18A8] =	vst v0  }
0x18b: {  	[tilespmem:$0x18B8] =	vst v0  }
0x18c: {  	[tilespmem:$0x18C8] =	vst v0  }
0x18d: {  	[tilespmem:$0x18D8] =	vst v0  }
0x18e: {  	[tilespmem:$0x18E8] =	vst v0  }
0x18f: {  	[tilespmem:$0x18F8] =	vst v0  }
0x190: {  	[tilespmem:$0x1908] =	vst v0  }
0x191: {  	[tilespmem:$0x1918] =	vst v0  }
0x192: {  	[tilespmem:$0x1928] =	vst v0  }
0x193: {  	[tilespmem:$0x1938] =	vst v0  }
0x194: {  	[tilespmem:$0x1948] =	vst v0  }
0x195: {  	[tilespmem:$0x1958] =	vst v0  }
0x196: {  	[tilespmem:$0x1968] =	vst v0  }
0x197: {  	[tilespmem:$0x1978] =	vst v0  }
0x198: {  	[tilespmem:$0x1988] =	vst v0  }
0x199: {  	[tilespmem:$0x1998] =	vst v0  }
0x19a: {  	[tilespmem:$0x19A8] =	vst v0  }
0x19b: {  	[tilespmem:$0x19B8] =	vst v0  }
0x19c: {  	[tilespmem:$0x19C8] =	vst v0  }
0x19d: {  	[tilespmem:$0x19D8] =	vst v0  }
0x19e: {  	[tilespmem:$0x19E8] =	vst v0  }
0x19f: {  	[tilespmem:$0x19F8] =	vst v0  }
0x1a0: {  	[tilespmem:$0x1A08] =	vst v0  }
0x1a1: {  	[tilespmem:$0x1A18] =	vst v0  }
0x1a2: {  	[tilespmem:$0x1A28] =	vst v0  }
0x1a3: {  	[tilespmem:$0x1A38] =	vst v0  }
0x1a4: {  	[tilespmem:$0x1A48] =	vst v0  }
0x1a5: {  	[tilespmem:$0x1A58] =	vst v0  }
0x1a6: {  	[tilespmem:$0x1A68] =	vst v0  }
0x1a7: {  	[tilespmem:$0x1A78] =	vst v0  }
0x1a8: {  	[tilespmem:$0x1A88] =	vst v0  }
0x1a9: {  	[tilespmem:$0x1A98] =	vst v0  }
0x1aa: {  	[tilespmem:$0x1AA8] =	vst v0  }
0x1ab: {  	[tilespmem:$0x1AB8] =	vst v0  }
0x1ac: {  	[tilespmem:$0x1AC8] =	vst v0  }
0x1ad: {  	[tilespmem:$0x1AD8] =	vst v0  }
0x1ae: {  	[tilespmem:$0x1AE8] =	vst v0  }
0x1af: {  	[tilespmem:$0x1AF8] =	vst v0  }
0x1b0: {  	[tilespmem:$0x1B08] =	vst v0  }
0x1b1: {  	[tilespmem:$0x1B18] =	vst v0  }
0x1b2: {  	[tilespmem:$0x1B28] =	vst v0  }
0x1b3: {  	[tilespmem:$0x1B38] =	vst v0  }
0x1b4: {  	[tilespmem:$0x1B48] =	vst v0  }
0x1b5: {  	[tilespmem:$0x1B58] =	vst v0  }
0x1b6: {  	[tilespmem:$0x1B68] =	vst v0  }
0x1b7: {  	[tilespmem:$0x1B78] =	vst v0  }
0x1b8: {  	[tilespmem:$0x1B88] =	vst v0  }
0x1b9: {  	[tilespmem:$0x1B98] =	vst v0  }
0x1ba: {  	[tilespmem:$0x1BA8] =	vst v0  }
0x1bb: {  	[tilespmem:$0x1BB8] =	vst v0  }
0x1bc: {  	[tilespmem:$0x1BC8] =	vst v0  }
0x1bd: {  	[tilespmem:$0x1BD8] =	vst v0  }
0x1be: {  	[tilespmem:$0x1BE8] =	vst v0  }
0x1bf: {  	[tilespmem:$0x1BF8] =	vst v0  }
0x1c0: {  	[tilespmem:$0x1C08] =	vst v0  }
0x1c1: {  	[tilespmem:$0x1C18] =	vst v0  }
0x1c2: {  	[tilespmem:$0x1C28] =	vst v0  }
0x1c3: {  	[tilespmem:$0x1C38] =	vst v0  }
0x1c4: {  	[tilespmem:$0x1C48] =	vst v0  }
0x1c5: {  	[tilespmem:$0x1C58] =	vst v0  }
0x1c6: {  	[tilespmem:$0x1C68] =	vst v0  }
0x1c7: {  	[tilespmem:$0x1C78] =	vst v0  }
0x1c8: {  	[tilespmem:$0x1C88] =	vst v0  }
0x1c9: {  	[tilespmem:$0x1C98] =	vst v0  }
0x1ca: {  	[tilespmem:$0x1CA8] =	vst v0  }
0x1cb: {  	[tilespmem:$0x1CB8] =	vst v0  }
0x1cc: {  	[tilespmem:$0x1CC8] =	vst v0  }
0x1cd: {  	[tilespmem:$0x1CD8] =	vst v0  }
0x1ce: {  	[tilespmem:$0x1CE8] =	vst v0  }
0x1cf: {  	[tilespmem:$0x1CF8] =	vst v0  }
0x1d0: {  	[tilespmem:$0x1D08] =	vst v0  }
0x1d1: {  	[tilespmem:$0x1D18] =	vst v0  }
0x1d2: {  	[tilespmem:$0x1D28] =	vst v0  }
0x1d3: {  	[tilespmem:$0x1D38] =	vst v0  }
0x1d4: {  	[tilespmem:$0x1D48] =	vst v0  }
0x1d5: {  	[tilespmem:$0x1D58] =	vst v0  }
0x1d6: {  	[tilespmem:$0x1D68] =	vst v0  }
0x1d7: {  	[tilespmem:$0x1D78] =	vst v0  }
0x1d8: {  	[tilespmem:$0x1D88] =	vst v0  }
0x1d9: {  	[tilespmem:$0x1D98] =	vst v0  }
0x1da: {  	[tilespmem:$0x1DA8] =	vst v0  }
0x1db: {  	[tilespmem:$0x1DB8] =	vst v0  }
0x1dc: {  	[tilespmem:$0x1DC8] =	vst v0  }
0x1dd: {  	[tilespmem:$0x1DD8] =	vst v0  }
0x1de: {  	[tilespmem:$0x1DE8] =	vst v0  }
0x1df: {  	[tilespmem:$0x1DF8] =	vst v0  }
0x1e0: {  	[tilespmem:$0x1E08] =	vst v0  }
0x1e1: {  	[tilespmem:$0x1E18] =	vst v0  }
0x1e2: {  	[tilespmem:$0x1E28] =	vst v0  }
0x1e3: {  	[tilespmem:$0x1E38] =	vst v0  }
0x1e4: {  	[tilespmem:$0x1E48] =	vst v0  }
0x1e5: {  	[tilespmem:$0x1E58] =	vst v0  }
0x1e6: {  	[tilespmem:$0x1E68] =	vst v0  }
0x1e7: {  	[tilespmem:$0x1E78] =	vst v0  }
0x1e8: {  	[tilespmem:$0x1E88] =	vst v0  }
0x1e9: {  	[tilespmem:$0x1E98] =	vst v0  }
0x1ea: {  	[tilespmem:$0x1EA8] =	vst v0  }
0x1eb: {  	[tilespmem:$0x1EB8] =	vst v0  }
0x1ec: {  	[tilespmem:$0x1EC8] =	vst v0  }
0x1ed: {  	[tilespmem:$0x1ED8] =	vst v0  }
0x1ee: {  	[tilespmem:$0x1EE8] =	vst v0  }
0x1ef: {  	[tilespmem:$0x1EF8] =	vst v0  }
0x1f0: {  	[tilespmem:$0x1F08] =	vst v0  }
0x1f1: {  	[tilespmem:$0x1F18] =	vst v0  }
0x1f2: {  	[tilespmem:$0x1F28] =	vst v0  }
0x1f3: {  	[tilespmem:$0x1F38] =	vst v0  }
0x1f4: {  	[tilespmem:$0x1F48] =	vst v0  }
0x1f5: {  	[tilespmem:$0x1F58] =	vst v0  }
0x1f6: {  	[tilespmem:$0x1F68] =	vst v0  }
0x1f7: {  	[tilespmem:$0x1F78] =	vst v0  }
0x1f8: {  	[tilespmem:$0x1F88] =	vst v0  }
0x1f9: {  	[tilespmem:$0x1F98] =	vst v0  }
0x1fa: {  	[tilespmem:$0x1FA8] =	vst v0  }
0x1fb: {  	[tilespmem:$0x1FB8] =	vst v0  }
0x1fc: {  	[tilespmem:$0x1FC8] =	vst v0  }
0x1fd: {  	[tilespmem:$0x1FD8] =	vst v0  }
0x1fe: {  	[tilespmem:$0x1FE8] =	vst v0  }
0x1ff: {  	[tilespmem:$0x1FF8] =	vst v0  }
0x200: {  	[tilespmem:$0x2008] =	vst v0  }
0x201: {  	[tilespmem:$0x2018] =	vst v0  }
0x202: {  	[tilespmem:$0x2028] =	vst v0  }
0x203: {  	[tilespmem:$0x2038] =	vst v0  }
0x204: {  	[tilespmem:$0x2048] =	vst v0  }
0x205: {  	[tilespmem:$0x2058] =	vst v0  }
0x206: {  	[tilespmem:$0x2068] =	vst v0  }
0x207: {  	[tilespmem:$0x2078] =	vst v0  }
0x208: {  	[tilespmem:$0x2088] =	vst v0  }
0x209: {  	[tilespmem:$0x2098] =	vst v0  }
0x20a: {  	[tilespmem:$0x20A8] =	vst v0  }
0x20b: {  	[tilespmem:$0x20B8] =	vst v0  }
0x20c: {  	[tilespmem:$0x20C8] =	vst v0  }
0x20d: {  	[tilespmem:$0x20D8] =	vst v0  }
0x20e: {  	[tilespmem:$0x20E8] =	vst v0  }
0x20f: {  	[tilespmem:$0x20F8] =	vst v0  }
0x210: {  	[tilespmem:$0x2108] =	vst v0  }
0x211: {  	[tilespmem:$0x2118] =	vst v0  }
0x212: {  	[tilespmem:$0x2128] =	vst v0  }
0x213: {  	[tilespmem:$0x2138] =	vst v0  }
0x214: {  	[tilespmem:$0x2148] =	vst v0  }
0x215: {  	[tilespmem:$0x2158] =	vst v0  }
0x216: {  	[tilespmem:$0x2168] =	vst v0  }
0x217: {  	[tilespmem:$0x2178] =	vst v0  }
0x218: {  	[tilespmem:$0x2188] =	vst v0  }
0x219: {  	[tilespmem:$0x2198] =	vst v0  }
0x21a: {  	[tilespmem:$0x21A8] =	vst v0  }
0x21b: {  	[tilespmem:$0x21B8] =	vst v0  }
0x21c: {  	[tilespmem:$0x21C8] =	vst v0  }
0x21d: {  	[tilespmem:$0x21D8] =	vst v0  }
0x21e: {  	[tilespmem:$0x21E8] =	vst v0  }
0x21f: {  	[tilespmem:$0x21F8] =	vst v0  }
0x220: {  	[tilespmem:$0x2208] =	vst v0  }
0x221: {  	[tilespmem:$0x2218] =	vst v0  }
0x222: {  	[tilespmem:$0x2228] =	vst v0  }
0x223: {  	[tilespmem:$0x2238] =	vst v0  }
0x224: {  	[tilespmem:$0x2248] =	vst v0  }
0x225: {  	[tilespmem:$0x2258] =	vst v0  }
0x226: {  	[tilespmem:$0x2268] =	vst v0  }
0x227: {  	[tilespmem:$0x2278] =	vst v0  }
0x228: {  	[tilespmem:$0x2288] =	vst v0  }
0x229: {  	[tilespmem:$0x2298] =	vst v0  }
0x22a: {  	[tilespmem:$0x22A8] =	vst v0  }
0x22b: {  	[tilespmem:$0x22B8] =	vst v0  }
0x22c: {  	[tilespmem:$0x22C8] =	vst v0  }
0x22d: {  	[tilespmem:$0x22D8] =	vst v0  }
0x22e: {  	[tilespmem:$0x22E8] =	vst v0  }
0x22f: {  	[tilespmem:$0x22F8] =	vst v0  }
0x230: {  	[tilespmem:$0x2308] =	vst v0  }
0x231: {  	[tilespmem:$0x2318] =	vst v0  }
0x232: {  	[tilespmem:$0x2328] =	vst v0  }
0x233: {  	[tilespmem:$0x2338] =	vst v0  }
0x234: {  	[tilespmem:$0x2348] =	vst v0  }
0x235: {  	[tilespmem:$0x2358] =	vst v0  }
0x236: {  	[tilespmem:$0x2368] =	vst v0  }
0x237: {  	[tilespmem:$0x2378] =	vst v0  }
0x238: {  	[tilespmem:$0x23A8] =	vst v0  }
0x239: {  	[tilespmem:$0x23B8] =	vst v0  }
0x23a: {  	[tilespmem:$0x23C8] =	vst v0  }
0x23b: {  	[tilespmem:$0x23D8] =	vst v0  }
0x23c: {  	[tilespmem:$0x23E8] =	vst v0  }
0x23d: {  	[tilespmem:$0x23F8] =	vst v0  }
0x23e: {  	[tilespmem:$0x2408] =	vst v0  }
0x23f: {  	[tilespmem:$0x2418] =	vst v0  }
0x240: {  	[tilespmem:$0x2428] =	vst v0  }
0x241: {  	[tilespmem:$0x2438] =	vst v0  }
0x242: {  	[tilespmem:$0x2448] =	vst v0  }
0x243: {  	[tilespmem:$0x2458] =	vst v0  }
0x244: {  	[tilespmem:$0x2468] =	vst v0  }
0x245: {  	[tilespmem:$0x2478] =	vst v0  }
0x246: {  	[tilespmem:$0x2488] =	vst v0  }
0x247: {  	[tilespmem:$0x2498] =	vst v0  }
0x248: {  	[tilespmem:$0x24A8] =	vst v0  }
0x249: {  	[tilespmem:$0x24B8] =	vst v0  }
0x24a: {  	[tilespmem:$0x24C8] =	vst v0  }
0x24b: {  	[tilespmem:$0x24D8] =	vst v0  }
0x24c: {  	[tilespmem:$0x24E8] =	vst v0  }
0x24d: {  	[tilespmem:$0x24F8] =	vst v0  }
0x24e: {  	[tilespmem:$0x2508] =	vst v0  }
0x24f: {  	[tilespmem:$0x2518] =	vst v0  }
0x250: {  	[tilespmem:$0x2528] =	vst v0  }
0x251: {  	[tilespmem:$0x2538] =	vst v0  }
0x252: {  	[tilespmem:$0x2548] =	vst v0  }
0x253: {  	[tilespmem:$0x2558] =	vst v0  }
0x254: {  	[tilespmem:$0x2568] =	vst v0  }
0x255: {  	[tilespmem:$0x2578] =	vst v0  }
0x256: {  	[tilespmem:$0x2588] =	vst v0  }
0x257: {  	[tilespmem:$0x2598] =	vst v0  }
0x258: {  	[tilespmem:$0x25A8] =	vst v0  }
0x259: {  	[tilespmem:$0x25B8] =	vst v0  }
0x25a: {  	[tilespmem:$0x25C8] =	vst v0  }
0x25b: {  	[tilespmem:$0x25D8] =	vst v0  }
0x25c: {  	[tilespmem:$0x25E8] =	vst v0  }
0x25d: {  	[tilespmem:$0x25F8] =	vst v0  }
0x25e: {  	[tilespmem:$0x2608] =	vst v0  }
0x25f: {  	[tilespmem:$0x2618] =	vst v0  }
0x260: {  	[tilespmem:$0x2628] =	vst v0  }
0x261: {  	[tilespmem:$0x2638] =	vst v0  }
0x262: {  	[tilespmem:$0x2648] =	vst v0  }
0x263: {  	[tilespmem:$0x2658] =	vst v0  }
0x264: {  	[tilespmem:$0x2668] =	vst v0  }
0x265: {  	[tilespmem:$0x2678] =	vst v0  }
0x266: {  	[tilespmem:$0x2688] =	vst v0  }
0x267: {  	[tilespmem:$0x2698] =	vst v0  }
0x268: {  	[tilespmem:$0x26A8] =	vst v0  }
0x269: {  	[tilespmem:$0x26B8] =	vst v0  }
0x26a: {  	[tilespmem:$0x26C8] =	vst v0  }
0x26b: {  	[tilespmem:$0x26D8] =	vst v0  }
0x26c: {  	[tilespmem:$0x26E8] =	vst v0  }
0x26d: {  	[tilespmem:$0x26F8] =	vst v0  }
0x26e: {  	[tilespmem:$0x2708] =	vst v0  }
0x26f: {  	[tilespmem:$0x2718] =	vst v0  }
0x270: {  	[tilespmem:$0x2728] =	vst v0  }
0x271: {  	[tilespmem:$0x2738] =	vst v0  }
0x272: {  	[tilespmem:$0x2748] =	vst v0  }
0x273: {  	[tilespmem:$0x2758] =	vst v0  }
0x274: {  	[tilespmem:$0x2768] =	vst v0  }
0x275: {  	[tilespmem:$0x2778] =	vst v0  }
0x276: {  	[tilespmem:$0x2788] =	vst v0  }
0x277: {  	[tilespmem:$0x2798] =	vst v0  }
0x278: {  	[tilespmem:$0x27A8] =	vst v0  }
0x279: {  	[tilespmem:$0x27B8] =	vst v0  }
0x27a: {  	[tilespmem:$0x27C8] =	vst v0  }
0x27b: {  	[tilespmem:$0x27D8] =	vst v0  }
0x27c: {  	[tilespmem:$0x27E8] =	vst v0  }
0x27d: {  	[tilespmem:$0x27F8] =	vst v0  }
0x27e: {  	[tilespmem:$0x2808] =	vst v0  }
0x27f: {  	[tilespmem:$0x2818] =	vst v0  }
0x280: {  	[tilespmem:$0x2828] =	vst v0  }
0x281: {  	[tilespmem:$0x2838] =	vst v0  }
0x282: {  	[tilespmem:$0x2848] =	vst v0  }
0x283: {  	[tilespmem:$0x2858] =	vst v0  }
0x284: {  	[tilespmem:$0x2868] =	vst v0  }
0x285: {  	[tilespmem:$0x2878] =	vst v0  }
0x286: {  	[tilespmem:$0x2888] =	vst v0  }
0x287: {  	[tilespmem:$0x2898] =	vst v0  }
0x288: {  	[tilespmem:$0x28A8] =	vst v0  }
0x289: {  	[tilespmem:$0x28B8] =	vst v0  }
0x28a: {  	[tilespmem:$0x28C8] =	vst v0  }
0x28b: {  	[tilespmem:$0x28D8] =	vst v0  }
0x28c: {  	[tilespmem:$0x28E8] =	vst v0  }
0x28d: {  	[tilespmem:$0x28F8] =	vst v0  }
0x28e: {  	[tilespmem:$0x2908] =	vst v0  }
0x28f: {  	[tilespmem:$0x2918] =	vst v0  }
0x290: {  	[tilespmem:$0x2928] =	vst v0  }
0x291: {  	[tilespmem:$0x2938] =	vst v0  }
0x292: {  	[tilespmem:$0x2948] =	vst v0  }
0x293: {  	[tilespmem:$0x2958] =	vst v0  }
0x294: {  	[tilespmem:$0x2968] =	vst v0  }
0x295: {  	[tilespmem:$0x2978] =	vst v0  }
0x296: {  	[tilespmem:$0x2988] =	vst v0  }
0x297: {  	[tilespmem:$0x2998] =	vst v0  }
0x298: {  	[tilespmem:$0x29A8] =	vst v0  }
0x299: {  	[tilespmem:$0x29B8] =	vst v0  }
0x29a: {  	[tilespmem:$0x29C8] =	vst v0  }
0x29b: {  	[tilespmem:$0x29D8] =	vst v0  }
0x29c: {  	[tilespmem:$0x29E8] =	vst v0  }
0x29d: {  	[tilespmem:$0x29F8] =	vst v0  }
0x29e: {  	[tilespmem:$0x2A08] =	vst v0  }
0x29f: {  	[tilespmem:$0x2A18] =	vst v0  }
0x2a0: {  	[tilespmem:$0x2A28] =	vst v0  }
0x2a1: {  	[tilespmem:$0x2A38] =	vst v0  }
0x2a2: {  	[tilespmem:$0x2A48] =	vst v0  }
0x2a3: {  	[tilespmem:$0x2A58] =	vst v0  }
0x2a4: {  	[tilespmem:$0x2A68] =	vst v0  }
0x2a5: {  	[tilespmem:$0x2A78] =	vst v0  }
0x2a6: {  	[tilespmem:$0x2A88] =	vst v0  }
0x2a7: {  	[tilespmem:$0x2A98] =	vst v0  }
0x2a8: {  	[tilespmem:$0x2AA8] =	vst v0  }
0x2a9: {  	[tilespmem:$0x2AB8] =	vst v0  }
0x2aa: {  	[tilespmem:$0x2AC8] =	vst v0  }
0x2ab: {  	[tilespmem:$0x2AD8] =	vst v0  }
0x2ac: {  	[tilespmem:$0x2AE8] =	vst v0  }
0x2ad: {  	[tilespmem:$0x2AF8] =	vst v0  }
0x2ae: {  	[tilespmem:$0x2B08] =	vst v0  }
0x2af: {  	[tilespmem:$0x2B18] =	vst v0  }
0x2b0: {  	[tilespmem:$0x2B28] =	vst v0  }
0x2b1: {  	[tilespmem:$0x2B38] =	vst v0  }
0x2b2: {  	[tilespmem:$0x2B48] =	vst v0  }
0x2b3: {  	[tilespmem:$0x2B58] =	vst v0  }
0x2b4: {  	[tilespmem:$0x2B68] =	vst v0  }
0x2b5: {  	[tilespmem:$0x2B78] =	vst v0  }
0x2b6: {  	[tilespmem:$0x2B88] =	vst v0  }
0x2b7: {  	[tilespmem:$0x2B98] =	vst v0  }
0x2b8: {  	[tilespmem:$0x2BA8] =	vst v0  }
0x2b9: {  	[tilespmem:$0x2BB8] =	vst v0  }
0x2ba: {  	[tilespmem:$0x2BC8] =	vst v0  }
0x2bb: {  	[tilespmem:$0x2BD8] =	vst v0  }
0x2bc: {  	[tilespmem:$0x2BE8] =	vst v0  }
0x2bd: {  	[tilespmem:$0x2BF8] =	vst v0  }
0x2be: {  	[tilespmem:$0x2C08] =	vst v0  }
0x2bf: {  	[tilespmem:$0x2C18] =	vst v0  }
0x2c0: {  	[tilespmem:$0x2C28] =	vst v0  }
0x2c1: {  	[tilespmem:$0x2C38] =	vst v0  }
0x2c2: {  	[tilespmem:$0x2C48] =	vst v0  }
0x2c3: {  	[tilespmem:$0x2C58] =	vst v0  }
0x2c4: {  	[tilespmem:$0x2C68] =	vst v0  }
0x2c5: {  	[tilespmem:$0x2C78] =	vst v0  }
0x2c6: {  	[tilespmem:$0x2C88] =	vst v0  }
0x2c7: {  	[tilespmem:$0x2C98] =	vst v0  }
0x2c8: {  	[tilespmem:$0x2CA8] =	vst v0  }
0x2c9: {  	[tilespmem:$0x2CB8] =	vst v0  }
0x2ca: {  	[tilespmem:$0x2CC8] =	vst v0  }
0x2cb: {  	[tilespmem:$0x2CD8] =	vst v0  }
0x2cc: {  	[tilespmem:$0x2CE8] =	vst v0  }
0x2cd: {  	[tilespmem:$0x2CF8] =	vst v0  }
0x2ce: {  	[tilespmem:$0x2D08] =	vst v0  }
0x2cf: {  	[tilespmem:$0x2D18] =	vst v0  }
0x2d0: {  	[tilespmem:$0x2D28] =	vst v0  }
0x2d1: {  	[tilespmem:$0x2D38] =	vst v0  }
0x2d2: {  	[tilespmem:$0x2D48] =	vst v0  }
0x2d3: {  	[tilespmem:$0x2D58] =	vst v0  }
0x2d4: {  	[tilespmem:$0x2D68] =	vst v0  }
0x2d5: {  	[tilespmem:$0x2D78] =	vst v0  }
0x2d6: {  	[tilespmem:$0x2D88] =	vst v0  }
0x2d7: {  	[tilespmem:$0x2D98] =	vst v0  }
0x2d8: {  	[tilespmem:$0x2DA8] =	vst v0  }
0x2d9: {  	[tilespmem:$0x2DB8] =	vst v0  }
0x2da: {  	[tilespmem:$0x2DC8] =	vst v0  }
0x2db: {  	[tilespmem:$0x2DD8] =	vst v0  }
0x2dc: {  	[tilespmem:$0x2DE8] =	vst v0  }
0x2dd: {  	[tilespmem:$0x2DF8] =	vst v0  }
0x2de: {  	[tilespmem:$0x2E08] =	vst v0  }
0x2df: {  	[tilespmem:$0x2E18] =	vst v0  }
0x2e0: {  	[tilespmem:$0x2E28] =	vst v0  }
0x2e1: {  	[tilespmem:$0x2E38] =	vst v0  }
0x2e2: {  	[tilespmem:$0x2E48] =	vst v0  }
0x2e3: {  	[tilespmem:$0x2E58] =	vst v0  }
0x2e4: {  	[tilespmem:$0x2E68] =	vst v0  }
0x2e5: {  	[tilespmem:$0x2E78] =	vst v0  }
0x2e6: {  	[tilespmem:$0x2E88] =	vst v0  }
0x2e7: {  	[tilespmem:$0x2E98] =	vst v0  }
0x2e8: {  	[tilespmem:$0x2EA8] =	vst v0  }
0x2e9: {  	[tilespmem:$0x2EB8] =	vst v0  }
0x2ea: {  	[tilespmem:$0x2EC8] =	vst v0  }
0x2eb: {  	[tilespmem:$0x2ED8] =	vst v0  }
0x2ec: {  	[tilespmem:$0x2EE8] =	vst v0  }
0x2ed: {  	[tilespmem:$0x2EF8] =	vst v0  }
0x2ee: {  	[tilespmem:$0x2F08] =	vst v0  }
0x2ef: {  	[tilespmem:$0x2F18] =	vst v0  }
0x2f0: {  	[tilespmem:$0x2F28] =	vst v0  }
0x2f1: {  	[tilespmem:$0x2F38] =	vst v0  }
0x2f2: {  	[tilespmem:$0x2F48] =	vst v0  }
0x2f3: {  	[tilespmem:$0x2F58] =	vst v0  }
0x2f4: {  	[tilespmem:$0x2F68] =	vst v0  }
0x2f5: {  	[tilespmem:$0x2F78] =	vst v0  }
0x2f6: {  	[tilespmem:$0x2F88] =	vst v0  }
0x2f7: {  	[tilespmem:$0x2F98] =	vst v0  }
0x2f8: {  	[tilespmem:$0x2FA8] =	vst v0  }
0x2f9: {  	[tilespmem:$0x2FB8] =	vst v0  }
0x2fa: {  	[tilespmem:$0x2FC8] =	vst v0  }
0x2fb: {  	[tilespmem:$0x2FD8] =	vst v0  }
0x2fc: {  	[tilespmem:$0x2FE8] =	vst v0  }
0x2fd: {  	[tilespmem:$0x2FF8] =	vst v0  }
0x2fe: {  	[tilespmem:$0x3008] =	vst v0  }
0x2ff: {  	[tilespmem:$0x3018] =	vst v0  }
0x300: {  	[tilespmem:$0x3028] =	vst v0  }
0x301: {  	[tilespmem:$0x3038] =	vst v0  }
0x302: {  	[tilespmem:$0x3048] =	vst v0  }
0x303: {  	[tilespmem:$0x3058] =	vst v0  }
0x304: {  	[tilespmem:$0x3068] =	vst v0  }
0x305: {  	[tilespmem:$0x3078] =	vst v0  }
0x306: {  	[tilespmem:$0x3088] =	vst v0  }
0x307: {  	[tilespmem:$0x3098] =	vst v0  }
0x308: {  	[tilespmem:$0x30A8] =	vst v0  }
0x309: {  	[tilespmem:$0x30B8] =	vst v0  }
0x30a: {  	[tilespmem:$0x30C8] =	vst v0  }
0x30b: {  	[tilespmem:$0x30D8] =	vst v0  }
0x30c: {  	[tilespmem:$0x30E8] =	vst v0  }
0x30d: {  	[tilespmem:$0x30F8] =	vst v0  }
0x30e: {  	[tilespmem:$0x3108] =	vst v0  }
0x30f: {  	[tilespmem:$0x3118] =	vst v0  }
0x310: {  	[tilespmem:$0x3128] =	vst v0  }
0x311: {  	[tilespmem:$0x3138] =	vst v0  }
0x312: {  	[tilespmem:$0x3148] =	vst v0  }
0x313: {  	[tilespmem:$0x3158] =	vst v0  }
0x314: {  	[tilespmem:$0x3168] =	vst v0  }
0x315: {  	[tilespmem:$0x3178] =	vst v0  }
0x316: {  	[tilespmem:$0x3188] =	vst v0  }
0x317: {  	[tilespmem:$0x3198] =	vst v0  }
0x318: {  	[tilespmem:$0x31A8] =	vst v0  }
0x319: {  	[tilespmem:$0x31B8] =	vst v0  }
0x31a: {  	[tilespmem:$0x31C8] =	vst v0  }
0x31b: {  	[tilespmem:$0x31D8] =	vst v0  }
0x31c: {  	[tilespmem:$0x31E8] =	vst v0  }
0x31d: {  	[tilespmem:$0x31F8] =	vst v0  }
0x31e: {  	[tilespmem:$0x3208] =	vst v0  }
0x31f: {  	[tilespmem:$0x3218] =	vst v0  }
0x320: {  	[tilespmem:$0x3228] =	vst v0  }
0x321: {  	[tilespmem:$0x3238] =	vst v0  }
0x322: {  	[tilespmem:$0x3248] =	vst v0  }
0x323: {  	[tilespmem:$0x3258] =	vst v0  }
0x324: {  	[tilespmem:$0x3268] =	vst v0  }
0x325: {  	[tilespmem:$0x3278] =	vst v0  }
0x326: {  	[tilespmem:$0x3288] =	vst v0  }
0x327: {  	[tilespmem:$0x3298] =	vst v0  }
0x328: {  	[tilespmem:$0x32A8] =	vst v0  }
0x329: {  	[tilespmem:$0x32B8] =	vst v0  }
0x32a: {  	[tilespmem:$0x32C8] =	vst v0  }
0x32b: {  	[tilespmem:$0x32D8] =	vst v0  }
0x32c: {  	[tilespmem:$0x32E8] =	vst v0  }
0x32d: {  	[tilespmem:$0x32F8] =	vst v0  }
0x32e: {  	[tilespmem:$0x3308] =	vst v0  }
0x32f: {  	[tilespmem:$0x3318] =	vst v0  }
0x330: {  	[tilespmem:$0x3328] =	vst v0  }
0x331: {  	[tilespmem:$0x3338] =	vst v0  }
0x332: {  	[tilespmem:$0x3348] =	vst v0  }
0x333: {  	[tilespmem:$0x3358] =	vst v0  }
0x334: {  	[tilespmem:$0x3368] =	vst v0  }
0x335: {  	[tilespmem:$0x3378] =	vst v0  }
0x336: {  	[tilespmem:$0x3388] =	vst v0  }
0x337: {  	[tilespmem:$0x3398] =	vst v0  }
0x338: {  	[tilespmem:$0x3448] =	vst v0  }
0x339: {  	[tilespmem:$0x4288] =	vst v0  }
0x33a: {  	[tilespmem:$0x4278] =	vst v0  }
0x33b: {  	[tilespmem:$0x4268] =	vst v0  }
0x33c: {  	[tilespmem:$0x4258] =	vst v0  }
0x33d: {  	[tilespmem:$0x4248] =	vst v0  }
0x33e: {  	[tilespmem:$0x4238] =	vst v0  }
0x33f: {  	[tilespmem:$0x4228] =	vst v0  }
0x340: {  	[tilespmem:$0x4218] =	vst v0  }
0x341: {  	[tilespmem:$0x4208] =	vst v0  }
0x342: {  	[tilespmem:$0x41F8] =	vst v0  }
0x343: {  	[tilespmem:$0x41E8] =	vst v0  }
0x344: {  	[tilespmem:$0x41D8] =	vst v0  }
0x345: {  	[tilespmem:$0x41C8] =	vst v0  }
0x346: {  	[tilespmem:$0x41B8] =	vst v0  }
0x347: {  	[tilespmem:$0x41A8] =	vst v0  }
0x348: {  	[tilespmem:$0x4198] =	vst v0  }
0x349: {  	[tilespmem:$0x4188] =	vst v0  }
0x34a: {  	[tilespmem:$0x4178] =	vst v0  }
0x34b: {  	[tilespmem:$0x4168] =	vst v0  }
0x34c: {  	[tilespmem:$0x4158] =	vst v0  }
0x34d: {  	[tilespmem:$0x4148] =	vst v0  }
0x34e: {  	[tilespmem:$0x4138] =	vst v0  }
0x34f: {  	[tilespmem:$0x4128] =	vst v0  }
0x350: {  	[tilespmem:$0x4118] =	vst v0  }
0x351: {  	[tilespmem:$0x4108] =	vst v0  }
0x352: {  	[tilespmem:$0x40F8] =	vst v0  }
0x353: {  	[tilespmem:$0x40E8] =	vst v0  }
0x354: {  	[tilespmem:$0x40D8] =	vst v0  }
0x355: {  	[tilespmem:$0x40C8] =	vst v0  }
0x356: {  	[tilespmem:$0x40B8] =	vst v0  }
0x357: {  	[tilespmem:$0x40A8] =	vst v0  }
0x358: {  	[tilespmem:$0x4098] =	vst v0  }
0x359: {  	[tilespmem:$0x4088] =	vst v0  }
0x35a: {  	[tilespmem:$0x4078] =	vst v0  }
0x35b: {  	[tilespmem:$0x4068] =	vst v0  }
0x35c: {  	[tilespmem:$0x4058] =	vst v0  }
0x35d: {  	[tilespmem:$0x4048] =	vst v0  }
0x35e: {  	[tilespmem:$0x4038] =	vst v0  }
0x35f: {  	[tilespmem:$0x4028] =	vst v0  }
0x360: {  	[tilespmem:$0x4018] =	vst v0  }
0x361: {  	[tilespmem:$0x4008] =	vst v0  }
0x362: {  	[tilespmem:$0x3FF8] =	vst v0  }
0x363: {  	[tilespmem:$0x3FE8] =	vst v0  }
0x364: {  	[tilespmem:$0x3FD8] =	vst v0  }
0x365: {  	[tilespmem:$0x3FC8] =	vst v0  }
0x366: {  	[tilespmem:$0x3FB8] =	vst v0  }
0x367: {  	[tilespmem:$0x3FA8] =	vst v0  }
0x368: {  	[tilespmem:$0x3F98] =	vst v0  }
0x369: {  	[tilespmem:$0x3F88] =	vst v0  }
0x36a: {  	[tilespmem:$0x3F78] =	vst v0  }
0x36b: {  	[tilespmem:$0x3F68] =	vst v0  }
0x36c: {  	[tilespmem:$0x3F58] =	vst v0  }
0x36d: {  	[tilespmem:$0x3F48] =	vst v0  }
0x36e: {  	[tilespmem:$0x3F38] =	vst v0  }
0x36f: {  	[tilespmem:$0x3F28] =	vst v0  }
0x370: {  	[tilespmem:$0x3F18] =	vst v0  }
0x371: {  	[tilespmem:$0x3F08] =	vst v0  }
0x372: {  	[tilespmem:$0x3EF8] =	vst v0  }
0x373: {  	[tilespmem:$0x3EE8] =	vst v0  }
0x374: {  	[tilespmem:$0x3ED8] =	vst v0  }
0x375: {  	[tilespmem:$0x3EC8] =	vst v0  }
0x376: {  	[tilespmem:$0x3EB8] =	vst v0  }
0x377: {  	[tilespmem:$0x3EA8] =	vst v0  }
0x378: {  	[tilespmem:$0x3E98] =	vst v0  }
0x379: {  	[tilespmem:$0x3E88] =	vst v0  }
0x37a: {  	[tilespmem:$0x3E78] =	vst v0  }
0x37b: {  	[tilespmem:$0x3E68] =	vst v0  }
0x37c: {  	[tilespmem:$0x3E58] =	vst v0  }
0x37d: {  	[tilespmem:$0x3E48] =	vst v0  }
0x37e: {  	[tilespmem:$0x3E38] =	vst v0  }
0x37f: {  	[tilespmem:$0x3E28] =	vst v0  }
0x380: {  	[tilespmem:$0x3E18] =	vst v0  }
0x381: {  	[tilespmem:$0x3E08] =	vst v0  }
0x382: {  	[tilespmem:$0x3DF8] =	vst v0  }
0x383: {  	[tilespmem:$0x3DE8] =	vst v0  }
0x384: {  	[tilespmem:$0x3DD8] =	vst v0  }
0x385: {  	[tilespmem:$0x3DC8] =	vst v0  }
0x386: {  	[tilespmem:$0x3DB8] =	vst v0  }
0x387: {  	[tilespmem:$0x3DA8] =	vst v0  }
0x388: {  	[tilespmem:$0x3D98] =	vst v0  }
0x389: {  	[tilespmem:$0x3D88] =	vst v0  }
0x38a: {  	[tilespmem:$0x3D78] =	vst v0  }
0x38b: {  	[tilespmem:$0x3D68] =	vst v0  }
0x38c: {  	[tilespmem:$0x3D58] =	vst v0  }
0x38d: {  	[tilespmem:$0x3D48] =	vst v0  }
0x38e: {  	[tilespmem:$0x3D38] =	vst v0  }
0x38f: {  	[tilespmem:$0x3D28] =	vst v0  }
0x390: {  	[tilespmem:$0x3D18] =	vst v0  }
0x391: {  	[tilespmem:$0x3D08] =	vst v0  }
0x392: {  	[tilespmem:$0x3CF8] =	vst v0  }
0x393: {  	[tilespmem:$0x3CE8] =	vst v0  }
0x394: {  	[tilespmem:$0x3CD8] =	vst v0  }
0x395: {  	[tilespmem:$0x3CC8] =	vst v0  }
0x396: {  	[tilespmem:$0x3CB8] =	vst v0  }
0x397: {  	[tilespmem:$0x3CA8] =	vst v0  }
0x398: {  	[tilespmem:$0x3C98] =	vst v0  }
0x399: {  	[tilespmem:$0x3C88] =	vst v0  }
0x39a: {  	[tilespmem:$0x3C78] =	vst v0  }
0x39b: {  	[tilespmem:$0x3C68] =	vst v0  }
0x39c: {  	[tilespmem:$0x3C58] =	vst v0  }
0x39d: {  	[tilespmem:$0x3C48] =	vst v0  }
0x39e: {  	[tilespmem:$0x3C38] =	vst v0  }
0x39f: {  	[tilespmem:$0x3C28] =	vst v0  }
0x3a0: {  	[tilespmem:$0x3C18] =	vst v0  }
0x3a1: {  	[tilespmem:$0x3C08] =	vst v0  }
0x3a2: {  	[tilespmem:$0x3BF8] =	vst v0  }
0x3a3: {  	[tilespmem:$0x3BE8] =	vst v0  }
0x3a4: {  	[tilespmem:$0x3BD8] =	vst v0  }
0x3a5: {  	[tilespmem:$0x3BC8] =	vst v0  }
0x3a6: {  	[tilespmem:$0x3BB8] =	vst v0  }
0x3a7: {  	[tilespmem:$0x3BA8] =	vst v0  }
0x3a8: {  	[tilespmem:$0x3B98] =	vst v0  }
0x3a9: {  	[tilespmem:$0x3B88] =	vst v0  }
0x3aa: {  	[tilespmem:$0x3B78] =	vst v0  }
0x3ab: {  	[tilespmem:$0x3B68] =	vst v0  }
0x3ac: {  	[tilespmem:$0x3B58] =	vst v0  }
0x3ad: {  	[tilespmem:$0x3B48] =	vst v0  }
0x3ae: {  	[tilespmem:$0x3B38] =	vst v0  }
0x3af: {  	[tilespmem:$0x3B28] =	vst v0  }
0x3b0: {  	[tilespmem:$0x3B18] =	vst v0  }
0x3b1: {  	[tilespmem:$0x3B08] =	vst v0  }
0x3b2: {  	[tilespmem:$0x3AF8] =	vst v0  }
0x3b3: {  	[tilespmem:$0x3AE8] =	vst v0  }
0x3b4: {  	[tilespmem:$0x3AD8] =	vst v0  }
0x3b5: {  	[tilespmem:$0x3AC8] =	vst v0  }
0x3b6: {  	[tilespmem:$0x3AB8] =	vst v0  }
0x3b7: {  	[tilespmem:$0x3AA8] =	vst v0  }
0x3b8: {  	[tilespmem:$0x3A98] =	vst v0  }
0x3b9: {  	[tilespmem:$0x3A88] =	vst v0  }
0x3ba: {  	[tilespmem:$0x3A78] =	vst v0  }
0x3bb: {  	[tilespmem:$0x3A68] =	vst v0  }
0x3bc: {  	[tilespmem:$0x3A58] =	vst v0  }
0x3bd: {  	[tilespmem:$0x3A48] =	vst v0  }
0x3be: {  	[tilespmem:$0x3A38] =	vst v0  }
0x3bf: {  	[tilespmem:$0x3A28] =	vst v0  }
0x3c0: {  	[tilespmem:$0x3A18] =	vst v0  }
0x3c1: {  	[tilespmem:$0x3A08] =	vst v0  }
0x3c2: {  	[tilespmem:$0x39F8] =	vst v0  }
0x3c3: {  	[tilespmem:$0x39E8] =	vst v0  }
0x3c4: {  	[tilespmem:$0x39D8] =	vst v0  }
0x3c5: {  	[tilespmem:$0x39C8] =	vst v0  }
0x3c6: {  	[tilespmem:$0x39B8] =	vst v0  }
0x3c7: {  	[tilespmem:$0x39A8] =	vst v0  }
0x3c8: {  	[tilespmem:$0x3998] =	vst v0  }
0x3c9: {  	[tilespmem:$0x3988] =	vst v0  }
0x3ca: {  	[tilespmem:$0x3978] =	vst v0  }
0x3cb: {  	[tilespmem:$0x3968] =	vst v0  }
0x3cc: {  	[tilespmem:$0x3958] =	vst v0  }
0x3cd: {  	[tilespmem:$0x3948] =	vst v0  }
0x3ce: {  	[tilespmem:$0x3938] =	vst v0  }
0x3cf: {  	[tilespmem:$0x3928] =	vst v0  }
0x3d0: {  	[tilespmem:$0x3918] =	vst v0  }
0x3d1: {  	[tilespmem:$0x3908] =	vst v0  }
0x3d2: {  	[tilespmem:$0x38F8] =	vst v0  }
0x3d3: {  	[tilespmem:$0x38E8] =	vst v0  }
0x3d4: {  	[tilespmem:$0x38D8] =	vst v0  }
0x3d5: {  	[tilespmem:$0x38C8] =	vst v0  }
0x3d6: {  	[tilespmem:$0x38B8] =	vst v0  }
0x3d7: {  	[tilespmem:$0x38A8] =	vst v0  }
0x3d8: {  	[tilespmem:$0x3898] =	vst v0  }
0x3d9: {  	[tilespmem:$0x3888] =	vst v0  }
0x3da: {  	[tilespmem:$0x3878] =	vst v0  }
0x3db: {  	[tilespmem:$0x3868] =	vst v0  }
0x3dc: {  	[tilespmem:$0x3858] =	vst v0  }
0x3dd: {  	[tilespmem:$0x3848] =	vst v0  }
0x3de: {  	[tilespmem:$0x3838] =	vst v0  }
0x3df: {  	[tilespmem:$0x3828] =	vst v0  }
0x3e0: {  	[tilespmem:$0x3818] =	vst v0  }
0x3e1: {  	[tilespmem:$0x3808] =	vst v0  }
0x3e2: {  	[tilespmem:$0x37F8] =	vst v0  }
0x3e3: {  	[tilespmem:$0x37E8] =	vst v0  }
0x3e4: {  	[tilespmem:$0x37D8] =	vst v0  }
0x3e5: {  	[tilespmem:$0x37C8] =	vst v0  }
0x3e6: {  	[tilespmem:$0x37B8] =	vst v0  }
0x3e7: {  	[tilespmem:$0x37A8] =	vst v0  }
0x3e8: {  	[tilespmem:$0x3798] =	vst v0  }
0x3e9: {  	[tilespmem:$0x3788] =	vst v0  }
0x3ea: {  	[tilespmem:$0x3778] =	vst v0  }
0x3eb: {  	[tilespmem:$0x3768] =	vst v0  }
0x3ec: {  	[tilespmem:$0x3758] =	vst v0  }
0x3ed: {  	[tilespmem:$0x3748] =	vst v0  }
0x3ee: {  	[tilespmem:$0x3738] =	vst v0  }
0x3ef: {  	[tilespmem:$0x3728] =	vst v0  }
0x3f0: {  	[tilespmem:$0x3718] =	vst v0  }
0x3f1: {  	[tilespmem:$0x3708] =	vst v0  }
0x3f2: {  	[tilespmem:$0x36F8] =	vst v0  }
0x3f3: {  	[tilespmem:$0x36E8] =	vst v0  }
0x3f4: {  	[tilespmem:$0x36D8] =	vst v0  }
0x3f5: {  	[tilespmem:$0x36C8] =	vst v0  }
0x3f6: {  	[tilespmem:$0x36B8] =	vst v0  }
0x3f7: {  	[tilespmem:$0x36A8] =	vst v0  }
0x3f8: {  	[tilespmem:$0x3698] =	vst v0  }
0x3f9: {  	[tilespmem:$0x3688] =	vst v0  }
0x3fa: {  	[tilespmem:$0x3678] =	vst v0  }
0x3fb: {  	[tilespmem:$0x3668] =	vst v0  }
0x3fc: {  	[tilespmem:$0x3658] =	vst v0  }
0x3fd: {  	[tilespmem:$0x3648] =	vst v0  }
0x3fe: {  	[tilespmem:$0x3638] =	vst v0  }
0x3ff: {  	[tilespmem:$0x3628] =	vst v0  }
0x400: {  	[tilespmem:$0x3618] =	vst v0  }
0x401: {  	[tilespmem:$0x3608] =	vst v0  }
0x402: {  	[tilespmem:$0x35F8] =	vst v0  }
0x403: {  	[tilespmem:$0x35E8] =	vst v0  }
0x404: {  	[tilespmem:$0x35D8] =	vst v0  }
0x405: {  	[tilespmem:$0x35C8] =	vst v0  }
0x406: {  	[tilespmem:$0x35B8] =	vst v0  }
0x407: {  	[tilespmem:$0x35A8] =	vst v0  }
0x408: {  	[tilespmem:$0x3598] =	vst v0  }
0x409: {  	[tilespmem:$0x3588] =	vst v0  }
0x40a: {  	[tilespmem:$0x3578] =	vst v0  }
0x40b: {  	[tilespmem:$0x3568] =	vst v0  }
0x40c: {  	[tilespmem:$0x3558] =	vst v0  }
0x40d: {  	[tilespmem:$0x3548] =	vst v0  }
0x40e: {  	[tilespmem:$0x3538] =	vst v0  }
0x40f: {  	[tilespmem:$0x3528] =	vst v0  }
0x410: {  	[tilespmem:$0x3518] =	vst v0  }
0x411: {  	[tilespmem:$0x3508] =	vst v0  }
0x412: {  	[tilespmem:$0x34F8] =	vst v0  }
0x413: {  	[tilespmem:$0x34E8] =	vst v0  }
0x414: {  	[tilespmem:$0x34D8] =	vst v0  }
0x415: {  	[tilespmem:$0x34C8] =	vst v0  }
0x416: {  	[tilespmem:$0x34B8] =	vst v0  }
0x417: {  	[tilespmem:$0x34A8] =	vst v0  }
0x418: {  	[tilespmem:$0x3498] =	vst v0  }
0x419: {  	[tilespmem:$0x3488] =	vst v0  }
0x41a: {  	s10 =	stileid.u32;
	[tilespmem:$0x3478] =	vst v0  }
0x41b: {  	s0 =	smul.u32 $0x238, s10;
	[tilespmem:$0x3468] =	vst v0  }
0x41c: {  	s1 =	smin.u32 s10, $0x3;
	[tilespmem:$0x3458] =	vst v0  }
0x41d: {  	[tilespmem:$0x3428] =	vst v0;
	s0 =	sor.u32 s1, s0  }
0x41e: {  	p0 =	slt.u32 s10, $0x3;
	[tilespmem:$0x3438] =	vst v0;
	s1 =	simm.s32 $0x30E60;
	s8 =	smul.u32 $0x160, s0  }
0x41f: {  	s1 =	simm.s32 @!p0 $0x30D00;
	[tilespmem:$0x3418] =	vst v0  }
0x420: {  	[tilespmem:$0x33B8] =	vst v0;
	s0 =	sadd.s32 s1, s8  }
0x421: {  	s6 =	simm.s32 $0x2;
	s29 =	simm.s32 $0x9;
	[tilespmem:$0x3408] =	vst v0;
	s9 =	smin.u32 s0, $0x30D400  }
0x422: {  	s30 =	simm.s32 $0xA;
	s12 =	simm.s32 $0xB;
	[tilespmem:$0x33F8] =	vst v0;
	s0 =	ssub.s32 s9, s8  }
0x423: {  	s18 =	simm.s32 $0x0;
	p1 =	por $0x0, $0x0;
	[tilespmem:$0x33E8] =	vst v0;
	p0 =	sgt.s32 s0, $0x0  }
0x424: {  	s19 =	simm.s32 $0xC;
	s23 =	simm.s32 $0x0;
	[tilespmem:$0x33D8] =	vst v0;
	s0 =	simm.s32 @!p0 $0x0  }
0x425: {  	s20 =	simm.s32 $0x0;
	s22 =	simm.s32 $0x0;
	[tilespmem:$0x33C8] =	vst v0;
	s28 =	smulhi.u32 $0x2E8BA2E9, s0  }
0x426: {  	s2 =	sand.u32 $0x1, s2;
	s31 =	smul.u32 $0x180, s10;
	[tilespmem:$0x33A8] =	vst v0;
	[sflag:s6] =	ssyncpa.u1 $0x0  }
0x427: {  	v0 =	vimm.s32 $0xFFFFFFFF;
	[dreg:$0x4] =	wrdreg s2;
	s2 =	smul.u32 $0x61A80, s2;
	s1 =	sshrl.u32 s28, $0x6  }
0x428: {  	s5 =	sadd.s32 $0x55C400, s4;
	[tilespmem:$0x84C8] =	vst v0;
	[sflag:s29] =	ssyncpa.u1 $0x0;
	s7 =	smul.u32 $0x160, s1  }
.Ltmp0:
0x429: {  	s16 =	sshrl.u32 s31, $0x2;
	s2 =	sadd.s32 s2, s4;
	(pc) =	sbr.rel .LBB2_1-.Ltmp0, $4  }
0x42a: {  	[sflag:s30] =	ssyncpa.u1 $0x0;
	p0 =	sne.s32 s0, s7;
	s0 =	simm.s32 $0x1  }
0x42b: {  	s4 =	sadd.s32 $0x13502C00, s4;
	[sflag:s12] =	ssyncpa.u1 $0x0;
	s0 =	simm.s32 @!p0 $0x0  }
0x42c: {  	s14 =	sadd.s32 $0x498E00, s2;
	s15 =	sadd.s32 $0x7A6400, s2;
	s13 =	sadd.s32 s0, s1  }
0x42d: {  	v0 =	vlaneseq.u32;
	s21 =	smov.u32 s8;
	p0 =	por $0x1, $0x1;
	s17 =	sadd.s32 $0x1, s13  }
.LBB2_22:
0x42e: {  	s0 =	sshrl.u32 s0, $0x2  }
.LBB2_24:
0x42f: {  	_ =	swait.ge [sflag:s19], s0  }
0x430: {  	s30 =	ssub.s32 $0x0, s0;
	v1 =	vmov s25;
	vm0 =	veq.s32 v0, $0x0;
	[sflag:s19] =	ssyncset.done $0x0  }
0x431: {  	vm15 =	veq.s32 v0, $0x2;
	v1 =	vsel vm0, s31, v1;
	[sflag:s19] =	ssyncadd.s32 s30  }
0x432: {  	v1 =	vsel vm15, s23, v1;
	[sflag:s19] =	ssyncpa.u1 $0x1  }
0x433: {  	[tilespmem:$0x84C8] =	vst v1  }
.LBB2_25:
0x434: {  	s0 =	sadd.s32 $0x160, s21  }
0x435: {  	s1 =	smov.u32 s8;
	p2 =	slt.s32 s0, s9  }
0x436: {  	s1 =	smov.u32 @p2 s0;
	p2 =	sne.s32 s22, s17  }
.Ltmp1:
0x437: {  	_ = 	snop;
	(pc) =	sbr.rel @!p2 .LBB2_26-.Ltmp1, $4  }
0x438: {  	_ = 	snop  }
0x439: {  	s23 =	smov.u32 s20  }
0x43a: {  	s31 =	sadd.s32 $0x1, s22;
	s20 =	smov.u32 s21;
	p0 =	por !p0, !p0  }
0x43b: {  	p1 =	por !p1, !p1;
	s22 =	smov.u32 s31;
	s21 =	smov.u32 s1  }
.LBB2_1:
0x43c: {  	p2 =	sge.u32 s22, s13  }
0x43d: {  	s0 =	smulhi.u32 @!p2 $0xAAAAAAAB, s22  }
0x43e: {  	s1 =	smov.u32 s21;
	p3 =	sgt.s32 @!p2 s21, $0x30D2A0  }
0x43f: {  	s2 =	sshra.s32 @!p2 s21, $0x1F;
	p3 =	por !p3, p2;
	s0 =	sshrl.u32 @!p2 s0, $0x1  }
0x440: {  	s2 =	sand.u32 @!p2 s2, s21;
	s1 =	simm.s32 @p3 $0x30D2A0;
	s0 =	smul.u32 @!p2 $0x3, s0  }
0x441: {  	s1 =	ssub.s32 @!p2 s1, s2  }
0x442: {  	s1 =	sadd.s32 @!p2 $0xFFCF2D60, s1;
	s0 =	ssub.s32 @!p2 s22, s0  }
0x443: {  	s2 =	sshll.u32 @!p2 s1, $0x2;
	p3 =	sgt.s32 @!p2 s1, $0x15F;
	s0 =	smul.u32 @!p2 $0x580, s0  }
0x444: {  	s6 =	sand.u32 @!p2 $0x7, s21;
	s1 =	ssub.s32 @!p2 $0x580, s2;
	p3 =	por !p3, p2  }
0x445: {  	s2 =	sshrl.u32 @!p2 s21, $0x3;
	s1 =	sshrl.u32 @!p2 s1, $0x2;
	s0 =	sshrl.u32 @!p2 s0, $0x2  }
0x446: {  	s2 =	sadd.s32 @!p2 s2, s14;
	s1 =	simm.s32 @!p3 $0x0;
	s0 =	sadd.s32 @!p2 $0x8B08, s0  }
0x447: {  	[tilespmem:s0], [sflag:$0xA] =	stream.linear.gather @!p2 [hbm4b:s2+s6], s1, $0x38;
	[tilespmem:$0x1F1E8] =	vst v63  }
0x448: {  	s1 =	sadd.s32 $0xFFFFFFFF, s22  }
0x449: {  	p2 =	sge.u32 s1, s13  }
0x44a: {  	p3 =	sgt.s32 @!p2 s20, $0x30D2A0  }
0x44b: {  	s0 =	smov.u32 s20;
	s2 =	sshra.s32 @!p2 s20, $0x1F;
	p3 =	por !p3, p2  }
0x44c: {  	s2 =	sand.u32 @!p2 s2, s20;
	s0 =	simm.s32 @p3 $0x30D2A0  }
0x44d: {  	s0 =	ssub.s32 @!p2 s0, s2  }
0x44e: {  	s0 =	sadd.s32 @!p2 $0xFFCF2D60, s0  }
0x44f: {  	s2 =	sshll.u32 @!p2 s0, $0x2  }
0x450: {  	p3 =	sgt.s32 @!p2 s0, $0x15F;
	s0 =	ssub.s32 @!p2 $0x580, s2  }
0x451: {  	p3 =	por !p3, p2;
	s0 =	sshrl.u32 @!p2 s0, $0x2  }
0x452: {  	s6 =	simm.s32 @!p2 $0xA;
	s2 =	sand.u32 @!p2 $0x1, s1;
	s0 =	simm.s32 @!p3 $0x0  }
0x453: {  	s2 =	smul.u32 @!p2 $0x580, s2;
	_ =	swait.ge @!p2 [sflag:s6], s0  }
0x454: {  	s7 =	ssub.s32 @!p2 $0x0, s0;
	[sflag:s6] =	ssyncset.done @!p2 $0x0  }
0x455: {  	s2 =	sshrl.u32 @!p2 s2, $0x2;
	[sflag:s6] =	ssyncadd.s32 @!p2 s7;
	s6 =	sshrl.u32 @!p2 s20, $0x3  }
0x456: {  	s2 =	sadd.s32 @!p2 $0x8F28, s2;
	s7 =	sand.u32 @!p2 $0x7, s20;
	s6 =	sadd.s32 @!p2 s6, s15  }
0x457: {  	[tilespmem:s2], [sflag:$0xB] =	stream.linear.gather @!p2 [hbm4b:s6+s7], s0, $0x38;
	[tilespmem:$0x1F1E8] =	vst v63  }
0x458: {  	s0 =	ssub.s32 @!p2 $0x30D400, s20  }
0x459: {  	p3 =	slt.s32 @!p2 s0, $0x1  }
0x45a: {  	p3 =	por p2, p3  }
.Ltmp2:
0x45b: {  	_ = 	snop;
	(pc) =	sbr.rel @p3 .LBB2_7-.Ltmp2, $1  }
0x45c: {  	_ =	sdelay $0x3  }
0x45d: {  	s2 =	smulhi.u32 $0xAAAAAAAB, s1;
	_ =	sdelay $0x1  }
0x45e: {  	s2 =	sshrl.u32 s2, $0x1  }
0x45f: {  	s2 =	smul.u32 $0x3, s2;
	_ =	sdelay $0x1  }
0x460: {  	s29 =	ssub.s32 s1, s2  }
0x461: {  	s6 =	simm.s32 $0x1;
	s1 =	smul.u32 $0x580, s29  }
.Ltmp3:
0x462: {  	s6 =	simm.s32 @!p0 $0x0;
	(pc) =	sbr.rel .LBB2_4-.Ltmp3, $4  }
0x463: {  	s30 =	smul.u32 $0x2C000, s6  }
0x464: {  	p3 =	slt.s32 @!p2 s0, $0x160;
	s1 =	sshrl.u32 s1, $0x2  }
0x465: {  	p2 =	por !p3, p2;
	s2 =	sshrl.u32 s30, $0x2;
	s31 =	sadd.s32 $0x8B08, s1  }
0x466: {  	s24 =	simm.s32 $0x0;
	s0 =	simm.s32 @p2 $0x160;
	s1 =	sadd.s32 $0x91E8, s2;
	v1 =	vmov s31  }
.LBB2_3:
0x467: {  	p2 =	sge.s32 s24, s0  }
.Ltmp4:
0x468: {  	_ = 	snop;
	(pc) =	sbr.rel @p2 .LBB2_7-.Ltmp4, $2  }
0x469: {  	_ =	sdelay $0x2  }
0x46a: {  	s1 =	sadd.s32 $0x800, s1  }
.LBB2_4:
0x46b: {  	p2 =	sle.s32 s0, s24  }
.Ltmp5:
0x46c: {  	_ = 	snop;
	(pc) =	sbr.rel @p2 .LBB2_3-.Ltmp5, $2  }
0x46d: {  	_ =	sdelay $0x2  }
0x46e: {  	s2 =	smov.u32 s24;
	s24 =	sadd.s32 $0x10, s24  }
0x46f: {  	s6 =	ssub.s32 s0, s2  }
0x470: {  	p2 =	slt.s32 s6, $0x10  }
0x471: {  	s6 =	simm.s32 @!p2 $0x10  }
0x472: {  	v2 =	vmov s6  }
0x473: {  	vm0 =	vgt.s32 v2, v0;
	_ =	sdelay $0x5  }
0x474: {  	v2 =	vld.idx.msk [tilespmem:v1+s2+$0x0 ss:$0x1], vm0;
	_ =	sdelay $0x2  }
0x475: {  	s7 =	smov.u32 s0;
	p2 =	slt.s32 s24, s0  }
0x476: {  	s25 =	simm.s32 $0x0;
	s7 =	smov.u32 @p2 s24;
	s6 =	smov.u32 s1  }
.LBB2_6:
0x477: {  	(v2sf) =	vpush v2, s25;
	_ =	sdelay $0xc  }
0x478: {  	s25 =	sadd.s32 $0x1, s25  }
0x479: {  	s31 =	sadd.s32 s25, s2  }
0x47a: {  	p2 =	slt.s32 s31, s7;
	s10 =	spop (v2sf)  }
.Ltmp6:
0x47b: {  	s10 =	sshll.u32 s10, $0x4;
	(pc) =	sbr.rel @p2 .LBB2_6-.Ltmp6, $4  }
0x47c: {  	s10 =	sand.u32 $0x1FFFFFF0, s10  }
0x47d: {  	s10 =	sadd.s32 s4, s10  }
0x47e: {  	[tilespmem:s6], [sflag:$0x9] =	stream.linear.gather [hbm4b:s10+s18], $0x21, $0x38;
	[tilespmem:$0x1F1E8] =	vst v63  }
0x47f: {  	s6 =	sadd.s32 $0x80, s6  }
.Ltmp7:
0x480: {  	_ = 	snop;
	(pc) =	sbr.rel .LBB2_3-.Ltmp7, $1  }
0x481: {  	_ =	sdelay $0x3  }
.LBB2_7:
0x482: {  	p2 =	slt.u32 s22, $0x2  }
.Ltmp8:
0x483: {  	_ = 	snop;
	(pc) =	sbr.rel @p2 .LBB2_25-.Ltmp8, $1  }
0x484: {  	_ =	sdelay $0x3  }
0x485: {  	s0 =	ssub.s32 $0x30D400, s23;
	p2 =	sgt.s32 s23, $0x30D2A0  }
0x486: {  	s1 =	smov.u32 s23;
	s2 =	sshra.s32 s23, $0x1F;
	p3 =	slt.s32 s0, $0x160  }
0x487: {  	s1 =	simm.s32 @!p2 $0x30D2A0;
	s2 =	sand.u32 s2, s23;
	s0 =	simm.s32 @!p3 $0x160  }
0x488: {  	s1 =	ssub.s32 s1, s2;
	s0 =	smul.u32 $0x84, s0  }
0x489: {  	s1 =	sadd.s32 $0xFFCF2D60, s1  }
0x48a: {  	s29 =	simm.s32 $0x9;
	s25 =	sshll.u32 s1, $0x2;
	s0 =	sshrl.u32 s0, $0x2  }
0x48b: {  	p2 =	sgt.s32 s1, $0x15F;
	s26 =	ssub.s32 $0x580, s25;
	_ =	swait.ge [sflag:s29], s0  }
0x48c: {  	s0 =	ssub.s32 $0x0, s0;
	s1 =	sshrl.u32 s26, $0x2;
	[sflag:s29] =	ssyncset.done $0x0  }
0x48d: {  	s1 =	simm.s32 @p2 $0x0;
	[sflag:s29] =	ssyncadd.s32 s0  }
0x48e: {  	_ =	swait.ge [sflag:s12], s1  }
0x48f: {  	s30 =	ssub.s32 $0x0, s1;
	[sflag:s12] =	ssyncset.done $0x0  }
0x490: {  	[sflag:s12] =	ssyncadd.s32 s30  }
0x491: {  	v1 =	vld [tilespmem:$0x84C8];
	_ =	sdelay $0x4  }
0x492: {  	(v2sf) =	vpush v1, $0x0  }
0x493: {  	(v2sf) =	vpush v1, $0x1  }
0x494: {  	(v2sf) =	vpush v1, $0x2;
	_ =	sdelay $0x3  }
0x495: {  	s0 =	sadd.s32 $0x160, s23  }
0x496: {  	p2 =	slt.s32 s9, s0;
	s1 =	ssub.s32 $0x61A800, s23  }
0x497: {  	s0 =	smov.u32 @p2 s9;
	p2 =	sgt.s32 s1, $0x0  }
0x498: {  	s0 =	ssub.s32 s0, s23;
	s1 =	simm.s32 @!p2 $0x0  }
0x499: {  	p2 =	slt.s32 s1, s0  }
0x49a: {  	s0 =	smov.u32 @p2 s1  }
0x49b: {  	s26 =	simm.s32 $0x1;
	p2 =	slt.s32 s0, $0x1  }
.Ltmp9:
0x49c: {  	s26 =	simm.s32 @!p1 $0x0;
	(pc) =	sbr.rel @p2 .LBB2_12-.Ltmp9, $4  }
0x49d: {  	s31 =	smul.u32 $0x580, s26  }
0x49e: {  	s28 =	spop (v2sf)  }
0x49f: {  	s2 =	sshrl.u32 s31, $0x2;
	s1 =	spop (v2sf)  }
0x4a0: {  	s24 =	sadd.s32 $0x8F28, s2;
	s23 =	spop (v2sf)  }
0x4a1: {  	s2 =	smin.u32 s0, $0x10  }
0x4a2: {  	v1 =	vmov s2  }
0x4a3: {  	p3 =	sgt.s32 s0, $0x10;
	vm1 =	vgt.u32 v1, v0  }
.Ltmp10:
0x4a4: {  	_ = 	snop;
	(pc) =	sbr.rel @!p3 .LBB2_11-.Ltmp10, $2  }
0x4a5: {  	_ =	sdelay $0x2  }
0x4a6: {  	s25 =	simm.s32 $0x10;
	s29 =	sadd.s32 $0xFFFFFFF0, s0;
	s2 =	smov.u32 s24;
	vm0 =	vmmov vm1  }
.LBB2_10:
0x4a7: {  	s6 =	smin.u32 s29, $0x10;
	s25 =	sadd.s32 $0x10, s25;
	v1 =	vld.msk [tilespmem:s2+$0x0 ss:$0x1], vm1  }
0x4a8: {  	v2 =	vmov s6;
	p3 =	slt.s32 s25, s0  }
0x4a9: {  	vm1 =	vgt.u32 v2, v0  }
.Ltmp11:
0x4aa: {  	(pc) =	sbr.rel @p3 .LBB2_10-.Ltmp11, $3  }
0x4ab: {  	_ =	sdelay $0x1  }
0x4ac: {  	v1 =	vshll.u32 v1, $0x4  }
0x4ad: {  	s29 =	sadd.s32 $0xFFFFFFF0, s29;
	[tilespmem:s2+$0x0] =	vst.msk vm0, v1;
	s2 =	sadd.s32 $0x10, s2;
	vm0 =	vmmov vm1  }
.LBB2_11:
0x4ae: {  	_ =	sdelay $0x4  }
0x4af: {  	v1 =	vld.msk [tilespmem:s2+$0x0 ss:$0x1], vm1;
	_ =	sdelay $0x4  }
0x4b0: {  	v1 =	vshll.u32 v1, $0x4  }
0x4b1: {  	[tilespmem:s2+$0x0] =	vst.msk vm0, v1  }
.LBB2_12:
0x4b2: {  	s2 =	sand.u32 $0x1, s22  }
0x4b3: {  	s2 =	smul.u32 $0x160, s2  }
0x4b4: {  	p3 =	sne.s32 s1, $0xFFFFFFFF  }
0x4b5: {  	v1 =	vld.msk @!p3 [tilespmem:s2+$0x8F28], $0x1;
	_ =	sdelay $0x4  }
0x4b6: {  	(v2sf) =	vpush @!p3 v1, $0x0;
	_ =	sdelay $0xc  }
.Ltmp12:
0x4b7: {  	_ = 	snop;
	(pc) =	sbr.rel @p2 .LBB2_23-.Ltmp12, $4  }
0x4b8: {  	_ = 	snop  }
0x4b9: {  	s30 =	spop @!p3 (v2sf)  }
0x4ba: {  	s23 =	simm.s32 @!p3 $0x0;
	s25 =	smov.u32 s30  }
0x4bb: {  	[sflag:s19] =	ssyncpa.u1 $0x0;
	s30 =	smov.u32 @p3 s28;
	s25 =	smov.u32 @p3 s1  }
0x4bc: {  	v1 =	vld.msk [tilespmem:s24+$0x0], $0x1;
	_ =	sdelay $0x4  }
0x4bd: {  	(v2sf) =	vpush v1, $0x0;
	_ =	sdelay $0xd  }
0x4be: {  	s2 =	smul.u32 $0x2C000, s26  }
0x4bf: {  	s26 =	ssub.s32 $0x0, s0;
	s28 =	simm.s32 $0x0;
	s1 =	spop (v2sf)  }
0x4c0: {  	s7 =	smov.u32 s30;
	s0 =	sadd.s32 $0x1, s26;
	p2 =	seq.s32 s30, s1  }
0x4c1: {  	p4 =	seq.s32 s0, $0x0;
	p3 =	sgt.s32 @!p2 s30, $0x0;
	s6 =	smul.u32 @!p2 $0xC0, s28  }
.Ltmp13:
0x4c2: {  	s2 =	sshrl.u32 s2, $0x2;
	p3 =	por !p3, p2;
	(pc) =	sbr.rel @p4 .LBB2_15-.Ltmp13, $4  }
0x4c3: {  	s29 =	sadd.s32 $0x91F8, s2;
	s7 =	simm.s32 @p3 $0x0  }
0x4c4: {  	s2 =	simm.s32 @!p2 $0x1;
	s6 =	sshra.s32 @!p2 s6, $0x2;
	s10 =	smin.u32 @!p2 s7, $0x1869FB  }
0x4c5: {  	s2 =	smov.u32 @p2 s28;
	s7 =	sadd.s32 @!p2 $0x4298, s6;
	s31 =	sand.u32 @!p2 $0x1FFFF8, s10  }
0x4c6: {  	s6 =	sand.u32 @!p2 $0x7, s10;
	s10 =	sadd.s32 @!p2 s5, s31;
	s31 =	sadd.s32 $0x1, s24  }
.LBB2_14:
0x4c7: {  	s11 =	smov.u32 s2  }
0x4c8: {  	[tilespmem:s7], [sflag:$0x2] =	stream.linear.gather @!p2 [hbm4b:s10+s6], $0x21, $0x38;
	[tilespmem:$0x1F1E8] =	vst v63  }
0x4c9: {  	s0 =	sadd.s32 $0x1, s0;
	s6 =	smov.u32 s1;
	v1 =	vld.msk [tilespmem:s31+$0x0], $0x1  }
0x4ca: {  	p3 =	seq.s32 s0, $0x0;
	_ =	sdelay $0x3  }
0x4cb: {  	(v2sf) =	vpush v1, $0x0;
	_ =	sdelay $0xe  }
0x4cc: {  	s1 =	spop (v2sf)  }
0x4cd: {  	p2 =	seq.s32 s6, s1  }
0x4ce: {  	p4 =	sgt.s32 @!p2 s6, $0x0;
	s7 =	smul.u32 @!p2 $0xC0, s2;
	s2 =	sadd.s32 @!p2 $0x1, s2  }
.Ltmp14:
0x4cf: {  	p4 =	por !p4, p2;
	s2 =	smov.u32 @p2 s11;
	(pc) =	sbr.rel @!p3 .LBB2_14-.Ltmp14, $4  }
0x4d0: {  	s6 =	simm.s32 @p4 $0x0;
	s7 =	sshra.s32 @!p2 s7, $0x2  }
0x4d1: {  	s6 =	smin.u32 @!p2 s6, $0x1869FB;
	s7 =	sadd.s32 @!p2 $0x4298, s7  }
0x4d2: {  	s10 =	sand.u32 @!p2 $0x1FFFF8, s6;
	s6 =	sand.u32 @!p2 $0x7, s6  }
0x4d3: {  	s31 =	sadd.s32 $0x1, s31;
	s10 =	sadd.s32 @!p2 s5, s10  }
.LBB2_15:
0x4d4: {  	s0 =	smul.u32 $0x84, s2  }
0x4d5: {  	[tilespmem:s7], [sflag:$0x2] =	stream.linear.gather @!p2 [hbm4b:s10+s6], $0x21, $0x38;
	[tilespmem:$0x1F1E8] =	vst v63  }
.Ltmp15:
0x4d6: {  	_ = 	snop;
	(pc) =	sbr.rel .LBB2_16-.Ltmp15, $4  }
0x4d7: {  	s1 =	simm.s32 $0x2;
	s0 =	sshrl.u32 s0, $0x2  }
0x4d8: {  	_ =	swait.ge [sflag:s1], s0  }
0x4d9: {  	s0 =	ssub.s32 $0x0, s0;
	[sflag:s1] =	ssyncset.done $0x0  }
0x4da: {  	[sflag:s1] =	ssyncadd.s32 s0;
	s0 =	simm.s32 $0x0  }
.LBB2_17:
0x4db: {  	v1 =	vld [tilespmem:s29+$0xFFFFFFF0];
	_ =	sdelay $0x4  }
0x4dc: {  	[tilespmem:s1+$0x68] =	vst.add.f32.msk $0xffff, v1  }
0x4dd: {  	v1 =	vld [tilespmem:s29+$0x0];
	_ =	sdelay $0x4  }
0x4de: {  	[tilespmem:s1+$0x78] =	vst.add.f32.msk $0xffff, v1  }
0x4df: {  	v1 =	vld.msk [tilespmem:s29+$0x10], $0x1;
	_ =	sdelay $0x4  }
0x4e0: {  	[tilespmem:s1+$0x88] =	vst.add.f32.msk $0x1, v1  }
.LBB2_21:
0x4e1: {  	s26 =	sadd.s32 $0x1, s26  }
0x4e2: {  	p2 =	seq.s32 s26, $0x0  }
.Ltmp16:
0x4e3: {  	_ = 	snop;
	(pc) =	sbr.rel @p2 .LBB2_22-.Ltmp16, $2  }
0x4e4: {  	_ =	sdelay $0x2  }
0x4e5: {  	s29 =	sadd.s32 $0x80, s29;
	s24 =	sadd.s32 $0x1, s24;
	s30 =	smov.u32 s31  }
.LBB2_16:
0x4e6: {  	v1 =	vld.msk [tilespmem:s24+$0x0], $0x1;
	_ =	sdelay $0x4  }
0x4e7: {  	(v2sf) =	vpush v1, $0x0;
	_ =	sdelay $0xe  }
0x4e8: {  	s31 =	spop (v2sf)  }
0x4e9: {  	p2 =	sne.s32 s30, s31  }
.Ltmp17:
0x4ea: {  	_ = 	snop;
	(pc) =	sbr.rel @!p2 .LBB2_17-.Ltmp17, $3  }
0x4eb: {  	_ = 	snop  }
0x4ec: {  	s1 =	smul.u32 $0xC0, s23;
	_ =	sdelay $0x1  }
0x4ed: {  	s1 =	sshra.s32 s1, $0x2  }
0x4ee: {  	p2 =	seq.s32 s30, s25  }
.Ltmp18:
0x4ef: {  	_ = 	snop;
	(pc) =	sbr.rel @!p2 .LBB2_19-.Ltmp18, $1  }
0x4f0: {  	_ =	sdelay $0x3  }
.Ltmp19:
0x4f1: {  	s1 =	sadd.s32 $0x68, s1;
	(pc) =	sbr.rel .LBB2_20-.Ltmp19, $4  }
0x4f2: {  	[spmem:s16] =	stream.linear.scatter [tilespmem:s1], [sflag:$0x1], $0x21, $0x38;
	[tilespmem:$0x1F1E8] =	vst v63  }
0x4f3: {  	_ =	swait.ge [sflag:s3], $0x21  }
0x4f4: {  	[sflag:s3] =	ssyncset.done $0x0  }
0x4f5: {  	[sflag:s3] =	ssyncadd.s32 $0xFFFFFFDF  }
.LBB2_19:
0x4f6: {  	s2 =	smul.u32 $0xC0, s28;
	_ =	sdelay $0x1  }
0x4f7: {  	s2 =	sshra.s32 s2, $0x2  }
0x4f8: {  	v1 =	vld [tilespmem:s2+$0x4298];
	_ =	sdelay $0x4  }
0x4f9: {  	[tilespmem:s1+$0x68] =	vst.add.f32.msk $0xffff, v1  }
0x4fa: {  	v1 =	vld [tilespmem:s2+$0x42A8];
	_ =	sdelay $0x4  }
0x4fb: {  	[tilespmem:s1+$0x78] =	vst.add.f32.msk $0xffff, v1  }
0x4fc: {  	v1 =	vld.msk [tilespmem:s2+$0x42B8], $0x1;
	_ =	sdelay $0x2  }
0x4fd: {  	p2 =	sgt.u32 s30, $0x1869FB  }
0x4fe: {  	s2 =	sand.u32 @!p2 $0x1FFFF8, s30  }
0x4ff: {  	s6 =	sadd.s32 $0x68, s1;
	[tilespmem:s1+$0x88] =	vst.add.f32.msk $0x1, v1;
	s1 =	sadd.s32 @!p2 s5, s2;
	s2 =	sand.u32 @!p2 $0x7, s30  }
0x500: {  	[hbm4b:s1+s2] =	stream.linear.scatter @!p2 [tilespmem:s6], [sflag:$0xC], $0x21, $0x38;
	[tilespmem:$0x1F1E8] =	vst v63  }
0x501: {  	s1 =	simm.s32 $0x0  }
0x502: {  	s1 =	simm.s32 @!p2 $0x84  }
0x503: {  	s0 =	sadd.s32 s1, s0  }
.LBB2_20:
0x504: {  	s1 =	sadd.s32 $0x1, s23  }
0x505: {  	s2 =	smulhi.u32 $0xBA2E8BA3, s1;
	_ =	sdelay $0x1  }
0x506: {  	s2 =	sshrl.u32 s2, $0x8  }
0x507: {  	s2 =	smul.u32 $0x160, s2  }
0x508: {  	v1 =	vld [tilespmem:s29+$0xFFFFFFF0]  }
0x509: {  	s23 =	ssub.s32 s1, s2  }
0x50a: {  	s1 =	smul.u32 $0xC0, s23;
	_ =	sdelay $0x1  }
0x50b: {  	s1 =	sshrl.u32 s1, $0x2  }
0x50c: {  	[tilespmem:s1+$0x68] =	vst v1  }
0x50d: {  	v1 =	vld [tilespmem:s29+$0x0];
	_ =	sdelay $0x4  }
0x50e: {  	[tilespmem:s1+$0x78] =	vst v1  }
0x50f: {  	v1 =	vld.msk [tilespmem:s29+$0x10], $0x1  }
.Ltmp20:
0x510: {  	_ = 	snop;
	(pc) =	sbr.rel .LBB2_21-.Ltmp20, $2  }
0x511: {  	_ =	sdelay $0x2  }
0x512: {  	s28 =	sadd.s32 $0x1, s28;
	[tilespmem:s1+$0x88] =	vst.msk $0x1, v1  }
.LBB2_23:
.Ltmp21:
0x513: {  	(pc) =	sbr.rel .LBB2_24-.Ltmp21, $4  }
0x514: {  	_ = 	snop  }
0x515: {  	s0 =	simm.s32 $0x2  }
0x516: {  	_ =	swait.ge [sflag:s0], $0x0  }
0x517: {  	s31 =	smov.u32 s30;
	[sflag:s0] =	ssyncset.done $0x0;
	s0 =	simm.s32 $0x0  }
.LBB2_26:
0x518: {  	_ =	sfence.sel $0x180000  }
0x519: {  	s0 =	simm.s32 $0x9;
	[bflag:$0x0] =	sbarrier.arrive $0xFFFF  }
0x51a: {  	s24 =	simm.s32 $0xA;
	[sflag:s0] =	ssyncpa.u1 $0x1  }
0x51b: {  	s25 =	simm.s32 $0xB;
	[sflag:s24] =	ssyncpa.u1 $0x1  }
0x51c: {  	s26 =	simm.s32 $0x2;
	[sflag:s25] =	ssyncpa.u1 $0x1  }
0x51d: {  	[sflag:s26] =	ssyncpa.u1 $0x1  }
0x51e: {  	v0 =	vld [tilespmem:$0x84C8];
	_ =	sdelay $0x4  }
0x51f: {  	(v2sf) =	vpush v0, $0x0  }
0x520: {  	(v2sf) =	vpush v0, $0x1  }
0x521: {  	(v2sf) =	vpush v0, $0x2;
	_ =	sdelay $0xc  }
0x522: {  	s0 =	spop (v2sf)  }
0x523: {  	s1 =	spop (v2sf)  }
0x524: {  	s2 =	smov.u32 s0;
	p0 =	sne.s32 s0, s1;
	s3 =	spop (v2sf)  }
0x525: {  	s2 =	simm.s32 @!p0 $0xFFFFFFFF;
	p0 =	seq.s32 s3, $0xFFFFFFFF  }
0x526: {  	v2 =	vimm.s32 $0x1;
	v3 =	vlaneseq.u32;
	v1 =	vmov s2;
	p1 =	sne.s32 @!p0 s0, s1  }
0x527: {  	s14 =	stileid.u32;
	v0 =	vperm.xlane v0, v2;
	s0 =	simm.s32 @!p0 $0x1;
	v1 =	vperm.xlane v1, v3;
	p1 =	por !p1, p0  }
0x528: {  	vm0 =	vcmask $0x3F04;
	s2 =	sshll.u32 s14, $0x1;
	s1 =	smul.u32 @!p0 $0xC0, s3;
	s0 =	simm.s32 @p1 $0x0  }
0x529: {  	s6 =	simm.s32 $0x84C8;
	v0 =	vsel vm0, v1, v0;
	s0 =	sor.u32 @!p0 s0, s2  }
0x52a: {  	s4 =	sor.u32 $0x600, s2;
	s1 =	sshra.s32 @!p0 s1, $0x2;
	[tilespmem:$0x84C8] =	vst v0;
	s0 =	smul.u32 @!p0 $0xC0, s0  }
0x52b: {  	[spmem:s4] =	stream.linear.scatter [tilespmem:s6], [sflag:$0x1], $0x2, $0x38;
	[tilespmem:$0x1F1E8] =	vst v63  }
0x52c: {  	s1 =	sadd.s32 @!p0 $0x68, s1;
	s0 =	sshrl.u32 @!p0 s0, $0x2  }
0x52d: {  	[spmem:s0] =	stream.linear.scatter @!p0 [tilespmem:s1], [sflag:$0x1], $0x30, $0x38;
	[tilespmem:$0x1F1E8] =	vst v63  }
0x52e: {  	s0 =	simm.s32 @!p0 $0x32  }
0x52f: {  	s28 =	simm.s32 $0x1;
	s0 =	simm.s32 @p0 $0x2  }
0x530: {  	_ =	swait.ge [sflag:s28], s0  }
0x531: {  	s0 =	ssub.s32 $0x0, s0;
	[sflag:s28] =	ssyncset.done $0x0  }
0x532: {  	p0 =	sne.s32 s14, $0x0;
	[sflag:s28] =	ssyncadd.s32 s0  }
.Ltmp22:
0x533: {  	_ =	sfence.stream.spmem;
	(pc) =	sbr.rel @p0 .LBB2_43-.Ltmp22, $4  }
0x534: {  	s29 =	simm.s32 $0x3;
	[bflag:$0x0] =	sbarrier.arrive $0xFFFF  }
0x535: {  	s30 =	simm.s32 $0x4;
	[sflag:s29] =	ssyncpa.u1 $0x1  }
0x536: {  	s31 =	simm.s32 $0x3C;
	[sflag:s30] =	ssyncpa.u1 $0x1  }
0x537: {  	s15 =	rddreg [dreg:$0x4];
	[sflag:s31] =	ssyncpa.u1 $0x1  }
0x538: {  	_ =	sfence.stream.spmem;
	s0 =	simm.s32 $0x5  }
0x539: {  	s1 =	simm.s32 $0x600;
	s2 =	simm.s32 $0x84D8;
	[sflag:s0] =	ssyncpa.u1 $0x0  }
0x53a: {  	[tilespmem:s2], [sflag:$0x5] =	stream.linear.gather [spmem:s1], $0x20, $0x38;
	[tilespmem:$0x1F1E8] =	vst v63  }
0x53b: {  	s26 =	simm.s32 $0x0;
	s28 =	simm.s32 $0x84F8  }
0x53c: {  	[tilespmem:s28], [sflag:$0x5] =	stream.linear.gather [spmem:s26], $0x600, $0x38;
	[tilespmem:$0x1F1E8] =	vst v63  }
0x53d: {  	_ =	swait.ge [sflag:s0], $0x620  }
0x53e: {  	[sflag:s0] =	ssyncset.done $0x0  }
0x53f: {  	s29 =	simm.s32 $0x0;
	[sflag:s0] =	ssyncadd.s32 $0xFFFFF9E0  }
0x540: {  	v0 =	vld.msk [tilespmem:s29+$0x84D8], $0x1;
	_ =	sdelay $0x1  }
0x541: {  	s30 =	simm.s32 $0x1  }
0x542: {  	v1 =	vld.msk [tilespmem:s30+$0x84D8], $0x1;
	_ =	sdelay $0x1  }
0x543: {  	(v2sf) =	vpush v0, $0x0;
	_ =	sdelay $0x2  }
0x544: {  	(v2sf) =	vpush v1, $0x0;
	_ =	sdelay $0x2  }
0x545: {  	s31 =	simm.s32 $0x2  }
0x546: {  	v0 =	vld.msk [tilespmem:s31+$0x84D8], $0x1;
	_ =	sdelay $0x2  }
0x547: {  	s1 =	simm.s32 $0xFFFFFFFF;
	s2 =	simm.s32 $0xFFFFFFFF;
	s0 =	simm.s32 $0xC  }
.LBB2_28:
0x548: {  	s3 =	smov.u32 s2;
	s4 =	smov.u32 s1  }
0x549: {  	s1 =	sshra.s32 s0, $0x2;
	p1 =	sne.s32 s0, $0x7C;
	s0 =	sadd.s32 $0x4, s0;
	(v2sf) =	vpush v0, $0x0  }
0x54a: {  	v0 =	vld.msk [tilespmem:s1+$0x84D8], $0x1  }
.Ltmp23:
0x54b: {  	(pc) =	sbr.rel @p1 .LBB2_28-.Ltmp23, $4  }
0x54c: {  	s2 =	spop (v2sf)  }
0x54d: {  	p2 =	sne.s32 s4, $0xFFFFFFFF;
	s1 =	smov.u32 s2  }
0x54e: {  	p3 =	seq.s32 s2, $0xFFFFFFFF;
	s1 =	smov.u32 @p2 s4  }
0x54f: {  	s2 =	smov.u32 @p3 s3;
	s1 =	smov.u32 @p3 s4  }
0x550: {  	(v2sf) =	vpush v0, $0x0;
	_ =	sdelay $0x8  }
0x551: {  	s0 =	spop (v2sf)  }
0x552: {  	p1 =	sne.s32 s1, $0xFFFFFFFF;
	s3 =	smov.u32 s0  }
0x553: {  	s9 =	simm.s32 $0x6;
	p2 =	seq.s32 s0, $0xFFFFFFFF;
	s3 =	smov.u32 @p1 s1  }
0x554: {  	s10 =	simm.s32 $0x8498;
	s3 =	smov.u32 @p2 s1;
	s1 =	spop (v2sf)  }
0x555: {  	s0 =	smov.u32 @p2 s2;
	p1 =	sne.s32 s3, $0xFFFFFFFF;
	s6 =	smov.u32 s1  }
.Ltmp24:
0x556: {  	p2 =	seq.s32 s1, $0xFFFFFFFF;
	s6 =	smov.u32 @p1 s3;
	(pc) =	sbr.rel .LBB2_30-.Ltmp24, $4  }
0x557: {  	s11 =	simm.s32 $0x0;
	s6 =	smov.u32 @p2 s3;
	s4 =	spop (v2sf)  }
0x558: {  	[sflag:s9] =	ssyncpa.u1 $0x0;
	p1 =	sne.s32 s6, $0xFFFFFFFF;
	s8 =	smov.u32 s4  }
0x559: {  	s1 =	smov.u32 @p2 s0;
	p2 =	seq.s32 s4, $0xFFFFFFFF;
	s8 =	smov.u32 @p1 s6  }
0x55a: {  	s3 =	simm.s32 $0x0;
	s4 =	smov.u32 @p2 s1;
	s8 =	smov.u32 @p2 s6  }
.LBB2_36:
0x55b: {  	p1 =	sgt.u32 s12, $0x1869FB  }
0x55c: {  	p2 =	seq.s32 @!p1 s12, s8  }
0x55d: {  	p1 =	por p1, p2  }
0x55e: {  	p2 =	sne.s32 @!p1 s12, s4  }
0x55f: {  	p1 =	por p1, !p2  }
0x560: {  	s0 =	smul.u32 @p1 $0xC0, s11;
	_ =	sdelay $0x1  }
0x561: {  	s0 =	sand.u32 @!p1 $0x1FFFF8, s12  }
0x562: {  	s1 =	sand.u32 @!p1 $0x7, s12;
	s0 =	sadd.s32 @!p1 s5, s0  }
0x563: {  	[tilespmem:s10], [sflag:$0x6] =	stream.linear.gather @!p1 [hbm4b:s0+s1], $0x21, $0x38;
	[tilespmem:$0x1F1E8] =	vst v63  }
0x564: {  	_ =	swait.ge @!p1 [sflag:s9], $0x21  }
0x565: {  	[sflag:s9] =	ssyncset.done @!p1 $0x0  }
0x566: {  	[sflag:s9] =	ssyncadd.s32 @!p1 $0xFFFFFFDF  }
0x567: {  	v1 =	vld @!p1 [tilespmem:$0x8498];
	_ =	sdelay $0x1  }
0x568: {  	s0 =	smul.u32 @!p1 $0xC0, s11;
	_ =	sdelay $0x1  }
0x569: {  	s1 =	sshra.s32 @!p1 s0, $0x2  }
0x56a: {  	[tilespmem:s1+$0x84F8] =	vst.add.f32.msk @!p1 $0xffff, v1  }
0x56b: {  	v1 =	vld @!p1 [tilespmem:$0x84A8];
	_ =	sdelay $0x4  }
0x56c: {  	[tilespmem:s1+$0x8508] =	vst.add.f32.msk @!p1 $0xffff, v1  }
0x56d: {  	v1 =	vld @!p1 [tilespmem:$0x84B8];
	_ =	sdelay $0x4  }
0x56e: {  	[tilespmem:s1+$0x8518] =	vst.add.f32.msk @!p1 $0xffff, v1  }
0x56f: {  	s0 =	sshra.s32 s0, $0x2;
	[tilespmem:s3+$0x84D8] =	vst.msk $0x1, v0  }
0x570: {  	v0 =	vld [tilespmem:s0+$0x84F8];
	_ =	sdelay $0x1  }
0x571: {  	s31 =	smul.u32 $0xC0, s3;
	_ =	sdelay $0x1  }
0x572: {  	s1 =	sshra.s32 s31, $0x2  }
0x573: {  	[tilespmem:s1+$0x84F8] =	vst v0  }
0x574: {  	v0 =	vld [tilespmem:s0+$0x8508];
	_ =	sdelay $0x4  }
0x575: {  	[tilespmem:s1+$0x8508] =	vst v0  }
0x576: {  	v0 =	vld [tilespmem:s0+$0x8518];
	_ =	sdelay $0x4  }
0x577: {  	s3 =	sadd.s32 $0x1, s3;
	[tilespmem:s1+$0x8518] =	vst v0  }
.LBB2_37:
0x578: {  	s11 =	sadd.s32 $0x1, s11  }
0x579: {  	p1 =	sne.s32 s11, $0x20  }
.Ltmp25:
0x57a: {  	_ = 	snop;
	(pc) =	sbr.rel @!p1 .LBB2_38-.Ltmp25, $1  }
0x57b: {  	_ =	sdelay $0x3  }
.LBB2_30:
0x57c: {  	v0 =	vld.msk [tilespmem:s11+$0x84D8], $0x1;
	_ =	sdelay $0x4  }
0x57d: {  	(v2sf) =	vpush v0, $0x0;
	_ =	sdelay $0xe  }
0x57e: {  	s12 =	spop (v2sf)  }
0x57f: {  	p1 =	seq.s32 s12, $0xFFFFFFFF  }
.Ltmp26:
0x580: {  	_ = 	snop;
	(pc) =	sbr.rel @p1 .LBB2_37-.Ltmp26, $1  }
0x581: {  	_ =	sdelay $0x3  }
0x582: {  	p1 =	slt.s32 s3, $0x1  }
.Ltmp27:
0x583: {  	_ = 	snop;
	(pc) =	sbr.rel @p1 .LBB2_36-.Ltmp27, $1  }
0x584: {  	_ =	sdelay $0x3  }
0x585: {  	s0 =	simm.s32 $0x84D8;
	p1 =	por $0x0, $0x0  }
0x586: {  	v1 =	vld.msk @!p1 [tilespmem:s0+$0x0], $0x1;
	_ =	sdelay $0x4  }
0x587: {  	(v2sf) =	vpush @!p1 v1, $0x0;
	_ =	sdelay $0xd  }
0x588: {  	p3 =	sne.s32 s3, $0x1  }
.Ltmp28:
0x589: {  	s1 =	spop @!p1 (v2sf);
	(pc) =	sbr.rel @!p3 .LBB2_34-.Ltmp28, $4  }
0x58a: {  	p2 =	seq.s32 @!p1 s12, s1  }
0x58b: {  	s13 =	simm.s32 $0x0;
	p2 =	por !p2, p1  }
0x58c: {  	s2 =	simm.s32 $0xFFFFFFFF;
	s13 =	simm.s32 @p2 $0xFFFFFFFF  }
0x58d: {  	s1 =	simm.s32 $0x1;
	s13 =	smov.u32 @p1 s2  }
.LBB2_33:
0x58e: {  	s2 =	smov.u32 s13;
	p1 =	sne.s32 s13, $0xFFFFFFFF  }
0x58f: {  	s0 =	sadd.s32 $0x1, s0;
	s13 =	smov.u32 s1;
	s1 =	sadd.s32 $0x1, s1  }
0x590: {  	p2 =	sne.s32 s3, s1;
	v1 =	vld.msk @!p1 [tilespmem:s0+$0x0], $0x1;
	_ =	sdelay $0x4  }
0x591: {  	(v2sf) =	vpush @!p1 v1, $0x0;
	_ =	sdelay $0xe  }
.Ltmp29:
0x592: {  	s6 =	spop @!p1 (v2sf);
	(pc) =	sbr.rel @p2 .LBB2_33-.Ltmp29, $4  }
0x593: {  	p3 =	seq.s32 @!p1 s12, s6  }
0x594: {  	p3 =	por !p3, p1  }
0x595: {  	s13 =	simm.s32 @p3 $0xFFFFFFFF  }
0x596: {  	s13 =	smov.u32 @p1 s2  }
.LBB2_34:
0x597: {  	p1 =	seq.s32 s13, $0xFFFFFFFF  }
.Ltmp30:
0x598: {  	_ = 	snop;
	(pc) =	sbr.rel @p1 .LBB2_36-.Ltmp30, $1  }
0x599: {  	_ =	sdelay $0x3  }
0x59a: {  	s0 =	smul.u32 $0xC0, s11;
	_ =	sdelay $0x1  }
0x59b: {  	s0 =	sshra.s32 s0, $0x2  }
0x59c: {  	v0 =	vld [tilespmem:s0+$0x84F8];
	_ =	sdelay $0x1  }
0x59d: {  	s1 =	smul.u32 $0xC0, s13;
	_ =	sdelay $0x1  }
0x59e: {  	s1 =	sshra.s32 s1, $0x2  }
0x59f: {  	[tilespmem:s1+$0x84F8] =	vst.add.f32.msk $0xffff, v0  }
0x5a0: {  	v0 =	vld [tilespmem:s0+$0x8508];
	_ =	sdelay $0x4  }
0x5a1: {  	[tilespmem:s1+$0x8508] =	vst.add.f32.msk $0xffff, v0  }
0x5a2: {  	v0 =	vld [tilespmem:s0+$0x8518]  }
.Ltmp31:
0x5a3: {  	_ = 	snop;
	(pc) =	sbr.rel .LBB2_37-.Ltmp31, $2  }
0x5a4: {  	_ =	sdelay $0x2  }
0x5a5: {  	[tilespmem:s1+$0x8518] =	vst.add.f32.msk $0xffff, v0  }
.LBB2_38:
0x5a6: {  	s0 =	simm.s32 $0x6;
	p1 =	seq.s32 s3, $0x0  }
0x5a7: {  	[sflag:s0] =	ssyncpa.u1 $0x1;
	v0 =	vimm.s32 @p1 $0xFFFFFFFF  }
0x5a8: {  	s9 =	sadd.s32 $0xFFFFFFFF, s3;
	[tilespmem:$0x8AF8] =	vst @p1 v0  }
0x5a9: {  	v0 =	vld.msk @!p1 [tilespmem:s9+$0x84D8], $0x1;
	_ =	sdelay $0x1  }
0x5aa: {  	v1 =	vld.msk @!p1 [tilespmem:$0x84D8], $0x1;
	_ =	sdelay $0x2  }
0x5ab: {  	p2 =	seq.s32 @!p1 s9, $0x0;
	v0 =	vbroadcast @!p1 v0, $0x0  }
0x5ac: {  	vm0 =	vmmov @!p1 $0x1;
	p3 =	por !p2, p1  }
0x5ad: {  	p2 =	sne.s32 @!p1 s8, s4;
	v1 =	vnsel @!p1 vm0, $0xFFFFFFFF, v1;
	vm0 =	vcmask @!p1 $0x308;
	v0 =	vpsel !p3, $0xFFFFFFFF, v0  }
0x5ae: {  	p3 =	por !p2, p1;
	v0 =	vsel @!p1 vm0, v1, v0  }
0x5af: {  	s0 =	simm.s32 @!p1 $0x84F8;
	s1 =	simm.s32 @!p1 $0x0;
	s2 =	smul.u32 @!p3 $0xC0, s9;
	[tilespmem:$0x8AF8] =	vst @!p1 v0  }
0x5b0: {  	[spmem:s1] =	stream.linear.scatter @!p1 [tilespmem:s0], [sflag:$0x1], $0x30, $0x38;
	[tilespmem:$0x1F1E8] =	vst v63  }
0x5b1: {  	s0 =	sshra.s32 @!p3 s2, $0x2  }
0x5b2: {  	s1 =	simm.s32 @!p3 $0x30;
	s0 =	sadd.s32 @!p3 $0x84F8, s0  }
0x5b3: {  	[spmem:s1] =	stream.linear.scatter @!p3 [tilespmem:s0], [sflag:$0x1], $0x30, $0x38;
	[tilespmem:$0x1F1E8] =	vst v63  }
0x5b4: {  	s0 =	simm.s32 @!p3 $0x1  }
0x5b5: {  	_ =	swait.ge @!p3 [sflag:s0], $0x60  }
0x5b6: {  	p1 =	por p2, p1;
	[sflag:s0] =	ssyncset.done @!p3 $0x0  }
0x5b7: {  	[sflag:s0] =	ssyncadd.s32 @!p3 $0xFFFFFFA0;
	s0 =	simm.s32 @!p1 $0x1  }
0x5b8: {  	_ =	swait.ge @!p1 [sflag:s0], $0x30  }
0x5b9: {  	s29 =	simm.s32 $0x8AF8;
	[sflag:s0] =	ssyncset.done @!p1 $0x0  }
0x5ba: {  	s30 =	simm.s32 $0x600;
	s31 =	simm.s32 $0x1;
	[sflag:s0] =	ssyncadd.s32 @!p1 $0xFFFFFFD0  }
0x5bb: {  	[spmem:s30] =	stream.linear.scatter [tilespmem:s29], [sflag:$0x1], $0x10, $0x38;
	[tilespmem:$0x1F1E8] =	vst v63  }
0x5bc: {  	_ =	swait.ge [sflag:s31], $0x10  }
0x5bd: {  	[sflag:s31] =	ssyncset.done $0x0  }
0x5be: {  	p1 =	seq.s32 s15, $0x0;
	s8 =	rddreg [dreg:$0x1];
	[sflag:s31] =	ssyncadd.s32 $0xFFFFFFF0  }
0x5bf: {  	s1 =	sshll.u32 @p1 s8, $0xE;
	s7 =	rddreg [dreg:$0x2]  }
0x5c0: {  	s0 =	sadd.s32 @p1 $0x15C3C, s1;
	s1 =	sshll.u32 @p1 s7, $0x11  }
0x5c1: {  	_ =	sfence.stream.spmem;
	s0 =	sor.u32 @p1 s1, s0  }
0x5c2: {  	[sflag:s0] =	ssyncadd.remote.s32 @p1 $0x1;
	s0 =	simm.s32 @p1 $0x4  }
0x5c3: {  	s2 =	simm.s32 @!p1 $0x3C;
	s1 =	sand.u32 $0xFFFFFFFE, s8;
	_ =	swait.ge @p1 [sflag:s0], $0xE  }
0x5c4: {  	s4 =	simm.s32 @!p1 $0x0;
	s1 =	sadd.s32 @!p1 $0x4, s1;
	[sflag:s0] =	ssyncset.done @p1 $0x0  }
0x5c5: {  	s6 =	simm.s32 @!p1 $0x60;
	[sflag:s0] =	ssyncadd.s32 @p1 $0xFFFFFFF2;
	s0 =	sshll.u32 @!p1 s1, $0x1A  }
0x5c6: {  	s1 =	sshll.u32 @!p1 s1, $0xD;
	s0 =	sor.u32 @!p1 s0, s7;
	_ =	swait.eq @!p1 [sflag:s2], $0x1  }
0x5c7: {  	s1 =	sor.u32 @!p1 $0x1C04, s1;
	s2 =	simm.s32 @!p1 $0x1C03;
	s0 =	sor.u32 @!p1 $0x80004000, s0  }
0x5c8: {  	[spmem:s6], [sflag:s1] =	dma.general @!p1 [spmem:s4], [sflag:s2], length:$0xC, [dreg:$0x0], stride_count:$0x0, ici_dest:s0, dma_misc:DstOpCode:WRITE  }
0x5c9: {  	p2 =	slt.s32 s9, $0x2;
	s4 =	simm.s32 @!p1 $0xC0;
	s6 =	simm.s32 @!p1 $0xC2  }
0x5ca: {  	[spmem:s6], [sflag:s1] =	dma.general @!p1 [spmem:s4], [sflag:s2], length:$0x2, [dreg:$0x0], stride_count:$0x0, ici_dest:s0, dma_misc:DstOpCode:WRITE  }
.Ltmp32:
0x5cb: {  	s0 =	simm.s32 @!p1 $0x3;
	(pc) =	sbr.rel @p2 .LBB2_42-.Ltmp32, $4  }
0x5cc: {  	s1 =	sshll.u32 @!p1 s8, $0xE;
	_ =	swait.ge @!p1 [sflag:s0], $0xE  }
0x5cd: {  	s2 =	sshll.u32 @!p1 s7, $0x11;
	s1 =	sadd.s32 @!p1 $0x11C3C, s1;
	[sflag:s0] =	ssyncset.done @!p1 $0x0  }
0x5ce: {  	[sflag:s0] =	ssyncadd.s32 @!p1 $0xFFFFFFF2;
	s0 =	sor.u32 @!p1 s2, s1  }
0x5cf: {  	[sflag:s0] =	ssyncadd.remote.s32 @!p1 $0xFFFFFFFF;
	s0 =	simm.s32 $0x0  }
0x5d0: {  	s0 =	simm.s32 $0x84D9  }
0x5d1: {  	v0 =	vld.msk [tilespmem:s0+$0x0], $0x1;
	_ =	sdelay $0x4  }
0x5d2: {  	(v2sf) =	vpush v0, $0x0;
	_ =	sdelay $0xc  }
0x5d3: {  	s1 =	sadd.s32 $0xFFFFFFFE, s3  }
0x5d4: {  	s1 =	sadd.s32 $0xFFFFFFFF, s1  }
0x5d5: {  	p2 =	sne.s32 s1, $0x0;
	s2 =	spop (v2sf)  }
.Ltmp33:
0x5d6: {  	p1 =	sgt.u32 s2, $0x1869FB;
	(pc) =	sbr.rel @!p2 .LBB2_41-.Ltmp33, $4  }
0x5d7: {  	s4 =	simm.s32 $0x0;
	s3 =	sand.u32 @!p1 $0x1FFFF8, s2  }
0x5d8: {  	s0 =	simm.s32 $0x8528;
	s2 =	sand.u32 @!p1 $0x7, s2;
	s3 =	sadd.s32 @!p1 s5, s3  }
0x5d9: {  	[hbm4b:s3+s2] =	stream.linear.scatter @!p1 [tilespmem:s0], [sflag:$0x5], $0x21, $0x38;
	[tilespmem:$0x1F1E8] =	vst v63  }
0x5da: {  	s4 =	simm.s32 @!p1 $0x84;
	s2 =	simm.s32 $0x0;
	s3 =	simm.s32 $0x84DA  }
.LBB2_40:
0x5db: {  	v0 =	vld.msk [tilespmem:s3+$0x0], $0x1;
	s1 =	sadd.s32 $0xFFFFFFFF, s1;
	s2 =	sadd.s32 s2, s4  }
0x5dc: {  	p1 =	sne.s32 s1, $0x0;
	_ =	sdelay $0x3  }
0x5dd: {  	(v2sf) =	vpush v0, $0x0;
	_ =	sdelay $0xe  }
.Ltmp34:
0x5de: {  	s6 =	spop (v2sf);
	(pc) =	sbr.rel @p1 .LBB2_40-.Ltmp34, $4  }
0x5df: {  	s4 =	simm.s32 $0x0;
	p2 =	sgt.u32 s6, $0x1869FB  }
0x5e0: {  	s0 =	sadd.s32 $0x30, s0;
	s4 =	simm.s32 @!p2 $0x84;
	s7 =	sand.u32 @!p2 $0x1FFFF8, s6  }
0x5e1: {  	s3 =	sadd.s32 $0x1, s3;
	s6 =	sand.u32 @!p2 $0x7, s6;
	s7 =	sadd.s32 @!p2 s5, s7  }
0x5e2: {  	[hbm4b:s7+s6] =	stream.linear.scatter @!p2 [tilespmem:s0], [sflag:$0x5], $0x21, $0x38;
	[tilespmem:$0x1F1E8] =	vst v63  }
.LBB2_41:
0x5e3: {  	s0 =	sadd.s32 s2, s4  }
0x5e4: {  	s0 =	sshrl.u32 s0, $0x2  }
.LBB2_42:
0x5e5: {  	s1 =	simm.s32 $0x5  }
0x5e6: {  	_ =	swait.ge [sflag:s1], s0  }
0x5e7: {  	s31 =	ssub.s32 $0x0, s0;
	[sflag:s1] =	ssyncset.done $0x0  }
0x5e8: {  	[sflag:s1] =	ssyncadd.s32 s31  }
0x5e9: {  	[sflag:s1] =	ssyncpa.u1 $0x1  }
.LBB2_43:
0x5ea: {  	s0 =	sor.u32 s15, s14  }
0x5eb: {  	p1 =	sne.s32 s0, $0x0  }
.Ltmp35:
0x5ec: {  	_ = 	snop;
	(pc) =	sbr.rel @p1 .LBB2_58-.Ltmp35, $3  }
0x5ed: {  	_ =	sdelay $0x1  }
0x5ee: {  	[bflag:$0x0] =	sbarrier.arrive $0xFFFF  }
0x5ef: {  	_ =	sfence  }
0x5f0: {  	s0 =	simm.s32 $0x7  }
0x5f1: {  	s1 =	simm.s32 $0x600;
	s2 =	simm.s32 $0x84D8;
	[sflag:s0] =	ssyncpa.u1 $0x0  }
0x5f2: {  	[tilespmem:s2], [sflag:$0x7] =	stream.linear.gather [spmem:s1], $0x20, $0x38;
	[tilespmem:$0x1F1E8] =	vst v63  }
0x5f3: {  	s30 =	simm.s32 $0x84F8;
	s1 =	simm.s32 $0x0  }
0x5f4: {  	[tilespmem:s30], [sflag:$0x7] =	stream.linear.gather [spmem:s1], $0x600, $0x38;
	[tilespmem:$0x1F1E8] =	vst v63  }
.Ltmp36:
0x5f5: {  	_ = 	snop;
	(pc) =	sbr.rel .LBB2_45-.Ltmp36, $4  }
0x5f6: {  	_ =	swait.ge [sflag:s0], $0x620  }
0x5f7: {  	[sflag:s0] =	ssyncset.done $0x0  }
0x5f8: {  	s31 =	simm.s32 $0x8;
	[sflag:s0] =	ssyncadd.s32 $0xFFFFF9E0  }
0x5f9: {  	s2 =	simm.s32 $0x0;
	[sflag:s31] =	ssyncpa.u1 $0x0  }
.LBB2_51:
0x5fa: {  	p1 =	slt.u32 s0, $0x1869FC  }
0x5fb: {  	s3 =	sand.u32 @p1 $0x1FFFF8, s0  }
0x5fc: {  	s0 =	sand.u32 @p1 $0x7, s0;
	s4 =	simm.s32 @p1 $0x8498;
	s3 =	sadd.s32 @p1 s5, s3  }
0x5fd: {  	[tilespmem:s4], [sflag:$0x8] =	stream.linear.gather @p1 [hbm4b:s3+s0], $0x21, $0x38;
	[tilespmem:$0x1F1E8] =	vst v63  }
0x5fe: {  	s0 =	simm.s32 @p1 $0x8  }
0x5ff: {  	_ =	swait.ge @p1 [sflag:s0], $0x21  }
0x600: {  	[sflag:s0] =	ssyncset.done @p1 $0x0  }
0x601: {  	[sflag:s0] =	ssyncadd.s32 @p1 $0xFFFFFFDF  }
0x602: {  	v1 =	vld @p1 [tilespmem:$0x8498];
	_ =	sdelay $0x1  }
0x603: {  	s0 =	smul.u32 @p1 $0xC0, s2;
	_ =	sdelay $0x1  }
0x604: {  	s3 =	sshra.s32 @p1 s0, $0x2  }
0x605: {  	[tilespmem:s3+$0x84F8] =	vst.add.f32.msk @p1 $0xffff, v1  }
0x606: {  	v1 =	vld @p1 [tilespmem:$0x84A8];
	_ =	sdelay $0x4  }
0x607: {  	[tilespmem:s3+$0x8508] =	vst.add.f32.msk @p1 $0xffff, v1  }
0x608: {  	v1 =	vld @p1 [tilespmem:$0x84B8];
	_ =	sdelay $0x2  }
0x609: {  	s4 =	smul.u32 @!p1 $0xC0, s2;
	_ =	sdelay $0x1  }
0x60a: {  	s4 =	smov.u32 @p1 s0;
	[tilespmem:s3+$0x8518] =	vst.add.f32.msk @p1 $0xffff, v1  }
0x60b: {  	s0 =	sshra.s32 s4, $0x2;
	[tilespmem:s1+$0x84D8] =	vst.msk $0x1, v0  }
0x60c: {  	v0 =	vld [tilespmem:s0+$0x84F8];
	_ =	sdelay $0x1  }
0x60d: {  	s31 =	smul.u32 $0xC0, s1;
	_ =	sdelay $0x1  }
0x60e: {  	s3 =	sshra.s32 s31, $0x2  }
0x60f: {  	[tilespmem:s3+$0x84F8] =	vst v0  }
0x610: {  	v0 =	vld [tilespmem:s0+$0x8508];
	_ =	sdelay $0x4  }
0x611: {  	[tilespmem:s3+$0x8508] =	vst v0  }
0x612: {  	v0 =	vld [tilespmem:s0+$0x8518];
	_ =	sdelay $0x4  }
0x613: {  	s1 =	sadd.s32 $0x1, s1;
	[tilespmem:s3+$0x8518] =	vst v0  }
.LBB2_52:
0x614: {  	s2 =	sadd.s32 $0x1, s2  }
0x615: {  	p1 =	sne.s32 s2, $0x20  }
.Ltmp37:
0x616: {  	_ = 	snop;
	(pc) =	sbr.rel @!p1 .LBB2_53-.Ltmp37, $1  }
0x617: {  	_ =	sdelay $0x3  }
.LBB2_45:
0x618: {  	v0 =	vld.msk [tilespmem:s2+$0x84D8], $0x1;
	_ =	sdelay $0x4  }
0x619: {  	(v2sf) =	vpush v0, $0x0;
	_ =	sdelay $0xe  }
0x61a: {  	s0 =	spop (v2sf)  }
0x61b: {  	p1 =	seq.s32 s0, $0xFFFFFFFF  }
.Ltmp38:
0x61c: {  	_ = 	snop;
	(pc) =	sbr.rel @p1 .LBB2_52-.Ltmp38, $1  }
0x61d: {  	_ =	sdelay $0x3  }
0x61e: {  	p1 =	slt.s32 s1, $0x1  }
.Ltmp39:
0x61f: {  	_ = 	snop;
	(pc) =	sbr.rel @p1 .LBB2_51-.Ltmp39, $1  }
0x620: {  	_ =	sdelay $0x3  }
0x621: {  	s3 =	simm.s32 $0x84D8;
	p1 =	por $0x0, $0x0  }
0x622: {  	v1 =	vld.msk @!p1 [tilespmem:s3+$0x0], $0x1;
	_ =	sdelay $0x4  }
0x623: {  	(v2sf) =	vpush @!p1 v1, $0x0;
	_ =	sdelay $0xd  }
0x624: {  	p3 =	sne.s32 s1, $0x1  }
.Ltmp40:
0x625: {  	s4 =	spop @!p1 (v2sf);
	(pc) =	sbr.rel @!p3 .LBB2_49-.Ltmp40, $4  }
0x626: {  	p2 =	seq.s32 @!p1 s0, s4  }
0x627: {  	s4 =	simm.s32 $0x0;
	p2 =	por !p2, p1  }
0x628: {  	s7 =	simm.s32 $0xFFFFFFFF;
	s4 =	simm.s32 @p2 $0xFFFFFFFF  }
0x629: {  	s6 =	simm.s32 $0x1;
	s4 =	smov.u32 @p1 s7  }
.LBB2_48:
0x62a: {  	s7 =	smov.u32 s4;
	p1 =	sne.s32 s4, $0xFFFFFFFF  }
0x62b: {  	s3 =	sadd.s32 $0x1, s3;
	s4 =	smov.u32 s6;
	s6 =	sadd.s32 $0x1, s6  }
0x62c: {  	p2 =	sne.s32 s1, s6;
	v1 =	vld.msk @!p1 [tilespmem:s3+$0x0], $0x1;
	_ =	sdelay $0x4  }
0x62d: {  	(v2sf) =	vpush @!p1 v1, $0x0;
	_ =	sdelay $0xe  }
.Ltmp41:
0x62e: {  	s8 =	spop @!p1 (v2sf);
	(pc) =	sbr.rel @p2 .LBB2_48-.Ltmp41, $4  }
0x62f: {  	p3 =	seq.s32 @!p1 s0, s8  }
0x630: {  	p3 =	por !p3, p1  }
0x631: {  	s4 =	simm.s32 @p3 $0xFFFFFFFF  }
0x632: {  	s4 =	smov.u32 @p1 s7  }
.LBB2_49:
0x633: {  	p1 =	seq.s32 s4, $0xFFFFFFFF  }
.Ltmp42:
0x634: {  	_ = 	snop;
	(pc) =	sbr.rel @p1 .LBB2_51-.Ltmp42, $1  }
0x635: {  	_ =	sdelay $0x3  }
0x636: {  	s0 =	smul.u32 $0xC0, s2;
	_ =	sdelay $0x1  }
0x637: {  	s0 =	sshra.s32 s0, $0x2  }
0x638: {  	v0 =	vld [tilespmem:s0+$0x84F8];
	_ =	sdelay $0x1  }
0x639: {  	s3 =	smul.u32 $0xC0, s4;
	_ =	sdelay $0x1  }
0x63a: {  	s3 =	sshra.s32 s3, $0x2  }
0x63b: {  	[tilespmem:s3+$0x84F8] =	vst.add.f32.msk $0xffff, v0  }
0x63c: {  	v0 =	vld [tilespmem:s0+$0x8508];
	_ =	sdelay $0x4  }
0x63d: {  	[tilespmem:s3+$0x8508] =	vst.add.f32.msk $0xffff, v0  }
0x63e: {  	v0 =	vld [tilespmem:s0+$0x8518]  }
.Ltmp43:
0x63f: {  	_ = 	snop;
	(pc) =	sbr.rel .LBB2_52-.Ltmp43, $2  }
0x640: {  	_ =	sdelay $0x2  }
0x641: {  	[tilespmem:s3+$0x8518] =	vst.add.f32.msk $0xffff, v0  }
.LBB2_53:
0x642: {  	p1 =	slt.s32 s1, $0x1  }
.Ltmp44:
0x643: {  	_ = 	snop;
	(pc) =	sbr.rel @p1 .LBB2_57-.Ltmp44, $3  }
0x644: {  	_ =	sdelay $0x1  }
0x645: {  	s0 =	simm.s32 $0x8  }
0x646: {  	[sflag:s0] =	ssyncpa.u1 $0x1;
	s0 =	simm.s32 $0x0  }
0x647: {  	s2 =	simm.s32 $0x84D8  }
0x648: {  	v0 =	vld.msk [tilespmem:s2+$0x0], $0x1;
	_ =	sdelay $0x4  }
0x649: {  	(v2sf) =	vpush v0, $0x0;
	_ =	sdelay $0xe  }
0x64a: {  	s1 =	sadd.s32 $0xFFFFFFFF, s1;
	s3 =	spop (v2sf)  }
0x64b: {  	p2 =	sne.s32 s1, $0x0;
	p1 =	sgt.u32 s3, $0x1869FB  }
.Ltmp45:
0x64c: {  	s4 =	sand.u32 @!p1 $0x1FFFF8, s3;
	(pc) =	sbr.rel @!p2 .LBB2_56-.Ltmp45, $4  }
0x64d: {  	s2 =	simm.s32 $0x84F8;
	s3 =	sand.u32 @!p1 $0x7, s3;
	s4 =	sadd.s32 @!p1 s5, s4  }
0x64e: {  	[hbm4b:s4+s3] =	stream.linear.scatter @!p1 [tilespmem:s2], [sflag:$0x7], $0x21, $0x38;
	[tilespmem:$0x1F1E8] =	vst v63  }
0x64f: {  	s4 =	simm.s32 $0x0  }
0x650: {  	s3 =	simm.s32 $0x84D9;
	s4 =	simm.s32 @!p1 $0x84  }
.LBB2_55:
0x651: {  	v0 =	vld.msk [tilespmem:s3+$0x0], $0x1;
	s1 =	sadd.s32 $0xFFFFFFFF, s1;
	s0 =	sadd.s32 s0, s4  }
0x652: {  	p1 =	sne.s32 s1, $0x0;
	_ =	sdelay $0x3  }
0x653: {  	(v2sf) =	vpush v0, $0x0;
	_ =	sdelay $0xe  }
.Ltmp46:
0x654: {  	s6 =	spop (v2sf);
	(pc) =	sbr.rel @p1 .LBB2_55-.Ltmp46, $4  }
0x655: {  	s4 =	simm.s32 $0x0;
	p2 =	sgt.u32 s6, $0x1869FB  }
0x656: {  	s2 =	sadd.s32 $0x30, s2;
	s4 =	simm.s32 @!p2 $0x84;
	s7 =	sand.u32 @!p2 $0x1FFFF8, s6  }
0x657: {  	s3 =	sadd.s32 $0x1, s3;
	s6 =	sand.u32 @!p2 $0x7, s6;
	s7 =	sadd.s32 @!p2 s5, s7  }
0x658: {  	[hbm4b:s7+s6] =	stream.linear.scatter @!p2 [tilespmem:s2], [sflag:$0x7], $0x21, $0x38;
	[tilespmem:$0x1F1E8] =	vst v63  }
.LBB2_56:
0x659: {  	s0 =	sadd.s32 s0, s4  }
0x65a: {  	s0 =	sshrl.u32 s0, $0x2  }
.LBB2_57:
0x65b: {  	s1 =	simm.s32 $0x7  }
0x65c: {  	_ =	swait.ge [sflag:s1], s0  }
0x65d: {  	s31 =	ssub.s32 $0x0, s0;
	[sflag:s1] =	ssyncset.done $0x0  }
0x65e: {  	[sflag:s1] =	ssyncadd.s32 s31  }
0x65f: {  	[sflag:s1] =	ssyncpa.u1 $0x1  }
.LBB2_58:
0x660: {  	_ =	sfence;
	s0 =	simm.s32 $0x1  }
0x661: {  	[sflag:s0] =	ssyncpa.u1 $0x1  }
0x662: {  	_ =	strace $0x90000059  }
0x663: {  	[bflag:$0x2] =	sbarrier.arrive $0xFFFF  }
0x664: {  	s0 =	rddreg [dreg:$0x3]  }
0x665: {  	s0 =	sadd.s32 @!p0 $0x100000, s0  }
0x666: {  	[sflag:s0] =	ssyncadd.tile.s32 @!p0 $0x1;
	_ =	shalt  }
.Lfunc_end2:
_tile_overlayer_lowered:
.L_overlay_start_2:
0x667: {  	(tag) =	ssettag $0x2  }
0x668: {  	s0 =	rddreg [dreg:$0x0];
	s2 =	stileid.u32  }
0x669: {  	s1 =	rddreg [dreg:$0x1];
	p0 =	sne.s32 s2, $0x0  }
0x66a: {  	s3 =	rddreg [dreg:$0x2];
	[bflag:$0x3] =	sbarrier.arrive $0xFFFF;
	s2 =	simm.s32 @!p0 $0x1C01  }
0x66b: {  	[timem:s3], [sflag:s2] =	dma.local @!p0 [hbm:s0], s1  }
0x66c: {  	s0 =	simm.s32 @!p0 $0x1  }
0x66d: {  	_ =	swait.ge @!p0 [sflag:s0], s1  }
0x66e: {  	s1 =	ssub.s32 @!p0 $0x0, s1;
	[sflag:s0] =	ssyncset.done @!p0 $0x0  }
0x66f: {  	[sflag:s0] =	ssyncadd.s32 @!p0 s1  }
0x670: {  	[bflag:$0x3] =	sbarrier.arrive $0xFFFF  }
0x671: {  	_ =	shalt  }

// kernel: scatter_offload_async_start
scs
__scs_entry_jumppad:
0x0: {  	(pc) =	sbr.rel $0x88, $3  }
0x1: {  	(tag) =	ssettag $0x0;
	lr =	simm.s32 $0x1  }
0x2: {  	[smem:$0x3F94] =	sst lr;
	_ =	strace $0xD0000000  }
0x3: {  	_ = 	snop  }
0x4: {  	_ = 	snop  }
0x5: {  	_ = 	snop  }
0x6: {  	_ = 	snop  }
0x7: {  	_ = 	snop  }
__scs_overlays_trampoline_lowered:
0x8: {  	[smem:$0x3FA3] =	sst s0  }
0x9: {  	[smem:$0x3FA4] =	sst s1  }
0xa: {  	[smem:$0x3FA5] =	sst s2  }
0xb: {  	[smem:$0x3FA6] =	sst s3  }
0xc: {  	[smem:$0x3FA7] =	sst s4  }
0xd: {  	[smem:$0x3FA8] =	sst s5  }
0xe: {  	[smem:$0x3FA9] =	sst s6  }
0xf: {  	[smem:$0x3FAA] =	sst s7  }
0x10: {  	[smem:$0x3FAB] =	sst s8  }
0x11: {  	[smem:$0x3FAC] =	sst s9;
	s0 =	simm.s32 @!p0 $0x0  }
0x12: {  	s1 =	sld [smem:$0x3F92];
	s0 =	simm.s32 @p0 $0x1  }
0x13: {  	[smem:$0x3FAD] =	sst s0;
	s0 =	simm.s32 @!p1 $0x0  }
0x14: {  	s2 =	sld [smem:$0x3F91];
	s0 =	simm.s32 @p1 $0x1  }
0x15: {  	[smem:$0x3FAE] =	sst s0;
	s0 =	simm.s32 @!p2 $0x0  }
0x16: {  	s3 =	sld [smem:$0x3FDB];
	s0 =	simm.s32 @p2 $0x1  }
0x17: {  	s4 =	simm.s32 $0x1BF5;
	[smem:$0x3FB0] =	sst s0  }
0x18: {  	s0 =	sld [smem:$0x3F93];
	_ =	swait.ge [sflag:s4], $0x0  }
0x19: {  	s7 =	sld [smem:$0x3F94]  }
0x1a: {  	s8 =	sadd.s32 $0xFFFFE003, lr  }
0x1b: {  	s9 =	sadd.s32 $0xFFFFFEF7, lr;
	s5 =	simm.s32 $0xFFFFFFFF;
	p2 =	slt.u32 s8, $0xFFFFF086  }
0x1c: {  	p1 =	slt.u32 s9, $0xF7A;
	s5 =	simm.s32 @!p2 $0x0  }
0x1d: {  	s5 =	simm.s32 @p1 $0x1;
	p0 =	seq.s32 s7, s2  }
0x1e: {  	s7 =	smul.u32 @!p0 $0xF7A, s2;
	p2 =	seq.s32 @!p0 s5, $0x0  }
0x1f: {  	s9 =	smul.u32 $0xF7A, s1;
	s8 =	simm.s32 @!p0 $0x1BF5;
	p2 =	por !p2, p0  }
0x20: {  	[sflag:s8] =	ssyncset.s32 @!p0 $0xFFFFF086;
	s6 =	sadd.s32 @!p0 s3, s7;
	s7 =	simm.s32 @!p0 $0x108  }
0x21: {  	s3 =	sadd.s32 s3, s9;
	s6 =	sadd.s32 @!p0 $0x88, s6;
	s7 =	simm.s32 @p2 $0x1082  }
0x22: {  	[simem:s7], [sflag:s8] =	dma.local @!p0 [hbm:s6], $0xF7A  }
0x23: {  	s9 =	sor.u32 $0xD0000000, s2;
	s6 =	simm.s32 $0x108;
	_ =	swait.ge @!p0 [sflag:s8], $0x0  }
0x24: {  	s3 =	sadd.s32 $0x88, s3;
	s6 =	simm.s32 @!p1 $0x1082;
	[sflag:s4] =	ssyncset.s32 $0xFFFFF086  }
0x25: {  	[simem:s6], [sflag:s4] =	dma.local [hbm:s3], $0xF7A  }
0x26: {  	[smem:$0x3F94] =	sst s1;
	(tag) =	ssettag s2;
	_ =	strace s9  }
0x27: {  	s1 =	sld [smem:$0x3FA4]  }
0x28: {  	s2 =	sld [smem:$0x3FA5]  }
0x29: {  	s4 =	sld [smem:$0x3FA7]  }
0x2a: {  	p0 =	seq.s32 s5, $0x0;
	s5 =	sld [smem:$0x3FA8]  }
0x2b: {  	s6 =	sld [smem:$0x3FA9]  }
0x2c: {  	s7 =	sld [smem:$0x3FAA]  }
0x2d: {  	s3 =	simm.s32 $0x108;
	s8 =	sld [smem:$0x3FAB]  }
0x2e: {  	s3 =	simm.s32 @!p0 $0x1082;
	s9 =	sld [smem:$0x3FAC]  }
0x2f: {  	lr =	sadd.s32 s0, s3;
	s0 =	sld [smem:$0x3FA3]  }
0x30: {  	s3 =	sld [smem:$0x3FA6]  }
0x31: {  	[smem:$0x3FAF] =	sst s10  }
0x32: {  	s10 =	sld [smem:$0x3FAD];
	_ =	sdelay $0x3  }
0x33: {  	p0 =	seq.s32 s10, $0x1;
	s10 =	sld [smem:$0x3FAF];
	_ =	sdelay $0x3  }
0x34: {  	[smem:$0x3FAF] =	sst s10  }
0x35: {  	s10 =	sld [smem:$0x3FAE];
	_ =	sdelay $0x3  }
0x36: {  	p1 =	seq.s32 s10, $0x1;
	s10 =	sld [smem:$0x3FAF];
	_ =	sdelay $0x3  }
0x37: {  	[smem:$0x3FAF] =	sst s10  }
0x38: {  	s10 =	sld [smem:$0x3FB0]  }
0x39: {  	_ = 	snop;
	(pc) =	sbr.ind lr, $3  }
0x3a: {  	_ = 	snop  }
0x3b: {  	_ = 	snop  }
0x3c: {  	p2 =	seq.s32 s10, $0x1;
	s10 =	sld [smem:$0x3FAF]  }
0x3d: {  	_ =	shalt  }
0x3e: {  	_ =	shalt  }
0x3f: {  	_ =	shalt  }
0x40: {  	_ =	shalt  }
0x41: {  	_ =	shalt  }
0x42: {  	_ =	shalt  }
0x43: {  	_ =	shalt  }
0x44: {  	_ =	shalt  }
0x45: {  	_ =	shalt  }
0x46: {  	_ =	shalt  }
0x47: {  	_ =	shalt  }
0x48: {  	_ =	shalt  }
0x49: {  	_ =	shalt  }
0x4a: {  	_ =	shalt  }
0x4b: {  	_ =	shalt  }
0x4c: {  	_ =	shalt  }
0x4d: {  	_ =	shalt  }
0x4e: {  	_ =	shalt  }
0x4f: {  	_ =	shalt  }
0x50: {  	_ =	shalt  }
0x51: {  	_ =	shalt  }
0x52: {  	_ =	shalt  }
0x53: {  	_ =	shalt  }
0x54: {  	_ =	shalt  }
0x55: {  	_ =	shalt  }
0x56: {  	_ =	shalt  }
0x57: {  	_ =	shalt  }
0x58: {  	_ =	shalt  }
0x59: {  	_ =	shalt  }
0x5a: {  	_ =	shalt  }
0x5b: {  	_ =	shalt  }
0x5c: {  	_ =	shalt  }
0x5d: {  	_ =	shalt  }
0x5e: {  	_ =	shalt  }
0x5f: {  	_ =	shalt  }
0x60: {  	_ =	shalt  }
0x61: {  	_ =	shalt  }
0x62: {  	_ =	shalt  }
0x63: {  	_ =	shalt  }
0x64: {  	_ =	shalt  }
0x65: {  	_ =	shalt  }
0x66: {  	_ =	shalt  }
0x67: {  	_ =	shalt  }
0x68: {  	_ =	shalt  }
0x69: {  	_ =	shalt  }
0x6a: {  	_ =	shalt  }
0x6b: {  	_ =	shalt  }
0x6c: {  	_ =	shalt  }
0x6d: {  	_ =	shalt  }
0x6e: {  	_ =	shalt  }
0x6f: {  	_ =	shalt  }
0x70: {  	_ =	shalt  }
0x71: {  	_ =	shalt  }
0x72: {  	_ =	shalt  }
0x73: {  	_ =	shalt  }
0x74: {  	_ =	shalt  }
0x75: {  	_ =	shalt  }
0x76: {  	_ =	shalt  }
0x77: {  	_ =	shalt  }
0x78: {  	_ =	shalt  }
0x79: {  	_ =	shalt  }
0x7a: {  	_ =	shalt  }
0x7b: {  	_ =	shalt  }
0x7c: {  	_ =	shalt  }
0x7d: {  	_ =	shalt  }
0x7e: {  	_ =	shalt  }
0x7f: {  	_ =	shalt  }
0x80: {  	_ =	shalt  }
0x81: {  	_ =	shalt  }
0x82: {  	_ =	shalt  }
0x83: {  	_ =	shalt  }
0x84: {  	_ =	shalt  }
0x85: {  	_ =	shalt  }
0x86: {  	_ =	shalt  }
0x87: {  	_ =	shalt  }
.Lfunc_end0:
.L_simem_size_0:
called_computation_lowered:
.L_overlay_start_0:
0x88: {  	s2 =	sld [smem:$0x3FD9]  }
0x89: {  	s3 =	sld [smem:$0x3FFE];
	_ =	sdelay $0x1  }
0x8a: {  	s1 =	srdreg.scid  }
0x8b: {  	s0 =	sand.u32 $0x1, s1  }
0x8c: {  	s15 =	sshll.u32 s0, $0xA;
	s2 =	sadd.s32 s3, s2  }
0x8d: {  	s2 =	sadd.s32 s2, s15  }
0x8e: {  	[smem:$0x3FBB] =	sst s2  }
0x8f: {  	_ = 	snop  }
0x90: {  	(tm) =	ssettm $0x1  }
0x91: {  	s16 =	sld [smem:$0x3FFB];
	_ =	sdelay $0x3  }
0x92: {  	_ =	strace s16  }
0x93: {  	s2 =	sld [smem:$0x3FFC];
	_ =	sdelay $0x3  }
0x94: {  	_ =	strace s2  }
0x95: {  	s2 =	sld [smem:$0x3FFD];
	_ =	sdelay $0x3  }
0x96: {  	_ =	strace s2  }
0x97: {  	_ =	strace $0x8FFFFFFF  }
0x98: {  	s17 =	sld [smem:$0x3FDB];
	_ =	sdelay $0x1  }
0x99: {  	s18 =	simm.s32 $_scs_section_size  }
0x9a: {  	s4 =	simm.s32 $_size__tile_overlayer_lowered;
	s5 =	simm.s32 $_tile_overlayer_lowered  }
0x9b: {  	s6 =	simm.s32 $0x1BFF;
	s19 =	sshll.u32 s5, $0x1;
	s3 =	sadd.s32 s18, s17  }
0x9c: {  	s20 =	simm.s32 $0x0;
	s4 =	sshll.u32 s4, $0x1;
	s5 =	sadd.s32 s19, s3  }
0x9d: {  	[timem:s20], [sflag:s6] =	dma.local [hbm:s5], s4  }
0x9e: {  	_ =	swait.ge [sflag:s6], s4  }
0x9f: {  	s4 =	ssub.s32 $0x0, s4;
	[sflag:s6] =	ssyncset.done $0x0  }
0xa0: {  	[sflag:s6] =	ssyncadd.s32 s4;
	_ =	sdelay $0x1  }
0xa1: {  	s21 =	simm.s32 $0x1B8B  }
0xa2: {  	_ =	swait.ge [sflag:s21], $0x1  }
0xa3: {  	[sflag:s21] =	ssyncset.done $0x0  }
0xa4: {  	s22 =	sld [smem:$0x3FFE];
	[sflag:s21] =	ssyncadd.s32 $0xFFFFFFFF  }
0xa5: {  	s24 =	simm.s32 $0x1B8E;
	s23 =	sld [smem:$0x0]  }
0xa6: {  	s25 =	simm.s32 $execute0_lowered;
	[smem:$0x3FD2] =	sst s24  }
0xa7: {  	s6 =	sshll.u32 s25, $0x1;
	_ =	strace $0x80000052;
	[dreg:$0x1] =	wrdreg $0xFFFFFFFF  }
0xa8: {  	s7 =	simm.s32 $_size_execute0_lowered;
	s6 =	sadd.s32 s3, s6;
	[dreg:$0x0] =	wrdreg $0x0  }
0xa9: {  	s7 =	sshll.u32 s7, $0x1;
	[dreg:$0x2] =	wrdreg s6  }
0xaa: {  	[dreg:$0x3] =	wrdreg s7  }
0xab: {  	[dreg:$0x4] =	wrdreg $0xC0  }
0xac: {  	s26 =	simm.s32 $execute1_lowered;
	_ =	task [dreg:s20], $0x5FFFF  }
0xad: {  	s6 =	sshll.u32 s26, $0x1;
	[dreg:$0x1] =	wrdreg $0xFFFFFFFF  }
0xae: {  	s3 =	sadd.s32 s3, s6;
	[dreg:$0x0] =	wrdreg $0x60  }
0xaf: {  	[dreg:$0x2] =	wrdreg s3  }
0xb0: {  	[dreg:$0x3] =	wrdreg s22  }
0xb1: {  	[dreg:$0x4] =	wrdreg $0x9  }
0xb2: {  	_ =	task.clear_ibuf [dreg:s20], $0x5FFFF;
	_ =	strace $0x90000052  }
0xb3: {  	s28 =	simm.s32 $0x9;
	_ =	strace $0x80000054  }
0xb4: {  	_ =	swait.ge [sflag:s28], $0x1  }
0xb5: {  	[sflag:s28] =	ssyncadd.s32 $0xFFFFFFFF  }
0xb6: {  	_ =	strace $0x90000054  }
0xb7: {  	s3 =	sld [smem:$0x0]  }
0xb8: {  	s6 =	sand.u32 $0xFFFFFFFE, s1  }
0xb9: {  	p0 =	sne.s32 s1, s6  }
0xba: {  	s6 =	sshll.u32 @p0 s6, $0xE  }
0xbb: {  	s6 =	sadd.s32 @p0 $0x11BF3, s6;
	s7 =	sshll.u32 @p0 s3, $0x11  }
0xbc: {  	s6 =	sor.u32 @p0 s7, s6  }
0xbd: {  	[sflag:s6] =	ssyncadd.remote.s32 @p0 $0x1;
	_ =	sdelay $0x1  }
0xbe: {  	s6 =	simm.s32 @p0 $0x1BF3  }
0xbf: {  	_ =	swait.eq @p0 [sflag:s6], $0x1  }
0xc0: {  	[sflag:s6] =	ssyncadd.s32 @p0 $0xFFFFFFFF  }
0xc1: {  	s7 =	sshll.u32 @!p0 s1, $0xE  }
0xc2: {  	s7 =	sor.u32 @!p0 $0x4000, s7;
	s6 =	simm.s32 @!p0 $0x1BF3  }
0xc3: {  	s3 =	sshll.u32 @!p0 s3, $0x11;
	s7 =	sadd.s32 @!p0 $0x11BF3, s7;
	_ =	swait.eq @!p0 [sflag:s6], $0x1  }
0xc4: {  	s3 =	sor.u32 @!p0 s3, s7;
	[sflag:s6] =	ssyncadd.s32 @!p0 $0xFFFFFFFF  }
0xc5: {  	[sflag:s3] =	ssyncadd.remote.s32 @!p0 $0x1  }
0xc6: {  	_ =	strace $0x80000055;
	[dreg:$0x1] =	wrdreg $0xFFFFFFFF  }
0xc7: {  	[dreg:$0x0] =	wrdreg $0x2030  }
0xc8: {  	[dreg:$0x2] =	wrdreg s22  }
0xc9: {  	[dreg:$0x3] =	wrdreg s1  }
0xca: {  	[dreg:$0x4] =	wrdreg s23  }
0xcb: {  	[dreg:$0x5] =	wrdreg $0xA  }
0xcc: {  	_ =	task.clear_ibuf [dreg:s20], $0x6FFFF;
	_ =	strace $0x90000055  }
0xcd: {  	s29 =	simm.s32 $0xA;
	_ =	strace $0x80000057  }
0xce: {  	_ =	swait.ge [sflag:s29], $0x1  }
0xcf: {  	[sflag:s29] =	ssyncadd.s32 $0xFFFFFFFF  }
0xd0: {  	_ =	strace $0x90000057  }
0xd1: {  	_ =	sfence  }
0xd2: {  	s30 =	sld [smem:$0x0];
	_ =	sdelay $0x2  }
0xd3: {  	s31 =	sshll.u32 s1, $0xD;
	s1 =	sshrl.u32 s1, $0x2  }
0xd4: {  	s4 =	sand.u32 $0x4000, s31;
	s1 =	sadd.s32 s1, s30  }
0xd5: {  	s0 =	sor.u32 s4, s0;
	s1 =	sshll.u32 s1, $0x11  }
0xd6: {  	s0 =	sor.u32 s1, s0  }
0xd7: {  	s0 =	sadd.s32 $0x8F2B, s0  }
0xd8: {  	[sflag:s0] =	ssyncadd.remote.s32 $0x1  }
0xd9: {  	_ =	sfence.sel $0xFFFF  }
0xda: {  	[dreg:$0x0] =	wrdreg $0xFFFFFFFF;
	(pc) =	sbr.abs _section_cstart, $3  }
0xdb: {  	[dreg:$0x1] =	wrdreg $0xFFFFFFFF  }
0xdc: {  	_ =	task.clear_ibuf [dreg:s20], $0x2FFFF;
	_ =	strace $0x9FFFFFFF  }
0xdd: {  	(tm) =	ssettm $0x7FFFFFFF  }
tec
execute0_lowered:
.L_overlay_start_1:
0x0: {  	(tag) =	ssettag $0x1  }
0x1: {  	s2 =	rddreg [dreg:$0x0]  }
0x2: {  	s5 =	rddreg [dreg:$0x1]  }
0x3: {  	s0 =	rddreg [dreg:$0x2];
	s3 =	stileid.u32;
	[bflag:$0x3] =	sbarrier.arrive $0xFFFF  }
0x4: {  	s1 =	simm.s32 $_size_execute1_lowered;
	s29 =	srdreg.scid;
	s31 =	simm.s32 $0x2  }
0x5: {  	s13 =	simm.s32 $0x0;
	s8 =	simm.s32 $0x20;
	p0 =	sne.s32 s3, $0x0  }
0x6: {  	s1 =	sshll.u32 s1, $0x1;
	s4 =	simm.s32 @!p0 $0x1C3F;
	s6 =	simm.s32 @!p0 $0x4060  }
0x7: {  	[timem:s6], [sflag:s4] =	dma.local @!p0 [hbm:s2], s1  }
0x8: {  	s9 =	simm.s32 $0x80;
	s11 =	simm.s32 $0x0;
	s2 =	sshll.u32 s29, $0x9  }
.Ltmp0:
0x9: {  	s3 =	sshll.u32 s3, $0xA;
	s30 =	sand.u32 $0x200, s2;
	(pc) =	sbr.rel .LBB2_1-.Ltmp0, $4  }
0xa: {  	s12 =	simm.s32 $0x0;
	_ =	strace $0x80000053;
	s3 =	sor.u32 s3, s30  }
0xb: {  	s4 =	simm.s32 $0x1;
	s2 =	sadd.s32 $0x869A00, s5;
	s7 =	ssub.s32 $0x18600, s3  }
0xc: {  	s5 =	sadd.s32 $0x9F0400, s5;
	[sflag:s4] =	ssyncpa.u1 $0x0;
	s6 =	sshrl.u32 s7, $0xE  }
0xd: {  	[sflag:s31] =	ssyncpa.u1 $0x0;
	s10 =	smov.u32 s3;
	s7 =	sadd.s32 $0x2, s6  }
.LBB2_5:
0xe: {  	_ =	sdelay $0x3  }
0xf: {  	[tilespmem:v1+s16+$0x0 ss:$0x1] =	vst.idx.msk $0xffff, v2  }
.LBB2_6:
0x10: {  	s16 =	sand.u32 $0x1FFFFFF, s11  }
0x11: {  	s17 =	smulhi.u32 $0x14F8B59, s16;
	_ =	sdelay $0x1  }
0x12: {  	s17 =	sshrl.u32 s17, $0x9  }
0x13: {  	s17 =	smul.u32 $0x186A0, s17;
	_ =	sdelay $0x1  }
0x14: {  	s16 =	ssub.s32 s16, s17  }
0x15: {  	s16 =	sshll.u32 s16, $0x4  }
0x16: {  	s16 =	sadd.s32 s5, s16  }
0x17: {  	[hbm4b:s16+s8] =	stream.strided.scatter [tilespmem:s15], [sflag:$0x2], s14, s9, s8, $0x38;
	[tilespmem:$0x10000] =	vst v63  }
.LBB2_7:
0x18: {  	p1 =	slt.u32 s12, $0x2  }
0x19: {  	p2 =	sgt.s32 @!p1 s13, $0x184A0  }
0x1a: {  	s14 =	smov.u32 s13;
	s15 =	sshra.s32 @!p1 s13, $0x1F;
	p2 =	por !p2, p1  }
0x1b: {  	s13 =	sand.u32 @!p1 s15, s13;
	s14 =	simm.s32 @p2 $0x184A0  }
0x1c: {  	s13 =	ssub.s32 @!p1 s14, s13  }
0x1d: {  	s13 =	sadd.s32 @!p1 $0xFFFE7B60, s13  }
0x1e: {  	s14 =	sshll.u32 @!p1 s13, $0x7  }
0x1f: {  	p2 =	sgt.s32 @!p1 s13, $0x1FF;
	s13 =	ssub.s32 @!p1 $0x10000, s14  }
0x20: {  	s15 =	sadd.s32 $0x4000, s10;
	p2 =	por !p2, p1;
	s13 =	sshrl.u32 @!p1 s13, $0x2  }
0x21: {  	s13 =	simm.s32 @!p2 $0x0;
	p2 =	sgt.s32 s15, $0x1869F  }
0x22: {  	s15 =	smov.u32 @p2 s3;
	p2 =	sne.s32 s12, s7  }
.Ltmp1:
0x23: {  	_ = 	snop;
	(pc) =	sbr.rel @!p2 .LBB2_8-.Ltmp1, $4  }
0x24: {  	s14 =	simm.s32 @!p1 $0x2  }
0x25: {  	_ =	swait.ge @!p1 [sflag:s14], s13;
	s16 =	ssub.s32 @!p1 $0x0, s13  }
0x26: {  	s13 =	smov.u32 s11;
	s12 =	sadd.s32 $0x1, s12;
	[sflag:s14] =	ssyncset.done @!p1 $0x0  }
0x27: {  	s11 =	smov.u32 s10;
	s10 =	smov.u32 s15;
	[sflag:s14] =	ssyncadd.s32 @!p1 s16  }
.LBB2_1:
0x28: {  	p1 =	sgt.u32 s12, s6  }
0x29: {  	s15 =	smov.u32 s10;
	p2 =	sgt.s32 @!p1 s10, $0x184A0  }
0x2a: {  	s14 =	sand.u32 @!p1 $0x1FFFFFF, s10;
	s16 =	sshra.s32 @!p1 s10, $0x1F;
	p2 =	por !p2, p1  }
0x2b: {  	s17 =	smulhi.u32 @!p1 $0x14F8B59, s14;
	s16 =	sand.u32 @!p1 s16, s10;
	s15 =	simm.s32 @p2 $0x184A0  }
0x2c: {  	s15 =	ssub.s32 @!p1 s15, s16  }
0x2d: {  	s16 =	sshrl.u32 @!p1 s17, $0x9;
	s15 =	sadd.s32 @!p1 $0xFFFE7B60, s15  }
0x2e: {  	s17 =	sxor.u32 @!p1 $0xFFFFFFFF, s12;
	s16 =	smul.u32 @!p1 $0x186A0, s16;
	s18 =	sshll.u32 @!p1 s15, $0x7  }
0x2f: {  	s17 =	sshll.u32 @!p1 s17, $0xE;
	p2 =	sgt.s32 @!p1 s15, $0x1FF;
	s15 =	ssub.s32 @!p1 $0x10000, s18  }
0x30: {  	s14 =	ssub.s32 @!p1 s14, s16;
	p2 =	por !p2, p1;
	s16 =	sand.u32 @!p1 $0x4000, s17  }
0x31: {  	s17 =	simm.s32 @!p1 $0x20;
	s15 =	sshrl.u32 @!p1 s15, $0x2;
	s14 =	sshll.u32 @!p1 s14, $0x4  }
0x32: {  	s18 =	simm.s32 @!p1 $0x80;
	s15 =	simm.s32 @!p2 $0x0;
	s14 =	sadd.s32 @!p1 s2, s14  }
0x33: {  	[tilespmem:s16], [sflag:$0x1] =	stream.strided.gather @!p1 [hbm4b:s14+s17], s15, s18, s17, $0x38;
	[tilespmem:$0x10000] =	vst v63  }
0x34: {  	p1 =	seq.s32 s12, $0x0  }
0x35: {  	p2 =	sge.u32 @!p1 s12, s7  }
0x36: {  	p1 =	por p1, p2  }
.Ltmp2:
0x37: {  	_ = 	snop;
	(pc) =	sbr.rel @p1 .LBB2_7-.Ltmp2, $1  }
0x38: {  	_ =	sdelay $0x3  }
0x39: {  	p1 =	sgt.s32 s11, $0x184A0;
	s14 =	smov.u32 s11;
	s15 =	sshra.s32 s11, $0x1F  }
0x3a: {  	s14 =	simm.s32 @!p1 $0x184A0;
	s15 =	sand.u32 s15, s11  }
0x3b: {  	s14 =	ssub.s32 s14, s15  }
0x3c: {  	s14 =	sadd.s32 $0xFFFE7B60, s14  }
0x3d: {  	s31 =	sshll.u32 s14, $0x7  }
0x3e: {  	s15 =	ssub.s32 $0x10000, s31  }
0x3f: {  	p1 =	sgt.s32 s14, $0x1FF;
	s14 =	sshrl.u32 s15, $0x2;
	s15 =	sadd.s32 $0x200, s11  }
0x40: {  	s14 =	simm.s32 @p1 $0x0;
	p1 =	slt.s32 s15, $0x186A0  }
0x41: {  	s15 =	simm.s32 @!p1 $0x186A0  }
0x42: {  	s17 =	ssub.s32 s15, s11  }
0x43: {  	p1 =	slt.s32 s17, $0x1  }
.Ltmp3:
0x44: {  	_ = 	snop;
	(pc) =	sbr.rel @p1 .LBB2_6-.Ltmp3, $4  }
0x45: {  	_ = 	snop  }
0x46: {  	s16 =	sshll.u32 s12, $0xE;
	_ =	swait.ge [sflag:s4], s14  }
0x47: {  	s16 =	sand.u32 $0x4000, s16;
	s18 =	ssub.s32 $0x0, s14;
	[sflag:s4] =	ssyncset.done $0x0  }
0x48: {  	s15 =	sor.u32 $0x8000, s16;
	[sflag:s4] =	ssyncadd.s32 s18  }
0x49: {  	v0 =	vmov s16;
	_ =	sdelay $0x2  }
0x4a: {  	s31 =	simm.s32 $0x0;
	p1 =	sne.s32 s17, $0x1  }
.Ltmp4:
0x4b: {  	s16 =	sand.u32 $0x3FE0, s31;
	(pc) =	sbr.rel @!p1 .LBB2_5-.Ltmp4, $2  }
0x4c: {  	v1 =	vmov s15;
	v2 =	vld.idx.msk [tilespmem:v0+s16+$0x0 ss:$0x1], $0xffff;
	_ =	sdelay $0x2  }
0x4d: {  	s17 =	sadd.s32 $0xFFFFFFFF, s17;
	s18 =	simm.s32 $0x20  }
.LBB2_4:
0x4e: {  	s19 =	sand.u32 $0x3FE0, s18;
	p1 =	sne.s32 s17, $0x1;
	s17 =	sadd.s32 $0xFFFFFFFF, s17  }
.Ltmp5:
0x4f: {  	[tilespmem:v1+s16+$0x0 ss:$0x1] =	vst.idx.msk $0xffff, v2;
	v2 =	vld.idx.msk [tilespmem:v0+s19+$0x0 ss:$0x1], $0xffff;
	s16 =	smov.u32 s19;
	(pc) =	sbr.rel @p1 .LBB2_4-.Ltmp5, $2  }
0x50: {  	_ =	sdelay $0x2  }
0x51: {  	s18 =	sadd.s32 $0x20, s18  }
.Ltmp6:
0x52: {  	_ = 	snop;
	(pc) =	sbr.rel .LBB2_5-.Ltmp6, $1  }
0x53: {  	_ =	sdelay $0x3  }
.LBB2_8:
0x54: {  	_ =	sfence.sel $0x180000  }
0x55: {  	s2 =	simm.s32 $0x1;
	[bflag:$0x0] =	sbarrier.arrive $0xFFFF  }
0x56: {  	s31 =	simm.s32 $0x2;
	[sflag:s2] =	ssyncpa.u1 $0x1  }
0x57: {  	[sflag:s31] =	ssyncpa.u1 $0x1  }
0x58: {  	_ =	strace $0x90000053  }
0x59: {  	s0 =	sadd.s32 @!p0 $0x100000, s0;
	[bflag:$0x2] =	sbarrier.arrive $0xFFFF  }
0x5a: {  	[sflag:s0] =	ssyncadd.tile.s32 @!p0 $0x1;
	s0 =	simm.s32 @!p0 $0x3F  }
0x5b: {  	_ =	swait.ge @!p0 [sflag:s0], s1  }
0x5c: {  	s1 =	ssub.s32 @!p0 $0x0, s1;
	[sflag:s0] =	ssyncset.done @!p0 $0x0  }
0x5d: {  	[sflag:s0] =	ssyncadd.s32 @!p0 s1  }
0x5e: {  	[bflag:$0x3] =	sbarrier.arrive $0xFFFF  }
0x5f: {  	_ =	shalt  }
.Lfunc_end2:
execute1_lowered:
.L_overlay_start_2:
0x60: {  	(tag) =	ssettag $0x2  }
0x61: {  	s11 =	rddreg [dreg:$0x0]  }
0x62: {  	s1 =	rddreg [dreg:$0x1];
	_ =	strace $0x80000056;
	s12 =	simm.s32 $0x1  }
0x63: {  	v0 =	vimm.s32 $0x0;
	[sflag:s12] =	ssyncpa.u1 $0x0  }
0x64: {  	[tilespmem:$0x28] =	vst v0  }
0x65: {  	[tilespmem:$0x38] =	vst v0  }
0x66: {  	[tilespmem:$0x48] =	vst v0  }
0x67: {  	[tilespmem:$0x58] =	vst v0  }
0x68: {  	[tilespmem:$0x68] =	vst v0  }
0x69: {  	[tilespmem:$0x78] =	vst v0  }
0x6a: {  	[tilespmem:$0x88] =	vst v0  }
0x6b: {  	[tilespmem:$0x98] =	vst v0  }
0x6c: {  	[tilespmem:$0xA8] =	vst v0  }
0x6d: {  	[tilespmem:$0xB8] =	vst v0  }
0x6e: {  	[tilespmem:$0xC8] =	vst v0  }
0x6f: {  	[tilespmem:$0xD8] =	vst v0  }
0x70: {  	[tilespmem:$0xE8] =	vst v0  }
0x71: {  	[tilespmem:$0xF8] =	vst v0  }
0x72: {  	[tilespmem:$0x108] =	vst v0  }
0x73: {  	[tilespmem:$0x118] =	vst v0  }
0x74: {  	[tilespmem:$0x128] =	vst v0  }
0x75: {  	[tilespmem:$0x138] =	vst v0  }
0x76: {  	[tilespmem:$0x148] =	vst v0  }
0x77: {  	[tilespmem:$0x158] =	vst v0  }
0x78: {  	[tilespmem:$0x168] =	vst v0  }
0x79: {  	[tilespmem:$0x178] =	vst v0  }
0x7a: {  	[tilespmem:$0x188] =	vst v0  }
0x7b: {  	[tilespmem:$0x198] =	vst v0  }
0x7c: {  	[tilespmem:$0x1A8] =	vst v0  }
0x7d: {  	[tilespmem:$0x1B8] =	vst v0  }
0x7e: {  	[tilespmem:$0x1C8] =	vst v0  }
0x7f: {  	[tilespmem:$0x1D8] =	vst v0  }
0x80: {  	[tilespmem:$0x1E8] =	vst v0  }
0x81: {  	[tilespmem:$0x1F8] =	vst v0  }
0x82: {  	[tilespmem:$0x208] =	vst v0  }
0x83: {  	[tilespmem:$0x218] =	vst v0  }
0x84: {  	[tilespmem:$0x228] =	vst v0  }
0x85: {  	[tilespmem:$0x238] =	vst v0  }
0x86: {  	[tilespmem:$0x248] =	vst v0  }
0x87: {  	[tilespmem:$0x258] =	vst v0  }
0x88: {  	[tilespmem:$0x268] =	vst v0  }
0x89: {  	[tilespmem:$0x278] =	vst v0  }
0x8a: {  	[tilespmem:$0x288] =	vst v0  }
0x8b: {  	[tilespmem:$0x298] =	vst v0  }
0x8c: {  	[tilespmem:$0x2A8] =	vst v0  }
0x8d: {  	[tilespmem:$0x2B8] =	vst v0  }
0x8e: {  	[tilespmem:$0x2C8] =	vst v0  }
0x8f: {  	[tilespmem:$0x2D8] =	vst v0  }
0x90: {  	[tilespmem:$0x2E8] =	vst v0  }
0x91: {  	[tilespmem:$0x2F8] =	vst v0  }
0x92: {  	[tilespmem:$0x308] =	vst v0  }
0x93: {  	[tilespmem:$0x318] =	vst v0  }
0x94: {  	[tilespmem:$0x328] =	vst v0  }
0x95: {  	[tilespmem:$0x338] =	vst v0  }
0x96: {  	[tilespmem:$0x348] =	vst v0  }
0x97: {  	[tilespmem:$0x358] =	vst v0  }
0x98: {  	[tilespmem:$0x368] =	vst v0  }
0x99: {  	[tilespmem:$0x378] =	vst v0  }
0x9a: {  	[tilespmem:$0x388] =	vst v0  }
0x9b: {  	[tilespmem:$0x398] =	vst v0  }
0x9c: {  	[tilespmem:$0x3A8] =	vst v0  }
0x9d: {  	[tilespmem:$0x3B8] =	vst v0  }
0x9e: {  	[tilespmem:$0x3C8] =	vst v0  }
0x9f: {  	[tilespmem:$0x3D8] =	vst v0  }
0xa0: {  	[tilespmem:$0x3E8] =	vst v0  }
0xa1: {  	[tilespmem:$0x3F8] =	vst v0  }
0xa2: {  	[tilespmem:$0x408] =	vst v0  }
0xa3: {  	[tilespmem:$0x418] =	vst v0  }
0xa4: {  	[tilespmem:$0x428] =	vst v0  }
0xa5: {  	[tilespmem:$0x438] =	vst v0  }
0xa6: {  	[tilespmem:$0x448] =	vst v0  }
0xa7: {  	[tilespmem:$0x458] =	vst v0  }
0xa8: {  	[tilespmem:$0x468] =	vst v0  }
0xa9: {  	[tilespmem:$0x478] =	vst v0  }
0xaa: {  	[tilespmem:$0x488] =	vst v0  }
0xab: {  	[tilespmem:$0x498] =	vst v0  }
0xac: {  	[tilespmem:$0x4A8] =	vst v0  }
0xad: {  	[tilespmem:$0x4B8] =	vst v0  }
0xae: {  	[tilespmem:$0x4C8] =	vst v0  }
0xaf: {  	[tilespmem:$0x4D8] =	vst v0  }
0xb0: {  	[tilespmem:$0x4E8] =	vst v0  }
0xb1: {  	[tilespmem:$0x4F8] =	vst v0  }
0xb2: {  	[tilespmem:$0x508] =	vst v0  }
0xb3: {  	[tilespmem:$0x518] =	vst v0  }
0xb4: {  	[tilespmem:$0x528] =	vst v0  }
0xb5: {  	[tilespmem:$0x538] =	vst v0  }
0xb6: {  	[tilespmem:$0x548] =	vst v0  }
0xb7: {  	[tilespmem:$0x558] =	vst v0  }
0xb8: {  	[tilespmem:$0x568] =	vst v0  }
0xb9: {  	[tilespmem:$0x578] =	vst v0  }
0xba: {  	[tilespmem:$0x588] =	vst v0  }
0xbb: {  	[tilespmem:$0x598] =	vst v0  }
0xbc: {  	[tilespmem:$0x5A8] =	vst v0  }
0xbd: {  	[tilespmem:$0x5B8] =	vst v0  }
0xbe: {  	[tilespmem:$0x5C8] =	vst v0  }
0xbf: {  	[tilespmem:$0x5D8] =	vst v0  }
0xc0: {  	[tilespmem:$0x5E8] =	vst v0  }
0xc1: {  	[tilespmem:$0x5F8] =	vst v0  }
0xc2: {  	[tilespmem:$0x608] =	vst v0  }
0xc3: {  	[tilespmem:$0x618] =	vst v0  }
0xc4: {  	[tilespmem:$0x628] =	vst v0  }
0xc5: {  	[tilespmem:$0x638] =	vst v0  }
0xc6: {  	[tilespmem:$0x648] =	vst v0  }
0xc7: {  	[tilespmem:$0x658] =	vst v0  }
0xc8: {  	[tilespmem:$0x668] =	vst v0  }
0xc9: {  	[tilespmem:$0x678] =	vst v0  }
0xca: {  	[tilespmem:$0x688] =	vst v0  }
0xcb: {  	[tilespmem:$0x698] =	vst v0  }
0xcc: {  	[tilespmem:$0x6A8] =	vst v0  }
0xcd: {  	[tilespmem:$0x6B8] =	vst v0  }
0xce: {  	[tilespmem:$0x6C8] =	vst v0  }
0xcf: {  	[tilespmem:$0x6D8] =	vst v0  }
0xd0: {  	[tilespmem:$0x6E8] =	vst v0  }
0xd1: {  	[tilespmem:$0x6F8] =	vst v0  }
0xd2: {  	[tilespmem:$0x708] =	vst v0  }
0xd3: {  	[tilespmem:$0x718] =	vst v0  }
0xd4: {  	[tilespmem:$0x728] =	vst v0  }
0xd5: {  	[tilespmem:$0x738] =	vst v0  }
0xd6: {  	[tilespmem:$0x748] =	vst v0  }
0xd7: {  	[tilespmem:$0x758] =	vst v0  }
0xd8: {  	[tilespmem:$0x768] =	vst v0  }
0xd9: {  	[tilespmem:$0x778] =	vst v0  }
0xda: {  	[tilespmem:$0x788] =	vst v0  }
0xdb: {  	[tilespmem:$0x798] =	vst v0  }
0xdc: {  	[tilespmem:$0x7A8] =	vst v0  }
0xdd: {  	[tilespmem:$0x7B8] =	vst v0  }
0xde: {  	[tilespmem:$0x7C8] =	vst v0  }
0xdf: {  	[tilespmem:$0x7D8] =	vst v0  }
0xe0: {  	[tilespmem:$0x7E8] =	vst v0  }
0xe1: {  	[tilespmem:$0x7F8] =	vst v0  }
0xe2: {  	[tilespmem:$0x808] =	vst v0  }
0xe3: {  	[tilespmem:$0x818] =	vst v0  }
0xe4: {  	[tilespmem:$0x828] =	vst v0  }
0xe5: {  	[tilespmem:$0x838] =	vst v0  }
0xe6: {  	[tilespmem:$0x848] =	vst v0  }
0xe7: {  	[tilespmem:$0x858] =	vst v0  }
0xe8: {  	[tilespmem:$0x868] =	vst v0  }
0xe9: {  	[tilespmem:$0x878] =	vst v0  }
0xea: {  	[tilespmem:$0x888] =	vst v0  }
0xeb: {  	[tilespmem:$0x898] =	vst v0  }
0xec: {  	[tilespmem:$0x8A8] =	vst v0  }
0xed: {  	[tilespmem:$0x8B8] =	vst v0  }
0xee: {  	[tilespmem:$0x8C8] =	vst v0  }
0xef: {  	[tilespmem:$0x8D8] =	vst v0  }
0xf0: {  	[tilespmem:$0x8E8] =	vst v0  }
0xf1: {  	[tilespmem:$0x8F8] =	vst v0  }
0xf2: {  	[tilespmem:$0x908] =	vst v0  }
0xf3: {  	[tilespmem:$0x918] =	vst v0  }
0xf4: {  	[tilespmem:$0x928] =	vst v0  }
0xf5: {  	[tilespmem:$0x938] =	vst v0  }
0xf6: {  	[tilespmem:$0x948] =	vst v0  }
0xf7: {  	[tilespmem:$0x958] =	vst v0  }
0xf8: {  	[tilespmem:$0x968] =	vst v0  }
0xf9: {  	[tilespmem:$0x978] =	vst v0  }
0xfa: {  	[tilespmem:$0x988] =	vst v0  }
0xfb: {  	[tilespmem:$0x998] =	vst v0  }
0xfc: {  	[tilespmem:$0x9A8] =	vst v0  }
0xfd: {  	[tilespmem:$0x9B8] =	vst v0  }
0xfe: {  	[tilespmem:$0x9C8] =	vst v0  }
0xff: {  	[tilespmem:$0x9D8] =	vst v0  }
0x100: {  	[tilespmem:$0x9E8] =	vst v0  }
0x101: {  	[tilespmem:$0x9F8] =	vst v0  }
0x102: {  	[tilespmem:$0xA08] =	vst v0  }
0x103: {  	[tilespmem:$0xA18] =	vst v0  }
0x104: {  	[tilespmem:$0xA28] =	vst v0  }
0x105: {  	[tilespmem:$0xA38] =	vst v0  }
0x106: {  	[tilespmem:$0xA48] =	vst v0  }
0x107: {  	[tilespmem:$0xA58] =	vst v0  }
0x108: {  	[tilespmem:$0xA68] =	vst v0  }
0x109: {  	[tilespmem:$0xA78] =	vst v0  }
0x10a: {  	[tilespmem:$0xA88] =	vst v0  }
0x10b: {  	[tilespmem:$0xA98] =	vst v0  }
0x10c: {  	[tilespmem:$0xAA8] =	vst v0  }
0x10d: {  	[tilespmem:$0xAB8] =	vst v0  }
0x10e: {  	[tilespmem:$0xAC8] =	vst v0  }
0x10f: {  	[tilespmem:$0xAD8] =	vst v0  }
0x110: {  	[tilespmem:$0xAE8] =	vst v0  }
0x111: {  	[tilespmem:$0xAF8] =	vst v0  }
0x112: {  	[tilespmem:$0xB08] =	vst v0  }
0x113: {  	[tilespmem:$0xB18] =	vst v0  }
0x114: {  	[tilespmem:$0xB28] =	vst v0  }
0x115: {  	[tilespmem:$0xB38] =	vst v0  }
0x116: {  	[tilespmem:$0xB48] =	vst v0  }
0x117: {  	[tilespmem:$0xB58] =	vst v0  }
0x118: {  	[tilespmem:$0xB68] =	vst v0  }
0x119: {  	[tilespmem:$0xB78] =	vst v0  }
0x11a: {  	[tilespmem:$0xB88] =	vst v0  }
0x11b: {  	[tilespmem:$0xB98] =	vst v0  }
0x11c: {  	[tilespmem:$0xBA8] =	vst v0  }
0x11d: {  	[tilespmem:$0xBB8] =	vst v0  }
0x11e: {  	[tilespmem:$0xBC8] =	vst v0  }
0x11f: {  	[tilespmem:$0xBD8] =	vst v0  }
0x120: {  	[tilespmem:$0xBE8] =	vst v0  }
0x121: {  	[tilespmem:$0xBF8] =	vst v0  }
0x122: {  	[tilespmem:$0xC08] =	vst v0  }
0x123: {  	[tilespmem:$0xC18] =	vst v0  }
0x124: {  	[tilespmem:$0xC28] =	vst v0  }
0x125: {  	[tilespmem:$0xC38] =	vst v0  }
0x126: {  	[tilespmem:$0xC48] =	vst v0  }
0x127: {  	[tilespmem:$0xC58] =	vst v0  }
0x128: {  	[tilespmem:$0xC68] =	vst v0  }
0x129: {  	[tilespmem:$0xC78] =	vst v0  }
0x12a: {  	[tilespmem:$0xC88] =	vst v0  }
0x12b: {  	[tilespmem:$0xC98] =	vst v0  }
0x12c: {  	[tilespmem:$0xCA8] =	vst v0  }
0x12d: {  	[tilespmem:$0xCB8] =	vst v0  }
0x12e: {  	[tilespmem:$0xCC8] =	vst v0  }
0x12f: {  	[tilespmem:$0xCD8] =	vst v0  }
0x130: {  	[tilespmem:$0xCE8] =	vst v0  }
0x131: {  	[tilespmem:$0xCF8] =	vst v0  }
0x132: {  	[tilespmem:$0xD08] =	vst v0  }
0x133: {  	[tilespmem:$0xD18] =	vst v0  }
0x134: {  	[tilespmem:$0xD28] =	vst v0  }
0x135: {  	[tilespmem:$0xD38] =	vst v0  }
0x136: {  	[tilespmem:$0xD48] =	vst v0  }
0x137: {  	[tilespmem:$0xD58] =	vst v0  }
0x138: {  	[tilespmem:$0xD68] =	vst v0  }
0x139: {  	[tilespmem:$0xD78] =	vst v0  }
0x13a: {  	[tilespmem:$0xD88] =	vst v0  }
0x13b: {  	[tilespmem:$0xD98] =	vst v0  }
0x13c: {  	[tilespmem:$0xDA8] =	vst v0  }
0x13d: {  	[tilespmem:$0xDB8] =	vst v0  }
0x13e: {  	[tilespmem:$0xDC8] =	vst v0  }
0x13f: {  	[tilespmem:$0xDD8] =	vst v0  }
0x140: {  	[tilespmem:$0xDE8] =	vst v0  }
0x141: {  	[tilespmem:$0xDF8] =	vst v0  }
0x142: {  	[tilespmem:$0xE08] =	vst v0  }
0x143: {  	[tilespmem:$0xE18] =	vst v0  }
0x144: {  	[tilespmem:$0xE28] =	vst v0  }
0x145: {  	[tilespmem:$0xE38] =	vst v0  }
0x146: {  	[tilespmem:$0xE48] =	vst v0  }
0x147: {  	[tilespmem:$0xE58] =	vst v0  }
0x148: {  	[tilespmem:$0xE68] =	vst v0  }
0x149: {  	[tilespmem:$0xE78] =	vst v0  }
0x14a: {  	[tilespmem:$0xE88] =	vst v0  }
0x14b: {  	[tilespmem:$0xE98] =	vst v0  }
0x14c: {  	[tilespmem:$0xEA8] =	vst v0  }
0x14d: {  	[tilespmem:$0xEB8] =	vst v0  }
0x14e: {  	[tilespmem:$0xEC8] =	vst v0  }
0x14f: {  	[tilespmem:$0xED8] =	vst v0  }
0x150: {  	[tilespmem:$0xEE8] =	vst v0  }
0x151: {  	[tilespmem:$0xEF8] =	vst v0  }
0x152: {  	[tilespmem:$0xF08] =	vst v0  }
0x153: {  	[tilespmem:$0xF18] =	vst v0  }
0x154: {  	[tilespmem:$0xF28] =	vst v0  }
0x155: {  	[tilespmem:$0xF38] =	vst v0  }
0x156: {  	[tilespmem:$0xF48] =	vst v0  }
0x157: {  	[tilespmem:$0xF58] =	vst v0  }
0x158: {  	[tilespmem:$0xF68] =	vst v0  }
0x159: {  	[tilespmem:$0xF78] =	vst v0  }
0x15a: {  	[tilespmem:$0xF88] =	vst v0  }
0x15b: {  	[tilespmem:$0xF98] =	vst v0  }
0x15c: {  	[tilespmem:$0xFA8] =	vst v0  }
0x15d: {  	[tilespmem:$0xFB8] =	vst v0  }
0x15e: {  	[tilespmem:$0xFC8] =	vst v0  }
0x15f: {  	[tilespmem:$0xFD8] =	vst v0  }
0x160: {  	[tilespmem:$0xFE8] =	vst v0  }
0x161: {  	[tilespmem:$0xFF8] =	vst v0  }
0x162: {  	[tilespmem:$0x1028] =	vst v0  }
0x163: {  	[tilespmem:$0x10A8] =	vst v0  }
0x164: {  	[tilespmem:$0x1038] =	vst v0  }
0x165: {  	[tilespmem:$0x1B28] =	vst v0  }
0x166: {  	[tilespmem:$0x1B18] =	vst v0  }
0x167: {  	[tilespmem:$0x1B08] =	vst v0  }
0x168: {  	[tilespmem:$0x1AF8] =	vst v0  }
0x169: {  	[tilespmem:$0x1AE8] =	vst v0  }
0x16a: {  	[tilespmem:$0x1AD8] =	vst v0  }
0x16b: {  	[tilespmem:$0x1AC8] =	vst v0  }
0x16c: {  	[tilespmem:$0x1AB8] =	vst v0  }
0x16d: {  	[tilespmem:$0x1AA8] =	vst v0  }
0x16e: {  	[tilespmem:$0x1A98] =	vst v0  }
0x16f: {  	[tilespmem:$0x1A88] =	vst v0  }
0x170: {  	[tilespmem:$0x1A78] =	vst v0  }
0x171: {  	[tilespmem:$0x1A68] =	vst v0  }
0x172: {  	[tilespmem:$0x1A58] =	vst v0  }
0x173: {  	[tilespmem:$0x1A48] =	vst v0  }
0x174: {  	[tilespmem:$0x1A38] =	vst v0  }
0x175: {  	[tilespmem:$0x1A28] =	vst v0  }
0x176: {  	[tilespmem:$0x1A18] =	vst v0  }
0x177: {  	[tilespmem:$0x1A08] =	vst v0  }
0x178: {  	[tilespmem:$0x19F8] =	vst v0  }
0x179: {  	[tilespmem:$0x19E8] =	vst v0  }
0x17a: {  	[tilespmem:$0x19D8] =	vst v0  }
0x17b: {  	[tilespmem:$0x19C8] =	vst v0  }
0x17c: {  	[tilespmem:$0x19B8] =	vst v0  }
0x17d: {  	[tilespmem:$0x19A8] =	vst v0  }
0x17e: {  	[tilespmem:$0x1998] =	vst v0  }
0x17f: {  	[tilespmem:$0x1988] =	vst v0  }
0x180: {  	[tilespmem:$0x1978] =	vst v0  }
0x181: {  	[tilespmem:$0x1968] =	vst v0  }
0x182: {  	[tilespmem:$0x1958] =	vst v0  }
0x183: {  	[tilespmem:$0x1948] =	vst v0  }
0x184: {  	[tilespmem:$0x1938] =	vst v0  }
0x185: {  	[tilespmem:$0x1928] =	vst v0  }
0x186: {  	[tilespmem:$0x1918] =	vst v0  }
0x187: {  	[tilespmem:$0x1908] =	vst v0  }
0x188: {  	[tilespmem:$0x18F8] =	vst v0  }
0x189: {  	[tilespmem:$0x18E8] =	vst v0  }
0x18a: {  	[tilespmem:$0x18D8] =	vst v0  }
0x18b: {  	[tilespmem:$0x18C8] =	vst v0  }
0x18c: {  	[tilespmem:$0x18B8] =	vst v0  }
0x18d: {  	[tilespmem:$0x18A8] =	vst v0  }
0x18e: {  	[tilespmem:$0x1898] =	vst v0  }
0x18f: {  	[tilespmem:$0x1888] =	vst v0  }
0x190: {  	[tilespmem:$0x1878] =	vst v0  }
0x191: {  	[tilespmem:$0x1868] =	vst v0  }
0x192: {  	[tilespmem:$0x1858] =	vst v0  }
0x193: {  	[tilespmem:$0x1848] =	vst v0  }
0x194: {  	[tilespmem:$0x1838] =	vst v0  }
0x195: {  	[tilespmem:$0x1828] =	vst v0  }
0x196: {  	[tilespmem:$0x1818] =	vst v0  }
0x197: {  	[tilespmem:$0x1808] =	vst v0  }
0x198: {  	[tilespmem:$0x17F8] =	vst v0  }
0x199: {  	[tilespmem:$0x17E8] =	vst v0  }
0x19a: {  	[tilespmem:$0x17D8] =	vst v0  }
0x19b: {  	[tilespmem:$0x17C8] =	vst v0  }
0x19c: {  	[tilespmem:$0x17B8] =	vst v0  }
0x19d: {  	[tilespmem:$0x17A8] =	vst v0  }
0x19e: {  	[tilespmem:$0x1798] =	vst v0  }
0x19f: {  	[tilespmem:$0x1788] =	vst v0  }
0x1a0: {  	[tilespmem:$0x1778] =	vst v0  }
0x1a1: {  	[tilespmem:$0x1768] =	vst v0  }
0x1a2: {  	[tilespmem:$0x1758] =	vst v0  }
0x1a3: {  	[tilespmem:$0x1748] =	vst v0  }
0x1a4: {  	[tilespmem:$0x1738] =	vst v0  }
0x1a5: {  	[tilespmem:$0x1728] =	vst v0  }
0x1a6: {  	[tilespmem:$0x1718] =	vst v0  }
0x1a7: {  	[tilespmem:$0x1708] =	vst v0  }
0x1a8: {  	[tilespmem:$0x16F8] =	vst v0  }
0x1a9: {  	[tilespmem:$0x16E8] =	vst v0  }
0x1aa: {  	[tilespmem:$0x16D8] =	vst v0  }
0x1ab: {  	[tilespmem:$0x16C8] =	vst v0  }
0x1ac: {  	[tilespmem:$0x16B8] =	vst v0  }
0x1ad: {  	[tilespmem:$0x16A8] =	vst v0  }
0x1ae: {  	[tilespmem:$0x1698] =	vst v0  }
0x1af: {  	[tilespmem:$0x1688] =	vst v0  }
0x1b0: {  	[tilespmem:$0x1678] =	vst v0  }
0x1b1: {  	[tilespmem:$0x1668] =	vst v0  }
0x1b2: {  	[tilespmem:$0x1658] =	vst v0  }
0x1b3: {  	[tilespmem:$0x1648] =	vst v0  }
0x1b4: {  	[tilespmem:$0x1638] =	vst v0  }
0x1b5: {  	[tilespmem:$0x1628] =	vst v0  }
0x1b6: {  	[tilespmem:$0x1618] =	vst v0  }
0x1b7: {  	[tilespmem:$0x1608] =	vst v0  }
0x1b8: {  	[tilespmem:$0x15F8] =	vst v0  }
0x1b9: {  	[tilespmem:$0x15E8] =	vst v0  }
0x1ba: {  	[tilespmem:$0x15D8] =	vst v0  }
0x1bb: {  	[tilespmem:$0x15C8] =	vst v0  }
0x1bc: {  	[tilespmem:$0x15B8] =	vst v0  }
0x1bd: {  	[tilespmem:$0x15A8] =	vst v0  }
0x1be: {  	[tilespmem:$0x1598] =	vst v0  }
0x1bf: {  	[tilespmem:$0x1588] =	vst v0  }
0x1c0: {  	[tilespmem:$0x1578] =	vst v0  }
0x1c1: {  	[tilespmem:$0x1568] =	vst v0  }
0x1c2: {  	[tilespmem:$0x1558] =	vst v0  }
0x1c3: {  	[tilespmem:$0x1548] =	vst v0  }
0x1c4: {  	[tilespmem:$0x1538] =	vst v0  }
0x1c5: {  	[tilespmem:$0x1528] =	vst v0  }
0x1c6: {  	[tilespmem:$0x1518] =	vst v0  }
0x1c7: {  	[tilespmem:$0x1508] =	vst v0  }
0x1c8: {  	[tilespmem:$0x14F8] =	vst v0  }
0x1c9: {  	[tilespmem:$0x14E8] =	vst v0  }
0x1ca: {  	[tilespmem:$0x14D8] =	vst v0  }
0x1cb: {  	[tilespmem:$0x14C8] =	vst v0  }
0x1cc: {  	[tilespmem:$0x14B8] =	vst v0  }
0x1cd: {  	[tilespmem:$0x14A8] =	vst v0  }
0x1ce: {  	[tilespmem:$0x1498] =	vst v0  }
0x1cf: {  	[tilespmem:$0x1488] =	vst v0  }
0x1d0: {  	[tilespmem:$0x1478] =	vst v0  }
0x1d1: {  	[tilespmem:$0x1468] =	vst v0  }
0x1d2: {  	[tilespmem:$0x1458] =	vst v0  }
0x1d3: {  	[tilespmem:$0x1448] =	vst v0  }
0x1d4: {  	[tilespmem:$0x1438] =	vst v0  }
0x1d5: {  	[tilespmem:$0x1428] =	vst v0  }
0x1d6: {  	[tilespmem:$0x1418] =	vst v0  }
0x1d7: {  	[tilespmem:$0x1408] =	vst v0  }
0x1d8: {  	[tilespmem:$0x13F8] =	vst v0  }
0x1d9: {  	[tilespmem:$0x13E8] =	vst v0  }
0x1da: {  	[tilespmem:$0x13D8] =	vst v0  }
0x1db: {  	[tilespmem:$0x13C8] =	vst v0  }
0x1dc: {  	[tilespmem:$0x13B8] =	vst v0  }
0x1dd: {  	[tilespmem:$0x13A8] =	vst v0  }
0x1de: {  	[tilespmem:$0x1398] =	vst v0  }
0x1df: {  	[tilespmem:$0x1388] =	vst v0  }
0x1e0: {  	[tilespmem:$0x1378] =	vst v0  }
0x1e1: {  	[tilespmem:$0x1368] =	vst v0  }
0x1e2: {  	[tilespmem:$0x1358] =	vst v0  }
0x1e3: {  	[tilespmem:$0x1348] =	vst v0  }
0x1e4: {  	[tilespmem:$0x1338] =	vst v0  }
0x1e5: {  	[tilespmem:$0x1328] =	vst v0  }
0x1e6: {  	[tilespmem:$0x1318] =	vst v0  }
0x1e7: {  	[tilespmem:$0x1308] =	vst v0  }
0x1e8: {  	[tilespmem:$0x12F8] =	vst v0  }
0x1e9: {  	[tilespmem:$0x12E8] =	vst v0  }
0x1ea: {  	[tilespmem:$0x12D8] =	vst v0  }
0x1eb: {  	[tilespmem:$0x12C8] =	vst v0  }
0x1ec: {  	[tilespmem:$0x12B8] =	vst v0  }
0x1ed: {  	[tilespmem:$0x12A8] =	vst v0  }
0x1ee: {  	[tilespmem:$0x1298] =	vst v0  }
0x1ef: {  	[tilespmem:$0x1288] =	vst v0  }
0x1f0: {  	[tilespmem:$0x1278] =	vst v0  }
0x1f1: {  	[tilespmem:$0x1268] =	vst v0  }
0x1f2: {  	[tilespmem:$0x1258] =	vst v0  }
0x1f3: {  	[tilespmem:$0x1248] =	vst v0  }
0x1f4: {  	[tilespmem:$0x1238] =	vst v0  }
0x1f5: {  	[tilespmem:$0x1228] =	vst v0  }
0x1f6: {  	[tilespmem:$0x1218] =	vst v0  }
0x1f7: {  	[tilespmem:$0x1208] =	vst v0  }
0x1f8: {  	[tilespmem:$0x11F8] =	vst v0  }
0x1f9: {  	[tilespmem:$0x11E8] =	vst v0  }
0x1fa: {  	[tilespmem:$0x11D8] =	vst v0  }
0x1fb: {  	[tilespmem:$0x11C8] =	vst v0  }
0x1fc: {  	[tilespmem:$0x11B8] =	vst v0  }
0x1fd: {  	[tilespmem:$0x11A8] =	vst v0  }
0x1fe: {  	[tilespmem:$0x1198] =	vst v0  }
0x1ff: {  	[tilespmem:$0x1188] =	vst v0  }
0x200: {  	[tilespmem:$0x1178] =	vst v0  }
0x201: {  	[tilespmem:$0x1168] =	vst v0  }
0x202: {  	[tilespmem:$0x1158] =	vst v0  }
0x203: {  	[tilespmem:$0x1148] =	vst v0  }
0x204: {  	[tilespmem:$0x1138] =	vst v0  }
0x205: {  	[tilespmem:$0x1128] =	vst v0  }
0x206: {  	[tilespmem:$0x1118] =	vst v0  }
0x207: {  	[tilespmem:$0x1108] =	vst v0  }
0x208: {  	[tilespmem:$0x10F8] =	vst v0  }
0x209: {  	[tilespmem:$0x10E8] =	vst v0  }
0x20a: {  	[tilespmem:$0x10D8] =	vst v0  }
0x20b: {  	s5 =	stileid.u32;
	[tilespmem:$0x10C8] =	vst v0  }
0x20c: {  	s6 =	smul.u32 $0x30D50, s5;
	[tilespmem:$0x10B8] =	vst v0  }
0x20d: {  	[tilespmem:$0x1048] =	vst v0  }
0x20e: {  	s3 =	simm.s32 $0x2;
	s8 =	simm.s32 $0x9;
	[tilespmem:$0x1098] =	vst v0;
	s0 =	smin.u32 s6, $0x2DC6B0  }
0x20f: {  	s10 =	simm.s32 $0xA;
	s30 =	simm.s32 $0xB;
	[tilespmem:$0x1088] =	vst v0;
	s7 =	sadd.s32 $0x30D50, s0  }
0x210: {  	s16 =	simm.s32 $0x0;
	p4 =	por $0x0, $0x0;
	[tilespmem:$0x1078] =	vst v0;
	s0 =	ssub.s32 s7, s6  }
0x211: {  	s17 =	simm.s32 $0xC;
	s21 =	simm.s32 $0x0;
	[tilespmem:$0x1068] =	vst v0;
	p0 =	sgt.s32 s0, $0x0  }
0x212: {  	s18 =	simm.s32 $0x0;
	s20 =	simm.s32 $0x0;
	[tilespmem:$0x1058] =	vst v0;
	s0 =	simm.s32 @!p0 $0x0  }
0x213: {  	s2 =	sand.u32 $0x1, s1;
	s31 =	sshll.u32 s5, $0x5;
	[tilespmem:$0x1018] =	vst v0;
	s29 =	smulhi.u32 $0x97B426, s0  }
0x214: {  	[dreg:$0x5] =	wrdreg s2;
	s2 =	smul.u32 $0x61A80, s2;
	[tilespmem:$0x1008] =	vst v0;
	[sflag:s3] =	ssyncpa.u1 $0x0  }
0x215: {  	v0 =	vimm.s32 $0xFFFFFFFF;
	s3 =	sadd.s32 $0x9F0400, s11;
	[dreg:$0x4] =	wrdreg s31;
	s4 =	smul.u32 $0x1B0, s29  }
.Ltmp7:
0x216: {  	[tilespmem:$0x3648] =	vst v0;
	[sflag:s8] =	ssyncpa.u1 $0x0;
	s19 =	smov.u32 s6;
	(pc) =	sbr.rel .LBB3_1-.Ltmp7, $4  }
0x217: {  	[dreg:$0x6] =	wrdreg s6;
	s2 =	sadd.s32 s2, s11;
	p0 =	sne.s32 s0, s4  }
0x218: {  	[sflag:s10] =	ssyncpa.u1 $0x0;
	s11 =	sadd.s32 $0x231D800, s11;
	s12 =	simm.s32 @!p0 $0x0  }
0x219: {  	[sflag:s30] =	ssyncpa.u1 $0x0;
	s14 =	sadd.s32 $0x498E00, s2;
	s12 =	sadd.s32 s12, s29  }
0x21a: {  	v0 =	vlaneseq.u32;
	s15 =	sadd.s32 $0x7A6400, s2;
	p0 =	por $0x1, $0x1;
	s5 =	sadd.s32 $0x1, s12  }
.LBB3_18:
0x21b: {  	s0 =	simm.s32 $0x2  }
0x21c: {  	_ =	swait.ge [sflag:s0], $0x0  }
0x21d: {  	[sflag:s0] =	ssyncset.done $0x0;
	s0 =	simm.s32 $0x0  }
.LBB3_19:
0x21e: {  	_ =	swait.ge [sflag:s17], s0  }
0x21f: {  	s31 =	ssub.s32 $0x0, s0;
	v1 =	vmov s23;
	vm0 =	veq.s32 v0, $0x0;
	[sflag:s17] =	ssyncset.done $0x0  }
0x220: {  	vm15 =	veq.s32 v0, $0x2;
	v1 =	vsel vm0, s28, v1;
	[sflag:s17] =	ssyncadd.s32 s31  }
0x221: {  	v1 =	vsel vm15, s21, v1;
	[sflag:s17] =	ssyncpa.u1 $0x1  }
0x222: {  	[tilespmem:$0x3648] =	vst v1  }
.LBB3_20:
0x223: {  	s0 =	sadd.s32 $0x1B0, s19  }
0x224: {  	s1 =	smov.u32 s6;
	p1 =	slt.s32 s0, s7  }
0x225: {  	s1 =	smov.u32 @p1 s0;
	p1 =	sne.s32 s20, s5  }
.Ltmp8:
0x226: {  	_ = 	snop;
	(pc) =	sbr.rel @!p1 .LBB3_21-.Ltmp8, $4  }
0x227: {  	_ = 	snop  }
0x228: {  	s21 =	smov.u32 s18  }
0x229: {  	s31 =	sadd.s32 $0x1, s20;
	s18 =	smov.u32 s19;
	p0 =	por !p0, !p0  }
0x22a: {  	p4 =	por !p4, !p4;
	s20 =	smov.u32 s31;
	s19 =	smov.u32 s1  }
.LBB3_1:
0x22b: {  	p2 =	sge.u32 s20, s12  }
0x22c: {  	s0 =	smulhi.u32 @!p2 $0xAAAAAAAB, s20  }
0x22d: {  	s1 =	smov.u32 s19;
	p3 =	sgt.s32 @!p2 s19, $0x30D250  }
0x22e: {  	s2 =	sshra.s32 @!p2 s19, $0x1F;
	p3 =	por !p3, p2;
	s0 =	sshrl.u32 @!p2 s0, $0x1  }
0x22f: {  	s2 =	sand.u32 @!p2 s2, s19;
	s1 =	simm.s32 @p3 $0x30D250;
	s0 =	smul.u32 @!p2 $0x3, s0  }
0x230: {  	s1 =	ssub.s32 @!p2 s1, s2  }
0x231: {  	s23 =	sadd.s32 $0xFFFFFFFF, s20;
	s1 =	sadd.s32 @!p2 $0xFFCF2DB0, s1;
	s0 =	ssub.s32 @!p2 s20, s0  }
0x232: {  	s2 =	sshll.u32 @!p2 s1, $0x2;
	p3 =	sgt.s32 @!p2 s1, $0x1AF;
	s0 =	smul.u32 @!p2 $0x6C0, s0  }
0x233: {  	s4 =	sand.u32 @!p2 $0x7, s19;
	s1 =	ssub.s32 @!p2 $0x6C0, s2;
	p3 =	por !p3, p2  }
0x234: {  	s2 =	sshrl.u32 @!p2 s19, $0x3;
	s1 =	sshrl.u32 @!p2 s1, $0x2;
	s0 =	sshrl.u32 @!p2 s0, $0x2  }
0x235: {  	s2 =	sadd.s32 @!p2 s2, s14;
	s1 =	simm.s32 @!p3 $0x0;
	s0 =	sadd.s32 @!p2 $0x3888, s0  }
0x236: {  	[tilespmem:s0], [sflag:$0xA] =	stream.linear.gather @!p2 [hbm4b:s2+s4], s1, $0x38;
	[tilespmem:$0x1F0F8] =	vst v63  }
0x237: {  	p2 =	sge.u32 s23, s12  }
0x238: {  	p3 =	sgt.s32 @!p2 s18, $0x30D250  }
0x239: {  	s0 =	smov.u32 s18;
	s1 =	sshra.s32 @!p2 s18, $0x1F;
	p3 =	por !p3, p2  }
0x23a: {  	s1 =	sand.u32 @!p2 s1, s18;
	s0 =	simm.s32 @p3 $0x30D250  }
0x23b: {  	s0 =	ssub.s32 @!p2 s0, s1  }
0x23c: {  	s0 =	sadd.s32 @!p2 $0xFFCF2DB0, s0  }
0x23d: {  	s1 =	sshll.u32 @!p2 s0, $0x2  }
0x23e: {  	p3 =	sgt.s32 @!p2 s0, $0x1AF;
	s0 =	ssub.s32 @!p2 $0x6C0, s1  }
0x23f: {  	s22 =	ssub.s32 @!p2 $0x30D400, s18;
	p3 =	por !p3, p2;
	s0 =	sshrl.u32 @!p2 s0, $0x2  }
0x240: {  	s1 =	sand.u32 @!p2 $0x1, s23;
	s0 =	simm.s32 @!p3 $0x0;
	p3 =	slt.s32 @!p2 s22, $0x1  }
0x241: {  	s2 =	simm.s32 @!p2 $0xA;
	s1 =	smul.u32 @!p2 $0x6C0, s1;
	p3 =	por p2, p3  }
.Ltmp9:
0x242: {  	_ =	swait.ge @!p2 [sflag:s2], s0;
	(pc) =	sbr.rel @p3 .LBB3_7-.Ltmp9, $4  }
0x243: {  	s4 =	ssub.s32 @!p2 $0x0, s0;
	[sflag:s2] =	ssyncset.done @!p2 $0x0  }
0x244: {  	s1 =	sshrl.u32 @!p2 s1, $0x2;
	[sflag:s2] =	ssyncadd.s32 @!p2 s4;
	s2 =	sshrl.u32 @!p2 s18, $0x3  }
0x245: {  	s1 =	sadd.s32 @!p2 $0x3D98, s1;
	s4 =	sand.u32 @!p2 $0x7, s18;
	s2 =	sadd.s32 @!p2 s2, s15  }
0x246: {  	[tilespmem:s1], [sflag:$0xB] =	stream.linear.gather @!p2 [hbm4b:s2+s4], s0, $0x38;
	[tilespmem:$0x1F0F8] =	vst v63  }
0x247: {  	s0 =	smulhi.u32 $0xAAAAAAAB, s23;
	_ =	sdelay $0x1  }
0x248: {  	s0 =	sshrl.u32 s0, $0x1  }
0x249: {  	s0 =	smul.u32 $0x3, s0;
	_ =	sdelay $0x1  }
0x24a: {  	s0 =	ssub.s32 s23, s0  }
0x24b: {  	s1 =	simm.s32 $0x1;
	s0 =	smul.u32 $0x6C0, s0  }
.Ltmp10:
0x24c: {  	s1 =	simm.s32 @!p0 $0x0;
	(pc) =	sbr.rel .LBB3_4-.Ltmp10, $4  }
0x24d: {  	s1 =	smul.u32 $0x36000, s1  }
0x24e: {  	p3 =	slt.s32 @!p2 s22, $0x1B0;
	s0 =	sshrl.u32 s0, $0x2  }
0x24f: {  	p2 =	por !p3, p2;
	s1 =	sshrl.u32 s1, $0x2;
	s0 =	sadd.s32 $0x3888, s0  }
0x250: {  	s24 =	simm.s32 $0x0;
	s22 =	simm.s32 @p2 $0x1B0;
	s23 =	sadd.s32 $0x40F8, s1;
	v1 =	vmov s0  }
.LBB3_3:
0x251: {  	p2 =	sge.s32 s24, s22  }
.Ltmp11:
0x252: {  	_ = 	snop;
	(pc) =	sbr.rel @p2 .LBB3_7-.Ltmp11, $2  }
0x253: {  	_ =	sdelay $0x2  }
0x254: {  	s23 =	sadd.s32 $0x800, s23  }
.LBB3_4:
0x255: {  	p2 =	sle.s32 s22, s24  }
.Ltmp12:
0x256: {  	_ = 	snop;
	(pc) =	sbr.rel @p2 .LBB3_3-.Ltmp12, $2  }
0x257: {  	_ =	sdelay $0x2  }
0x258: {  	s0 =	smov.u32 s24;
	s24 =	sadd.s32 $0x10, s24  }
0x259: {  	s1 =	ssub.s32 s22, s0  }
0x25a: {  	p2 =	slt.s32 s1, $0x10  }
0x25b: {  	s1 =	simm.s32 @!p2 $0x10  }
0x25c: {  	v2 =	vmov s1  }
0x25d: {  	vm0 =	vgt.s32 v2, v0;
	_ =	sdelay $0x5  }
0x25e: {  	v2 =	vld.idx.msk [tilespmem:v1+s0+$0x0 ss:$0x1], vm0;
	_ =	sdelay $0x2  }
0x25f: {  	p2 =	slt.s32 s24, s22;
	s1 =	smov.u32 s22  }
0x260: {  	s2 =	smov.u32 s23;
	s25 =	simm.s32 $0x0;
	s1 =	smov.u32 @p2 s24  }
.LBB3_6:
0x261: {  	(v2sf) =	vpush v2, s25;
	_ =	sdelay $0xc  }
0x262: {  	s25 =	sadd.s32 $0x1, s25  }
0x263: {  	s31 =	sadd.s32 s25, s0  }
0x264: {  	p2 =	slt.s32 s31, s1;
	s4 =	spop (v2sf)  }
.Ltmp13:
0x265: {  	s4 =	sshll.u32 s4, $0x4;
	(pc) =	sbr.rel @p2 .LBB3_6-.Ltmp13, $4  }
0x266: {  	s4 =	sand.u32 $0x1FFFFFF0, s4  }
0x267: {  	s4 =	sadd.s32 s11, s4  }
0x268: {  	[tilespmem:s2], [sflag:$0x9] =	stream.linear.gather [hbm4b:s4+s16], $0x10, $0x38;
	[tilespmem:$0x1F0F8] =	vst v63  }
0x269: {  	s2 =	sadd.s32 $0x80, s2  }
.Ltmp14:
0x26a: {  	_ = 	snop;
	(pc) =	sbr.rel .LBB3_3-.Ltmp14, $1  }
0x26b: {  	_ =	sdelay $0x3  }
.LBB3_7:
0x26c: {  	p2 =	slt.u32 s20, $0x2  }
.Ltmp15:
0x26d: {  	_ = 	snop;
	(pc) =	sbr.rel @p2 .LBB3_20-.Ltmp15, $1  }
0x26e: {  	_ =	sdelay $0x3  }
0x26f: {  	p2 =	sgt.s32 s21, $0x30D250  }
0x270: {  	s0 =	smov.u32 s21;
	s1 =	sshra.s32 s21, $0x1F;
	s2 =	ssub.s32 $0x30D400, s21  }
0x271: {  	s0 =	simm.s32 @!p2 $0x30D250;
	s1 =	sand.u32 s1, s21;
	p2 =	slt.s32 s2, $0x1B0  }
0x272: {  	s0 =	ssub.s32 s0, s1;
	s2 =	simm.s32 @!p2 $0x1B0  }
0x273: {  	s0 =	sadd.s32 $0xFFCF2DB0, s0;
	s24 =	sshll.u32 s2, $0x4  }
0x274: {  	s28 =	simm.s32 $0x9;
	s25 =	sshll.u32 s0, $0x2;
	s1 =	sand.u32 $0x3FFFFFF0, s24  }
0x275: {  	p2 =	sgt.s32 s0, $0x1AF;
	s26 =	ssub.s32 $0x6C0, s25;
	_ =	swait.ge [sflag:s28], s1  }
0x276: {  	s1 =	ssub.s32 $0x0, s1;
	[sflag:s28] =	ssyncset.done $0x0;
	s0 =	sshrl.u32 s26, $0x2  }
0x277: {  	s30 =	simm.s32 $0xB;
	[sflag:s28] =	ssyncadd.s32 s1;
	s0 =	simm.s32 @p2 $0x0  }
0x278: {  	_ =	swait.ge [sflag:s30], s0  }
0x279: {  	s0 =	ssub.s32 $0x0, s0;
	[sflag:s30] =	ssyncset.done $0x0  }
0x27a: {  	[sflag:s30] =	ssyncadd.s32 s0  }
0x27b: {  	v1 =	vld [tilespmem:$0x3648];
	_ =	sdelay $0x4  }
0x27c: {  	(v2sf) =	vpush v1, $0x0  }
0x27d: {  	(v2sf) =	vpush v1, $0x1  }
0x27e: {  	(v2sf) =	vpush v1, $0x2;
	_ =	sdelay $0x3  }
0x27f: {  	s0 =	sadd.s32 $0x1B0, s21  }
0x280: {  	s1 =	ssub.s32 $0x61A800, s21;
	p2 =	slt.s32 s7, s0  }
0x281: {  	s0 =	smov.u32 @p2 s7;
	p2 =	sgt.s32 s1, $0x0  }
0x282: {  	s25 =	ssub.s32 s0, s21;
	s1 =	simm.s32 @!p2 $0x0  }
0x283: {  	p2 =	slt.s32 s1, s25  }
0x284: {  	s25 =	smov.u32 @p2 s1  }
0x285: {  	s24 =	simm.s32 $0x1;
	p2 =	slt.s32 s25, $0x1  }
.Ltmp16:
0x286: {  	s24 =	simm.s32 @!p4 $0x0;
	(pc) =	sbr.rel @p2 .LBB3_12-.Ltmp16, $4  }
0x287: {  	s31 =	smul.u32 $0x6C0, s24  }
0x288: {  	s26 =	spop (v2sf)  }
0x289: {  	s0 =	sshrl.u32 s31, $0x2;
	s29 =	spop (v2sf)  }
0x28a: {  	s22 =	sadd.s32 $0x3D98, s0;
	s21 =	spop (v2sf)  }
0x28b: {  	s0 =	smin.u32 s25, $0x10  }
0x28c: {  	v1 =	vmov s0  }
0x28d: {  	p3 =	sgt.s32 s25, $0x10;
	vm1 =	vgt.u32 v1, v0  }
.Ltmp17:
0x28e: {  	_ = 	snop;
	(pc) =	sbr.rel @!p3 .LBB3_11-.Ltmp17, $2  }
0x28f: {  	_ =	sdelay $0x2  }
0x290: {  	s23 =	simm.s32 $0x10;
	s28 =	sadd.s32 $0xFFFFFFF0, s25;
	s0 =	smov.u32 s22;
	vm0 =	vmmov vm1  }
.LBB3_10:
0x291: {  	s1 =	smin.u32 s28, $0x10;
	s23 =	sadd.s32 $0x10, s23;
	v1 =	vld.msk [tilespmem:s0+$0x0 ss:$0x1], vm1  }
0x292: {  	v2 =	vmov s1;
	p3 =	slt.s32 s23, s25  }
0x293: {  	vm1 =	vgt.u32 v2, v0  }
.Ltmp18:
0x294: {  	(pc) =	sbr.rel @p3 .LBB3_10-.Ltmp18, $3  }
0x295: {  	_ =	sdelay $0x1  }
0x296: {  	v1 =	vshll.u32 v1, $0x4  }
0x297: {  	s28 =	sadd.s32 $0xFFFFFFF0, s28;
	[tilespmem:s0+$0x0] =	vst.msk vm0, v1;
	s0 =	sadd.s32 $0x10, s0;
	vm0 =	vmmov vm1  }
.LBB3_11:
0x298: {  	_ =	sdelay $0x4  }
0x299: {  	v1 =	vld.msk [tilespmem:s0+$0x0 ss:$0x1], vm1;
	_ =	sdelay $0x4  }
0x29a: {  	v1 =	vshll.u32 v1, $0x4  }
0x29b: {  	[tilespmem:s0+$0x0] =	vst.msk vm0, v1  }
.LBB3_12:
0x29c: {  	s0 =	sand.u32 $0x1, s20  }
0x29d: {  	s0 =	smul.u32 $0x1B0, s0  }
0x29e: {  	p3 =	sne.s32 s29, $0xFFFFFFFF  }
0x29f: {  	v1 =	vld.msk @!p3 [tilespmem:s0+$0x3D98], $0x1;
	_ =	sdelay $0x4  }
0x2a0: {  	(v2sf) =	vpush @!p3 v1, $0x0;
	_ =	sdelay $0xc  }
.Ltmp19:
0x2a1: {  	_ = 	snop;
	(pc) =	sbr.rel @p2 .LBB3_18-.Ltmp19, $4  }
0x2a2: {  	_ = 	snop  }
0x2a3: {  	s28 =	spop @!p3 (v2sf)  }
0x2a4: {  	s21 =	simm.s32 @!p3 $0x0;
	s23 =	smov.u32 s28  }
0x2a5: {  	[sflag:s17] =	ssyncpa.u1 $0x0;
	s28 =	smov.u32 @p3 s26;
	s23 =	smov.u32 @p3 s29  }
0x2a6: {  	v1 =	vld.msk [tilespmem:s22+$0x0], $0x1;
	_ =	sdelay $0x4  }
0x2a7: {  	(v2sf) =	vpush v1, $0x0;
	_ =	sdelay $0xe  }
0x2a8: {  	s0 =	simm.s32 @!p4 $0x0;
	s26 =	smul.u32 $0x36000, s24;
	s31 =	spop (v2sf)  }
0x2a9: {  	s29 =	ssub.s32 $0x0, s25;
	s0 =	simm.s32 @p4 $0x1;
	p2 =	seq.s32 s28, s31  }
0x2aa: {  	s1 =	smov.u32 s28;
	[smem:$0x7FD] =	sst s0;
	p3 =	sgt.s32 @!p2 s28, $0x0  }
0x2ab: {  	s0 =	sshrl.u32 s26, $0x2;
	s26 =	sadd.s32 $0x1, s29;
	p3 =	por !p3, p2  }
0x2ac: {  	s1 =	simm.s32 @p3 $0x0;
	p3 =	seq.s32 s26, $0x0  }
.Ltmp20:
0x2ad: {  	_ = 	snop;
	(pc) =	sbr.rel @p3 .LBB3_15-.Ltmp20, $4  }
0x2ae: {  	s6 =	smov.u32 s5;
	s25 =	simm.s32 $0x0  }
0x2af: {  	s24 =	sadd.s32 $0x40F8, s0;
	s0 =	simm.s32 @!p2 $0x1;
	s2 =	smin.u32 @!p2 s1, $0x1869FE  }
0x2b0: {  	s30 =	sadd.s32 $0x1, s22;
	s0 =	smov.u32 @p2 s25;
	s4 =	sand.u32 @!p2 $0x1FFFF8, s2  }
0x2b1: {  	s1 =	simm.s32 @!p2 $0x1B38;
	s2 =	sand.u32 @!p2 $0x7, s2;
	s4 =	sadd.s32 @!p2 s3, s4  }
.LBB3_14:
0x2b2: {  	s5 =	smov.u32 s0  }
0x2b3: {  	[tilespmem:s1], [sflag:$0x2] =	stream.linear.gather @!p2 [hbm4b:s4+s2], $0x10, $0x38;
	[tilespmem:$0x1F0F8] =	vst v63  }
0x2b4: {  	s26 =	sadd.s32 $0x1, s26;
	s2 =	smov.u32 s31;
	v1 =	vld.msk [tilespmem:s30+$0x0], $0x1  }
0x2b5: {  	p3 =	seq.s32 s26, $0x0;
	_ =	sdelay $0x3  }
0x2b6: {  	(v2sf) =	vpush v1, $0x0;
	_ =	sdelay $0xe  }
0x2b7: {  	s31 =	spop (v2sf)  }
0x2b8: {  	p2 =	seq.s32 s2, s31  }
0x2b9: {  	p4 =	sgt.s32 @!p2 s2, $0x0;
	s1 =	sshll.u32 @!p2 s0, $0x6;
	s0 =	sadd.s32 @!p2 $0x1, s0  }
.Ltmp21:
0x2ba: {  	p4 =	por !p4, p2;
	s1 =	sshra.s32 @!p2 s1, $0x2;
	(pc) =	sbr.rel @!p3 .LBB3_14-.Ltmp21, $4  }
0x2bb: {  	s0 =	smov.u32 @p2 s5;
	s2 =	simm.s32 @p4 $0x0;
	s1 =	sadd.s32 @!p2 $0x1B38, s1  }
0x2bc: {  	s2 =	smin.u32 @!p2 s2, $0x1869FE  }
0x2bd: {  	s4 =	sand.u32 @!p2 $0x1FFFF8, s2;
	s2 =	sand.u32 @!p2 $0x7, s2  }
0x2be: {  	s30 =	sadd.s32 $0x1, s30;
	s4 =	sadd.s32 @!p2 s3, s4  }
.LBB3_15:
0x2bf: {  	[tilespmem:s1], [sflag:$0x2] =	stream.linear.gather @!p2 [hbm4b:s4+s2], $0x10, $0x38;
	[tilespmem:$0x1F0F8] =	vst v63  }
0x2c0: {  	s0 =	sshll.u32 s0, $0x4  }
0x2c1: {  	s31 =	simm.s32 $0x2;
	s0 =	sand.u32 $0x3FFFFFF0, s0  }
0x2c2: {  	_ =	swait.ge [sflag:s31], s0  }
0x2c3: {  	s0 =	ssub.s32 $0x0, s0;
	[sflag:s31] =	ssyncset.done $0x0  }
0x2c4: {  	[sflag:s31] =	ssyncadd.s32 s0  }
0x2c5: {  	v1 =	vld.msk [tilespmem:s22+$0x0], $0x1;
	_ =	sdelay $0x4  }
0x2c6: {  	(v2sf) =	vpush v1, $0x0;
	_ =	sdelay $0xe  }
0x2c7: {  	s26 =	spop (v2sf)  }
0x2c8: {  	p2 =	sne.s32 s28, s26  }
0x2c9: {  	p4 =	sne.s32 @p2 s28, s23  }
0x2ca: {  	p3 =	por !p4, !p2  }
0x2cb: {  	s0 =	simm.s32 @!p3 $0x0  }
0x2cc: {  	v1 =	vld @!p3 [tilespmem:s0+$0x1B38]  }
0x2cd: {  	p5 =	sgt.u32 @!p3 s28, $0x1869FE  }
0x2ce: {  	s1 =	sshll.u32 @!p3 s21, $0x6;
	p6 =	por @p2 p5, !p4  }
0x2cf: {  	s1 =	sshra.s32 @!p3 s1, $0x2;
	p1 =	por p6, !p2;
	p6 =	por p4, !p2  }
0x2d0: {  	s2 =	sadd.s32 @!p3 $0x28, s1;
	s4 =	sand.u32 @!p1 $0x1FFFF8, s28;
	s5 =	sshll.u32 @!p6 s21, $0x6  }
0x2d1: {  	s28 =	sand.u32 @!p1 $0x7, s28;
	[tilespmem:s1+$0x28] =	vst.add.f32.msk @!p3 $0xffff, v1;
	s1 =	sadd.s32 @!p1 s3, s4;
	s4 =	sshra.s32 @!p6 s5, $0x2  }
0x2d2: {  	[hbm4b:s1+s28] =	stream.linear.scatter @!p1 [tilespmem:s2], [sflag:$0xC], $0x10, $0x38;
	[tilespmem:$0x1F0F8] =	vst v63  }
0x2d3: {  	s0 =	rddreg [dreg:$0x4];
	s1 =	sadd.s32 @!p6 $0x28, s4;
	s2 =	simm.s32 @!p6 $0x1  }
0x2d4: {  	[spmem:s0] =	stream.linear.scatter @!p6 [tilespmem:s1], [sflag:$0x1], $0x10, $0x38;
	[tilespmem:$0x1F0F8] =	vst v63  }
0x2d5: {  	s0 =	sadd.s32 @p2 $0x1, s21;
	_ =	swait.ge @!p6 [sflag:s2], $0x10  }
0x2d6: {  	s1 =	sshrl.u32 @p2 s0, $0x4;
	[sflag:s2] =	ssyncset.done @!p6 $0x0  }
0x2d7: {  	s1 =	smulhi.u32 @p2 $0x97B425F, s1;
	[sflag:s2] =	ssyncadd.s32 @!p6 $0xFFFFFFF0  }
0x2d8: {  	s28 =	sadd.s32 $0x1, s29;
	v1 =	vld @p2 [tilespmem:s24+$0x0]  }
0x2d9: {  	p1 =	por @p2 !p5, !p4;
	p4 =	seq.s32 s28, $0x0;
	s1 =	smul.u32 @p2 $0x1B0, s1  }
.Ltmp22:
0x2da: {  	p1 =	por !p1, !p2;
	s2 =	simm.s32 @!p3 $0x0;
	(pc) =	sbr.rel @p4 .LBB3_17-.Ltmp22, $4  }
0x2db: {  	s4 =	sshll.u32 @!p2 s21, $0x6;
	s2 =	simm.s32 @!p1 $0x40;
	s0 =	ssub.s32 @p2 s0, s1  }
0x2dc: {  	s29 =	simm.s32 $0x0;
	s2 =	sadd.s32 @!p3 $0x0, s2;
	s5 =	sshll.u32 @p2 s0, $0x4  }
0x2dd: {  	s30 =	sshra.s32 @!p2 s4, $0x2;
	s1 =	simm.s32 @p2 $0x1;
	s2 =	smov.u32 @p3 s25;
	[tilespmem:s5+$0x28] =	vst @p2 v1  }
0x2de: {  	s21 =	smov.u32 @p2 s0;
	s29 =	smov.u32 @p2 s2;
	s25 =	smov.u32 @p2 s1;
	v1 =	vld @!p2 [tilespmem:s24+$0x0]  }
.LBB3_16:
0x2df: {  	_ =	sdelay $0x3  }
0x2e0: {  	s22 =	sadd.s32 $0x1, s22;
	[tilespmem:s30+$0x28] =	vst.add.f32.msk @!p2 $0xffff, v1  }
0x2e1: {  	v1 =	vld.msk [tilespmem:s22+$0x0], $0x1;
	_ =	sdelay $0x4  }
0x2e2: {  	(v2sf) =	vpush v1, $0x0;
	_ =	sdelay $0xe  }
0x2e3: {  	s0 =	smov.u32 s26;
	s26 =	spop (v2sf)  }
0x2e4: {  	p2 =	sne.s32 s0, s26  }
0x2e5: {  	p5 =	sne.s32 @p2 s0, s23  }
0x2e6: {  	s4 =	sshll.u32 @!p2 s21, $0x6;
	p4 =	por !p5, !p2  }
0x2e7: {  	s30 =	sshra.s32 @!p2 s4, $0x2;
	s4 =	sshll.u32 @!p4 s25, $0x6  }
0x2e8: {  	s4 =	sshra.s32 @!p4 s4, $0x2  }
0x2e9: {  	p1 =	sgt.u32 @!p4 s0, $0x1869FE;
	v1 =	vld @!p4 [tilespmem:s4+$0x1B38]  }
0x2ea: {  	s31 =	sshll.u32 @!p4 s21, $0x6;
	p6 =	por @p2 p1, !p5;
	p1 =	por @p2 !p1, !p5  }
0x2eb: {  	s8 =	simm.s32 @!p4 $0x0;
	s31 =	sshra.s32 @!p4 s31, $0x2;
	p1 =	por !p1, !p2  }
0x2ec: {  	p5 =	por p5, !p2;
	s8 =	simm.s32 @!p1 $0x40;
	p1 =	por p6, !p2  }
0x2ed: {  	s4 =	sadd.s32 @!p4 $0x28, s31;
	s13 =	sshll.u32 @!p5 s21, $0x6;
	s10 =	sand.u32 @!p1 $0x1FFFF8, s0  }
0x2ee: {  	s13 =	sshra.s32 @!p5 s13, $0x2;
	s0 =	sand.u32 @!p1 $0x7, s0;
	s10 =	sadd.s32 @!p1 s3, s10;
	[tilespmem:s31+$0x28] =	vst.add.f32.msk @!p4 $0xffff, v1  }
0x2ef: {  	[hbm4b:s10+s0] =	stream.linear.scatter @!p1 [tilespmem:s4], [sflag:$0xC], $0x10, $0x38;
	[tilespmem:$0x1F0F8] =	vst v63  }
0x2f0: {  	s1 =	rddreg [dreg:$0x4];
	s0 =	sadd.s32 @!p5 $0x28, s13;
	s4 =	simm.s32 @!p5 $0x1  }
0x2f1: {  	[spmem:s1] =	stream.linear.scatter @!p5 [tilespmem:s0], [sflag:$0x1], $0x10, $0x38;
	[tilespmem:$0x1F0F8] =	vst v63  }
0x2f2: {  	s2 =	sadd.s32 @p2 $0x1, s21;
	_ =	swait.ge @!p5 [sflag:s4], $0x10  }
0x2f3: {  	s5 =	sshrl.u32 @p2 s2, $0x4;
	[sflag:s4] =	ssyncset.done @!p5 $0x0  }
0x2f4: {  	s24 =	sadd.s32 $0x80, s24;
	s5 =	smulhi.u32 @p2 $0x97B425F, s5;
	[sflag:s4] =	ssyncadd.s32 @!p5 $0xFFFFFFF0  }
0x2f5: {  	s28 =	sadd.s32 $0x1, s28;
	v1 =	vld @p2 [tilespmem:s24+$0x0]  }
0x2f6: {  	p3 =	seq.s32 s28, $0x0;
	s5 =	smul.u32 @p2 $0x1B0, s5  }
.Ltmp23:
0x2f7: {  	_ = 	snop;
	(pc) =	sbr.rel @!p3 .LBB3_16-.Ltmp23, $4  }
0x2f8: {  	s2 =	ssub.s32 @p2 s2, s5  }
0x2f9: {  	s8 =	sadd.s32 @!p4 s8, s29;
	s5 =	sshll.u32 @p2 s2, $0x4  }
0x2fa: {  	s9 =	sadd.s32 @p2 $0x1, s25;
	s8 =	smov.u32 @p4 s29;
	[tilespmem:s5+$0x28] =	vst @p2 v1  }
0x2fb: {  	s25 =	smov.u32 @p2 s9;
	s21 =	smov.u32 @p2 s2;
	s29 =	smov.u32 @p2 s8;
	v1 =	vld @!p2 [tilespmem:s24+$0x0]  }
.LBB3_17:
.Ltmp24:
0x2fc: {  	_ = 	snop;
	(pc) =	sbr.rel .LBB3_19-.Ltmp24, $3  }
0x2fd: {  	s1 =	sld [smem:$0x7FD];
	_ =	sdelay $0x1  }
0x2fe: {  	s0 =	sshrl.u32 s29, $0x2;
	s28 =	smov.u32 s26  }
0x2ff: {  	s5 =	smov.u32 s6;
	s6 =	rddreg [dreg:$0x6];
	p4 =	seq.s32 s1, $0x1;
	[tilespmem:s30+$0x28] =	vst.add.f32.msk @!p2 $0xffff, v1  }
.LBB3_21:
0x300: {  	_ =	sfence.sel $0x180000  }
0x301: {  	s0 =	simm.s32 $0x9;
	[bflag:$0x0] =	sbarrier.arrive $0xFFFF  }
0x302: {  	s24 =	simm.s32 $0xA;
	[sflag:s0] =	ssyncpa.u1 $0x1  }
0x303: {  	s25 =	simm.s32 $0xB;
	[sflag:s24] =	ssyncpa.u1 $0x1  }
0x304: {  	s26 =	simm.s32 $0x2;
	[sflag:s25] =	ssyncpa.u1 $0x1  }
0x305: {  	[sflag:s26] =	ssyncpa.u1 $0x1  }
0x306: {  	v0 =	vld [tilespmem:$0x3648];
	_ =	sdelay $0x4  }
0x307: {  	(v2sf) =	vpush v0, $0x0  }
0x308: {  	(v2sf) =	vpush v0, $0x1;
	_ =	sdelay $0x1  }
0x309: {  	(v2sf) =	vpush v0, $0x2;
	_ =	sdelay $0xb  }
0x30a: {  	s0 =	spop (v2sf)  }
0x30b: {  	s1 =	spop (v2sf)  }
0x30c: {  	s2 =	smov.u32 s0;
	p0 =	sne.s32 s0, s1  }
0x30d: {  	s4 =	spop (v2sf);
	s2 =	simm.s32 @!p0 $0xFFFFFFFF  }
0x30e: {  	v2 =	vimm.s32 $0x1;
	v3 =	vlaneseq.u32;
	p0 =	seq.s32 s4, $0xFFFFFFFF;
	v1 =	vmov s2  }
0x30f: {  	s16 =	stileid.u32;
	v0 =	vperm.xlane v0, v2;
	p1 =	sne.s32 @!p0 s0, s1;
	v1 =	vperm.xlane v1, v3  }
0x310: {  	vm0 =	vcmask $0x3F04;
	s6 =	simm.s32 $0x3648;
	s0 =	simm.s32 @!p0 $0x1;
	p1 =	por !p1, p0  }
0x311: {  	s2 =	sshll.u32 s16, $0x1;
	s1 =	sshll.u32 @!p0 s4, $0x6;
	s0 =	simm.s32 @p1 $0x0;
	v0 =	vsel vm0, v1, v0  }
0x312: {  	s5 =	sor.u32 $0x200, s2;
	s1 =	sshra.s32 @!p0 s1, $0x2;
	s0 =	sor.u32 @!p0 s0, s2;
	[tilespmem:$0x3648] =	vst v0  }
0x313: {  	[spmem:s5] =	stream.linear.scatter [tilespmem:s6], [sflag:$0x1], $0x2, $0x38;
	[tilespmem:$0x1F0F8] =	vst v63  }
0x314: {  	s1 =	sadd.s32 @!p0 $0x28, s1;
	s0 =	sshll.u32 @!p0 s0, $0x4  }
0x315: {  	[spmem:s0] =	stream.linear.scatter @!p0 [tilespmem:s1], [sflag:$0x1], $0x10, $0x38;
	[tilespmem:$0x1F0F8] =	vst v63  }
0x316: {  	s0 =	simm.s32 @!p0 $0x12  }
0x317: {  	s28 =	simm.s32 $0x1;
	s0 =	simm.s32 @p0 $0x2  }
0x318: {  	_ =	swait.ge [sflag:s28], s0  }
0x319: {  	s0 =	ssub.s32 $0x0, s0;
	[sflag:s28] =	ssyncset.done $0x0  }
0x31a: {  	p0 =	sne.s32 s16, $0x0;
	[sflag:s28] =	ssyncadd.s32 s0  }
.Ltmp25:
0x31b: {  	_ =	sfence.stream.spmem;
	(pc) =	sbr.rel @p0 .LBB3_38-.Ltmp25, $4  }
0x31c: {  	s29 =	simm.s32 $0x3;
	[bflag:$0x0] =	sbarrier.arrive $0xFFFF  }
0x31d: {  	s30 =	simm.s32 $0x4;
	[sflag:s29] =	ssyncpa.u1 $0x1  }
0x31e: {  	s31 =	simm.s32 $0x3C;
	[sflag:s30] =	ssyncpa.u1 $0x1  }
0x31f: {  	s17 =	rddreg [dreg:$0x5];
	[sflag:s31] =	ssyncpa.u1 $0x1  }
0x320: {  	_ =	sfence.stream.spmem;
	s0 =	simm.s32 $0x5  }
0x321: {  	s1 =	simm.s32 $0x200;
	s2 =	simm.s32 $0x3658;
	[sflag:s0] =	ssyncpa.u1 $0x0  }
0x322: {  	[tilespmem:s2], [sflag:$0x5] =	stream.linear.gather [spmem:s1], $0x20, $0x38;
	[tilespmem:$0x1F0F8] =	vst v63  }
0x323: {  	s26 =	simm.s32 $0x0;
	s28 =	simm.s32 $0x3678  }
0x324: {  	[tilespmem:s28], [sflag:$0x5] =	stream.linear.gather [spmem:s26], $0x200, $0x38;
	[tilespmem:$0x1F0F8] =	vst v63  }
0x325: {  	_ =	swait.ge [sflag:s0], $0x220  }
0x326: {  	[sflag:s0] =	ssyncset.done $0x0  }
0x327: {  	s29 =	simm.s32 $0x0;
	[sflag:s0] =	ssyncadd.s32 $0xFFFFFDE0  }
0x328: {  	v0 =	vld.msk [tilespmem:s29+$0x3658], $0x1;
	_ =	sdelay $0x1  }
0x329: {  	s30 =	simm.s32 $0x1  }
0x32a: {  	v1 =	vld.msk [tilespmem:s30+$0x3658], $0x1;
	_ =	sdelay $0x1  }
0x32b: {  	(v2sf) =	vpush v0, $0x0;
	_ =	sdelay $0x2  }
0x32c: {  	(v2sf) =	vpush v1, $0x0;
	_ =	sdelay $0x2  }
0x32d: {  	s31 =	simm.s32 $0x2  }
0x32e: {  	v0 =	vld.msk [tilespmem:s31+$0x3658], $0x1;
	_ =	sdelay $0x2  }
0x32f: {  	s6 =	simm.s32 $0xFFFFFFFF;
	s1 =	simm.s32 $0xFFFFFFFF;
	s0 =	simm.s32 $0xC  }
.LBB3_23:
0x330: {  	s2 =	smov.u32 s6;
	s4 =	smov.u32 s1  }
0x331: {  	s1 =	sshra.s32 s0, $0x2;
	p1 =	sne.s32 s0, $0x7C;
	s0 =	sadd.s32 $0x4, s0;
	(v2sf) =	vpush v0, $0x0  }
0x332: {  	v0 =	vld.msk [tilespmem:s1+$0x3658], $0x1  }
.Ltmp26:
0x333: {  	(pc) =	sbr.rel @p1 .LBB3_23-.Ltmp26, $4  }
0x334: {  	s6 =	spop (v2sf)  }
0x335: {  	p2 =	sne.s32 s4, $0xFFFFFFFF;
	s1 =	smov.u32 s6  }
0x336: {  	p3 =	seq.s32 s6, $0xFFFFFFFF;
	s1 =	smov.u32 @p2 s4  }
0x337: {  	s6 =	smov.u32 @p3 s2;
	s1 =	smov.u32 @p3 s4  }
0x338: {  	(v2sf) =	vpush v0, $0x0;
	_ =	sdelay $0x8  }
0x339: {  	s0 =	spop (v2sf)  }
0x33a: {  	p1 =	sne.s32 s1, $0xFFFFFFFF;
	s2 =	smov.u32 s0  }
0x33b: {  	s9 =	simm.s32 $0x6;
	p2 =	seq.s32 s0, $0xFFFFFFFF;
	s2 =	smov.u32 @p1 s1  }
0x33c: {  	s10 =	simm.s32 $0x3638;
	s2 =	smov.u32 @p2 s1;
	s1 =	spop (v2sf)  }
0x33d: {  	s0 =	smov.u32 @p2 s6;
	p1 =	sne.s32 s2, $0xFFFFFFFF;
	s4 =	smov.u32 s1  }
.Ltmp27:
0x33e: {  	p2 =	seq.s32 s1, $0xFFFFFFFF;
	s4 =	smov.u32 @p1 s2;
	(pc) =	sbr.rel .LBB3_25-.Ltmp27, $4  }
0x33f: {  	s11 =	simm.s32 $0x0;
	s4 =	smov.u32 @p2 s2;
	s7 =	spop (v2sf)  }
0x340: {  	[sflag:s9] =	ssyncpa.u1 $0x0;
	p1 =	sne.s32 s4, $0xFFFFFFFF;
	s8 =	smov.u32 s7  }
0x341: {  	s1 =	smov.u32 @p2 s0;
	p2 =	seq.s32 s7, $0xFFFFFFFF;
	s8 =	smov.u32 @p1 s4  }
0x342: {  	s6 =	simm.s32 $0x0;
	s7 =	smov.u32 @p2 s1;
	s8 =	smov.u32 @p2 s4  }
.LBB3_30:
0x343: {  	p1 =	sgt.u32 s12, $0x1869FE  }
0x344: {  	p2 =	seq.s32 @!p1 s12, s8  }
0x345: {  	p1 =	por p1, p2  }
0x346: {  	p2 =	sne.s32 @!p1 s12, s7  }
0x347: {  	p1 =	por p1, !p2  }
0x348: {  	s0 =	sshll.u32 @p1 s11, $0x6  }
0x349: {  	s0 =	sand.u32 @!p1 $0x1FFFF8, s12  }
0x34a: {  	s1 =	sand.u32 @!p1 $0x7, s12;
	s0 =	sadd.s32 @!p1 s3, s0  }
0x34b: {  	[tilespmem:s10], [sflag:$0x6] =	stream.linear.gather @!p1 [hbm4b:s0+s1], $0x10, $0x38;
	[tilespmem:$0x1F0F8] =	vst v63  }
0x34c: {  	_ =	swait.ge @!p1 [sflag:s9], $0x10  }
0x34d: {  	[sflag:s9] =	ssyncset.done @!p1 $0x0  }
0x34e: {  	[sflag:s9] =	ssyncadd.s32 @!p1 $0xFFFFFFF0  }
0x34f: {  	v1 =	vld @!p1 [tilespmem:$0x3638];
	_ =	sdelay $0x2  }
0x350: {  	s0 =	sshll.u32 @!p1 s11, $0x6  }
0x351: {  	s1 =	sshrl.u32 @!p1 s0, $0x2  }
0x352: {  	[tilespmem:s1+$0x3678] =	vst.add.f32.msk @!p1 $0xffff, v1  }
0x353: {  	s0 =	sshrl.u32 s0, $0x2;
	[tilespmem:s6+$0x3658] =	vst.msk $0x1, v0  }
0x354: {  	v0 =	vld [tilespmem:s0+$0x3678];
	_ =	sdelay $0x2  }
0x355: {  	s31 =	sshll.u32 s6, $0x6  }
0x356: {  	s0 =	sshra.s32 s31, $0x2  }
0x357: {  	s6 =	sadd.s32 $0x1, s6;
	[tilespmem:s0+$0x3678] =	vst v0  }
.LBB3_32:
0x358: {  	s11 =	sadd.s32 $0x1, s11  }
0x359: {  	p1 =	sne.s32 s11, $0x20  }
.Ltmp28:
0x35a: {  	_ = 	snop;
	(pc) =	sbr.rel @!p1 .LBB3_33-.Ltmp28, $1  }
0x35b: {  	_ =	sdelay $0x3  }
.LBB3_25:
0x35c: {  	v0 =	vld.msk [tilespmem:s11+$0x3658], $0x1;
	_ =	sdelay $0x4  }
0x35d: {  	(v2sf) =	vpush v0, $0x0;
	_ =	sdelay $0xe  }
0x35e: {  	s12 =	spop (v2sf)  }
0x35f: {  	p1 =	seq.s32 s12, $0xFFFFFFFF  }
.Ltmp29:
0x360: {  	_ = 	snop;
	(pc) =	sbr.rel @p1 .LBB3_32-.Ltmp29, $1  }
0x361: {  	_ =	sdelay $0x3  }
0x362: {  	p1 =	slt.s32 s6, $0x1  }
.Ltmp30:
0x363: {  	_ = 	snop;
	(pc) =	sbr.rel @p1 .LBB3_30-.Ltmp30, $1  }
0x364: {  	_ =	sdelay $0x3  }
0x365: {  	s13 =	simm.s32 $0x3658;
	p1 =	por $0x0, $0x0  }
0x366: {  	v1 =	vld.msk @!p1 [tilespmem:s13+$0x0], $0x1;
	_ =	sdelay $0x4  }
0x367: {  	(v2sf) =	vpush @!p1 v1, $0x0;
	_ =	sdelay $0xd  }
0x368: {  	p3 =	sne.s32 s6, $0x1  }
.Ltmp31:
0x369: {  	s0 =	spop @!p1 (v2sf);
	(pc) =	sbr.rel @!p3 .LBB3_29-.Ltmp31, $4  }
0x36a: {  	p2 =	seq.s32 @!p1 s12, s0  }
0x36b: {  	s14 =	simm.s32 $0x0;
	p2 =	por !p2, p1  }
0x36c: {  	s0 =	simm.s32 $0xFFFFFFFF;
	s14 =	simm.s32 @p2 $0xFFFFFFFF  }
0x36d: {  	s15 =	simm.s32 $0x1;
	s14 =	smov.u32 @p1 s0  }
.LBB3_28:
0x36e: {  	s0 =	smov.u32 s14;
	p1 =	sne.s32 s14, $0xFFFFFFFF  }
0x36f: {  	s13 =	sadd.s32 $0x1, s13;
	s14 =	smov.u32 s15;
	s15 =	sadd.s32 $0x1, s15  }
0x370: {  	p2 =	sne.s32 s6, s15;
	v1 =	vld.msk @!p1 [tilespmem:s13+$0x0], $0x1;
	_ =	sdelay $0x4  }
0x371: {  	(v2sf) =	vpush @!p1 v1, $0x0;
	_ =	sdelay $0xe  }
.Ltmp32:
0x372: {  	s1 =	spop @!p1 (v2sf);
	(pc) =	sbr.rel @p2 .LBB3_28-.Ltmp32, $4  }
0x373: {  	p3 =	seq.s32 @!p1 s12, s1  }
0x374: {  	p3 =	por !p3, p1  }
0x375: {  	s14 =	simm.s32 @p3 $0xFFFFFFFF  }
0x376: {  	s14 =	smov.u32 @p1 s0  }
.LBB3_29:
0x377: {  	p1 =	sne.s32 s14, $0xFFFFFFFF  }
.Ltmp33:
0x378: {  	_ = 	snop;
	(pc) =	sbr.rel @!p1 .LBB3_30-.Ltmp33, $1  }
0x379: {  	_ =	sdelay $0x3  }
0x37a: {  	s0 =	sshll.u32 s11, $0x4  }
0x37b: {  	s0 =	sand.u32 $0x3FFFFFF0, s0  }
0x37c: {  	v0 =	vld [tilespmem:s0+$0x3678]  }
.Ltmp34:
0x37d: {  	_ = 	snop;
	(pc) =	sbr.rel .LBB3_32-.Ltmp34, $4  }
0x37e: {  	_ = 	snop  }
0x37f: {  	s31 =	sshll.u32 s14, $0x6  }
0x380: {  	s0 =	sshra.s32 s31, $0x2  }
0x381: {  	[tilespmem:s0+$0x3678] =	vst.add.f32.msk $0xffff, v0  }
.LBB3_33:
0x382: {  	s0 =	simm.s32 $0x6;
	p1 =	seq.s32 s6, $0x0  }
0x383: {  	[sflag:s0] =	ssyncpa.u1 $0x1;
	v0 =	vimm.s32 @p1 $0xFFFFFFFF  }
0x384: {  	s9 =	sadd.s32 $0xFFFFFFFF, s6;
	[tilespmem:$0x3878] =	vst @p1 v0  }
0x385: {  	v0 =	vld.msk @!p1 [tilespmem:s9+$0x3658], $0x1;
	_ =	sdelay $0x1  }
0x386: {  	v1 =	vld.msk @!p1 [tilespmem:$0x3658], $0x1;
	_ =	sdelay $0x2  }
0x387: {  	p2 =	seq.s32 @!p1 s9, $0x0;
	v0 =	vbroadcast @!p1 v0, $0x0  }
0x388: {  	vm0 =	vmmov @!p1 $0x1;
	p2 =	por !p2, p1  }
0x389: {  	v1 =	vnsel @!p1 vm0, $0xFFFFFFFF, v1;
	vm0 =	vcmask @!p1 $0x308;
	v0 =	vpsel !p2, $0xFFFFFFFF, v0  }
0x38a: {  	p2 =	sne.s32 @!p1 s8, s7;
	v0 =	vsel @!p1 vm0, v1, v0  }
0x38b: {  	s0 =	simm.s32 @!p1 $0x3678;
	s1 =	simm.s32 @!p1 $0x0;
	p3 =	por !p2, p1;
	[tilespmem:$0x3878] =	vst @!p1 v0  }
0x38c: {  	[spmem:s1] =	stream.linear.scatter @!p1 [tilespmem:s0], [sflag:$0x1], $0x10, $0x38;
	[tilespmem:$0x1F0F8] =	vst v63  }
0x38d: {  	s0 =	sshll.u32 @!p3 s9, $0x6  }
0x38e: {  	s0 =	sshra.s32 @!p3 s0, $0x2  }
0x38f: {  	s1 =	simm.s32 @!p3 $0x10;
	s0 =	sadd.s32 @!p3 $0x3678, s0  }
0x390: {  	[spmem:s1] =	stream.linear.scatter @!p3 [tilespmem:s0], [sflag:$0x1], $0x10, $0x38;
	[tilespmem:$0x1F0F8] =	vst v63  }
0x391: {  	s0 =	simm.s32 @!p3 $0x1  }
0x392: {  	_ =	swait.ge @!p3 [sflag:s0], $0x20  }
0x393: {  	p1 =	por p2, p1;
	[sflag:s0] =	ssyncset.done @!p3 $0x0  }
0x394: {  	[sflag:s0] =	ssyncadd.s32 @!p3 $0xFFFFFFE0;
	s0 =	simm.s32 @!p1 $0x1  }
0x395: {  	_ =	swait.ge @!p1 [sflag:s0], $0x10  }
0x396: {  	s29 =	simm.s32 $0x3878;
	[sflag:s0] =	ssyncset.done @!p1 $0x0  }
0x397: {  	s30 =	simm.s32 $0x200;
	s31 =	simm.s32 $0x1;
	[sflag:s0] =	ssyncadd.s32 @!p1 $0xFFFFFFF0  }
0x398: {  	[spmem:s30] =	stream.linear.scatter [tilespmem:s29], [sflag:$0x1], $0x10, $0x38;
	[tilespmem:$0x1F0F8] =	vst v63  }
0x399: {  	_ =	swait.ge [sflag:s31], $0x10  }
0x39a: {  	[sflag:s31] =	ssyncset.done $0x0  }
0x39b: {  	p1 =	seq.s32 s17, $0x0;
	s8 =	rddreg [dreg:$0x1];
	[sflag:s31] =	ssyncadd.s32 $0xFFFFFFF0  }
0x39c: {  	s1 =	sshll.u32 @p1 s8, $0xE;
	s7 =	rddreg [dreg:$0x2]  }
0x39d: {  	s0 =	sadd.s32 @p1 $0x15C3C, s1;
	s1 =	sshll.u32 @p1 s7, $0x11  }
0x39e: {  	_ =	sfence.stream.spmem;
	s0 =	sor.u32 @p1 s1, s0  }
0x39f: {  	[sflag:s0] =	ssyncadd.remote.s32 @p1 $0x1;
	s0 =	simm.s32 @p1 $0x4  }
0x3a0: {  	s2 =	simm.s32 @!p1 $0x3C;
	s1 =	sand.u32 $0xFFFFFFFE, s8;
	_ =	swait.ge @p1 [sflag:s0], $0x6  }
0x3a1: {  	s4 =	simm.s32 @!p1 $0x0;
	s1 =	sadd.s32 @!p1 $0x4, s1;
	[sflag:s0] =	ssyncset.done @p1 $0x0  }
0x3a2: {  	s5 =	simm.s32 @!p1 $0x20;
	[sflag:s0] =	ssyncadd.s32 @p1 $0xFFFFFFFA;
	s0 =	sshll.u32 @!p1 s1, $0x1A  }
0x3a3: {  	s1 =	sshll.u32 @!p1 s1, $0xD;
	s0 =	sor.u32 @!p1 s0, s7;
	_ =	swait.eq @!p1 [sflag:s2], $0x1  }
0x3a4: {  	s1 =	sor.u32 @!p1 $0x1C04, s1;
	s2 =	simm.s32 @!p1 $0x1C03;
	s0 =	sor.u32 @!p1 $0x80004000, s0  }
0x3a5: {  	[spmem:s5], [sflag:s1] =	dma.general @!p1 [spmem:s4], [sflag:s2], length:$0x4, [dreg:$0x0], stride_count:$0x0, ici_dest:s0, dma_misc:DstOpCode:WRITE  }
0x3a6: {  	p2 =	slt.s32 s9, $0x2;
	s4 =	simm.s32 @!p1 $0x40;
	s5 =	simm.s32 @!p1 $0x42  }
0x3a7: {  	[spmem:s5], [sflag:s1] =	dma.general @!p1 [spmem:s4], [sflag:s2], length:$0x2, [dreg:$0x0], stride_count:$0x0, ici_dest:s0, dma_misc:DstOpCode:WRITE  }
.Ltmp35:
0x3a8: {  	s0 =	simm.s32 @!p1 $0x3;
	(pc) =	sbr.rel @p2 .LBB3_37-.Ltmp35, $4  }
0x3a9: {  	s1 =	sshll.u32 @!p1 s8, $0xE;
	_ =	swait.ge @!p1 [sflag:s0], $0x6  }
0x3aa: {  	s2 =	sshll.u32 @!p1 s7, $0x11;
	s1 =	sadd.s32 @!p1 $0x11C3C, s1;
	[sflag:s0] =	ssyncset.done @!p1 $0x0  }
0x3ab: {  	[sflag:s0] =	ssyncadd.s32 @!p1 $0xFFFFFFFA;
	s0 =	sor.u32 @!p1 s2, s1  }
0x3ac: {  	[sflag:s0] =	ssyncadd.remote.s32 @!p1 $0xFFFFFFFF;
	s0 =	simm.s32 $0x0  }
0x3ad: {  	s0 =	simm.s32 $0x3659  }
0x3ae: {  	v0 =	vld.msk [tilespmem:s0+$0x0], $0x1;
	_ =	sdelay $0x4  }
0x3af: {  	(v2sf) =	vpush v0, $0x0;
	_ =	sdelay $0xd  }
0x3b0: {  	s2 =	sadd.s32 $0xFFFFFFFE, s6  }
0x3b1: {  	s2 =	sadd.s32 $0xFFFFFFFF, s2;
	s0 =	spop (v2sf)  }
0x3b2: {  	p2 =	sne.s32 s2, $0x0;
	p1 =	sgt.u32 s0, $0x1869FE  }
.Ltmp36:
0x3b3: {  	s4 =	sand.u32 @!p1 $0x1FFFF8, s0;
	(pc) =	sbr.rel @!p2 .LBB3_36-.Ltmp36, $4  }
0x3b4: {  	s1 =	simm.s32 $0x3688;
	s0 =	sand.u32 @!p1 $0x7, s0;
	s4 =	sadd.s32 @!p1 s3, s4  }
0x3b5: {  	[hbm4b:s4+s0] =	stream.linear.scatter @!p1 [tilespmem:s1], [sflag:$0x5], $0x10, $0x38;
	[tilespmem:$0x1F0F8] =	vst v63  }
0x3b6: {  	s0 =	simm.s32 $0x0  }
0x3b7: {  	s6 =	simm.s32 $0x0;
	s7 =	simm.s32 $0x365A;
	s0 =	simm.s32 @!p1 $0x40  }
.LBB3_35:
0x3b8: {  	v0 =	vld.msk [tilespmem:s7+$0x0], $0x1;
	s2 =	sadd.s32 $0xFFFFFFFF, s2;
	s6 =	sadd.s32 s6, s0  }
0x3b9: {  	p1 =	sne.s32 s2, $0x0;
	_ =	sdelay $0x3  }
0x3ba: {  	(v2sf) =	vpush v0, $0x0;
	_ =	sdelay $0xe  }
.Ltmp37:
0x3bb: {  	s4 =	spop (v2sf);
	(pc) =	sbr.rel @p1 .LBB3_35-.Ltmp37, $4  }
0x3bc: {  	s0 =	simm.s32 $0x0;
	p2 =	sgt.u32 s4, $0x1869FE  }
0x3bd: {  	s1 =	sadd.s32 $0x10, s1;
	s0 =	simm.s32 @!p2 $0x40;
	s5 =	sand.u32 @!p2 $0x1FFFF8, s4  }
0x3be: {  	s7 =	sadd.s32 $0x1, s7;
	s4 =	sand.u32 @!p2 $0x7, s4;
	s5 =	sadd.s32 @!p2 s3, s5  }
0x3bf: {  	[hbm4b:s5+s4] =	stream.linear.scatter @!p2 [tilespmem:s1], [sflag:$0x5], $0x10, $0x38;
	[tilespmem:$0x1F0F8] =	vst v63  }
.LBB3_36:
0x3c0: {  	s0 =	sadd.s32 s6, s0  }
0x3c1: {  	s0 =	sshrl.u32 s0, $0x2  }
.LBB3_37:
0x3c2: {  	s1 =	simm.s32 $0x5  }
0x3c3: {  	_ =	swait.ge [sflag:s1], s0  }
0x3c4: {  	s31 =	ssub.s32 $0x0, s0;
	[sflag:s1] =	ssyncset.done $0x0  }
0x3c5: {  	[sflag:s1] =	ssyncadd.s32 s31  }
0x3c6: {  	[sflag:s1] =	ssyncpa.u1 $0x1  }
.LBB3_38:
0x3c7: {  	s0 =	sor.u32 s17, s16  }
0x3c8: {  	p1 =	sne.s32 s0, $0x0  }
.Ltmp38:
0x3c9: {  	_ = 	snop;
	(pc) =	sbr.rel @p1 .LBB3_53-.Ltmp38, $3  }
0x3ca: {  	_ =	sdelay $0x1  }
0x3cb: {  	[bflag:$0x0] =	sbarrier.arrive $0xFFFF  }
0x3cc: {  	_ =	sfence  }
0x3cd: {  	s0 =	simm.s32 $0x7  }
0x3ce: {  	s1 =	simm.s32 $0x200;
	s2 =	simm.s32 $0x3658;
	[sflag:s0] =	ssyncpa.u1 $0x0  }
0x3cf: {  	[tilespmem:s2], [sflag:$0x7] =	stream.linear.gather [spmem:s1], $0x20, $0x38;
	[tilespmem:$0x1F0F8] =	vst v63  }
0x3d0: {  	s30 =	simm.s32 $0x3678;
	s1 =	simm.s32 $0x0  }
0x3d1: {  	[tilespmem:s30], [sflag:$0x7] =	stream.linear.gather [spmem:s1], $0x200, $0x38;
	[tilespmem:$0x1F0F8] =	vst v63  }
.Ltmp39:
0x3d2: {  	_ = 	snop;
	(pc) =	sbr.rel .LBB3_40-.Ltmp39, $4  }
0x3d3: {  	_ =	swait.ge [sflag:s0], $0x220  }
0x3d4: {  	[sflag:s0] =	ssyncset.done $0x0  }
0x3d5: {  	s31 =	simm.s32 $0x8;
	[sflag:s0] =	ssyncadd.s32 $0xFFFFFDE0  }
0x3d6: {  	s2 =	simm.s32 $0x0;
	[sflag:s31] =	ssyncpa.u1 $0x0  }
.LBB3_45:
0x3d7: {  	p1 =	slt.u32 s4, $0x1869FF  }
0x3d8: {  	s0 =	sand.u32 @p1 $0x1FFFF8, s4  }
0x3d9: {  	s4 =	sand.u32 @p1 $0x7, s4;
	s5 =	simm.s32 @p1 $0x3638;
	s0 =	sadd.s32 @p1 s3, s0  }
0x3da: {  	[tilespmem:s5], [sflag:$0x8] =	stream.linear.gather @p1 [hbm4b:s0+s4], $0x10, $0x38;
	[tilespmem:$0x1F0F8] =	vst v63  }
0x3db: {  	s0 =	simm.s32 @p1 $0x8  }
0x3dc: {  	_ =	swait.ge @p1 [sflag:s0], $0x10  }
0x3dd: {  	[sflag:s0] =	ssyncset.done @p1 $0x0  }
0x3de: {  	[sflag:s0] =	ssyncadd.s32 @p1 $0xFFFFFFF0  }
0x3df: {  	v1 =	vld @p1 [tilespmem:$0x3638];
	_ =	sdelay $0x2  }
0x3e0: {  	s0 =	sshll.u32 @p1 s2, $0x6  }
0x3e1: {  	s5 =	sshll.u32 @!p1 s2, $0x6;
	s4 =	sshrl.u32 @p1 s0, $0x2  }
0x3e2: {  	s5 =	smov.u32 @p1 s0;
	[tilespmem:s4+$0x3678] =	vst.add.f32.msk @p1 $0xffff, v1  }
0x3e3: {  	s0 =	sshrl.u32 s5, $0x2;
	[tilespmem:s1+$0x3658] =	vst.msk $0x1, v0  }
0x3e4: {  	v0 =	vld [tilespmem:s0+$0x3678];
	_ =	sdelay $0x2  }
0x3e5: {  	s31 =	sshll.u32 s1, $0x6  }
0x3e6: {  	s0 =	sshra.s32 s31, $0x2  }
0x3e7: {  	s1 =	sadd.s32 $0x1, s1;
	[tilespmem:s0+$0x3678] =	vst v0  }
.LBB3_47:
0x3e8: {  	s2 =	sadd.s32 $0x1, s2  }
0x3e9: {  	p1 =	sne.s32 s2, $0x20  }
.Ltmp40:
0x3ea: {  	_ = 	snop;
	(pc) =	sbr.rel @!p1 .LBB3_48-.Ltmp40, $1  }
0x3eb: {  	_ =	sdelay $0x3  }
.LBB3_40:
0x3ec: {  	v0 =	vld.msk [tilespmem:s2+$0x3658], $0x1;
	_ =	sdelay $0x4  }
0x3ed: {  	(v2sf) =	vpush v0, $0x0;
	_ =	sdelay $0xe  }
0x3ee: {  	s4 =	spop (v2sf)  }
0x3ef: {  	p1 =	seq.s32 s4, $0xFFFFFFFF  }
.Ltmp41:
0x3f0: {  	_ = 	snop;
	(pc) =	sbr.rel @p1 .LBB3_47-.Ltmp41, $1  }
0x3f1: {  	_ =	sdelay $0x3  }
0x3f2: {  	p1 =	slt.s32 s1, $0x1  }
.Ltmp42:
0x3f3: {  	_ = 	snop;
	(pc) =	sbr.rel @p1 .LBB3_45-.Ltmp42, $1  }
0x3f4: {  	_ =	sdelay $0x3  }
0x3f5: {  	s5 =	simm.s32 $0x3658;
	p1 =	por $0x0, $0x0  }
0x3f6: {  	v1 =	vld.msk @!p1 [tilespmem:s5+$0x0], $0x1;
	_ =	sdelay $0x4  }
0x3f7: {  	(v2sf) =	vpush @!p1 v1, $0x0;
	_ =	sdelay $0xd  }
0x3f8: {  	p3 =	sne.s32 s1, $0x1  }
.Ltmp43:
0x3f9: {  	s0 =	spop @!p1 (v2sf);
	(pc) =	sbr.rel @!p3 .LBB3_44-.Ltmp43, $4  }
0x3fa: {  	p2 =	seq.s32 @!p1 s4, s0  }
0x3fb: {  	s6 =	simm.s32 $0x0;
	p2 =	por !p2, p1  }
0x3fc: {  	s0 =	simm.s32 $0xFFFFFFFF;
	s6 =	simm.s32 @p2 $0xFFFFFFFF  }
0x3fd: {  	s7 =	simm.s32 $0x1;
	s6 =	smov.u32 @p1 s0  }
.LBB3_43:
0x3fe: {  	s0 =	smov.u32 s6;
	p1 =	sne.s32 s6, $0xFFFFFFFF  }
0x3ff: {  	s5 =	sadd.s32 $0x1, s5;
	s6 =	smov.u32 s7;
	s7 =	sadd.s32 $0x1, s7  }
0x400: {  	p2 =	sne.s32 s1, s7;
	v1 =	vld.msk @!p1 [tilespmem:s5+$0x0], $0x1;
	_ =	sdelay $0x4  }
0x401: {  	(v2sf) =	vpush @!p1 v1, $0x0;
	_ =	sdelay $0xe  }
.Ltmp44:
0x402: {  	s8 =	spop @!p1 (v2sf);
	(pc) =	sbr.rel @p2 .LBB3_43-.Ltmp44, $4  }
0x403: {  	p3 =	seq.s32 @!p1 s4, s8  }
0x404: {  	p3 =	por !p3, p1  }
0x405: {  	s6 =	simm.s32 @p3 $0xFFFFFFFF  }
0x406: {  	s6 =	smov.u32 @p1 s0  }
.LBB3_44:
0x407: {  	p1 =	sne.s32 s6, $0xFFFFFFFF  }
.Ltmp45:
0x408: {  	_ = 	snop;
	(pc) =	sbr.rel @!p1 .LBB3_45-.Ltmp45, $1  }
0x409: {  	_ =	sdelay $0x3  }
0x40a: {  	s0 =	sshll.u32 s2, $0x4  }
0x40b: {  	s0 =	sand.u32 $0x3FFFFFF0, s0  }
0x40c: {  	v0 =	vld [tilespmem:s0+$0x3678]  }
.Ltmp46:
0x40d: {  	_ = 	snop;
	(pc) =	sbr.rel .LBB3_47-.Ltmp46, $4  }
0x40e: {  	_ = 	snop  }
0x40f: {  	s31 =	sshll.u32 s6, $0x6  }
0x410: {  	s0 =	sshra.s32 s31, $0x2  }
0x411: {  	[tilespmem:s0+$0x3678] =	vst.add.f32.msk $0xffff, v0  }
.LBB3_48:
0x412: {  	p1 =	slt.s32 s1, $0x1  }
.Ltmp47:
0x413: {  	_ = 	snop;
	(pc) =	sbr.rel @p1 .LBB3_52-.Ltmp47, $3  }
0x414: {  	_ =	sdelay $0x1  }
0x415: {  	s0 =	simm.s32 $0x8  }
0x416: {  	s2 =	simm.s32 $0x0;
	[sflag:s0] =	ssyncpa.u1 $0x1  }
0x417: {  	s0 =	simm.s32 $0x3658  }
0x418: {  	v0 =	vld.msk [tilespmem:s0+$0x0], $0x1;
	_ =	sdelay $0x4  }
0x419: {  	(v2sf) =	vpush v0, $0x0;
	_ =	sdelay $0xe  }
0x41a: {  	s1 =	sadd.s32 $0xFFFFFFFF, s1;
	s0 =	spop (v2sf)  }
0x41b: {  	p2 =	sne.s32 s1, $0x0;
	p1 =	sgt.u32 s0, $0x1869FE  }
.Ltmp48:
0x41c: {  	s5 =	sand.u32 @!p1 $0x1FFFF8, s0;
	(pc) =	sbr.rel @!p2 .LBB3_51-.Ltmp48, $4  }
0x41d: {  	s4 =	simm.s32 $0x3678;
	s0 =	sand.u32 @!p1 $0x7, s0;
	s5 =	sadd.s32 @!p1 s3, s5  }
0x41e: {  	[hbm4b:s5+s0] =	stream.linear.scatter @!p1 [tilespmem:s4], [sflag:$0x7], $0x10, $0x38;
	[tilespmem:$0x1F0F8] =	vst v63  }
0x41f: {  	s0 =	simm.s32 $0x0  }
0x420: {  	s5 =	simm.s32 $0x3659;
	s0 =	simm.s32 @!p1 $0x40  }
.LBB3_50:
0x421: {  	v0 =	vld.msk [tilespmem:s5+$0x0], $0x1;
	s1 =	sadd.s32 $0xFFFFFFFF, s1;
	s2 =	sadd.s32 s2, s0  }
0x422: {  	p1 =	sne.s32 s1, $0x0;
	_ =	sdelay $0x3  }
0x423: {  	(v2sf) =	vpush v0, $0x0;
	_ =	sdelay $0xe  }
.Ltmp49:
0x424: {  	s6 =	spop (v2sf);
	(pc) =	sbr.rel @p1 .LBB3_50-.Ltmp49, $4  }
0x425: {  	s0 =	simm.s32 $0x0;
	p2 =	sgt.u32 s6, $0x1869FE  }
0x426: {  	s4 =	sadd.s32 $0x10, s4;
	s0 =	simm.s32 @!p2 $0x40;
	s7 =	sand.u32 @!p2 $0x1FFFF8, s6  }
0x427: {  	s5 =	sadd.s32 $0x1, s5;
	s6 =	sand.u32 @!p2 $0x7, s6;
	s7 =	sadd.s32 @!p2 s3, s7  }
0x428: {  	[hbm4b:s7+s6] =	stream.linear.scatter @!p2 [tilespmem:s4], [sflag:$0x7], $0x10, $0x38;
	[tilespmem:$0x1F0F8] =	vst v63  }
.LBB3_51:
0x429: {  	s0 =	sadd.s32 s2, s0  }
0x42a: {  	s2 =	sshrl.u32 s0, $0x2  }
.LBB3_52:
0x42b: {  	s0 =	simm.s32 $0x7  }
0x42c: {  	_ =	swait.ge [sflag:s0], s2  }
0x42d: {  	s1 =	ssub.s32 $0x0, s2;
	[sflag:s0] =	ssyncset.done $0x0  }
0x42e: {  	[sflag:s0] =	ssyncadd.s32 s1  }
0x42f: {  	[sflag:s0] =	ssyncpa.u1 $0x1  }
.LBB3_53:
0x430: {  	_ =	sfence;
	s0 =	simm.s32 $0x1  }
0x431: {  	[sflag:s0] =	ssyncpa.u1 $0x1  }
0x432: {  	_ =	strace $0x90000056  }
0x433: {  	[bflag:$0x2] =	sbarrier.arrive $0xFFFF  }
0x434: {  	s0 =	rddreg [dreg:$0x3]  }
0x435: {  	s0 =	sadd.s32 @!p0 $0x100000, s0  }
0x436: {  	[sflag:s0] =	ssyncadd.tile.s32 @!p0 $0x1;
	_ =	shalt  }
.Lfunc_end3:
_tile_overlayer_lowered:
.L_overlay_start_3:
0x437: {  	(tag) =	ssettag $0x3  }
0x438: {  	s0 =	rddreg [dreg:$0x0];
	s2 =	stileid.u32  }
0x439: {  	s1 =	rddreg [dreg:$0x1];
	p0 =	sne.s32 s2, $0x0  }
0x43a: {  	s3 =	rddreg [dreg:$0x2];
	[bflag:$0x3] =	sbarrier.arrive $0xFFFF;
	s2 =	simm.s32 @!p0 $0x1C01  }
0x43b: {  	[timem:s3], [sflag:s2] =	dma.local @!p0 [hbm:s0], s1  }
0x43c: {  	s0 =	simm.s32 @!p0 $0x1  }
0x43d: {  	_ =	swait.ge @!p0 [sflag:s0], s1  }
0x43e: {  	s1 =	ssub.s32 @!p0 $0x0, s1;
	[sflag:s0] =	ssyncset.done @!p0 $0x0  }
0x43f: {  	[sflag:s0] =	ssyncadd.s32 @!p0 s1  }
0x440: {  	[bflag:$0x3] =	sbarrier.arrive $0xFFFF  }
0x441: {  	_ =	shalt  }

// kernel: sparse-core-data-format-call.1.cloned.1.call-start
scs
called_computation.3_lowered:
.L_overlay_start_0:
0x0: {  	s2 =	sld [smem:$0x3FD9]  }
0x1: {  	s3 =	sld [smem:$0x3FFE];
	_ =	sdelay $0x1  }
0x2: {  	s1 =	srdreg.scid  }
0x3: {  	s0 =	sand.u32 $0x1, s1  }
0x4: {  	s18 =	sshll.u32 s0, $0xA;
	s2 =	sadd.s32 s3, s2  }
0x5: {  	s2 =	sadd.s32 s2, s18  }
0x6: {  	[smem:$0x3FBB] =	sst s2  }
0x7: {  	_ = 	snop  }
0x8: {  	(tm) =	ssettm $0x1  }
0x9: {  	s19 =	sld [smem:$0x3FFB];
	_ =	sdelay $0x3  }
0xa: {  	_ =	strace s19  }
0xb: {  	s2 =	sld [smem:$0x3FFC];
	_ =	sdelay $0x3  }
0xc: {  	_ =	strace s2  }
0xd: {  	s2 =	sld [smem:$0x3FFD];
	_ =	sdelay $0x3  }
0xe: {  	_ =	strace s2  }
0xf: {  	_ =	strace $0x8FFFFFFF  }
0x10: {  	s20 =	sld [smem:$0x3FDB];
	_ =	sdelay $0x1  }
0x11: {  	s21 =	simm.s32 $_scs_section_size  }
0x12: {  	s4 =	simm.s32 $_size__tile_overlayer_lowered;
	s5 =	simm.s32 $_tile_overlayer_lowered  }
0x13: {  	s6 =	simm.s32 $0x1BFF;
	s22 =	sshll.u32 s5, $0x1;
	s3 =	sadd.s32 s21, s20  }
0x14: {  	s23 =	simm.s32 $0x0;
	s4 =	sshll.u32 s4, $0x1;
	s5 =	sadd.s32 s22, s3  }
0x15: {  	[timem:s23], [sflag:s6] =	dma.local [hbm:s5], s4  }
0x16: {  	_ =	swait.ge [sflag:s6], s4  }
0x17: {  	s4 =	ssub.s32 $0x0, s4;
	[sflag:s6] =	ssyncset.done $0x0  }
0x18: {  	[sflag:s6] =	ssyncadd.s32 s4;
	_ =	sdelay $0x1  }
0x19: {  	s24 =	simm.s32 $0x1B8B  }
0x1a: {  	_ =	swait.ge [sflag:s24], $0x1  }
0x1b: {  	[sflag:s24] =	ssyncset.done $0x0  }
0x1c: {  	[sflag:s24] =	ssyncadd.s32 $0xFFFFFFFF  }
0x1d: {  	s4 =	sld [smem:$0x0]  }
0x1e: {  	s5 =	sand.u32 $0xFFFFFFFE, s1  }
0x1f: {  	p0 =	sne.s32 s1, s5  }
0x20: {  	s5 =	sshll.u32 @p0 s5, $0xE  }
0x21: {  	s5 =	sadd.s32 @p0 $0x11B8D, s5;
	s6 =	sshll.u32 @p0 s4, $0x11  }
0x22: {  	s5 =	sor.u32 @p0 s6, s5  }
0x23: {  	[sflag:s5] =	ssyncadd.remote.s32 @p0 $0x1;
	_ =	sdelay $0x1  }
0x24: {  	s5 =	simm.s32 @p0 $0x1B8D  }
0x25: {  	_ =	swait.eq @p0 [sflag:s5], $0x1  }
0x26: {  	[sflag:s5] =	ssyncadd.s32 @p0 $0xFFFFFFFF  }
0x27: {  	s6 =	sshll.u32 @!p0 s1, $0xE  }
0x28: {  	s6 =	sor.u32 @!p0 $0x4000, s6;
	s5 =	simm.s32 @!p0 $0x1B8D  }
0x29: {  	s4 =	sshll.u32 @!p0 s4, $0x11;
	s6 =	sadd.s32 @!p0 $0x11B8D, s6;
	_ =	swait.eq @!p0 [sflag:s5], $0x1  }
0x2a: {  	s4 =	sor.u32 @!p0 s4, s6;
	[sflag:s5] =	ssyncadd.s32 @!p0 $0xFFFFFFFF  }
0x2b: {  	s26 =	simm.s32 $0x1B8E;
	s25 =	sld [smem:$0x3FFE];
	[sflag:s4] =	ssyncadd.remote.s32 @!p0 $0x1  }
0x2c: {  	s27 =	simm.s32 $execute0_lowered;
	[smem:$0x3FD2] =	sst s26  }
0x2d: {  	s5 =	sshll.u32 s27, $0x1;
	_ =	strace $0x8000004C;
	[dreg:$0x1] =	wrdreg $0xFFFFFFFF  }
0x2e: {  	s28 =	simm.s32 $_size_execute0_lowered;
	s3 =	sadd.s32 s3, s5;
	[dreg:$0x0] =	wrdreg $0x0  }
0x2f: {  	s5 =	sshll.u32 s28, $0x1;
	[dreg:$0x2] =	wrdreg s3  }
0x30: {  	[dreg:$0x3] =	wrdreg s5  }
0x31: {  	[dreg:$0x4] =	wrdreg $0xC0  }
0x32: {  	_ =	task [dreg:s23], $0x5FFFF  }
0x33: {  	[dreg:$0x1] =	wrdreg $0xFFFFFFFF  }
0x34: {  	[dreg:$0x0] =	wrdreg $0x60  }
0x35: {  	[dreg:$0x2] =	wrdreg s25  }
0x36: {  	[dreg:$0x3] =	wrdreg $0x9  }
0x37: {  	_ =	task.clear_ibuf [dreg:s23], $0x4FFFF;
	_ =	strace $0x9000004C  }
0x38: {  	s29 =	simm.s32 $0x9;
	_ =	strace $0x8000004E  }
0x39: {  	_ =	swait.ge [sflag:s29], $0x1  }
0x3a: {  	[sflag:s29] =	ssyncadd.s32 $0xFFFFFFFF  }
0x3b: {  	_ =	strace $0x9000004E  }
0x3c: {  	_ =	sfence  }
0x3d: {  	s30 =	sld [smem:$0x0];
	_ =	sdelay $0x2  }
0x3e: {  	s31 =	sshll.u32 s1, $0xD;
	s1 =	sshrl.u32 s1, $0x2  }
0x3f: {  	s4 =	sand.u32 $0x4000, s31;
	s1 =	sadd.s32 s1, s30  }
0x40: {  	s0 =	sor.u32 s4, s0;
	s1 =	sshll.u32 s1, $0x11  }
0x41: {  	s0 =	sor.u32 s1, s0  }
0x42: {  	s0 =	sadd.s32 $0x8F2B, s0  }
0x43: {  	[sflag:s0] =	ssyncadd.remote.s32 $0x1  }
0x44: {  	_ =	sfence.sel $0xFFFF  }
0x45: {  	[dreg:$0x0] =	wrdreg $0xFFFFFFFF;
	(pc) =	sbr.abs _section_cstart, $3  }
0x46: {  	[dreg:$0x1] =	wrdreg $0xFFFFFFFF  }
0x47: {  	_ =	task.clear_ibuf [dreg:s23], $0x2FFFF;
	_ =	strace $0x9FFFFFFF  }
0x48: {  	(tm) =	ssettm $0x7FFFFFFF  }
0x49: {  	_ =	shalt  }
tec
execute0_lowered:
.L_overlay_start_1:
0x0: {  	(tag) =	ssettag $0x1  }
0x1: {  	s0 =	srdreg.scid  }
0x2: {  	s5 =	rddreg [dreg:$0x0];
	s1 =	sshll.u32 s0, $0x4  }
0x3: {  	s4 =	simm.s32 $0x1;
	s0 =	stileid.u32;
	s1 =	sand.u32 $0x10, s1  }
0x4: {  	s8 =	simm.s32 $0x2;
	s12 =	simm.s32 $0x0;
	s2 =	sor.u32 s0, s1  }
0x5: {  	s9 =	simm.s32 $0x0;
	s3 =	sadd.s32 $0xD110C00, s5;
	s2 =	sshll.u32 s2, $0x7  }
0x6: {  	s11 =	simm.s32 $0x0;
	s5 =	sadd.s32 $0x498E00, s5;
	s6 =	ssub.s32 $0x61A800, s2  }
.Ltmp0:
0x7: {  	s1 =	rddreg [dreg:$0x1];
	s7 =	sand.u32 $0xF80, s6;
	(pc) =	sbr.rel .LBB1_1-.Ltmp0, $4  }
0x8: {  	_ =	strace $0x8000004D;
	p0 =	sne.s32 s7, $0x0;
	s7 =	simm.s32 $0x1  }
0x9: {  	[sflag:s4] =	ssyncpa.u1 $0x0;
	s6 =	sshrl.u32 s6, $0xC;
	s7 =	simm.s32 @!p0 $0x0  }
0xa: {  	[sflag:s8] =	ssyncpa.u1 $0x0;
	s8 =	simm.s32 $0xC35000;
	s6 =	sadd.s32 s7, s6  }
0xb: {  	s10 =	smov.u32 s2;
	p0 =	por $0x0, $0x0;
	s7 =	sadd.s32 $0x1, s6  }
.LBB1_4:
0xc: {  	s15 =	sshll.u32 s9, $0x1  }
0xd: {  	s16 =	sand.u32 $0x7F, s9;
	p1 =	sgt.s32 s9, $0x61A780;
	s18 =	smov.u32 s9  }
0xe: {  	s19 =	sshra.s32 s9, $0x1F;
	s17 =	sand.u32 $0xFFFFFF00, s15;
	s15 =	sshrl.u32 s15, $0xB  }
0xf: {  	s18 =	simm.s32 @!p1 $0x61A780;
	s19 =	sand.u32 s19, s9;
	s15 =	smulhi.u32 $0x14F8B6, s15  }
0x10: {  	s16 =	sor.u32 s16, s17;
	s25 =	ssub.s32 s18, s19  }
0x11: {  	s17 =	sadd.s32 $0xFF9E5880, s25;
	s26 =	smul.u32 $0x61A800, s15;
	s15 =	sand.u32 $0x1, s15  }
0x12: {  	s27 =	sshll.u32 s17, $0x3;
	p1 =	seq.s32 s15, $0x1;
	s15 =	simm.s32 $0xC3500  }
0x13: {  	s28 =	ssub.s32 $0x400, s27;
	s16 =	ssub.s32 s16, s26;
	s15 =	simm.s32 @!p1 $0x0  }
0x14: {  	p1 =	sgt.s32 s17, $0x7F;
	s17 =	sshrl.u32 s28, $0x2;
	s29 =	sand.u32 $0x7, s16  }
0x15: {  	s16 =	sshrl.u32 s16, $0x3;
	s15 =	sadd.s32 s5, s15;
	s18 =	sshll.u32 s29, $0x12  }
0x16: {  	[tilespmem:s14+$0x0 ss:$0x81] =	vst.msk $0xffff, v0;
	s17 =	simm.s32 @p1 $0x0;
	s30 =	sadd.s32 s16, s15;
	s31 =	sor.u32 $0x100, s18  }
0x17: {  	[hbm4b:s30+s31] =	stream.strided.scatter [tilespmem:s13], [sflag:$0x2], s17, s8, s31, $0x20;
	[tilespmem:$0x4040] =	vst v63  }
.LBB1_5:
0x18: {  	p1 =	slt.u32 s11, $0x2  }
0x19: {  	p2 =	sgt.s32 @!p1 s12, $0x61A780  }
0x1a: {  	s13 =	smov.u32 s12;
	s14 =	sshra.s32 @!p1 s12, $0x1F;
	p2 =	por !p2, p1  }
0x1b: {  	s12 =	sand.u32 @!p1 s14, s12;
	s13 =	simm.s32 @p2 $0x61A780  }
0x1c: {  	s12 =	ssub.s32 @!p1 s13, s12  }
0x1d: {  	s12 =	sadd.s32 @!p1 $0xFF9E5880, s12  }
0x1e: {  	s13 =	sshll.u32 @!p1 s12, $0x3  }
0x1f: {  	p2 =	sgt.s32 @!p1 s12, $0x7F;
	s12 =	ssub.s32 @!p1 $0x400, s13  }
0x20: {  	s14 =	sadd.s32 $0x1000, s10;
	p2 =	por !p2, p1;
	s12 =	sshrl.u32 @!p1 s12, $0x2  }
0x21: {  	s12 =	simm.s32 @!p2 $0x0;
	p2 =	sgt.s32 s14, $0x61A7FF  }
0x22: {  	s14 =	smov.u32 @p2 s2;
	p2 =	sne.s32 s11, s7  }
.Ltmp1:
0x23: {  	_ = 	snop;
	(pc) =	sbr.rel @!p2 .LBB1_6-.Ltmp1, $4  }
0x24: {  	s13 =	simm.s32 @!p1 $0x2  }
0x25: {  	p0 =	por !p0, !p0;
	_ =	swait.ge @!p1 [sflag:s13], s12;
	s15 =	ssub.s32 @!p1 $0x0, s12  }
0x26: {  	s12 =	smov.u32 s9;
	s11 =	sadd.s32 $0x1, s11;
	[sflag:s13] =	ssyncset.done @!p1 $0x0  }
0x27: {  	s9 =	smov.u32 s10;
	s10 =	smov.u32 s14;
	[sflag:s13] =	ssyncadd.s32 @!p1 s15  }
.LBB1_1:
0x28: {  	p1 =	sge.u32 s11, s6  }
0x29: {  	s13 =	sand.u32 @!p1 $0x1FFFFFF, s10  }
0x2a: {  	s14 =	smulhi.u32 @!p1 $0x14F8B59, s13;
	_ =	sdelay $0x1  }
0x2b: {  	s14 =	sshrl.u32 @!p1 s14, $0xF  }
0x2c: {  	s14 =	smul.u32 @!p1 $0x61A800, s14;
	_ =	sdelay $0x1  }
0x2d: {  	s31 =	sadd.s32 $0xFFFFFFFF, s11;
	s15 =	sxor.u32 @!p1 $0xFFFFFFFF, s11;
	s13 =	ssub.s32 @!p1 s13, s14  }
0x2e: {  	s16 =	simm.s32 @!p1 $0x80;
	s15 =	sshll.u32 @!p1 s15, $0xC;
	s13 =	sshll.u32 @!p1 s13, $0x4  }
0x2f: {  	s14 =	sand.u32 @!p1 $0x1000, s15;
	s15 =	simm.s32 @!p1 $0x20;
	s13 =	sadd.s32 @!p1 s3, s13  }
0x30: {  	[tilespmem:s14], [sflag:$0x1] =	stream.strided.gather @!p1 [hbm4b:s13+s15], $0x1000, s16, s15, $0x38;
	[tilespmem:$0x4040] =	vst v63  }
0x31: {  	p1 =	sge.u32 s31, s6  }
.Ltmp2:
0x32: {  	_ = 	snop;
	(pc) =	sbr.rel @p1 .LBB1_5-.Ltmp2, $1  }
0x33: {  	_ =	sdelay $0x3  }
0x34: {  	s13 =	simm.s32 $0x1  }
0x35: {  	_ =	swait.ge [sflag:s4], $0x1000;
	s13 =	simm.s32 @!p0 $0x0  }
0x36: {  	[sflag:s4] =	ssyncset.done $0x0;
	s14 =	sshll.u32 s13, $0xC  }
0x37: {  	[sflag:s4] =	ssyncadd.s32 $0xFFFFF000;
	s17 =	sor.u32 $0x10, s14  }
0x38: {  	s13 =	smul.u32 $0x4080, s13;
	v1 =	vld [tilespmem:s17+$0x0]  }
0x39: {  	s30 =	sand.u32 $0x1, s11;
	v0 =	vld [tilespmem:s17+$0xFFFFFFF0]  }
0x3a: {  	s14 =	smul.u32 $0x4080, s30;
	s13 =	sshrl.u32 s13, $0x2  }
0x3b: {  	s15 =	sor.u32 $0x2000, s13  }
0x3c: {  	s31 =	sshrl.u32 s14, $0x2;
	s14 =	sadd.s32 $0x0, s15  }
0x3d: {  	s16 =	simm.s32 $0x4;
	s17 =	sadd.s32 $0x20, s17;
	s13 =	sor.u32 $0x2000, s31;
	[tilespmem:s14+$0x810 ss:$0x81] =	vst.msk $0xffff, v1  }
.LBB1_3:
0x3e: {  	v1 =	vld [tilespmem:s17+$0x0];
	p1 =	sne.s32 s16, $0x1FC;
	[tilespmem:s14+$0x0 ss:$0x81] =	vst.msk $0xffff, v0;
	s14 =	smov.u32 s16;
	s16 =	sadd.s32 $0x4, s16  }
.Ltmp3:
0x3f: {  	v0 =	vld [tilespmem:s17+$0xFFFFFFF0];
	(pc) =	sbr.rel @p1 .LBB1_3-.Ltmp3, $4  }
0x40: {  	_ = 	snop  }
0x41: {  	s14 =	sshra.s32 s14, $0x2  }
0x42: {  	s14 =	sadd.s32 s14, s15  }
0x43: {  	s17 =	sadd.s32 $0x20, s17;
	[tilespmem:s14+$0x810 ss:$0x81] =	vst.msk $0xffff, v1  }
.Ltmp4:
0x44: {  	_ = 	snop;
	(pc) =	sbr.rel .LBB1_4-.Ltmp4, $1  }
0x45: {  	_ =	sdelay $0x3  }
.LBB1_6:
0x46: {  	_ =	sfence.sel $0x180000  }
0x47: {  	s2 =	simm.s32 $0x1;
	[bflag:$0x0] =	sbarrier.arrive $0xFFFF  }
0x48: {  	s31 =	simm.s32 $0x2;
	[sflag:s2] =	ssyncpa.u1 $0x1  }
0x49: {  	[sflag:s31] =	ssyncpa.u1 $0x1  }
0x4a: {  	p0 =	sne.s32 s0, $0x0;
	_ =	strace $0x9000004D  }
0x4b: {  	s0 =	sadd.s32 @!p0 $0x100000, s1;
	[bflag:$0x2] =	sbarrier.arrive $0xFFFF  }
0x4c: {  	[sflag:s0] =	ssyncadd.tile.s32 @!p0 $0x1;
	_ =	shalt  }
.Lfunc_end1:
_tile_overlayer_lowered:
.L_overlay_start_2:
0x4d: {  	(tag) =	ssettag $0x2  }
0x4e: {  	s0 =	rddreg [dreg:$0x0];
	s2 =	stileid.u32  }
0x4f: {  	s1 =	rddreg [dreg:$0x1];
	p0 =	sne.s32 s2, $0x0  }
0x50: {  	s3 =	rddreg [dreg:$0x2];
	[bflag:$0x3] =	sbarrier.arrive $0xFFFF;
	s2 =	simm.s32 @!p0 $0x1C01  }
0x51: {  	[timem:s3], [sflag:s2] =	dma.local @!p0 [hbm:s0], s1  }
0x52: {  	s0 =	simm.s32 @!p0 $0x1  }
0x53: {  	_ =	swait.ge @!p0 [sflag:s0], s1  }
0x54: {  	s1 =	ssub.s32 @!p0 $0x0, s1;
	[sflag:s0] =	ssyncset.done @!p0 $0x0  }
0x55: {  	[sflag:s0] =	ssyncadd.s32 @!p0 s1  }
0x56: {  	[bflag:$0x3] =	sbarrier.arrive $0xFFFF  }
0x57: {  	_ =	shalt  }

// kernel: sparse-core-data-format-call.2.cloned.1.call-start
scs
called_computation.4_lowered:
.L_overlay_start_0:
0x0: {  	s2 =	sld [smem:$0x3FD9]  }
0x1: {  	s3 =	sld [smem:$0x3FFE];
	_ =	sdelay $0x1  }
0x2: {  	s1 =	srdreg.scid  }
0x3: {  	s0 =	sand.u32 $0x1, s1  }
0x4: {  	s18 =	sshll.u32 s0, $0xA;
	s2 =	sadd.s32 s3, s2  }
0x5: {  	s2 =	sadd.s32 s2, s18  }
0x6: {  	[smem:$0x3FBB] =	sst s2  }
0x7: {  	_ = 	snop  }
0x8: {  	(tm) =	ssettm $0x1  }
0x9: {  	s19 =	sld [smem:$0x3FFB];
	_ =	sdelay $0x3  }
0xa: {  	_ =	strace s19  }
0xb: {  	s2 =	sld [smem:$0x3FFC];
	_ =	sdelay $0x3  }
0xc: {  	_ =	strace s2  }
0xd: {  	s2 =	sld [smem:$0x3FFD];
	_ =	sdelay $0x3  }
0xe: {  	_ =	strace s2  }
0xf: {  	_ =	strace $0x8FFFFFFF  }
0x10: {  	s20 =	sld [smem:$0x3FDB];
	_ =	sdelay $0x1  }
0x11: {  	s21 =	simm.s32 $_scs_section_size  }
0x12: {  	s4 =	simm.s32 $_size__tile_overlayer_lowered;
	s5 =	simm.s32 $_tile_overlayer_lowered  }
0x13: {  	s6 =	simm.s32 $0x1BFF;
	s22 =	sshll.u32 s5, $0x1;
	s3 =	sadd.s32 s21, s20  }
0x14: {  	s23 =	simm.s32 $0x0;
	s4 =	sshll.u32 s4, $0x1;
	s5 =	sadd.s32 s22, s3  }
0x15: {  	[timem:s23], [sflag:s6] =	dma.local [hbm:s5], s4  }
0x16: {  	_ =	swait.ge [sflag:s6], s4  }
0x17: {  	s4 =	ssub.s32 $0x0, s4;
	[sflag:s6] =	ssyncset.done $0x0  }
0x18: {  	[sflag:s6] =	ssyncadd.s32 s4;
	_ =	sdelay $0x1  }
0x19: {  	s24 =	simm.s32 $0x1B8B  }
0x1a: {  	_ =	swait.ge [sflag:s24], $0x1  }
0x1b: {  	[sflag:s24] =	ssyncset.done $0x0  }
0x1c: {  	[sflag:s24] =	ssyncadd.s32 $0xFFFFFFFF  }
0x1d: {  	s4 =	sld [smem:$0x0]  }
0x1e: {  	s5 =	sand.u32 $0xFFFFFFFE, s1  }
0x1f: {  	p0 =	sne.s32 s1, s5  }
0x20: {  	s5 =	sshll.u32 @p0 s5, $0xE  }
0x21: {  	s5 =	sadd.s32 @p0 $0x11B8D, s5;
	s6 =	sshll.u32 @p0 s4, $0x11  }
0x22: {  	s5 =	sor.u32 @p0 s6, s5  }
0x23: {  	[sflag:s5] =	ssyncadd.remote.s32 @p0 $0x1;
	_ =	sdelay $0x1  }
0x24: {  	s5 =	simm.s32 @p0 $0x1B8D  }
0x25: {  	_ =	swait.eq @p0 [sflag:s5], $0x1  }
0x26: {  	[sflag:s5] =	ssyncadd.s32 @p0 $0xFFFFFFFF  }
0x27: {  	s6 =	sshll.u32 @!p0 s1, $0xE  }
0x28: {  	s6 =	sor.u32 @!p0 $0x4000, s6;
	s5 =	simm.s32 @!p0 $0x1B8D  }
0x29: {  	s4 =	sshll.u32 @!p0 s4, $0x11;
	s6 =	sadd.s32 @!p0 $0x11B8D, s6;
	_ =	swait.eq @!p0 [sflag:s5], $0x1  }
0x2a: {  	s4 =	sor.u32 @!p0 s4, s6;
	[sflag:s5] =	ssyncadd.s32 @!p0 $0xFFFFFFFF  }
0x2b: {  	s26 =	simm.s32 $0x1B8E;
	s25 =	sld [smem:$0x3FFE];
	[sflag:s4] =	ssyncadd.remote.s32 @!p0 $0x1  }
0x2c: {  	s27 =	simm.s32 $execute0_lowered;
	[smem:$0x3FD2] =	sst s26  }
0x2d: {  	s5 =	sshll.u32 s27, $0x1;
	_ =	strace $0x80000049;
	[dreg:$0x1] =	wrdreg $0xFFFFFFFF  }
0x2e: {  	s28 =	simm.s32 $_size_execute0_lowered;
	s3 =	sadd.s32 s3, s5;
	[dreg:$0x0] =	wrdreg $0x0  }
0x2f: {  	s5 =	sshll.u32 s28, $0x1;
	[dreg:$0x2] =	wrdreg s3  }
0x30: {  	[dreg:$0x3] =	wrdreg s5  }
0x31: {  	[dreg:$0x4] =	wrdreg $0xC0  }
0x32: {  	_ =	task [dreg:s23], $0x5FFFF  }
0x33: {  	[dreg:$0x1] =	wrdreg $0xFFFFFFFF  }
0x34: {  	[dreg:$0x0] =	wrdreg $0x60  }
0x35: {  	[dreg:$0x2] =	wrdreg s25  }
0x36: {  	[dreg:$0x3] =	wrdreg $0xA  }
0x37: {  	_ =	task.clear_ibuf [dreg:s23], $0x4FFFF;
	_ =	strace $0x90000049  }
0x38: {  	s29 =	simm.s32 $0xA;
	_ =	strace $0x8000004B  }
0x39: {  	_ =	swait.ge [sflag:s29], $0x1  }
0x3a: {  	[sflag:s29] =	ssyncadd.s32 $0xFFFFFFFF  }
0x3b: {  	_ =	strace $0x9000004B  }
0x3c: {  	_ =	sfence  }
0x3d: {  	s30 =	sld [smem:$0x0];
	_ =	sdelay $0x2  }
0x3e: {  	s31 =	sshll.u32 s1, $0xD;
	s1 =	sshrl.u32 s1, $0x2  }
0x3f: {  	s4 =	sand.u32 $0x4000, s31;
	s1 =	sadd.s32 s1, s30  }
0x40: {  	s0 =	sor.u32 s4, s0;
	s1 =	sshll.u32 s1, $0x11  }
0x41: {  	s0 =	sor.u32 s1, s0  }
0x42: {  	s0 =	sadd.s32 $0x8F2B, s0  }
0x43: {  	[sflag:s0] =	ssyncadd.remote.s32 $0x1  }
0x44: {  	_ =	sfence.sel $0xFFFF  }
0x45: {  	[dreg:$0x0] =	wrdreg $0xFFFFFFFF;
	(pc) =	sbr.abs _section_cstart, $3  }
0x46: {  	[dreg:$0x1] =	wrdreg $0xFFFFFFFF  }
0x47: {  	_ =	task.clear_ibuf [dreg:s23], $0x2FFFF;
	_ =	strace $0x9FFFFFFF  }
0x48: {  	(tm) =	ssettm $0x7FFFFFFF  }
0x49: {  	_ =	shalt  }
tec
execute0_lowered:
.L_overlay_start_1:
0x0: {  	(tag) =	ssettag $0x1  }
0x1: {  	s0 =	srdreg.scid  }
0x2: {  	s5 =	rddreg [dreg:$0x0];
	s1 =	sshll.u32 s0, $0x4  }
0x3: {  	s4 =	simm.s32 $0x1;
	s0 =	stileid.u32;
	s1 =	sand.u32 $0x10, s1  }
0x4: {  	s8 =	simm.s32 $0x2;
	s12 =	simm.s32 $0x0;
	s2 =	sor.u32 s0, s1  }
0x5: {  	s9 =	simm.s32 $0x0;
	s3 =	sadd.s32 $0x6C5B800, s5;
	s2 =	sshll.u32 s2, $0x7  }
0x6: {  	s11 =	simm.s32 $0x0;
	s5 =	sadd.s32 $0xCE03800, s5;
	s6 =	ssub.s32 $0x61A800, s2  }
.Ltmp0:
0x7: {  	s1 =	rddreg [dreg:$0x1];
	s7 =	sand.u32 $0xF80, s6;
	(pc) =	sbr.rel .LBB1_1-.Ltmp0, $4  }
0x8: {  	_ =	strace $0x8000004A;
	p0 =	sne.s32 s7, $0x0;
	s7 =	simm.s32 $0x1  }
0x9: {  	[sflag:s4] =	ssyncpa.u1 $0x0;
	s6 =	sshrl.u32 s6, $0xC;
	s7 =	simm.s32 @!p0 $0x0  }
0xa: {  	[sflag:s8] =	ssyncpa.u1 $0x0;
	s8 =	simm.s32 $0x186A000;
	s6 =	sadd.s32 s7, s6  }
0xb: {  	s10 =	smov.u32 s2;
	p0 =	por $0x0, $0x0;
	s7 =	sadd.s32 $0x1, s6  }
.LBB1_4:
0xc: {  	s15 =	sshll.u32 s9, $0x2;
	p1 =	sgt.s32 s9, $0x61A780  }
0xd: {  	s17 =	smov.u32 s9;
	s18 =	sshra.s32 s9, $0x1F;
	s16 =	sshrl.u32 s15, $0xB  }
0xe: {  	s17 =	simm.s32 @!p1 $0x61A780;
	s18 =	sand.u32 s18, s9;
	s16 =	smulhi.u32 $0x14F8B6, s16  }
0xf: {  	s19 =	sand.u32 $0x7F, s9;
	s15 =	sand.u32 $0xFFFFFE00, s15;
	s17 =	ssub.s32 s17, s18  }
0x10: {  	s17 =	sadd.s32 $0xFF9E5880, s17;
	s26 =	smul.u32 $0x61A800, s16  }
0x11: {  	s15 =	sor.u32 s19, s15;
	s16 =	sand.u32 $0x3, s16;
	s27 =	sshll.u32 s17, $0x4  }
0x12: {  	s28 =	ssub.s32 $0x800, s27;
	s16 =	smul.u32 $0xC3500, s16;
	s15 =	ssub.s32 s15, s26  }
0x13: {  	p1 =	sgt.s32 s17, $0x7F;
	s17 =	sshrl.u32 s28, $0x2;
	s29 =	sand.u32 $0x7, s15  }
0x14: {  	s15 =	sshrl.u32 s15, $0x3;
	s16 =	sadd.s32 s5, s16;
	s18 =	sshll.u32 s29, $0x12  }
0x15: {  	[tilespmem:s14+$0x0 ss:$0x81] =	vst.msk $0xffff, v0;
	s17 =	simm.s32 @p1 $0x0;
	s30 =	sadd.s32 s15, s16;
	s31 =	sor.u32 $0x200, s18  }
0x16: {  	[hbm4b:s30+s31] =	stream.strided.scatter [tilespmem:s13], [sflag:$0x2], s17, s8, s31, $0x20;
	[tilespmem:$0x4040] =	vst v63  }
.LBB1_5:
0x17: {  	p1 =	slt.u32 s11, $0x2  }
0x18: {  	p2 =	sgt.s32 @!p1 s12, $0x61A780  }
0x19: {  	s13 =	smov.u32 s12;
	s14 =	sshra.s32 @!p1 s12, $0x1F;
	p2 =	por !p2, p1  }
0x1a: {  	s12 =	sand.u32 @!p1 s14, s12;
	s13 =	simm.s32 @p2 $0x61A780  }
0x1b: {  	s12 =	ssub.s32 @!p1 s13, s12  }
0x1c: {  	s12 =	sadd.s32 @!p1 $0xFF9E5880, s12  }
0x1d: {  	s13 =	sshll.u32 @!p1 s12, $0x4  }
0x1e: {  	p2 =	sgt.s32 @!p1 s12, $0x7F;
	s12 =	ssub.s32 @!p1 $0x800, s13  }
0x1f: {  	s14 =	sadd.s32 $0x1000, s10;
	p2 =	por !p2, p1;
	s12 =	sshrl.u32 @!p1 s12, $0x2  }
0x20: {  	s12 =	simm.s32 @!p2 $0x0;
	p2 =	sgt.s32 s14, $0x61A7FF  }
0x21: {  	s14 =	smov.u32 @p2 s2;
	p2 =	sne.s32 s11, s7  }
.Ltmp1:
0x22: {  	_ = 	snop;
	(pc) =	sbr.rel @!p2 .LBB1_6-.Ltmp1, $4  }
0x23: {  	s13 =	simm.s32 @!p1 $0x2  }
0x24: {  	p0 =	por !p0, !p0;
	_ =	swait.ge @!p1 [sflag:s13], s12;
	s15 =	ssub.s32 @!p1 $0x0, s12  }
0x25: {  	s12 =	smov.u32 s9;
	s11 =	sadd.s32 $0x1, s11;
	[sflag:s13] =	ssyncset.done @!p1 $0x0  }
0x26: {  	s9 =	smov.u32 s10;
	s10 =	smov.u32 s14;
	[sflag:s13] =	ssyncadd.s32 @!p1 s15  }
.LBB1_1:
0x27: {  	p1 =	sge.u32 s11, s6  }
0x28: {  	s13 =	sand.u32 @!p1 $0x1FFFFFF, s10  }
0x29: {  	s14 =	smulhi.u32 @!p1 $0x14F8B59, s13;
	_ =	sdelay $0x1  }
0x2a: {  	s14 =	sshrl.u32 @!p1 s14, $0xF  }
0x2b: {  	s14 =	smul.u32 @!p1 $0x61A800, s14;
	_ =	sdelay $0x1  }
0x2c: {  	s31 =	sadd.s32 $0xFFFFFFFF, s11;
	s15 =	sxor.u32 @!p1 $0xFFFFFFFF, s11;
	s13 =	ssub.s32 @!p1 s13, s14  }
0x2d: {  	s16 =	simm.s32 @!p1 $0x80;
	s15 =	sshll.u32 @!p1 s15, $0xC;
	s13 =	sshll.u32 @!p1 s13, $0x4  }
0x2e: {  	s14 =	sand.u32 @!p1 $0x1000, s15;
	s15 =	simm.s32 @!p1 $0x20;
	s13 =	sadd.s32 @!p1 s3, s13  }
0x2f: {  	[tilespmem:s14], [sflag:$0x1] =	stream.strided.gather @!p1 [hbm4b:s13+s15], $0x1000, s16, s15, $0x38;
	[tilespmem:$0x4040] =	vst v63  }
0x30: {  	p1 =	sge.u32 s31, s6  }
.Ltmp2:
0x31: {  	_ = 	snop;
	(pc) =	sbr.rel @p1 .LBB1_5-.Ltmp2, $1  }
0x32: {  	_ =	sdelay $0x3  }
0x33: {  	s13 =	simm.s32 $0x1  }
0x34: {  	_ =	swait.ge [sflag:s4], $0x1000;
	s13 =	simm.s32 @!p0 $0x0  }
0x35: {  	[sflag:s4] =	ssyncset.done $0x0;
	s14 =	sshll.u32 s13, $0xC  }
0x36: {  	[sflag:s4] =	ssyncadd.s32 $0xFFFFF000;
	s17 =	sor.u32 $0x10, s14  }
0x37: {  	s13 =	smul.u32 $0x4080, s13;
	v1 =	vld [tilespmem:s17+$0x0]  }
0x38: {  	s30 =	sand.u32 $0x1, s11;
	v0 =	vld [tilespmem:s17+$0xFFFFFFF0]  }
0x39: {  	s14 =	smul.u32 $0x4080, s30;
	s13 =	sshrl.u32 s13, $0x2  }
0x3a: {  	s15 =	sor.u32 $0x2000, s13  }
0x3b: {  	s31 =	sshrl.u32 s14, $0x2;
	s14 =	sadd.s32 $0x0, s15  }
0x3c: {  	s16 =	simm.s32 $0x4;
	s17 =	sadd.s32 $0x20, s17;
	s13 =	sor.u32 $0x2000, s31;
	[tilespmem:s14+$0x810 ss:$0x81] =	vst.msk $0xffff, v1  }
.LBB1_3:
0x3d: {  	v1 =	vld [tilespmem:s17+$0x0];
	p1 =	sne.s32 s16, $0x1FC;
	[tilespmem:s14+$0x0 ss:$0x81] =	vst.msk $0xffff, v0;
	s14 =	smov.u32 s16;
	s16 =	sadd.s32 $0x4, s16  }
.Ltmp3:
0x3e: {  	v0 =	vld [tilespmem:s17+$0xFFFFFFF0];
	(pc) =	sbr.rel @p1 .LBB1_3-.Ltmp3, $4  }
0x3f: {  	_ = 	snop  }
0x40: {  	s14 =	sshra.s32 s14, $0x2  }
0x41: {  	s14 =	sadd.s32 s14, s15  }
0x42: {  	s17 =	sadd.s32 $0x20, s17;
	[tilespmem:s14+$0x810 ss:$0x81] =	vst.msk $0xffff, v1  }
.Ltmp4:
0x43: {  	_ = 	snop;
	(pc) =	sbr.rel .LBB1_4-.Ltmp4, $1  }
0x44: {  	_ =	sdelay $0x3  }
.LBB1_6:
0x45: {  	_ =	sfence.sel $0x180000  }
0x46: {  	s2 =	simm.s32 $0x1;
	[bflag:$0x0] =	sbarrier.arrive $0xFFFF  }
0x47: {  	s31 =	simm.s32 $0x2;
	[sflag:s2] =	ssyncpa.u1 $0x1  }
0x48: {  	[sflag:s31] =	ssyncpa.u1 $0x1  }
0x49: {  	p0 =	sne.s32 s0, $0x0;
	_ =	strace $0x9000004A  }
0x4a: {  	s0 =	sadd.s32 @!p0 $0x100000, s1;
	[bflag:$0x2] =	sbarrier.arrive $0xFFFF  }
0x4b: {  	[sflag:s0] =	ssyncadd.tile.s32 @!p0 $0x1;
	_ =	shalt  }
.Lfunc_end1:
_tile_overlayer_lowered:
.L_overlay_start_2:
0x4c: {  	(tag) =	ssettag $0x2  }
0x4d: {  	s0 =	rddreg [dreg:$0x0];
	s2 =	stileid.u32  }
0x4e: {  	s1 =	rddreg [dreg:$0x1];
	p0 =	sne.s32 s2, $0x0  }
0x4f: {  	s3 =	rddreg [dreg:$0x2];
	[bflag:$0x3] =	sbarrier.arrive $0xFFFF;
	s2 =	simm.s32 @!p0 $0x1C01  }
0x50: {  	[timem:s3], [sflag:s2] =	dma.local @!p0 [hbm:s0], s1  }
0x51: {  	s0 =	simm.s32 @!p0 $0x1  }
0x52: {  	_ =	swait.ge @!p0 [sflag:s0], s1  }
0x53: {  	s1 =	ssub.s32 @!p0 $0x0, s1;
	[sflag:s0] =	ssyncset.done @!p0 $0x0  }
0x54: {  	[sflag:s0] =	ssyncadd.s32 @!p0 s1  }
0x55: {  	[bflag:$0x3] =	sbarrier.arrive $0xFFFF  }
0x56: {  	_ =	shalt  }

// kernel: sparse-core-data-format-call.3.cloned.1.call-start
scs
called_computation.5_lowered:
.L_overlay_start_0:
0x0: {  	s1 =	sld [smem:$0x3FD9]  }
0x1: {  	s2 =	sld [smem:$0x3FFE];
	_ =	sdelay $0x1  }
0x2: {  	s3 =	srdreg.scid  }
0x3: {  	s0 =	sand.u32 $0x1, s3  }
0x4: {  	s17 =	sshll.u32 s0, $0xA;
	s1 =	sadd.s32 s2, s1  }
0x5: {  	s1 =	sadd.s32 s1, s17  }
0x6: {  	[smem:$0x3FBB] =	sst s1  }
0x7: {  	_ = 	snop  }
0x8: {  	(tm) =	ssettm $0x1  }
0x9: {  	s18 =	sld [smem:$0x3FFB];
	_ =	sdelay $0x3  }
0xa: {  	_ =	strace s18  }
0xb: {  	s1 =	sld [smem:$0x3FFC];
	_ =	sdelay $0x3  }
0xc: {  	_ =	strace s1  }
0xd: {  	s1 =	sld [smem:$0x3FFD];
	_ =	sdelay $0x3  }
0xe: {  	_ =	strace s1  }
0xf: {  	_ =	strace $0x8FFFFFFF  }
0x10: {  	s19 =	sld [smem:$0x3FDB];
	_ =	sdelay $0x1  }
0x11: {  	s20 =	simm.s32 $_scs_section_size  }
0x12: {  	s4 =	simm.s32 $_size__tile_overlayer_lowered;
	s5 =	simm.s32 $_tile_overlayer_lowered  }
0x13: {  	s23 =	simm.s32 $0x1BFF;
	s22 =	sshll.u32 s5, $0x1;
	s1 =	sadd.s32 s20, s19  }
0x14: {  	s6 =	simm.s32 $0x0;
	s21 =	sshll.u32 s4, $0x1;
	s4 =	sadd.s32 s22, s1  }
0x15: {  	[timem:s6], [sflag:s23] =	dma.local [hbm:s4], s21  }
0x16: {  	_ =	swait.ge [sflag:s23], s21  }
0x17: {  	s2 =	ssub.s32 $0x0, s21;
	[sflag:s23] =	ssyncset.done $0x0  }
0x18: {  	[sflag:s23] =	ssyncadd.s32 s2;
	_ =	sdelay $0x1  }
0x19: {  	s24 =	simm.s32 $0x1B8B  }
0x1a: {  	_ =	swait.ge [sflag:s24], $0x1  }
0x1b: {  	[sflag:s24] =	ssyncset.done $0x0  }
0x1c: {  	s26 =	simm.s32 $0x1B8E;
	s25 =	sld [smem:$0x3FFE];
	[sflag:s24] =	ssyncadd.s32 $0xFFFFFFFF  }
0x1d: {  	s27 =	simm.s32 $execute0_lowered;
	[smem:$0x3FD2] =	sst s26  }
0x1e: {  	s4 =	sshll.u32 s27, $0x1;
	_ =	strace $0x80000046;
	[dreg:$0x1] =	wrdreg $0xFFFFFFFF  }
0x1f: {  	s28 =	simm.s32 $_size_execute0_lowered;
	s1 =	sadd.s32 s1, s4;
	[dreg:$0x0] =	wrdreg $0x0  }
0x20: {  	s4 =	sshll.u32 s28, $0x1;
	[dreg:$0x2] =	wrdreg s1  }
0x21: {  	[dreg:$0x3] =	wrdreg s4  }
0x22: {  	[dreg:$0x4] =	wrdreg $0xC0  }
0x23: {  	_ =	task [dreg:s6], $0x5FFFF  }
0x24: {  	[dreg:$0x1] =	wrdreg $0xFFFFFFFF  }
0x25: {  	[dreg:$0x0] =	wrdreg $0x60  }
0x26: {  	[dreg:$0x2] =	wrdreg s25  }
0x27: {  	[dreg:$0x3] =	wrdreg $0xB  }
0x28: {  	_ =	task.clear_ibuf [dreg:s6], $0x4FFFF;
	_ =	strace $0x90000046  }
0x29: {  	s29 =	simm.s32 $0xB;
	_ =	strace $0x80000048  }
0x2a: {  	_ =	swait.ge [sflag:s29], $0x1  }
0x2b: {  	[sflag:s29] =	ssyncadd.s32 $0xFFFFFFFF  }
0x2c: {  	_ =	strace $0x90000048  }
0x2d: {  	_ =	sfence  }
0x2e: {  	s30 =	sld [smem:$0x0];
	_ =	sdelay $0x2  }
0x2f: {  	s31 =	sshll.u32 s3, $0xD;
	s3 =	sshrl.u32 s3, $0x2  }
0x30: {  	s2 =	sand.u32 $0x4000, s31;
	s1 =	sadd.s32 s3, s30  }
0x31: {  	s0 =	sor.u32 s2, s0;
	s1 =	sshll.u32 s1, $0x11  }
0x32: {  	s0 =	sor.u32 s1, s0  }
0x33: {  	s0 =	sadd.s32 $0x8F2B, s0  }
0x34: {  	[sflag:s0] =	ssyncadd.remote.s32 $0x1  }
0x35: {  	_ =	sfence.sel $0xFFFF  }
0x36: {  	[dreg:$0x0] =	wrdreg $0xFFFFFFFF;
	(pc) =	sbr.abs _section_cstart, $3  }
0x37: {  	[dreg:$0x1] =	wrdreg $0xFFFFFFFF  }
0x38: {  	_ =	task.clear_ibuf [dreg:s6], $0x2FFFF;
	_ =	strace $0x9FFFFFFF  }
0x39: {  	(tm) =	ssettm $0x7FFFFFFF  }
tec
execute0_lowered:
.L_overlay_start_1:
0x0: {  	(tag) =	ssettag $0x1  }
0x1: {  	s0 =	srdreg.scid  }
0x2: {  	s5 =	rddreg [dreg:$0x0];
	s1 =	sshll.u32 s0, $0x4  }
0x3: {  	s4 =	simm.s32 $0x1;
	s0 =	stileid.u32;
	s1 =	sand.u32 $0x10, s1  }
0x4: {  	s8 =	simm.s32 $0x2;
	s12 =	simm.s32 $0x0;
	s2 =	sor.u32 s0, s1  }
0x5: {  	s9 =	simm.s32 $0x0;
	s3 =	sadd.s32 $0x7A6400, s5;
	s2 =	sshll.u32 s2, $0x7  }
0x6: {  	s11 =	simm.s32 $0x0;
	s5 =	sadd.s32 $0x694E400, s5;
	s6 =	ssub.s32 $0x61A800, s2  }
.Ltmp0:
0x7: {  	s1 =	rddreg [dreg:$0x1];
	s7 =	sand.u32 $0xF80, s6;
	(pc) =	sbr.rel .LBB1_1-.Ltmp0, $4  }
0x8: {  	_ =	strace $0x80000047;
	p0 =	sne.s32 s7, $0x0;
	s7 =	simm.s32 $0x1  }
0x9: {  	[sflag:s4] =	ssyncpa.u1 $0x0;
	s6 =	sshrl.u32 s6, $0xC;
	s7 =	simm.s32 @!p0 $0x0  }
0xa: {  	[sflag:s8] =	ssyncpa.u1 $0x0;
	s8 =	simm.s32 $0x186A000;
	s6 =	sadd.s32 s7, s6  }
0xb: {  	s10 =	smov.u32 s2;
	p0 =	por $0x0, $0x0;
	s7 =	sadd.s32 $0x1, s6  }
.LBB1_4:
0xc: {  	s15 =	sshll.u32 s9, $0x2;
	p1 =	sgt.s32 s9, $0x61A780  }
0xd: {  	s17 =	smov.u32 s9;
	s18 =	sshra.s32 s9, $0x1F;
	s16 =	sshrl.u32 s15, $0xB  }
0xe: {  	s17 =	simm.s32 @!p1 $0x61A780;
	s18 =	sand.u32 s18, s9;
	s16 =	smulhi.u32 $0x14F8B6, s16  }
0xf: {  	s19 =	sand.u32 $0x7F, s9;
	s15 =	sand.u32 $0xFFFFFE00, s15;
	s17 =	ssub.s32 s17, s18  }
0x10: {  	s17 =	sadd.s32 $0xFF9E5880, s17;
	s26 =	smul.u32 $0x61A800, s16  }
0x11: {  	s15 =	sor.u32 s19, s15;
	s16 =	sand.u32 $0x3, s16;
	s27 =	sshll.u32 s17, $0x4  }
0x12: {  	s28 =	ssub.s32 $0x800, s27;
	s16 =	smul.u32 $0xC3500, s16;
	s15 =	ssub.s32 s15, s26  }
0x13: {  	p1 =	sgt.s32 s17, $0x7F;
	s17 =	sshrl.u32 s28, $0x2;
	s29 =	sand.u32 $0x7, s15  }
0x14: {  	s15 =	sshrl.u32 s15, $0x3;
	s16 =	sadd.s32 s5, s16;
	s18 =	sshll.u32 s29, $0x12  }
0x15: {  	[tilespmem:s14+$0x0 ss:$0x81] =	vst.msk $0xffff, v0;
	s17 =	simm.s32 @p1 $0x0;
	s30 =	sadd.s32 s15, s16;
	s31 =	sor.u32 $0x200, s18  }
0x16: {  	[hbm4b:s30+s31] =	stream.strided.scatter [tilespmem:s13], [sflag:$0x2], s17, s8, s31, $0x20;
	[tilespmem:$0x4040] =	vst v63  }
.LBB1_5:
0x17: {  	p1 =	slt.u32 s11, $0x2  }
0x18: {  	p2 =	sgt.s32 @!p1 s12, $0x61A780  }
0x19: {  	s13 =	smov.u32 s12;
	s14 =	sshra.s32 @!p1 s12, $0x1F;
	p2 =	por !p2, p1  }
0x1a: {  	s12 =	sand.u32 @!p1 s14, s12;
	s13 =	simm.s32 @p2 $0x61A780  }
0x1b: {  	s12 =	ssub.s32 @!p1 s13, s12  }
0x1c: {  	s12 =	sadd.s32 @!p1 $0xFF9E5880, s12  }
0x1d: {  	s13 =	sshll.u32 @!p1 s12, $0x4  }
0x1e: {  	p2 =	sgt.s32 @!p1 s12, $0x7F;
	s12 =	ssub.s32 @!p1 $0x800, s13  }
0x1f: {  	s14 =	sadd.s32 $0x1000, s10;
	p2 =	por !p2, p1;
	s12 =	sshrl.u32 @!p1 s12, $0x2  }
0x20: {  	s12 =	simm.s32 @!p2 $0x0;
	p2 =	sgt.s32 s14, $0x61A7FF  }
0x21: {  	s14 =	smov.u32 @p2 s2;
	p2 =	sne.s32 s11, s7  }
.Ltmp1:
0x22: {  	_ = 	snop;
	(pc) =	sbr.rel @!p2 .LBB1_6-.Ltmp1, $4  }
0x23: {  	s13 =	simm.s32 @!p1 $0x2  }
0x24: {  	p0 =	por !p0, !p0;
	_ =	swait.ge @!p1 [sflag:s13], s12;
	s15 =	ssub.s32 @!p1 $0x0, s12  }
0x25: {  	s12 =	smov.u32 s9;
	s11 =	sadd.s32 $0x1, s11;
	[sflag:s13] =	ssyncset.done @!p1 $0x0  }
0x26: {  	s9 =	smov.u32 s10;
	s10 =	smov.u32 s14;
	[sflag:s13] =	ssyncadd.s32 @!p1 s15  }
.LBB1_1:
0x27: {  	p1 =	sge.u32 s11, s6  }
0x28: {  	s13 =	sand.u32 @!p1 $0x1FFFFFF, s10  }
0x29: {  	s14 =	smulhi.u32 @!p1 $0x14F8B59, s13;
	_ =	sdelay $0x1  }
0x2a: {  	s14 =	sshrl.u32 @!p1 s14, $0xF  }
0x2b: {  	s14 =	smul.u32 @!p1 $0x61A800, s14;
	_ =	sdelay $0x1  }
0x2c: {  	s31 =	sadd.s32 $0xFFFFFFFF, s11;
	s15 =	sxor.u32 @!p1 $0xFFFFFFFF, s11;
	s13 =	ssub.s32 @!p1 s13, s14  }
0x2d: {  	s16 =	simm.s32 @!p1 $0x80;
	s15 =	sshll.u32 @!p1 s15, $0xC;
	s13 =	sshll.u32 @!p1 s13, $0x4  }
0x2e: {  	s14 =	sand.u32 @!p1 $0x1000, s15;
	s15 =	simm.s32 @!p1 $0x20;
	s13 =	sadd.s32 @!p1 s3, s13  }
0x2f: {  	[tilespmem:s14], [sflag:$0x1] =	stream.strided.gather @!p1 [hbm4b:s13+s15], $0x1000, s16, s15, $0x38;
	[tilespmem:$0x4040] =	vst v63  }
0x30: {  	p1 =	sge.u32 s31, s6  }
.Ltmp2:
0x31: {  	_ = 	snop;
	(pc) =	sbr.rel @p1 .LBB1_5-.Ltmp2, $1  }
0x32: {  	_ =	sdelay $0x3  }
0x33: {  	s13 =	simm.s32 $0x1  }
0x34: {  	_ =	swait.ge [sflag:s4], $0x1000;
	s13 =	simm.s32 @!p0 $0x0  }
0x35: {  	[sflag:s4] =	ssyncset.done $0x0;
	s14 =	sshll.u32 s13, $0xC  }
0x36: {  	[sflag:s4] =	ssyncadd.s32 $0xFFFFF000;
	s17 =	sor.u32 $0x10, s14  }
0x37: {  	s13 =	smul.u32 $0x4080, s13;
	v1 =	vld [tilespmem:s17+$0x0]  }
0x38: {  	s30 =	sand.u32 $0x1, s11;
	v0 =	vld [tilespmem:s17+$0xFFFFFFF0]  }
0x39: {  	s14 =	smul.u32 $0x4080, s30;
	s13 =	sshrl.u32 s13, $0x2  }
0x3a: {  	s15 =	sor.u32 $0x2000, s13  }
0x3b: {  	s31 =	sshrl.u32 s14, $0x2;
	s14 =	sadd.s32 $0x0, s15  }
0x3c: {  	s16 =	simm.s32 $0x4;
	s17 =	sadd.s32 $0x20, s17;
	s13 =	sor.u32 $0x2000, s31;
	[tilespmem:s14+$0x810 ss:$0x81] =	vst.msk $0xffff, v1  }
.LBB1_3:
0x3d: {  	v1 =	vld [tilespmem:s17+$0x0];
	p1 =	sne.s32 s16, $0x1FC;
	[tilespmem:s14+$0x0 ss:$0x81] =	vst.msk $0xffff, v0;
	s14 =	smov.u32 s16;
	s16 =	sadd.s32 $0x4, s16  }
.Ltmp3:
0x3e: {  	v0 =	vld [tilespmem:s17+$0xFFFFFFF0];
	(pc) =	sbr.rel @p1 .LBB1_3-.Ltmp3, $4  }
0x3f: {  	_ = 	snop  }
0x40: {  	s14 =	sshra.s32 s14, $0x2  }
0x41: {  	s14 =	sadd.s32 s14, s15  }
0x42: {  	s17 =	sadd.s32 $0x20, s17;
	[tilespmem:s14+$0x810 ss:$0x81] =	vst.msk $0xffff, v1  }
.Ltmp4:
0x43: {  	_ = 	snop;
	(pc) =	sbr.rel .LBB1_4-.Ltmp4, $1  }
0x44: {  	_ =	sdelay $0x3  }
.LBB1_6:
0x45: {  	_ =	sfence.sel $0x180000  }
0x46: {  	s2 =	simm.s32 $0x1;
	[bflag:$0x0] =	sbarrier.arrive $0xFFFF  }
0x47: {  	s31 =	simm.s32 $0x2;
	[sflag:s2] =	ssyncpa.u1 $0x1  }
0x48: {  	[sflag:s31] =	ssyncpa.u1 $0x1  }
0x49: {  	p0 =	sne.s32 s0, $0x0;
	_ =	strace $0x90000047  }
0x4a: {  	s0 =	sadd.s32 @!p0 $0x100000, s1;
	[bflag:$0x2] =	sbarrier.arrive $0xFFFF  }
0x4b: {  	[sflag:s0] =	ssyncadd.tile.s32 @!p0 $0x1;
	_ =	shalt  }
.Lfunc_end1:
_tile_overlayer_lowered:
.L_overlay_start_2:
0x4c: {  	(tag) =	ssettag $0x2  }
0x4d: {  	s0 =	rddreg [dreg:$0x0];
	s2 =	stileid.u32  }
0x4e: {  	s1 =	rddreg [dreg:$0x1];
	p0 =	sne.s32 s2, $0x0  }
0x4f: {  	s3 =	rddreg [dreg:$0x2];
	[bflag:$0x3] =	sbarrier.arrive $0xFFFF;
	s2 =	simm.s32 @!p0 $0x1C01  }
0x50: {  	[timem:s3], [sflag:s2] =	dma.local @!p0 [hbm:s0], s1  }
0x51: {  	s0 =	simm.s32 @!p0 $0x1  }
0x52: {  	_ =	swait.ge @!p0 [sflag:s0], s1  }
0x53: {  	s1 =	ssub.s32 @!p0 $0x0, s1;
	[sflag:s0] =	ssyncset.done @!p0 $0x0  }
0x54: {  	[sflag:s0] =	ssyncadd.s32 @!p0 s1  }
0x55: {  	[bflag:$0x3] =	sbarrier.arrive $0xFFFF  }
0x56: {  	_ =	shalt  }

// kernel: sparse-core-data-format-call.cloned.1.call-start
scs
called_computation.2_lowered:
.L_overlay_start_0:
0x0: {  	s1 =	sld [smem:$0x3FD9]  }
0x1: {  	s2 =	sld [smem:$0x3FFE];
	_ =	sdelay $0x1  }
0x2: {  	s3 =	srdreg.scid  }
0x3: {  	s0 =	sand.u32 $0x1, s3  }
0x4: {  	s17 =	sshll.u32 s0, $0xA;
	s1 =	sadd.s32 s2, s1  }
0x5: {  	s1 =	sadd.s32 s1, s17  }
0x6: {  	[smem:$0x3FBB] =	sst s1  }
0x7: {  	_ = 	snop  }
0x8: {  	(tm) =	ssettm $0x1  }
0x9: {  	s18 =	sld [smem:$0x3FFB];
	_ =	sdelay $0x3  }
0xa: {  	_ =	strace s18  }
0xb: {  	s1 =	sld [smem:$0x3FFC];
	_ =	sdelay $0x3  }
0xc: {  	_ =	strace s1  }
0xd: {  	s1 =	sld [smem:$0x3FFD];
	_ =	sdelay $0x3  }
0xe: {  	_ =	strace s1  }
0xf: {  	_ =	strace $0x8FFFFFFF  }
0x10: {  	s19 =	sld [smem:$0x3FDB];
	_ =	sdelay $0x1  }
0x11: {  	s20 =	simm.s32 $_scs_section_size  }
0x12: {  	s4 =	simm.s32 $_size__tile_overlayer_lowered;
	s5 =	simm.s32 $_tile_overlayer_lowered  }
0x13: {  	s23 =	simm.s32 $0x1BFF;
	s22 =	sshll.u32 s5, $0x1;
	s1 =	sadd.s32 s20, s19  }
0x14: {  	s6 =	simm.s32 $0x0;
	s21 =	sshll.u32 s4, $0x1;
	s4 =	sadd.s32 s22, s1  }
0x15: {  	[timem:s6], [sflag:s23] =	dma.local [hbm:s4], s21  }
0x16: {  	_ =	swait.ge [sflag:s23], s21  }
0x17: {  	s2 =	ssub.s32 $0x0, s21;
	[sflag:s23] =	ssyncset.done $0x0  }
0x18: {  	[sflag:s23] =	ssyncadd.s32 s2;
	_ =	sdelay $0x1  }
0x19: {  	s24 =	simm.s32 $0x1B8B  }
0x1a: {  	_ =	swait.ge [sflag:s24], $0x1  }
0x1b: {  	[sflag:s24] =	ssyncset.done $0x0  }
0x1c: {  	s26 =	simm.s32 $0x1B8E;
	s25 =	sld [smem:$0x3FFE];
	[sflag:s24] =	ssyncadd.s32 $0xFFFFFFFF  }
0x1d: {  	s27 =	simm.s32 $execute0_lowered;
	[smem:$0x3FD2] =	sst s26  }
0x1e: {  	s4 =	sshll.u32 s27, $0x1;
	_ =	strace $0x8000004F;
	[dreg:$0x1] =	wrdreg $0xFFFFFFFF  }
0x1f: {  	s28 =	simm.s32 $_size_execute0_lowered;
	s1 =	sadd.s32 s1, s4;
	[dreg:$0x0] =	wrdreg $0x0  }
0x20: {  	s4 =	sshll.u32 s28, $0x1;
	[dreg:$0x2] =	wrdreg s1  }
0x21: {  	[dreg:$0x3] =	wrdreg s4  }
0x22: {  	[dreg:$0x4] =	wrdreg $0xC0  }
0x23: {  	_ =	task [dreg:s6], $0x5FFFF  }
0x24: {  	[dreg:$0x1] =	wrdreg $0xFFFFFFFF  }
0x25: {  	[dreg:$0x0] =	wrdreg $0x60  }
0x26: {  	[dreg:$0x2] =	wrdreg s25  }
0x27: {  	[dreg:$0x3] =	wrdreg $0x9  }
0x28: {  	_ =	task.clear_ibuf [dreg:s6], $0x4FFFF;
	_ =	strace $0x9000004F  }
0x29: {  	s29 =	simm.s32 $0x9;
	_ =	strace $0x80000051  }
0x2a: {  	_ =	swait.ge [sflag:s29], $0x1  }
0x2b: {  	[sflag:s29] =	ssyncadd.s32 $0xFFFFFFFF  }
0x2c: {  	_ =	strace $0x90000051  }
0x2d: {  	_ =	sfence  }
0x2e: {  	s30 =	sld [smem:$0x0];
	_ =	sdelay $0x2  }
0x2f: {  	s31 =	sshll.u32 s3, $0xD;
	s3 =	sshrl.u32 s3, $0x2  }
0x30: {  	s2 =	sand.u32 $0x4000, s31;
	s1 =	sadd.s32 s3, s30  }
0x31: {  	s0 =	sor.u32 s2, s0;
	s1 =	sshll.u32 s1, $0x11  }
0x32: {  	s0 =	sor.u32 s1, s0  }
0x33: {  	s0 =	sadd.s32 $0x8F2B, s0  }
0x34: {  	[sflag:s0] =	ssyncadd.remote.s32 $0x1  }
0x35: {  	_ =	sfence.sel $0xFFFF  }
0x36: {  	[dreg:$0x0] =	wrdreg $0xFFFFFFFF;
	(pc) =	sbr.abs _section_cstart, $3  }
0x37: {  	[dreg:$0x1] =	wrdreg $0xFFFFFFFF  }
0x38: {  	_ =	task.clear_ibuf [dreg:s6], $0x2FFFF;
	_ =	strace $0x9FFFFFFF  }
0x39: {  	(tm) =	ssettm $0x7FFFFFFF  }
tec
execute0_lowered:
.L_overlay_start_1:
0x0: {  	(tag) =	ssettag $0x1  }
0x1: {  	s0 =	srdreg.scid  }
0x2: {  	s2 =	stileid.u32;
	s0 =	sshll.u32 s0, $0x4  }
0x3: {  	s1 =	rddreg [dreg:$0x0];
	_ =	strace $0x80000050;
	s0 =	sand.u32 $0x10, s0  }
0x4: {  	s31 =	simm.s32 $0x1;
	s5 =	simm.s32 $0x2;
	s0 =	sor.u32 s2, s0  }
0x5: {  	s13 =	simm.s32 $0x0;
	s7 =	sadd.s32 $0x16E8800, s1;
	s6 =	sshll.u32 s0, $0xA  }
0x6: {  	s10 =	simm.s32 $0x0;
	s1 =	sadd.s32 $0x231D800, s1;
	s0 =	ssub.s32 $0x61A800, s6  }
0x7: {  	s11 =	simm.s32 $0x0;
	[dreg:$0x4] =	wrdreg s1;
	s4 =	sand.u32 $0x7C00, s0  }
.Ltmp0:
0x8: {  	p0 =	sne.s32 s4, $0x0;
	s4 =	simm.s32 $0x1;
	(pc) =	sbr.rel .LBB1_1-.Ltmp0, $4  }
0x9: {  	[dreg:$0x3] =	wrdreg s7;
	s0 =	sshrl.u32 s0, $0xF;
	s4 =	simm.s32 @!p0 $0x0  }
0xa: {  	[sflag:s31] =	ssyncpa.u1 $0x0;
	[dreg:$0x2] =	wrdreg s6;
	s8 =	sadd.s32 s4, s0  }
0xb: {  	[sflag:s5] =	ssyncpa.u1 $0x0;
	s9 =	sadd.s32 $0x1, s8;
	[dreg:$0x5] =	wrdreg s8  }
0xc: {  	s2 =	simm.s32 $0x0;
	s12 =	smov.u32 s6;
	[dreg:$0x6] =	wrdreg s9  }
.LBB1_7:
0xd: {  	s0 =	sadd.s32 $0x8000, s12  }
0xe: {  	s2 =	sadd.s32 $0x10, s10;
	s3 =	smov.u32 s10;
	p1 =	sgt.s32 s0, $0x61A7FF  }
0xf: {  	s3 =	smov.u32 @p1 s2  }
0x10: {  	s0 =	smov.u32 @p1 s6;
	p1 =	sgt.s32 s3, $0xF  }
0x11: {  	s3 =	simm.s32 @p1 $0x0;
	p1 =	sne.s32 s11, s9  }
.Ltmp1:
0x12: {  	p0 =	slt.u32 s11, $0x2;
	(pc) =	sbr.rel @!p1 .LBB1_8-.Ltmp1, $4  }
0x13: {  	s1 =	simm.s32 @!p0 $0x2  }
0x14: {  	s13 =	smov.u32 s12;
	_ =	swait.ge @!p0 [sflag:s1], $0x4000  }
0x15: {  	s2 =	smov.u32 s10;
	[sflag:s1] =	ssyncset.done @!p0 $0x0;
	s12 =	smov.u32 s0  }
0x16: {  	s11 =	sadd.s32 $0x1, s11;
	[sflag:s1] =	ssyncadd.s32 @!p0 $0xFFFFC000;
	s10 =	smov.u32 s3  }
.LBB1_1:
0x17: {  	p0 =	sge.u32 s11, s8  }
0x18: {  	s0 =	sshrl.u32 @!p0 s10, $0x3  }
0x19: {  	s1 =	sshll.u32 @!p0 s12, $0x3;
	s0 =	smul.u32 @!p0 $0x30D4000, s0  }
0x1a: {  	s1 =	sand.u32 @!p0 $0xFFFFFC00, s1  }
0x1b: {  	s0 =	sadd.s32 @!p0 s0, s1  }
0x1c: {  	s1 =	sshrl.u32 @!p0 s0, $0xB  }
0x1d: {  	s4 =	sshll.u32 @!p0 s10, $0x7;
	s1 =	smulhi.u32 @!p0 $0x14F8B6, s1  }
0x1e: {  	s5 =	sand.u32 @!p0 $0x7F, s12;
	s4 =	sand.u32 @!p0 $0x380, s4  }
0x1f: {  	s4 =	sor.u32 @!p0 s5, s4;
	s5 =	smul.u32 @!p0 $0x61A800, s1  }
0x20: {  	s31 =	sadd.s32 $0xFFFFFFFF, s11;
	s0 =	sor.u32 @!p0 s0, s4;
	s4 =	sxor.u32 @!p0 $0xFFFFFFFF, s11  }
0x21: {  	s4 =	sshll.u32 @!p0 s4, $0xE;
	s1 =	sand.u32 @!p0 $0xF, s1;
	s0 =	ssub.s32 @!p0 s0, s5  }
0x22: {  	s1 =	smul.u32 @!p0 $0xC3500, s1;
	s5 =	sshrl.u32 @!p0 s0, $0x3;
	s0 =	sand.u32 @!p0 $0x7, s0  }
0x23: {  	s4 =	sand.u32 @!p0 $0x4000, s4;
	s5 =	sadd.s32 @!p0 s7, s5;
	s0 =	sshll.u32 @!p0 s0, $0x12  }
0x24: {  	s1 =	sadd.s32 @!p0 s1, s5;
	s0 =	sor.u32 @!p0 $0x2000, s0;
	s5 =	simm.s32 @!p0 $0x30D4000  }
0x25: {  	[tilespmem:s4], [sflag:$0x1] =	stream.strided.gather @!p0 [hbm4b:s1+s0], $0x4000, s5, s0, $0x38;
	[tilespmem:$0x10800] =	vst v63  }
0x26: {  	p0 =	sge.u32 s31, s8  }
.Ltmp2:
0x27: {  	_ = 	snop;
	(pc) =	sbr.rel @p0 .LBB1_7-.Ltmp2, $1  }
0x28: {  	_ =	sdelay $0x3  }
0x29: {  	[dreg:$0x9] =	wrdreg s13  }
0x2a: {  	[dreg:$0x8] =	wrdreg s2;
	s0 =	sand.u32 $0x1, s11  }
0x2b: {  	[dreg:$0x7] =	wrdreg s12;
	s31 =	simm.s32 $0x1;
	s1 =	smul.u32 $0x11000, s0  }
0x2c: {  	_ =	swait.ge [sflag:s31], $0x4000  }
0x2d: {  	s16 =	simm.s32 $0x0;
	[sflag:s31] =	ssyncset.done $0x0;
	s1 =	sshrl.u32 s1, $0x2  }
0x2e: {  	s15 =	sshll.u32 s0, $0xE;
	[sflag:s31] =	ssyncadd.s32 $0xFFFFC000;
	s14 =	sor.u32 $0x8000, s1  }
.LBB1_3:
0x2f: {  	s0 =	sshll.u32 s16, $0xA  }
0x30: {  	s1 =	sshll.u32 s16, $0x7;
	s0 =	sand.u32 $0x2000, s0  }
0x31: {  	s1 =	sand.u32 $0x380, s1;
	s0 =	sadd.s32 s0, s15  }
0x32: {  	s0 =	sadd.s32 s1, s0  }
0x33: {  	s17 =	sadd.s32 s16, s14;
	p0 =	por $0x1, $0x1;
	s18 =	simm.s32 $0x0;
	v0 =	vmov s0  }
.LBB1_4:
0x34: {  	s0 =	smul.u32 $0x44, s18;
	s1 =	sshll.u32 s18, $0x3;
	s4 =	sor.u32 $0x80, s18  }
0x35: {  	s9 =	sor.u32 $0x90, s18;
	s22 =	sor.u32 $0xA0, s18;
	s25 =	sor.u32 $0xB0, s18  }
0x36: {  	s2 =	sor.u32 $0xC0, s18;
	s3 =	sor.u32 $0xD0, s18;
	s7 =	smul.u32 $0x44, s4  }
0x37: {  	p1 =	por p0, p0;
	s29 =	sand.u32 $0x3FFFFFF8, s1;
	s13 =	smul.u32 $0x44, s9  }
0x38: {  	s8 =	sshll.u32 s4, $0x3;
	s21 =	sshll.u32 s9, $0x3;
	s5 =	smul.u32 $0x44, s22  }
0x39: {  	s24 =	sshll.u32 s22, $0x3;
	s27 =	smul.u32 $0x44, s25;
	s28 =	sshll.u32 s25, $0x3  }
0x3a: {  	s4 =	sshll.u32 s2, $0x3;
	s25 =	smul.u32 $0x44, s3;
	s0 =	sshra.s32 s0, $0x2  }
0x3b: {  	s30 =	sand.u32 $0x3FFFFFF8, s8;
	s31 =	sand.u32 $0x1400, s21;
	s1 =	sand.u32 $0x1400, s24  }
0x3c: {  	s24 =	smul.u32 $0x44, s2;
	s8 =	sand.u32 $0x1400, s4;
	s0 =	sadd.s32 s0, s14  }
0x3d: {  	s12 =	sshra.s32 s7, $0x2;
	s23 =	sshra.s32 s13, $0x2;
	s26 =	sshra.s32 s5, $0x2  }
0x3e: {  	s5 =	sshra.s32 s27, $0x2;
	s7 =	sshll.u32 s3, $0x3;
	s9 =	sshra.s32 s25, $0x2  }
0x3f: {  	s3 =	sor.u32 $0x100, s18;
	v55 =	vld.idx.msk [tilespmem:v0+s31+$0x10 ss:$0x1], $0xffff;
	s31 =	sor.u32 $0x140, s18;
	s19 =	sadd.s32 s16, s0  }
0x40: {  	s20 =	sadd.s32 s12, s17;
	s21 =	sadd.s32 s23, s17;
	s22 =	sadd.s32 s26, s17  }
0x41: {  	s0 =	sand.u32 $0x1400, s28;
	s23 =	sadd.s32 s5, s17;
	s6 =	sshra.s32 s24, $0x2  }
0x42: {  	v1 =	vld.idx.msk [tilespmem:v0+s29+$0x0 ss:$0x1], $0xffff;
	s26 =	sor.u32 $0xE0, s18;
	s5 =	sand.u32 $0x1400, s7;
	s25 =	sadd.s32 s9, s17  }
0x43: {  	v2 =	vld.idx.msk [tilespmem:v0+s29+$0x10 ss:$0x1], $0xffff;
	s28 =	sor.u32 $0xF0, s18;
	s24 =	sadd.s32 s6, s17;
	s27 =	smul.u32 $0x44, s26  }
0x44: {  	v3 =	vld.idx.msk [tilespmem:v0+s29+$0x20 ss:$0x1], $0xffff;
	s12 =	sshll.u32 s26, $0x3;
	s2 =	smul.u32 $0x44, s28;
	s28 =	sshll.u32 s28, $0x3  }
0x45: {  	s6 =	smul.u32 $0x44, s3;
	s3 =	sshll.u32 s3, $0x3;
	s4 =	sand.u32 $0x1400, s12  }
0x46: {  	v4 =	vld.idx.msk [tilespmem:v0+s29+$0x30 ss:$0x1], $0xffff;
	s7 =	sand.u32 $0x1400, s28;
	s3 =	sand.u32 $0x3FFFFFF8, s3;
	s13 =	sshra.s32 s27, $0x2  }
0x47: {  	v5 =	vld.idx.msk [tilespmem:v0+s29+$0x40 ss:$0x1], $0xffff;
	s27 =	sshra.s32 s2, $0x2;
	s2 =	sor.u32 $0x110, s18;
	s28 =	sshra.s32 s6, $0x2;
	[tilespmem:s19+$0x0 ss:$0x11] =	vst.msk $0xffff, v1  }
0x48: {  	v1 =	vld.idx.msk [tilespmem:v0+s29+$0x50 ss:$0x1], $0xffff;
	[tilespmem:s19+$0x110 ss:$0x11] =	vst.msk $0xffff, v2;
	s26 =	sadd.s32 s13, s17;
	s27 =	sadd.s32 s27, s17;
	s6 =	smul.u32 $0x44, s2  }
0x49: {  	v2 =	vld.idx.msk [tilespmem:v0+s29+$0x60 ss:$0x1], $0xffff;
	[tilespmem:s19+$0x220 ss:$0x11] =	vst.msk $0xffff, v3;
	s28 =	sadd.s32 s28, s17;
	s2 =	sshll.u32 s2, $0x3;
	s13 =	sor.u32 $0x120, s18  }
0x4a: {  	v3 =	vld.idx.msk [tilespmem:v0+s29+$0x70 ss:$0x1], $0xffff;
	[tilespmem:s21+$0x0 ss:$0x11] =	vst.msk $0xffff, v55;
	s21 =	sor.u32 $0x170, s18;
	s2 =	sand.u32 $0x1800, s2;
	s12 =	smul.u32 $0x44, s13  }
0x4b: {  	v54 =	vld.idx.msk [tilespmem:v0+s30+$0x0 ss:$0x1], $0xffff;
	[tilespmem:s19+$0x330 ss:$0x11] =	vst.msk $0xffff, v4;
	s9 =	sshll.u32 s13, $0x3;
	s13 =	sor.u32 $0x130, s18;
	s6 =	sshra.s32 s6, $0x2  }
0x4c: {  	[tilespmem:s19+$0x440 ss:$0x11] =	vst.msk $0xffff, v5;
	s29 =	sadd.s32 s6, s17;
	s6 =	sand.u32 $0x1800, s9;
	s12 =	sshra.s32 s12, $0x2  }
0x4d: {  	s9 =	smul.u32 $0x44, s13;
	s13 =	sshll.u32 s13, $0x3;
	s30 =	sadd.s32 s12, s17;
	[tilespmem:s19+$0x550 ss:$0x11] =	vst.msk $0xffff, v1;
	v1 =	vld.idx.msk [tilespmem:v0+s1+$0x20 ss:$0x1], $0xffff  }
0x4e: {  	s1 =	sand.u32 $0x1800, s13;
	s12 =	smul.u32 $0x44, s31;
	[tilespmem:s19+$0x660 ss:$0x11] =	vst.msk $0xffff, v2;
	v2 =	vld.idx.msk [tilespmem:v0+s0+$0x30 ss:$0x1], $0xffff;
	s13 =	sshll.u32 s31, $0x3  }
0x4f: {  	s31 =	sor.u32 $0x150, s18;
	[tilespmem:s19+$0x770 ss:$0x11] =	vst.msk $0xffff, v3;
	v3 =	vld.idx.msk [tilespmem:v0+s8+$0x40 ss:$0x1], $0xffff;
	s9 =	sshra.s32 s9, $0x2;
	s8 =	sand.u32 $0x1800, s13  }
0x50: {  	v56 =	vld.idx.msk [tilespmem:v0+s5+$0x50 ss:$0x1], $0xffff;
	[tilespmem:s20+$0x0 ss:$0x11] =	vst.msk $0xffff, v54;
	s19 =	smul.u32 $0x44, s31;
	s20 =	sshll.u32 s31, $0x3;
	s31 =	sor.u32 $0x160, s18  }
0x51: {  	v57 =	vld.idx.msk [tilespmem:v0+s4+$0x60 ss:$0x1], $0xffff;
	s0 =	sadd.s32 s9, s17;
	s12 =	sshra.s32 s12, $0x2;
	s4 =	sand.u32 $0x1800, s20  }
0x52: {  	s5 =	sadd.s32 s12, s17;
	s12 =	sshra.s32 s19, $0x2;
	s19 =	smul.u32 $0x44, s31  }
0x53: {  	s20 =	sshll.u32 s31, $0x3;
	s31 =	sor.u32 $0x180, s18;
	[tilespmem:s22+$0x0 ss:$0x11] =	vst.msk $0xffff, v1;
	v1 =	vld.idx.msk [tilespmem:v0+s7+$0x70 ss:$0x1], $0xffff;
	s7 =	sadd.s32 s12, s17  }
0x54: {  	[tilespmem:s23+$0x0 ss:$0x11] =	vst.msk $0xffff, v2;
	v2 =	vld.idx.msk [tilespmem:v0+s3+$0x0 ss:$0x1], $0xffff;
	s3 =	sand.u32 $0x1800, s20;
	s22 =	sshra.s32 s19, $0x2;
	s23 =	smul.u32 $0x44, s21  }
0x55: {  	[tilespmem:s24+$0x0 ss:$0x11] =	vst.msk $0xffff, v3;
	v3 =	vld.idx.msk [tilespmem:v0+s2+$0x10 ss:$0x1], $0xffff;
	s24 =	sshll.u32 s21, $0x3;
	s20 =	smul.u32 $0x44, s31;
	s21 =	sshll.u32 s31, $0x3  }
0x56: {  	[tilespmem:s25+$0x0 ss:$0x11] =	vst.msk $0xffff, v56;
	v58 =	vld.idx.msk [tilespmem:v0+s6+$0x20 ss:$0x1], $0xffff;
	s2 =	sadd.s32 s22, s17;
	s6 =	sand.u32 $0x1800, s24;
	s22 =	sor.u32 $0x190, s18  }
0x57: {  	[tilespmem:s26+$0x0 ss:$0x11] =	vst.msk $0xffff, v57;
	v59 =	vld.idx.msk [tilespmem:v0+s1+$0x30 ss:$0x1], $0xffff;
	s19 =	sshra.s32 s23, $0x2;
	s23 =	sand.u32 $0x3FFFFFF8, s21;
	s24 =	sshra.s32 s20, $0x2  }
0x58: {  	s25 =	smul.u32 $0x44, s22;
	s1 =	sadd.s32 s19, s17;
	s19 =	sor.u32 $0x1B0, s18;
	[tilespmem:s27+$0x0 ss:$0x11] =	vst.msk $0xffff, v1;
	v1 =	vld.idx.msk [tilespmem:v0+s8+$0x40 ss:$0x1], $0xffff  }
0x59: {  	s26 =	sshll.u32 s22, $0x3;
	s22 =	sshll.u32 s19, $0x3;
	[tilespmem:s28+$0x0 ss:$0x11] =	vst.msk $0xffff, v2;
	v2 =	vld.idx.msk [tilespmem:v0+s4+$0x50 ss:$0x1], $0xffff;
	s4 =	sadd.s32 s24, s17  }
0x5a: {  	s27 =	sor.u32 $0x1A0, s18;
	[tilespmem:s29+$0x0 ss:$0x11] =	vst.msk $0xffff, v3;
	v3 =	vld.idx.msk [tilespmem:v0+s3+$0x60 ss:$0x1], $0xffff;
	s28 =	sand.u32 $0x1C00, s26;
	s29 =	sshra.s32 s25, $0x2  }
0x5b: {  	[tilespmem:s30+$0x0 ss:$0x11] =	vst.msk $0xffff, v58;
	v60 =	vld.idx.msk [tilespmem:v0+s6+$0x70 ss:$0x1], $0xffff;
	s24 =	sand.u32 $0x1C00, s22;
	s25 =	sor.u32 $0x1C0, s18;
	s26 =	smul.u32 $0x44, s19  }
0x5c: {  	[tilespmem:s0+$0x0 ss:$0x11] =	vst.msk $0xffff, v59;
	v61 =	vld.idx.msk [tilespmem:v0+s23+$0x0 ss:$0x1], $0xffff;
	s31 =	smul.u32 $0x44, s27;
	s6 =	sadd.s32 s29, s17;
	s13 =	sshll.u32 s27, $0x3  }
0x5d: {  	s27 =	sshll.u32 s25, $0x3;
	s19 =	smul.u32 $0x44, s25;
	s20 =	sand.u32 $0x1C00, s13;
	[tilespmem:s5+$0x0 ss:$0x11] =	vst.msk $0xffff, v1;
	v1 =	vld.idx.msk [tilespmem:v0+s28+$0x10 ss:$0x1], $0xffff  }
0x5e: {  	s29 =	sand.u32 $0x1C00, s27;
	s21 =	sshra.s32 s31, $0x2;
	[tilespmem:s7+$0x0 ss:$0x11] =	vst.msk $0xffff, v2;
	v2 =	vld.idx.msk [tilespmem:v0+s20+$0x20 ss:$0x1], $0xffff;
	s28 =	sor.u32 $0x1D0, s18  }
0x5f: {  	s31 =	sor.u32 $0x1E0, s18;
	s23 =	sadd.s32 s21, s17;
	[tilespmem:s2+$0x0 ss:$0x11] =	vst.msk $0xffff, v3;
	v3 =	vld.idx.msk [tilespmem:v0+s24+$0x30 ss:$0x1], $0xffff;
	s30 =	sshll.u32 s28, $0x3  }
0x60: {  	[tilespmem:s1+$0x0 ss:$0x11] =	vst.msk $0xffff, v60;
	v62 =	vld.idx.msk [tilespmem:v0+s29+$0x40 ss:$0x1], $0xffff;
	s13 =	sshll.u32 s31, $0x3;
	s18 =	sor.u32 $0x1F0, s18;
	s12 =	sand.u32 $0x1C00, s30  }
0x61: {  	[tilespmem:s4+$0x0 ss:$0x11] =	vst.msk $0xffff, v61;
	s20 =	sand.u32 $0x1C00, s13;
	s24 =	smul.u32 $0x44, s31;
	s21 =	sshll.u32 s18, $0x3;
	v63 =	vld.idx.msk [tilespmem:v0+s12+$0x50 ss:$0x1], $0xffff  }
0x62: {  	s0 =	sshra.s32 s26, $0x2;
	s22 =	smul.u32 $0x44, s28;
	s2 =	sand.u32 $0x1C00, s21;
	[tilespmem:s6+$0x0 ss:$0x11] =	vst.msk $0xffff, v1;
	v1 =	vld.idx.msk [tilespmem:v0+s20+$0x60 ss:$0x1], $0xffff  }
0x63: {  	s0 =	sadd.s32 s0, s17;
	s26 =	smul.u32 $0x44, s18;
	[tilespmem:s23+$0x0 ss:$0x11] =	vst.msk $0xffff, v2;
	v2 =	vld.idx.msk [tilespmem:v0+s2+$0x70 ss:$0x1], $0xffff;
	s23 =	sshra.s32 s19, $0x2  }
.Ltmp3:
0x64: {  	s1 =	sshra.s32 s22, $0x2;
	[tilespmem:s0+$0x0 ss:$0x11] =	vst.msk $0xffff, v3;
	s25 =	sadd.s32 s23, s17;
	(pc) =	sbr.rel @p1 .LBB1_4-.Ltmp3, $4  }
0x65: {  	s28 =	sshra.s32 s24, $0x2;
	s27 =	sadd.s32 s1, s17;
	[tilespmem:s25+$0x0 ss:$0x11] =	vst.msk $0xffff, v62  }
0x66: {  	s29 =	sadd.s32 s28, s17;
	s30 =	sshra.s32 s26, $0x2;
	[tilespmem:s27+$0x0 ss:$0x11] =	vst.msk $0xffff, v63  }
0x67: {  	s31 =	sadd.s32 s30, s17;
	[tilespmem:s29+$0x0 ss:$0x11] =	vst.msk $0xffff, v1  }
0x68: {  	p0 =	por $0x0, $0x0;
	s18 =	simm.s32 $0x200;
	[tilespmem:s31+$0x0 ss:$0x11] =	vst.msk $0xffff, v2  }
0x69: {  	s16 =	sadd.s32 $0x1, s16  }
0x6a: {  	p0 =	sne.s32 s16, $0x10  }
.Ltmp4:
0x6b: {  	_ = 	snop;
	(pc) =	sbr.rel @p0 .LBB1_3-.Ltmp4, $1  }
0x6c: {  	_ =	sdelay $0x3  }
0x6d: {  	s0 =	rddreg [dreg:$0x9]  }
0x6e: {  	s3 =	rddreg [dreg:$0x8]  }
0x6f: {  	s0 =	sshll.u32 s0, $0x7;
	s1 =	sshll.u32 s3, $0x3  }
0x70: {  	s2 =	sand.u32 $0xFFFFFC00, s0;
	s1 =	sand.u32 $0xFFFFFC00, s1  }
0x71: {  	s0 =	sand.u32 $0x380, s0;
	s1 =	sadd.s32 s1, s2  }
0x72: {  	s0 =	sor.u32 s0, s1  }
0x73: {  	s0 =	sshrl.u32 s0, $0x7  }
0x74: {  	s29 =	rddreg [dreg:$0x4];
	s25 =	smulhi.u32 $0x14F8B59, s0  }
0x75: {  	s6 =	rddreg [dreg:$0x2]  }
0x76: {  	s7 =	rddreg [dreg:$0x3];
	s1 =	sshrl.u32 s25, $0xF  }
0x77: {  	s31 =	simm.s32 $0x80;
	s8 =	rddreg [dreg:$0x5];
	s1 =	smul.u32 $0x61A800, s1  }
.Ltmp5:
0x78: {  	s9 =	rddreg [dreg:$0x6];
	s26 =	sshrl.u32 s3, $0x3;
	(pc) =	sbr.rel .LBB1_7-.Ltmp5, $4  }
0x79: {  	s28 =	sand.u32 $0x7, s3;
	s27 =	sand.u32 $0xF, s26;
	s0 =	ssub.s32 s0, s1  }
0x7a: {  	s2 =	sshll.u32 s28, $0x12;
	s1 =	sadd.s32 s29, s27;
	s0 =	sshll.u32 s0, $0x4  }
0x7b: {  	s12 =	rddreg [dreg:$0x7];
	s30 =	sor.u32 $0x10, s2;
	s0 =	sadd.s32 s0, s1  }
0x7c: {  	[hbm4b:s0+s30] =	stream.strided.scatter [tilespmem:s14], [sflag:$0x2], $0x4000, s31, s30, $0x8;
	[tilespmem:$0x10800] =	vst v63  }
.LBB1_8:
0x7d: {  	_ =	sfence.sel $0x180000  }
0x7e: {  	s0 =	simm.s32 $0x1;
	[bflag:$0x0] =	sbarrier.arrive $0xFFFF  }
0x7f: {  	s30 =	simm.s32 $0x2;
	[sflag:s0] =	ssyncpa.u1 $0x1  }
0x80: {  	[sflag:s30] =	ssyncpa.u1 $0x1  }
0x81: {  	_ =	strace $0x90000050  }
0x82: {  	s31 =	stileid.u32;
	[bflag:$0x2] =	sbarrier.arrive $0xFFFF  }
0x83: {  	p0 =	sne.s32 s31, $0x0;
	s0 =	rddreg [dreg:$0x1]  }
0x84: {  	s0 =	sadd.s32 @!p0 $0x100000, s0  }
0x85: {  	[sflag:s0] =	ssyncadd.tile.s32 @!p0 $0x1;
	_ =	shalt  }
.Lfunc_end1:
_tile_overlayer_lowered:
.L_overlay_start_2:
0x86: {  	(tag) =	ssettag $0x2  }
0x87: {  	s0 =	rddreg [dreg:$0x0];
	s2 =	stileid.u32  }
0x88: {  	s1 =	rddreg [dreg:$0x1];
	p0 =	sne.s32 s2, $0x0  }
0x89: {  	s3 =	rddreg [dreg:$0x2];
	[bflag:$0x3] =	sbarrier.arrive $0xFFFF;
	s2 =	simm.s32 @!p0 $0x1C01  }
0x8a: {  	[timem:s3], [sflag:s2] =	dma.local @!p0 [hbm:s0], s1  }
0x8b: {  	s0 =	simm.s32 @!p0 $0x1  }
0x8c: {  	_ =	swait.ge @!p0 [sflag:s0], s1  }
0x8d: {  	s1 =	ssub.s32 @!p0 $0x0, s1;
	[sflag:s0] =	ssyncset.done @!p0 $0x0  }
0x8e: {  	[sflag:s0] =	ssyncadd.s32 @!p0 s1  }
0x8f: {  	[bflag:$0x3] =	sbarrier.arrive $0xFFFF  }
0x90: {  	_ =	shalt  }

</sc_bundles>
